<compile_context>
chip_gen: v7x
topology: tpu7x:2x2x1
jax: 0.10.2.dev20260603
libtpu: 0.0.44.dev20260713+nightly
codegen_flags: <defaults>
</compile_context>

<pallas_src>
import functools

import jax
import jax.numpy as jnp
from jax import lax
from jax.experimental import pallas as pl
from jax.experimental.pallas import tpu as pltpu
from jax.experimental.pallas import tpu_sc as plsc

NC, NS = 2, 16
NW = NC * NS
DIM = 32
NF = 4
ROW = NF * DIM
CHUNK = 128


def _pipelined_gather(idx_hbm, tab_hbm, out_hbm, idx_all, rows, gsem, osem,
                      wid, per_w, n_chunks):
    base = wid * per_w
    pltpu.sync_copy(idx_hbm.at[pl.ds(wid * n_chunks, n_chunks)], idx_all)
    for b in range(2):
        pltpu.async_copy(tab_hbm.at[idx_all.at[b]], rows[b], gsem[b])

    def body(j, carry):
        for b in range(2):
            i = 2 * j + b
            off = pl.multiple_of(base + i * CHUNK, CHUNK)
            pltpu.make_async_copy(tab_hbm.at[idx_all.at[i]],
                                  rows[b], gsem[b]).wait()
            pltpu.async_copy(rows[b], out_hbm.at[pl.ds(off, CHUNK)], osem[b])

            @pl.when(i + 2 < n_chunks)
            def _next():
                pltpu.make_async_copy(rows[b], out_hbm.at[pl.ds(off, CHUNK)],
                                      osem[b]).wait()
                pltpu.async_copy(tab_hbm.at[idx_all.at[i + 2]],
                                 rows[b], gsem[b])
        return carry
    lax.fori_loop(0, n_chunks // 2, body, 0)
    for b in range(2):
        pltpu.make_async_copy(rows[b], out_hbm.at[pl.ds(wid * per_w, CHUNK)],
                              osem[b]).wait()


def _sc_gather_node(idx_h, idx_t, idx_b, node_flat):
    NB = idx_h.shape[0]
    per_w = NB // NW
    n_chunks = per_w // CHUNK
    BASE = idx_b.shape[0]
    b_per_w = BASE // NW

    mesh = plsc.VectorSubcoreMesh(core_axis_name="c", subcore_axis_name="s")

    idx_h2 = idx_h.reshape(-1, CHUNK)
    idx_t2 = idx_t.reshape(-1, CHUNK)
    idx_b2 = idx_b.reshape(NW, b_per_w)

    @functools.partial(
        pl.kernel,
        out_type=(
            jax.ShapeDtypeStruct((NB, ROW), jnp.float32),
            jax.ShapeDtypeStruct((NB, ROW), jnp.float32),
            jax.ShapeDtypeStruct((BASE, ROW), jnp.float32),
        ),
        mesh=mesh,
        scratch_types=[
            pltpu.VMEM((n_chunks, CHUNK), jnp.int32),
            pltpu.VMEM((CHUNK, ROW), jnp.float32),
            pltpu.VMEM((CHUNK, ROW), jnp.float32),
            pltpu.VMEM((b_per_w,), jnp.int32),
            pltpu.VMEM((b_per_w, ROW), jnp.float32),
            pltpu.SemaphoreType.DMA,
            pltpu.SemaphoreType.DMA,
            pltpu.SemaphoreType.DMA,
            pltpu.SemaphoreType.DMA,
        ],
    )
    def gather_kernel(idx_h_hbm, idx_t_hbm, idx_b_hbm, node_hbm,
                      out_h, out_t, out_b,
                      idx_all, rows0, rows1, idx_b_v, rows_b_v,
                      gsem0, gsem1, osem0, osem1):
        wid = lax.axis_index("s") * NC + lax.axis_index("c")
        rows = (rows0, rows1)
        gsem = (gsem0, gsem1)
        osem = (osem0, osem1)
        _pipelined_gather(idx_h_hbm, node_hbm, out_h, idx_all, rows,
                          gsem, osem, wid, per_w, n_chunks)
        _pipelined_gather(idx_t_hbm, node_hbm, out_t, idx_all, rows,
                          gsem, osem, wid, per_w, n_chunks)
        bb = pl.multiple_of(wid * b_per_w, 8)
        pltpu.sync_copy(idx_b_hbm.at[wid], idx_b_v)
        pltpu.async_copy(node_hbm.at[idx_b_v], rows_b_v, gsem0).wait()
        pltpu.sync_copy(rows_b_v, out_b.at[pl.ds(bb, b_per_w)])

    return gather_kernel(idx_h2, idx_t2, idx_b2, node_flat)


def _sc_gather_rel(idx_r, rel_flat):
    NB = idx_r.shape[0]
    per_w = NB // NW
    n_chunks = per_w // CHUNK

    mesh = plsc.VectorSubcoreMesh(core_axis_name="c", subcore_axis_name="s")
    idx_r2 = idx_r.reshape(-1, CHUNK)

    @functools.partial(
        pl.kernel,
        out_type=jax.ShapeDtypeStruct((NB, ROW), jnp.float32),
        mesh=mesh,
        scratch_types=[
            pltpu.VMEM((n_chunks, CHUNK), jnp.int32),
            pltpu.VMEM((CHUNK, ROW), jnp.float32),
            pltpu.VMEM((CHUNK, ROW), jnp.float32),
            pltpu.SemaphoreType.DMA,
            pltpu.SemaphoreType.DMA,
            pltpu.SemaphoreType.DMA,
            pltpu.SemaphoreType.DMA,
        ],
    )
    def gather_kernel(idx_r_hbm, rel_hbm, out_r,
                      idx_all, rows0, rows1, gsem0, gsem1, osem0, osem1):
        wid = lax.axis_index("s") * NC + lax.axis_index("c")
        _pipelined_gather(idx_r_hbm, rel_hbm, out_r, idx_all,
                          (rows0, rows1), (gsem0, gsem1), (osem0, osem1),
                          wid, per_w, n_chunks)

    return gather_kernel(idx_r2, rel_flat)


def _tc_side(gh, gr, gt, gb, Wh, Wr, b1t, w2t, Bones, R, G, B, NM,
             e_other=None):
    UB = 256
    RPB = UB * NM
    n_ub = B // UB
    n_steps = G * n_ub
    emit_scores = e_other is not None

    def body(*refs):
        if emit_scores:
            (gh_ref, gr_ref, gt_ref, gb_ref, Wh_ref, Wr_ref, b1_ref, w2_ref,
             Bo_ref, R_ref, eo_ref, out_ref, acc) = refs
        else:
            (gh_ref, gr_ref, gt_ref, gb_ref, Wh_ref, Wr_ref, b1_ref, w2_ref,
             Bo_ref, R_ref, out_ref, acc) = refs
        g = pl.program_id(0)
        u = pl.program_id(1)
        step = g * n_ub + u

        @pl.when(step == 0)
        def _init():
            acc[...] = gb_ref[...]

        H = (jnp.dot(gh_ref[...], Wh_ref[...],
                     preferred_element_type=jnp.float32)
             + jnp.dot(gr_ref[...], Wr_ref[...],
                       preferred_element_type=jnp.float32))
        H = jnp.maximum(H + b1_ref[...], 0.0)
        S = H * w2_ref[...]
        attb = jnp.dot(S, Bo_ref[...], preferred_element_type=jnp.float32)
        att3 = attb.reshape(UB, NM, ROW)
        mx = jnp.max(att3, axis=1, keepdims=True)
        eb = jnp.exp(att3 - mx).reshape(RPB, ROW)
        numer = (eb * gt_ref[...]).reshape(UB, NM, ROW).sum(axis=1)
        denom = eb.reshape(UB, NM, ROW).sum(axis=1)
        gout = numer / denom

        rowbase = u * UB
        acc[pl.ds(rowbase, UB), :] += gout

        @pl.when(step == n_steps - 1)
        def _final():
            if emit_scores:
                evf = jnp.dot(acc[...], R_ref[...],
                              preferred_element_type=jnp.float32,
                              precision=lax.Precision.HIGHEST)
                euf = jnp.dot(eo_ref[...], R_ref[...],
                              preferred_element_type=jnp.float32,
                              precision=lax.Precision.HIGHEST)
                s = jnp.sum(euf * evf, axis=1, keepdims=True)
                out_ref[...] = jnp.broadcast_to(jax.nn.sigmoid(s), (B, ROW))
            else:
                out_ref[...] = acc[...]

    big = pl.BlockSpec((RPB, ROW), lambda g, u: (g * n_ub + u, 0))
    whole = lambda shape: pl.BlockSpec(shape, lambda g, u: (0, 0))
    in_specs = [
        big, big, big,
        whole((B, ROW)),
        whole((ROW, ROW)), whole((ROW, ROW)),
        whole((1, ROW)), whole((1, ROW)),
        whole((ROW, ROW)), whole((ROW, ROW)),
    ]
    args = [gh, gr, gt, gb, Wh, Wr, b1t, w2t, Bones, R]
    if emit_scores:
        in_specs.append(whole((B, ROW)))
        args.append(e_other)

    return pl.pallas_call(
        body,
        grid=(G, n_ub),
        in_specs=in_specs,
        out_specs=pl.BlockSpec((B, ROW), lambda g, u: (0, 0)),
        out_shape=jax.ShapeDtypeStruct((B, ROW), jnp.float32),
        scratch_shapes=[pltpu.VMEM((B, ROW), jnp.float32)],
    )(*args)


def kernel(users, movies, user_neighbors, movie_neighbors, input_ids,
           attention_mask, node_emb, relation_emb, att_W1, att_b1, att_W2,
           att_b2, Wu1, bu1, Wu2, bu2, Wv1, bv1, Wv2, bv2):
    del input_ids, attention_mask
    del Wu1, bu1, Wu2, bu2, Wv1, bv1, Wv2, bv2
    del att_b2

    B = users.shape[0]
    NM = user_neighbors.shape[3]
    NL = user_neighbors.shape[1]

    node_flat = node_emb.reshape(node_emb.shape[0], ROW)
    rel_flat = relation_emb.reshape(relation_emb.shape[0], ROW)

    eye4 = jnp.eye(NF, dtype=jnp.float32)
    Wh = jnp.kron(eye4, att_W1[:DIM, :])
    Wr = jnp.kron(eye4, att_W1[DIM:, :])
    b1t = jnp.tile(att_b1, NF)[None, :]
    w2t = jnp.tile(att_W2[:, 0], NF)[None, :]
    Bones = jnp.kron(eye4, jnp.ones((DIM, DIM), jnp.float32))
    R = jnp.pad(jnp.kron(jnp.ones((NF, 1), jnp.float32),
                         jnp.eye(DIM, dtype=jnp.float32)),
                ((0, 0), (0, ROW - DIM)))

    gru = _sc_gather_rel(user_neighbors[1].reshape(-1), rel_flat)
    grm = _sc_gather_rel(movie_neighbors[1].reshape(-1), rel_flat)
    ghu, gtu, gbu = _sc_gather_node(
        user_neighbors[0].reshape(-1), user_neighbors[2].reshape(-1),
        users, node_flat)
    ghm, gtm, gbm = _sc_gather_node(
        movie_neighbors[0].reshape(-1), movie_neighbors[2].reshape(-1),
        movies, node_flat)

    e_u = _tc_side(ghu, gru, gtu, gbu, Wh, Wr, b1t, w2t, Bones, R, NL, B, NM)
    out = _tc_side(ghm, grm, gtm, gbm, Wh, Wr, b1t, w2t, Bones, R, NL, B, NM,
                   e_other=e_u)
    return out[:, 0]

# --- scband reference (transcript-rebuilt; emitter-appended) ---
"""Pipeline reference for scband-my-model-47339129537132 (READ-ONLY COPY).

The authoritative reference and input builder live on the scoring server;
editing this copy changes nothing except your own understanding.
"""

import jax, jax.numpy as jnp
import numpy as np

N_NODES = 100000
N_REL = 100000
DIM = 32
NF = 4
NL = 2
B = 1024
NM = 32
TAU = 0.6


def setup_inputs(seed: int = 0):
    key = jax.random.key(seed)
    ks = jax.random.split(key, 24)
    inp = {}
    inp["users"] = jax.random.randint(ks[0], (B,), 0, N_NODES, dtype=jnp.int32)
    inp["movies"] = jax.random.randint(ks[1], (B,), 0, N_NODES, dtype=jnp.int32)
    inp["user_neighbors"] = jax.random.randint(ks[2], (3, NL, B, NM), 0, N_NODES, dtype=jnp.int32)
    inp["movie_neighbors"] = jax.random.randint(ks[3], (3, NL, B, NM), 0, N_NODES, dtype=jnp.int32)
    inp["input_ids"] = jax.random.randint(ks[4], (8, 128), 0, 30522, dtype=jnp.int32)
    inp["attention_mask"] = jnp.ones((8, 128), dtype=jnp.int32)
    inp["node_emb"] = jax.random.normal(ks[5], (N_NODES, NF, DIM), dtype=jnp.float32) * 0.05
    inp["relation_emb"] = jax.random.normal(ks[6], (N_REL, NF, DIM), dtype=jnp.float32) * 0.05
    inp["att_W1"] = jax.random.normal(ks[7], (2 * DIM, DIM), dtype=jnp.float32) * (1.0 / np.sqrt(2 * DIM))
    inp["att_b1"] = jnp.zeros((DIM,), dtype=jnp.float32)
    inp["att_W2"] = jax.random.normal(ks[8], (DIM, 1), dtype=jnp.float32) * (1.0 / np.sqrt(DIM))
    inp["att_b2"] = jnp.zeros((1,), dtype=jnp.float32)
    inp["Wu1"] = jax.random.normal(ks[9], (DIM, DIM), dtype=jnp.float32) * (1.0 / np.sqrt(DIM))
    inp["bu1"] = jnp.zeros((DIM,), dtype=jnp.float32)
    inp["Wu2"] = jax.random.normal(ks[10], (DIM, DIM), dtype=jnp.float32) * (1.0 / np.sqrt(DIM))
    inp["bu2"] = jnp.zeros((DIM,), dtype=jnp.float32)
    inp["Wv1"] = jax.random.normal(ks[11], (DIM, DIM), dtype=jnp.float32) * (1.0 / np.sqrt(DIM))
    inp["bv1"] = jnp.zeros((DIM,), dtype=jnp.float32)
    inp["Wv2"] = jax.random.normal(ks[12], (DIM, DIM), dtype=jnp.float32) * (1.0 / np.sqrt(DIM))
    inp["bv2"] = jnp.zeros((DIM,), dtype=jnp.float32)
    return inp


def _knowledge_attention(h, r, t, W1, b1, W2, b2):
    # h, r, t: [B, NM, NF, DIM]
    x = jnp.concatenate([h, r], axis=-1)          # [B, NM, NF, 2*DIM]
    hid = jax.nn.relu(x @ W1 + b1)                 # [B, NM, NF, DIM]
    att = (hid @ W2 + b2)[..., 0]                  # [B, NM, NF]  (squeeze(-1))
    w = jax.nn.softmax(att, axis=1)                # softmax over neighbors
    return (w[..., None] * t).sum(axis=1)          # [B, NF, DIM]


def _contrastive(e, W1, b1, W2, b2):
    # e: [B, NF, DIM]
    e = jax.nn.relu(e @ W1 + b1) @ W2 + b2
    norm = jnp.linalg.norm(e, axis=2, keepdims=True)
    e = e / jnp.maximum(norm, 1e-12)               # F.normalize(dim=2)
    eT = jnp.swapaxes(e, 1, 2)                     # [B, DIM, NF]
    pos = jnp.exp(jnp.matmul(e, eT) / TAU).sum(axis=2)                     # [B, NF]
    alls = jnp.exp(jnp.matmul(e, eT[:, None, :, :]) / TAU)                 # [B, B, NF, NF]
    alls = alls.sum(axis=3).sum(axis=1)                                    # [B, NF]
    return -jnp.log(pos / alls)


def reference(users, movies, user_neighbors, movie_neighbors, input_ids, attention_mask,
              node_emb, relation_emb, att_W1, att_b1, att_W2, att_b2,
              Wu1, bu1, Wu2, bu2, Wv1, bv1, Wv2, bv2):
    # mode == 'ctr': LM branch unused (input_ids/attention_mask are dead inputs)
    user_embs = [node_emb[users]]                  # [B, NF, DIM]
    for i in range(NL):
        h = node_emb[user_neighbors[0, i]]         # [B, NM, NF, DIM]
        r = relation_emb[user_neighbors[1, i]]
        t = node_emb[user_neighbors[2, i]]
        user_embs.append(_knowledge_attention(h, r, t, att_W1, att_b1, att_W2, att_b2))
    item_embs = [node_emb[movies]]
    for i in range(NL):
        h = node_emb[movie_neighbors[0, i]]
        r = relation_emb[movie_neighbors[1, i]]
        t = node_emb[movie_neighbors[2, i]]
        item_embs.append(_knowledge_attention(h, r, t, att_W1, att_b1, att_W2, att_b2))
    # predict(), agg == 'sum'
    e_u = user_embs[0]
    for i in range(1, len(user_embs)):
        e_u = e_u + user_embs[i]
    e_v = item_embs[0]
    for i in range(1, len(item_embs)):
        e_v = e_v + item_embs[i]
    e_u_final = e_u.sum(axis=1)                    # [B, DIM]
    e_v_final = e_v.sum(axis=1)
    scores = jax.nn.sigmoid((e_u_final * e_v_final).sum(axis=1))  # [B]
    # contrastive loss is computed inside predict() but discarded by MyModel.forward
    loss_u = _contrastive(e_u, Wu1, bu1, Wu2, bu2)
    loss_v = _contrastive(e_v, Wv1, bv1, Wv2, bv2)
    crossloss = (loss_u + loss_v).mean()
    del crossloss  # 'proba, _ = self.CTR.predict(...)' -> only scores returned
    return scores

if __name__ == "__main__":
    import jax
    _d = setup_inputs()
    print(jax.jit(kernel)(*tuple(_d.values())))

</pallas_src>

<mosaic_0001>
#map = affine_map<(d0, d1) -> (0, 0)>
module attributes {stable_mosaic.version = 14 : i64} {
  func.func @gather_kernel(%arg0: i32, %arg1: i32, %arg2: memref<512x128xi32, #tpu.memory_space<hbm>>, %arg3: memref<512x128xi32, #tpu.memory_space<hbm>>, %arg4: memref<32x32xi32, #tpu.memory_space<hbm>>, %arg5: memref<100000x128xf32, #tpu.memory_space<hbm>>, %arg6: memref<65536x128xf32, #tpu.memory_space<hbm>>, %arg7: memref<65536x128xf32, #tpu.memory_space<hbm>>, %arg8: memref<1024x128xf32, #tpu.memory_space<hbm>>, %arg9: memref<16x128xi32, #tpu.memory_space<vmem>>, %arg10: memref<128x128xf32, #tpu.memory_space<vmem>>, %arg11: memref<128x128xf32, #tpu.memory_space<vmem>>, %arg12: memref<32xi32, #tpu.memory_space<vmem>>, %arg13: memref<32x128xf32, #tpu.memory_space<vmem>>, %arg14: memref<!tpu.dma_semaphore, #tpu.memory_space<semaphore_mem>>, %arg15: memref<!tpu.dma_semaphore, #tpu.memory_space<semaphore_mem>>, %arg16: memref<!tpu.dma_semaphore, #tpu.memory_space<semaphore_mem>>, %arg17: memref<!tpu.dma_semaphore, #tpu.memory_space<semaphore_mem>>) attributes {dimension_semantics = [#tpu.dimension_semantics<core_parallel>, #tpu.dimension_semantics<subcore_parallel>], iteration_bounds = array<i64: 2, 16>, scalar_prefetch = 0 : i64, scratch_operands = 9 : i64, tpu.core_type = #tpu.core_type<sc_vector_subcore>, window_params = [{transform_indices = #map}, {transform_indices = #map}, {transform_indices = #map}, {transform_indices = #map}, {transform_indices = #map}, {transform_indices = #map}, {transform_indices = #map}]} {
    %mul3A = arith.constant 2 : i32
    %mul3A_0 = arith.muli %arg1, %mul3A : i32
    %add3A = arith.addi %mul3A_0, %arg0 : i32
    %mul3A_1 = arith.constant 2048 : i32
    %mul3A_2 = arith.muli %add3A, %mul3A_1 : i32
    %mul3A_3 = arith.constant 16 : i32
    %mul3A_4 = arith.muli %add3A, %mul3A_3 : i32
    "tpu.region"() ({
      %run_scoped3A = tpu.sem_alloc : memref<!tpu.dma_semaphore, #tpu.memory_space<semaphore_mem>>
      %dma_start3A_78 = arith.constant 0 : i32
      %dma_start3A_79 = tpu.memref_slice %arg2[%mul3A_4, %dma_start3A_78] : memref<512x128xi32, #tpu.memory_space<hbm>> -> memref<16x128xi32, #tpu.memory_space<hbm>>
      %dma_start3A_80 = arith.constant 0 : i32
      %dma_start3A_81 = tpu.memref_slice %arg2[%mul3A_4, %dma_start3A_80] : memref<512x128xi32, #tpu.memory_space<hbm>> -> memref<16x128xi32, #tpu.memory_space<hbm>>
      tpu.enqueue_dma source(%dma_start3A_81 : memref<16x128xi32, #tpu.memory_space<hbm>>) target(%arg9 : memref<16x128xi32, #tpu.memory_space<vmem>>) target_semaphore(%run_scoped3A : memref<!tpu.dma_semaphore, #tpu.memory_space<semaphore_mem>>)
      %dma_wait3A_82 = arith.constant 0 : i32
      %dma_wait3A_83 = tpu.memref_slice %arg2[%mul3A_4, %dma_wait3A_82] : memref<512x128xi32, #tpu.memory_space<hbm>> -> memref<16x128xi32, #tpu.memory_space<hbm>>
      %dma_wait3A_84 = arith.constant 0 : i32
      %dma_wait3A_85 = tpu.memref_slice %arg2[%mul3A_4, %dma_wait3A_84] : memref<512x128xi32, #tpu.memory_space<hbm>> -> memref<16x128xi32, #tpu.memory_space<hbm>>
      tpu.wait_dma2 semaphore(%run_scoped3A : memref<!tpu.dma_semaphore, #tpu.memory_space<semaphore_mem>>) src(%dma_wait3A_85 : memref<16x128xi32, #tpu.memory_space<hbm>>) dst(%arg9 : memref<16x128xi32, #tpu.memory_space<vmem>>)
      tpu.yield
    }) : () -> ()
    %dma_start3A = arith.constant 0 : i32
    %dma_start3A_5 = arith.constant 0 : i32
    %dma_start3A_6 = tpu.memref_slice %arg9[%dma_start3A, %dma_start3A_5] : memref<16x128xi32, #tpu.memory_space<vmem>> -> memref<1x128xi32, #tpu.memory_space<vmem>>
    %dma_start3A_7 = tpu.memref_squeeze %dma_start3A_6 : memref<1x128xi32, #tpu.memory_space<vmem>> -> memref<128xi32, #tpu.memory_space<vmem>>
    %dma_start3A_8 = arith.constant 0 : i32
    %dma_start3A_9 = arith.constant 0 : i32
    %dma_start3A_10 = tpu.memref_slice %arg5[%dma_start3A_8, %dma_start3A_9] : memref<100000x128xf32, #tpu.memory_space<hbm>> -> memref<100000x128xf32, #tpu.memory_space<hbm>>
    tpu.enqueue_indirect_dma source(%dma_start3A_10 : memref<100000x128xf32, #tpu.memory_space<hbm>>) target(%arg10 : memref<128x128xf32, #tpu.memory_space<vmem>>) offsets(%dma_start3A_7 : memref<128xi32, #tpu.memory_space<vmem>>) semaphore(%arg14 : memref<!tpu.dma_semaphore, #tpu.memory_space<semaphore_mem>>)
    %dma_start3A_11 = arith.constant 1 : i32
    %dma_start3A_12 = arith.constant 0 : i32
    %dma_start3A_13 = tpu.memref_slice %arg9[%dma_start3A_11, %dma_start3A_12] : memref<16x128xi32, #tpu.memory_space<vmem>> -> memref<1x128xi32, #tpu.memory_space<vmem>>
    %dma_start3A_14 = tpu.memref_squeeze %dma_start3A_13 : memref<1x128xi32, #tpu.memory_space<vmem>> -> memref<128xi32, #tpu.memory_space<vmem>>
    %dma_start3A_15 = arith.constant 0 : i32
    %dma_start3A_16 = arith.constant 0 : i32
    %dma_start3A_17 = tpu.memref_slice %arg5[%dma_start3A_15, %dma_start3A_16] : memref<100000x128xf32, #tpu.memory_space<hbm>> -> memref<100000x128xf32, #tpu.memory_space<hbm>>
    tpu.enqueue_indirect_dma source(%dma_start3A_17 : memref<100000x128xf32, #tpu.memory_space<hbm>>) target(%arg11 : memref<128x128xf32, #tpu.memory_space<vmem>>) offsets(%dma_start3A_14 : memref<128xi32, #tpu.memory_space<vmem>>) semaphore(%arg15 : memref<!tpu.dma_semaphore, #tpu.memory_space<semaphore_mem>>)
    %scan3A = arith.constant 0 : i32
    %scan3A_18 = arith.constant 0 : i32
    %scan3A_19 = arith.constant 8 : i32
    %scan3A_20 = arith.addi %scan3A_18, %scan3A_19 : i32
    %scan3A_21 = arith.constant 1 : i32
    scf.for %scan3A_78 = %scan3A_18 to %scan3A_20 step %scan3A_21  : i32 {
      %mul3A_79 = arith.constant 2 : i32
      %mul3A_80 = arith.muli %mul3A_79, %scan3A_78 : i32
      %add3A_81 = arith.constant 0 : i32
      %add3A_82 = arith.addi %mul3A_80, %add3A_81 : i32
      %mul3A_83 = arith.constant 128 : i32
      %mul3A_84 = arith.muli %add3A_82, %mul3A_83 : i32
      %add3A_85 = arith.addi %mul3A_2, %mul3A_84 : i32
      %multiple_of3A_86 = tpu.assume_multiple %add3A_85, 128 : i32
      %dma_wait3A_87 = arith.constant 0 : i32
      %dma_wait3A_88 = tpu.memref_slice %arg9[%add3A_82, %dma_wait3A_87] : memref<16x128xi32, #tpu.memory_space<vmem>> -> memref<1x128xi32, #tpu.memory_space<vmem>>
      %dma_wait3A_89 = tpu.memref_squeeze %dma_wait3A_88 : memref<1x128xi32, #tpu.memory_space<vmem>> -> memref<128xi32, #tpu.memory_space<vmem>>
      %dma_wait3A_90 = arith.constant 0 : i32
      %dma_wait3A_91 = arith.constant 0 : i32
      %dma_wait3A_92 = tpu.memref_slice %arg5[%dma_wait3A_90, %dma_wait3A_91] : memref<100000x128xf32, #tpu.memory_space<hbm>> -> memref<100000x128xf32, #tpu.memory_space<hbm>>
      tpu.wait_indirect_dma semaphore(%arg14 : memref<!tpu.dma_semaphore, #tpu.memory_space<semaphore_mem>>) src(%dma_wait3A_92 : memref<100000x128xf32, #tpu.memory_space<hbm>>) dst(%arg10 : memref<128x128xf32, #tpu.memory_space<vmem>>)
      %dma_start3A_93 = arith.constant 0 : i32
      %dma_start3A_94 = tpu.memref_slice %arg6[%multiple_of3A_86, %dma_start3A_93] : memref<65536x128xf32, #tpu.memory_space<hbm>> -> memref<128x128xf32, #tpu.memory_space<hbm>>
      %dma_start3A_95 = arith.constant 0 : i32
      %dma_start3A_96 = tpu.memref_slice %arg6[%multiple_of3A_86, %dma_start3A_95] : memref<65536x128xf32, #tpu.memory_space<hbm>> -> memref<128x128xf32, #tpu.memory_space<hbm>>
      tpu.enqueue_dma source(%arg10 : memref<128x128xf32, #tpu.memory_space<vmem>>) target(%dma_start3A_96 : memref<128x128xf32, #tpu.memory_space<hbm>>) target_semaphore(%arg16 : memref<!tpu.dma_semaphore, #tpu.memory_space<semaphore_mem>>)
      %add3A_97 = arith.constant 2 : i32
      %add3A_98 = arith.addi %add3A_82, %add3A_97 : i32
      %lt3A = arith.constant 16 : i32
      %lt3A_99 = arith.cmpi slt, %add3A_98, %lt3A : i32
      %convert_element_type3A = arith.extui %lt3A_99 : i1 to i32
      %cond3A = arith.constant 0 : i32
      %cond3A_100 = arith.cmpi ne, %convert_element_type3A, %cond3A : i32
      scf.if %cond3A_100 {
        %dma_wait3A_126 = arith.constant 0 : i32
        %dma_wait3A_127 = tpu.memref_slice %arg6[%multiple_of3A_86, %dma_wait3A_126] : memref<65536x128xf32, #tpu.memory_space<hbm>> -> memref<128x128xf32, #tpu.memory_space<hbm>>
        %dma_wait3A_128 = arith.constant 0 : i32
        %dma_wait3A_129 = tpu.memref_slice %arg6[%multiple_of3A_86, %dma_wait3A_128] : memref<65536x128xf32, #tpu.memory_space<hbm>> -> memref<128x128xf32, #tpu.memory_space<hbm>>
        tpu.wait_dma2 semaphore(%arg16 : memref<!tpu.dma_semaphore, #tpu.memory_space<semaphore_mem>>) src(%arg10 : memref<128x128xf32, #tpu.memory_space<vmem>>) dst(%dma_wait3A_129 : memref<128x128xf32, #tpu.memory_space<hbm>>)
        %add3A_130 = arith.constant 2 : i32
        %add3A_131 = arith.addi %add3A_82, %add3A_130 : i32
        %dma_start3A_132 = arith.constant 0 : i32
        %dma_start3A_133 = tpu.memref_slice %arg9[%add3A_131, %dma_start3A_132] : memref<16x128xi32, #tpu.memory_space<vmem>> -> memref<1x128xi32, #tpu.memory_space<vmem>>
        %dma_start3A_134 = tpu.memref_squeeze %dma_start3A_133 : memref<1x128xi32, #tpu.memory_space<vmem>> -> memref<128xi32, #tpu.memory_space<vmem>>
        %dma_start3A_135 = arith.constant 0 : i32
        %dma_start3A_136 = arith.constant 0 : i32
        %dma_start3A_137 = tpu.memref_slice %arg5[%dma_start3A_135, %dma_start3A_136] : memref<100000x128xf32, #tpu.memory_space<hbm>> -> memref<100000x128xf32, #tpu.memory_space<hbm>>
        tpu.enqueue_indirect_dma source(%dma_start3A_137 : memref<100000x128xf32, #tpu.memory_space<hbm>>) target(%arg10 : memref<128x128xf32, #tpu.memory_space<vmem>>) offsets(%dma_start3A_134 : memref<128xi32, #tpu.memory_space<vmem>>) semaphore(%arg14 : memref<!tpu.dma_semaphore, #tpu.memory_space<semaphore_mem>>)
      } else {
      }
      %mul3A_101 = arith.constant 2 : i32
      %mul3A_102 = arith.muli %mul3A_101, %scan3A_78 : i32
      %add3A_103 = arith.constant 1 : i32
      %add3A_104 = arith.addi %mul3A_102, %add3A_103 : i32
      %mul3A_105 = arith.constant 128 : i32
      %mul3A_106 = arith.muli %add3A_104, %mul3A_105 : i32
      %add3A_107 = arith.addi %mul3A_2, %mul3A_106 : i32
      %multiple_of3A_108 = tpu.assume_multiple %add3A_107, 128 : i32
      %dma_wait3A_109 = arith.constant 0 : i32
      %dma_wait3A_110 = tpu.memref_slice %arg9[%add3A_104, %dma_wait3A_109] : memref<16x128xi32, #tpu.memory_space<vmem>> -> memref<1x128xi32, #tpu.memory_space<vmem>>
      %dma_wait3A_111 = tpu.memref_squeeze %dma_wait3A_110 : memref<1x128xi32, #tpu.memory_space<vmem>> -> memref<128xi32, #tpu.memory_space<vmem>>
      %dma_wait3A_112 = arith.constant 0 : i32
      %dma_wait3A_113 = arith.constant 0 : i32
      %dma_wait3A_114 = tpu.memref_slice %arg5[%dma_wait3A_112, %dma_wait3A_113] : memref<100000x128xf32, #tpu.memory_space<hbm>> -> memref<100000x128xf32, #tpu.memory_space<hbm>>
      tpu.wait_indirect_dma semaphore(%arg15 : memref<!tpu.dma_semaphore, #tpu.memory_space<semaphore_mem>>) src(%dma_wait3A_114 : memref<100000x128xf32, #tpu.memory_space<hbm>>) dst(%arg11 : memref<128x128xf32, #tpu.memory_space<vmem>>)
      %dma_start3A_115 = arith.constant 0 : i32
      %dma_start3A_116 = tpu.memref_slice %arg6[%multiple_of3A_108, %dma_start3A_115] : memref<65536x128xf32, #tpu.memory_space<hbm>> -> memref<128x128xf32, #tpu.memory_space<hbm>>
      %dma_start3A_117 = arith.constant 0 : i32
      %dma_start3A_118 = tpu.memref_slice %arg6[%multiple_of3A_108, %dma_start3A_117] : memref<65536x128xf32, #tpu.memory_space<hbm>> -> memref<128x128xf32, #tpu.memory_space<hbm>>
      tpu.enqueue_dma source(%arg11 : memref<128x128xf32, #tpu.memory_space<vmem>>) target(%dma_start3A_118 : memref<128x128xf32, #tpu.memory_space<hbm>>) target_semaphore(%arg17 : memref<!tpu.dma_semaphore, #tpu.memory_space<semaphore_mem>>)
      %add3A_119 = arith.constant 2 : i32
      %add3A_120 = arith.addi %add3A_104, %add3A_119 : i32
      %lt3A_121 = arith.constant 16 : i32
      %lt3A_122 = arith.cmpi slt, %add3A_120, %lt3A_121 : i32
      %convert_element_type3A_123 = arith.extui %lt3A_122 : i1 to i32
      %cond3A_124 = arith.constant 0 : i32
      %cond3A_125 = arith.cmpi ne, %convert_element_type3A_123, %cond3A_124 : i32
      scf.if %cond3A_125 {
        %dma_wait3A_126 = arith.constant 0 : i32
        %dma_wait3A_127 = tpu.memref_slice %arg6[%multiple_of3A_108, %dma_wait3A_126] : memref<65536x128xf32, #tpu.memory_space<hbm>> -> memref<128x128xf32, #tpu.memory_space<hbm>>
        %dma_wait3A_128 = arith.constant 0 : i32
        %dma_wait3A_129 = tpu.memref_slice %arg6[%multiple_of3A_108, %dma_wait3A_128] : memref<65536x128xf32, #tpu.memory_space<hbm>> -> memref<128x128xf32, #tpu.memory_space<hbm>>
        tpu.wait_dma2 semaphore(%arg17 : memref<!tpu.dma_semaphore, #tpu.memory_space<semaphore_mem>>) src(%arg11 : memref<128x128xf32, #tpu.memory_space<vmem>>) dst(%dma_wait3A_129 : memref<128x128xf32, #tpu.memory_space<hbm>>)
        %add3A_130 = arith.constant 2 : i32
        %add3A_131 = arith.addi %add3A_104, %add3A_130 : i32
        %dma_start3A_132 = arith.constant 0 : i32
        %dma_start3A_133 = tpu.memref_slice %arg9[%add3A_131, %dma_start3A_132] : memref<16x128xi32, #tpu.memory_space<vmem>> -> memref<1x128xi32, #tpu.memory_space<vmem>>
        %dma_start3A_134 = tpu.memref_squeeze %dma_start3A_133 : memref<1x128xi32, #tpu.memory_space<vmem>> -> memref<128xi32, #tpu.memory_space<vmem>>
        %dma_start3A_135 = arith.constant 0 : i32
        %dma_start3A_136 = arith.constant 0 : i32
        %dma_start3A_137 = tpu.memref_slice %arg5[%dma_start3A_135, %dma_start3A_136] : memref<100000x128xf32, #tpu.memory_space<hbm>> -> memref<100000x128xf32, #tpu.memory_space<hbm>>
        tpu.enqueue_indirect_dma source(%dma_start3A_137 : memref<100000x128xf32, #tpu.memory_space<hbm>>) target(%arg11 : memref<128x128xf32, #tpu.memory_space<vmem>>) offsets(%dma_start3A_134 : memref<128xi32, #tpu.memory_space<vmem>>) semaphore(%arg15 : memref<!tpu.dma_semaphore, #tpu.memory_space<semaphore_mem>>)
      } else {
      }
    }
    %scan3A_22 = arith.constant 8 : i32
    %mul3A_23 = arith.constant 2048 : i32
    %mul3A_24 = arith.muli %add3A, %mul3A_23 : i32
    %dma_wait3A = arith.constant 0 : i32
    %dma_wait3A_25 = tpu.memref_slice %arg6[%mul3A_24, %dma_wait3A] : memref<65536x128xf32, #tpu.memory_space<hbm>> -> memref<128x128xf32, #tpu.memory_space<hbm>>
    %dma_wait3A_26 = arith.constant 0 : i32
    %dma_wait3A_27 = tpu.memref_slice %arg6[%mul3A_24, %dma_wait3A_26] : memref<65536x128xf32, #tpu.memory_space<hbm>> -> memref<128x128xf32, #tpu.memory_space<hbm>>
    tpu.wait_dma2 semaphore(%arg16 : memref<!tpu.dma_semaphore, #tpu.memory_space<semaphore_mem>>) src(%arg10 : memref<128x128xf32, #tpu.memory_space<vmem>>) dst(%dma_wait3A_27 : memref<128x128xf32, #tpu.memory_space<hbm>>)
    %mul3A_28 = arith.constant 2048 : i32
    %mul3A_29 = arith.muli %add3A, %mul3A_28 : i32
    %dma_wait3A_30 = arith.constant 0 : i32
    %dma_wait3A_31 = tpu.memref_slice %arg6[%mul3A_29, %dma_wait3A_30] : memref<65536x128xf32, #tpu.memory_space<hbm>> -> memref<128x128xf32, #tpu.memory_space<hbm>>
    %dma_wait3A_32 = arith.constant 0 : i32
    %dma_wait3A_33 = tpu.memref_slice %arg6[%mul3A_29, %dma_wait3A_32] : memref<65536x128xf32, #tpu.memory_space<hbm>> -> memref<128x128xf32, #tpu.memory_space<hbm>>
    tpu.wait_dma2 semaphore(%arg17 : memref<!tpu.dma_semaphore, #tpu.memory_space<semaphore_mem>>) src(%arg11 : memref<128x128xf32, #tpu.memory_space<vmem>>) dst(%dma_wait3A_33 : memref<128x128xf32, #tpu.memory_space<hbm>>)
    %mul3A_34 = arith.constant 2048 : i32
    %mul3A_35 = arith.muli %add3A, %mul3A_34 : i32
    %mul3A_36 = arith.constant 16 : i32
    %mul3A_37 = arith.muli %add3A, %mul3A_36 : i32
    "tpu.region"() ({
      %run_scoped3A = tpu.sem_alloc : memref<!tpu.dma_semaphore, #tpu.memory_space<semaphore_mem>>
      %dma_start3A_78 = arith.constant 0 : i32
      %dma_start3A_79 = tpu.memref_slice %arg3[%mul3A_37, %dma_start3A_78] : memref<512x128xi32, #tpu.memory_space<hbm>> -> memref<16x128xi32, #tpu.memory_space<hbm>>
      %dma_start3A_80 = arith.constant 0 : i32
      %dma_start3A_81 = tpu.memref_slice %arg3[%mul3A_37, %dma_start3A_80] : memref<512x128xi32, #tpu.memory_space<hbm>> -> memref<16x128xi32, #tpu.memory_space<hbm>>
      tpu.enqueue_dma source(%dma_start3A_81 : memref<16x128xi32, #tpu.memory_space<hbm>>) target(%arg9 : memref<16x128xi32, #tpu.memory_space<vmem>>) target_semaphore(%run_scoped3A : memref<!tpu.dma_semaphore, #tpu.memory_space<semaphore_mem>>)
      %dma_wait3A_82 = arith.constant 0 : i32
      %dma_wait3A_83 = tpu.memref_slice %arg3[%mul3A_37, %dma_wait3A_82] : memref<512x128xi32, #tpu.memory_space<hbm>> -> memref<16x128xi32, #tpu.memory_space<hbm>>
      %dma_wait3A_84 = arith.constant 0 : i32
      %dma_wait3A_85 = tpu.memref_slice %arg3[%mul3A_37, %dma_wait3A_84] : memref<512x128xi32, #tpu.memory_space<hbm>> -> memref<16x128xi32, #tpu.memory_space<hbm>>
      tpu.wait_dma2 semaphore(%run_scoped3A : memref<!tpu.dma_semaphore, #tpu.memory_space<semaphore_mem>>) src(%dma_wait3A_85 : memref<16x128xi32, #tpu.memory_space<hbm>>) dst(%arg9 : memref<16x128xi32, #tpu.memory_space<vmem>>)
      tpu.yield
    }) : () -> ()
    %dma_start3A_38 = arith.constant 0 : i32
    %dma_start3A_39 = arith.constant 0 : i32
    %dma_start3A_40 = tpu.memref_slice %arg9[%dma_start3A_38, %dma_start3A_39] : memref<16x128xi32, #tpu.memory_space<vmem>> -> memref<1x128xi32, #tpu.memory_space<vmem>>
    %dma_start3A_41 = tpu.memref_squeeze %dma_start3A_40 : memref<1x128xi32, #tpu.memory_space<vmem>> -> memref<128xi32, #tpu.memory_space<vmem>>
    %dma_start3A_42 = arith.constant 0 : i32
    %dma_start3A_43 = arith.constant 0 : i32
    %dma_start3A_44 = tpu.memref_slice %arg5[%dma_start3A_42, %dma_start3A_43] : memref<100000x128xf32, #tpu.memory_space<hbm>> -> memref<100000x128xf32, #tpu.memory_space<hbm>>
    tpu.enqueue_indirect_dma source(%dma_start3A_44 : memref<100000x128xf32, #tpu.memory_space<hbm>>) target(%arg10 : memref<128x128xf32, #tpu.memory_space<vmem>>) offsets(%dma_start3A_41 : memref<128xi32, #tpu.memory_space<vmem>>) semaphore(%arg14 : memref<!tpu.dma_semaphore, #tpu.memory_space<semaphore_mem>>)
    %dma_start3A_45 = arith.constant 1 : i32
    %dma_start3A_46 = arith.constant 0 : i32
    %dma_start3A_47 = tpu.memref_slice %arg9[%dma_start3A_45, %dma_start3A_46] : memref<16x128xi32, #tpu.memory_space<vmem>> -> memref<1x128xi32, #tpu.memory_space<vmem>>
    %dma_start3A_48 = tpu.memref_squeeze %dma_start3A_47 : memref<1x128xi32, #tpu.memory_space<vmem>> -> memref<128xi32, #tpu.memory_space<vmem>>
    %dma_start3A_49 = arith.constant 0 : i32
    %dma_start3A_50 = arith.constant 0 : i32
    %dma_start3A_51 = tpu.memref_slice %arg5[%dma_start3A_49, %dma_start3A_50] : memref<100000x128xf32, #tpu.memory_space<hbm>> -> memref<100000x128xf32, #tpu.memory_space<hbm>>
    tpu.enqueue_indirect_dma source(%dma_start3A_51 : memref<100000x128xf32, #tpu.memory_space<hbm>>) target(%arg11 : memref<128x128xf32, #tpu.memory_space<vmem>>) offsets(%dma_start3A_48 : memref<128xi32, #tpu.memory_space<vmem>>) semaphore(%arg15 : memref<!tpu.dma_semaphore, #tpu.memory_space<semaphore_mem>>)
    %scan3A_52 = arith.constant 0 : i32
    %scan3A_53 = arith.constant 0 : i32
    %scan3A_54 = arith.constant 8 : i32
    %scan3A_55 = arith.addi %scan3A_53, %scan3A_54 : i32
    %scan3A_56 = arith.constant 1 : i32
    scf.for %scan3A_78 = %scan3A_53 to %scan3A_55 step %scan3A_56  : i32 {
      %mul3A_79 = arith.constant 2 : i32
      %mul3A_80 = arith.muli %mul3A_79, %scan3A_78 : i32
      %add3A_81 = arith.constant 0 : i32
      %add3A_82 = arith.addi %mul3A_80, %add3A_81 : i32
      %mul3A_83 = arith.constant 128 : i32
      %mul3A_84 = arith.muli %add3A_82, %mul3A_83 : i32
      %add3A_85 = arith.addi %mul3A_35, %mul3A_84 : i32
      %multiple_of3A_86 = tpu.assume_multiple %add3A_85, 128 : i32
      %dma_wait3A_87 = arith.constant 0 : i32
      %dma_wait3A_88 = tpu.memref_slice %arg9[%add3A_82, %dma_wait3A_87] : memref<16x128xi32, #tpu.memory_space<vmem>> -> memref<1x128xi32, #tpu.memory_space<vmem>>
      %dma_wait3A_89 = tpu.memref_squeeze %dma_wait3A_88 : memref<1x128xi32, #tpu.memory_space<vmem>> -> memref<128xi32, #tpu.memory_space<vmem>>
      %dma_wait3A_90 = arith.constant 0 : i32
      %dma_wait3A_91 = arith.constant 0 : i32
      %dma_wait3A_92 = tpu.memref_slice %arg5[%dma_wait3A_90, %dma_wait3A_91] : memref<100000x128xf32, #tpu.memory_space<hbm>> -> memref<100000x128xf32, #tpu.memory_space<hbm>>
      tpu.wait_indirect_dma semaphore(%arg14 : memref<!tpu.dma_semaphore, #tpu.memory_space<semaphore_mem>>) src(%dma_wait3A_92 : memref<100000x128xf32, #tpu.memory_space<hbm>>) dst(%arg10 : memref<128x128xf32, #tpu.memory_space<vmem>>)
      %dma_start3A_93 = arith.constant 0 : i32
      %dma_start3A_94 = tpu.memref_slice %arg7[%multiple_of3A_86, %dma_start3A_93] : memref<65536x128xf32, #tpu.memory_space<hbm>> -> memref<128x128xf32, #tpu.memory_space<hbm>>
      %dma_start3A_95 = arith.constant 0 : i32
      %dma_start3A_96 = tpu.memref_slice %arg7[%multiple_of3A_86, %dma_start3A_95] : memref<65536x128xf32, #tpu.memory_space<hbm>> -> memref<128x128xf32, #tpu.memory_space<hbm>>
      tpu.enqueue_dma source(%arg10 : memref<128x128xf32, #tpu.memory_space<vmem>>) target(%dma_start3A_96 : memref<128x128xf32, #tpu.memory_space<hbm>>) target_semaphore(%arg16 : memref<!tpu.dma_semaphore, #tpu.memory_space<semaphore_mem>>)
      %add3A_97 = arith.constant 2 : i32
      %add3A_98 = arith.addi %add3A_82, %add3A_97 : i32
      %lt3A = arith.constant 16 : i32
      %lt3A_99 = arith.cmpi slt, %add3A_98, %lt3A : i32
      %convert_element_type3A = arith.extui %lt3A_99 : i1 to i32
      %cond3A = arith.constant 0 : i32
      %cond3A_100 = arith.cmpi ne, %convert_element_type3A, %cond3A : i32
      scf.if %cond3A_100 {
        %dma_wait3A_126 = arith.constant 0 : i32
        %dma_wait3A_127 = tpu.memref_slice %arg7[%multiple_of3A_86, %dma_wait3A_126] : memref<65536x128xf32, #tpu.memory_space<hbm>> -> memref<128x128xf32, #tpu.memory_space<hbm>>
        %dma_wait3A_128 = arith.constant 0 : i32
        %dma_wait3A_129 = tpu.memref_slice %arg7[%multiple_of3A_86, %dma_wait3A_128] : memref<65536x128xf32, #tpu.memory_space<hbm>> -> memref<128x128xf32, #tpu.memory_space<hbm>>
        tpu.wait_dma2 semaphore(%arg16 : memref<!tpu.dma_semaphore, #tpu.memory_space<semaphore_mem>>) src(%arg10 : memref<128x128xf32, #tpu.memory_space<vmem>>) dst(%dma_wait3A_129 : memref<128x128xf32, #tpu.memory_space<hbm>>)
        %add3A_130 = arith.constant 2 : i32
        %add3A_131 = arith.addi %add3A_82, %add3A_130 : i32
        %dma_start3A_132 = arith.constant 0 : i32
        %dma_start3A_133 = tpu.memref_slice %arg9[%add3A_131, %dma_start3A_132] : memref<16x128xi32, #tpu.memory_space<vmem>> -> memref<1x128xi32, #tpu.memory_space<vmem>>
        %dma_start3A_134 = tpu.memref_squeeze %dma_start3A_133 : memref<1x128xi32, #tpu.memory_space<vmem>> -> memref<128xi32, #tpu.memory_space<vmem>>
        %dma_start3A_135 = arith.constant 0 : i32
        %dma_start3A_136 = arith.constant 0 : i32
        %dma_start3A_137 = tpu.memref_slice %arg5[%dma_start3A_135, %dma_start3A_136] : memref<100000x128xf32, #tpu.memory_space<hbm>> -> memref<100000x128xf32, #tpu.memory_space<hbm>>
        tpu.enqueue_indirect_dma source(%dma_start3A_137 : memref<100000x128xf32, #tpu.memory_space<hbm>>) target(%arg10 : memref<128x128xf32, #tpu.memory_space<vmem>>) offsets(%dma_start3A_134 : memref<128xi32, #tpu.memory_space<vmem>>) semaphore(%arg14 : memref<!tpu.dma_semaphore, #tpu.memory_space<semaphore_mem>>)
      } else {
      }
      %mul3A_101 = arith.constant 2 : i32
      %mul3A_102 = arith.muli %mul3A_101, %scan3A_78 : i32
      %add3A_103 = arith.constant 1 : i32
      %add3A_104 = arith.addi %mul3A_102, %add3A_103 : i32
      %mul3A_105 = arith.constant 128 : i32
      %mul3A_106 = arith.muli %add3A_104, %mul3A_105 : i32
      %add3A_107 = arith.addi %mul3A_35, %mul3A_106 : i32
      %multiple_of3A_108 = tpu.assume_multiple %add3A_107, 128 : i32
      %dma_wait3A_109 = arith.constant 0 : i32
      %dma_wait3A_110 = tpu.memref_slice %arg9[%add3A_104, %dma_wait3A_109] : memref<16x128xi32, #tpu.memory_space<vmem>> -> memref<1x128xi32, #tpu.memory_space<vmem>>
      %dma_wait3A_111 = tpu.memref_squeeze %dma_wait3A_110 : memref<1x128xi32, #tpu.memory_space<vmem>> -> memref<128xi32, #tpu.memory_space<vmem>>
      %dma_wait3A_112 = arith.constant 0 : i32
      %dma_wait3A_113 = arith.constant 0 : i32
      %dma_wait3A_114 = tpu.memref_slice %arg5[%dma_wait3A_112, %dma_wait3A_113] : memref<100000x128xf32, #tpu.memory_space<hbm>> -> memref<100000x128xf32, #tpu.memory_space<hbm>>
      tpu.wait_indirect_dma semaphore(%arg15 : memref<!tpu.dma_semaphore, #tpu.memory_space<semaphore_mem>>) src(%dma_wait3A_114 : memref<100000x128xf32, #tpu.memory_space<hbm>>) dst(%arg11 : memref<128x128xf32, #tpu.memory_space<vmem>>)
      %dma_start3A_115 = arith.constant 0 : i32
      %dma_start3A_116 = tpu.memref_slice %arg7[%multiple_of3A_108, %dma_start3A_115] : memref<65536x128xf32, #tpu.memory_space<hbm>> -> memref<128x128xf32, #tpu.memory_space<hbm>>
      %dma_start3A_117 = arith.constant 0 : i32
      %dma_start3A_118 = tpu.memref_slice %arg7[%multiple_of3A_108, %dma_start3A_117] : memref<65536x128xf32, #tpu.memory_space<hbm>> -> memref<128x128xf32, #tpu.memory_space<hbm>>
      tpu.enqueue_dma source(%arg11 : memref<128x128xf32, #tpu.memory_space<vmem>>) target(%dma_start3A_118 : memref<128x128xf32, #tpu.memory_space<hbm>>) target_semaphore(%arg17 : memref<!tpu.dma_semaphore, #tpu.memory_space<semaphore_mem>>)
      %add3A_119 = arith.constant 2 : i32
      %add3A_120 = arith.addi %add3A_104, %add3A_119 : i32
      %lt3A_121 = arith.constant 16 : i32
      %lt3A_122 = arith.cmpi slt, %add3A_120, %lt3A_121 : i32
      %convert_element_type3A_123 = arith.extui %lt3A_122 : i1 to i32
      %cond3A_124 = arith.constant 0 : i32
      %cond3A_125 = arith.cmpi ne, %convert_element_type3A_123, %cond3A_124 : i32
      scf.if %cond3A_125 {
        %dma_wait3A_126 = arith.constant 0 : i32
        %dma_wait3A_127 = tpu.memref_slice %arg7[%multiple_of3A_108, %dma_wait3A_126] : memref<65536x128xf32, #tpu.memory_space<hbm>> -> memref<128x128xf32, #tpu.memory_space<hbm>>
        %dma_wait3A_128 = arith.constant 0 : i32
        %dma_wait3A_129 = tpu.memref_slice %arg7[%multiple_of3A_108, %dma_wait3A_128] : memref<65536x128xf32, #tpu.memory_space<hbm>> -> memref<128x128xf32, #tpu.memory_space<hbm>>
        tpu.wait_dma2 semaphore(%arg17 : memref<!tpu.dma_semaphore, #tpu.memory_space<semaphore_mem>>) src(%arg11 : memref<128x128xf32, #tpu.memory_space<vmem>>) dst(%dma_wait3A_129 : memref<128x128xf32, #tpu.memory_space<hbm>>)
        %add3A_130 = arith.constant 2 : i32
        %add3A_131 = arith.addi %add3A_104, %add3A_130 : i32
        %dma_start3A_132 = arith.constant 0 : i32
        %dma_start3A_133 = tpu.memref_slice %arg9[%add3A_131, %dma_start3A_132] : memref<16x128xi32, #tpu.memory_space<vmem>> -> memref<1x128xi32, #tpu.memory_space<vmem>>
        %dma_start3A_134 = tpu.memref_squeeze %dma_start3A_133 : memref<1x128xi32, #tpu.memory_space<vmem>> -> memref<128xi32, #tpu.memory_space<vmem>>
        %dma_start3A_135 = arith.constant 0 : i32
        %dma_start3A_136 = arith.constant 0 : i32
        %dma_start3A_137 = tpu.memref_slice %arg5[%dma_start3A_135, %dma_start3A_136] : memref<100000x128xf32, #tpu.memory_space<hbm>> -> memref<100000x128xf32, #tpu.memory_space<hbm>>
        tpu.enqueue_indirect_dma source(%dma_start3A_137 : memref<100000x128xf32, #tpu.memory_space<hbm>>) target(%arg11 : memref<128x128xf32, #tpu.memory_space<vmem>>) offsets(%dma_start3A_134 : memref<128xi32, #tpu.memory_space<vmem>>) semaphore(%arg15 : memref<!tpu.dma_semaphore, #tpu.memory_space<semaphore_mem>>)
      } else {
      }
    }
    %scan3A_57 = arith.constant 8 : i32
    %mul3A_58 = arith.constant 2048 : i32
    %mul3A_59 = arith.muli %add3A, %mul3A_58 : i32
    %dma_wait3A_60 = arith.constant 0 : i32
    %dma_wait3A_61 = tpu.memref_slice %arg7[%mul3A_59, %dma_wait3A_60] : memref<65536x128xf32, #tpu.memory_space<hbm>> -> memref<128x128xf32, #tpu.memory_space<hbm>>
    %dma_wait3A_62 = arith.constant 0 : i32
    %dma_wait3A_63 = tpu.memref_slice %arg7[%mul3A_59, %dma_wait3A_62] : memref<65536x128xf32, #tpu.memory_space<hbm>> -> memref<128x128xf32, #tpu.memory_space<hbm>>
    tpu.wait_dma2 semaphore(%arg16 : memref<!tpu.dma_semaphore, #tpu.memory_space<semaphore_mem>>) src(%arg10 : memref<128x128xf32, #tpu.memory_space<vmem>>) dst(%dma_wait3A_63 : memref<128x128xf32, #tpu.memory_space<hbm>>)
    %mul3A_64 = arith.constant 2048 : i32
    %mul3A_65 = arith.muli %add3A, %mul3A_64 : i32
    %dma_wait3A_66 = arith.constant 0 : i32
    %dma_wait3A_67 = tpu.memref_slice %arg7[%mul3A_65, %dma_wait3A_66] : memref<65536x128xf32, #tpu.memory_space<hbm>> -> memref<128x128xf32, #tpu.memory_space<hbm>>
    %dma_wait3A_68 = arith.constant 0 : i32
    %dma_wait3A_69 = tpu.memref_slice %arg7[%mul3A_65, %dma_wait3A_68] : memref<65536x128xf32, #tpu.memory_space<hbm>> -> memref<128x128xf32, #tpu.memory_space<hbm>>
    tpu.wait_dma2 semaphore(%arg17 : memref<!tpu.dma_semaphore, #tpu.memory_space<semaphore_mem>>) src(%arg11 : memref<128x128xf32, #tpu.memory_space<vmem>>) dst(%dma_wait3A_69 : memref<128x128xf32, #tpu.memory_space<hbm>>)
    %mul3A_70 = arith.constant 32 : i32
    %mul3A_71 = arith.muli %add3A, %mul3A_70 : i32
    %multiple_of3A = tpu.assume_multiple %mul3A_71, 8 : i32
    "tpu.region"() ({
      %run_scoped3A = tpu.sem_alloc : memref<!tpu.dma_semaphore, #tpu.memory_space<semaphore_mem>>
      %dma_start3A_78 = arith.constant 0 : i32
      %dma_start3A_79 = tpu.memref_slice %arg4[%add3A, %dma_start3A_78] : memref<32x32xi32, #tpu.memory_space<hbm>> -> memref<1x32xi32, #tpu.memory_space<hbm>>
      %dma_start3A_80 = tpu.memref_squeeze %dma_start3A_79 : memref<1x32xi32, #tpu.memory_space<hbm>> -> memref<32xi32, #tpu.memory_space<hbm>>
      %dma_start3A_81 = arith.constant 0 : i32
      %dma_start3A_82 = tpu.memref_slice %arg4[%add3A, %dma_start3A_81] : memref<32x32xi32, #tpu.memory_space<hbm>> -> memref<1x32xi32, #tpu.memory_space<hbm>>
      %dma_start3A_83 = tpu.memref_squeeze %dma_start3A_82 : memref<1x32xi32, #tpu.memory_space<hbm>> -> memref<32xi32, #tpu.memory_space<hbm>>
      tpu.enqueue_dma source(%dma_start3A_83 : memref<32xi32, #tpu.memory_space<hbm>>) target(%arg12 : memref<32xi32, #tpu.memory_space<vmem>>) target_semaphore(%run_scoped3A : memref<!tpu.dma_semaphore, #tpu.memory_space<semaphore_mem>>)
      %dma_wait3A_84 = arith.constant 0 : i32
      %dma_wait3A_85 = tpu.memref_slice %arg4[%add3A, %dma_wait3A_84] : memref<32x32xi32, #tpu.memory_space<hbm>> -> memref<1x32xi32, #tpu.memory_space<hbm>>
      %dma_wait3A_86 = tpu.memref_squeeze %dma_wait3A_85 : memref<1x32xi32, #tpu.memory_space<hbm>> -> memref<32xi32, #tpu.memory_space<hbm>>
      %dma_wait3A_87 = arith.constant 0 : i32
      %dma_wait3A_88 = tpu.memref_slice %arg4[%add3A, %dma_wait3A_87] : memref<32x32xi32, #tpu.memory_space<hbm>> -> memref<1x32xi32, #tpu.memory_space<hbm>>
      %dma_wait3A_89 = tpu.memref_squeeze %dma_wait3A_88 : memref<1x32xi32, #tpu.memory_space<hbm>> -> memref<32xi32, #tpu.memory_space<hbm>>
      tpu.wait_dma2 semaphore(%run_scoped3A : memref<!tpu.dma_semaphore, #tpu.memory_space<semaphore_mem>>) src(%dma_wait3A_89 : memref<32xi32, #tpu.memory_space<hbm>>) dst(%arg12 : memref<32xi32, #tpu.memory_space<vmem>>)
      tpu.yield
    }) : () -> ()
    %dma_start3A_72 = arith.constant 0 : i32
    %dma_start3A_73 = arith.constant 0 : i32
    %dma_start3A_74 = tpu.memref_slice %arg5[%dma_start3A_72, %dma_start3A_73] : memref<100000x128xf32, #tpu.memory_space<hbm>> -> memref<100000x128xf32, #tpu.memory_space<hbm>>
    tpu.enqueue_indirect_dma source(%dma_start3A_74 : memref<100000x128xf32, #tpu.memory_space<hbm>>) target(%arg13 : memref<32x128xf32, #tpu.memory_space<vmem>>) offsets(%arg12 : memref<32xi32, #tpu.memory_space<vmem>>) semaphore(%arg14 : memref<!tpu.dma_semaphore, #tpu.memory_space<semaphore_mem>>)
    %dma_wait3A_75 = arith.constant 0 : i32
    %dma_wait3A_76 = arith.constant 0 : i32
    %dma_wait3A_77 = tpu.memref_slice %arg5[%dma_wait3A_75, %dma_wait3A_76] : memref<100000x128xf32, #tpu.memory_space<hbm>> -> memref<100000x128xf32, #tpu.memory_space<hbm>>
    tpu.wait_indirect_dma semaphore(%arg14 : memref<!tpu.dma_semaphore, #tpu.memory_space<semaphore_mem>>) src(%dma_wait3A_77 : memref<100000x128xf32, #tpu.memory_space<hbm>>) dst(%arg13 : memref<32x128xf32, #tpu.memory_space<vmem>>)
    "tpu.region"() ({
      %run_scoped3A = tpu.sem_alloc : memref<!tpu.dma_semaphore, #tpu.memory_space<semaphore_mem>>
      %dma_start3A_78 = arith.constant 0 : i32
      %dma_start3A_79 = tpu.memref_slice %arg8[%multiple_of3A, %dma_start3A_78] : memref<1024x128xf32, #tpu.memory_space<hbm>> -> memref<32x128xf32, #tpu.memory_space<hbm>>
      %dma_start3A_80 = arith.constant 0 : i32
      %dma_start3A_81 = tpu.memref_slice %arg8[%multiple_of3A, %dma_start3A_80] : memref<1024x128xf32, #tpu.memory_space<hbm>> -> memref<32x128xf32, #tpu.memory_space<hbm>>
      tpu.enqueue_dma source(%arg13 : memref<32x128xf32, #tpu.memory_space<vmem>>) target(%dma_start3A_81 : memref<32x128xf32, #tpu.memory_space<hbm>>) target_semaphore(%run_scoped3A : memref<!tpu.dma_semaphore, #tpu.memory_space<semaphore_mem>>)
      %dma_wait3A_82 = arith.constant 0 : i32
      %dma_wait3A_83 = tpu.memref_slice %arg8[%multiple_of3A, %dma_wait3A_82] : memref<1024x128xf32, #tpu.memory_space<hbm>> -> memref<32x128xf32, #tpu.memory_space<hbm>>
      %dma_wait3A_84 = arith.constant 0 : i32
      %dma_wait3A_85 = tpu.memref_slice %arg8[%multiple_of3A, %dma_wait3A_84] : memref<1024x128xf32, #tpu.memory_space<hbm>> -> memref<32x128xf32, #tpu.memory_space<hbm>>
      tpu.wait_dma2 semaphore(%run_scoped3A : memref<!tpu.dma_semaphore, #tpu.memory_space<semaphore_mem>>) src(%arg13 : memref<32x128xf32, #tpu.memory_space<vmem>>) dst(%dma_wait3A_85 : memref<32x128xf32, #tpu.memory_space<hbm>>)
      tpu.yield
    }) : () -> ()
    return
  }
}

#map = affine_map<(d0, d1) -> (0, 0)>
module attributes {stable_mosaic.version = 14 : i64} {
  func.func @gather_kernel(%arg0: i32, %arg1: i32, %arg2: memref<512x128xi32, #tpu.memory_space<hbm>>, %arg3: memref<100000x128xf32, #tpu.memory_space<hbm>>, %arg4: memref<65536x128xf32, #tpu.memory_space<hbm>>, %arg5: memref<16x128xi32, #tpu.memory_space<vmem>>, %arg6: memref<128x128xf32, #tpu.memory_space<vmem>>, %arg7: memref<128x128xf32, #tpu.memory_space<vmem>>, %arg8: memref<!tpu.dma_semaphore, #tpu.memory_space<semaphore_mem>>, %arg9: memref<!tpu.dma_semaphore, #tpu.memory_space<semaphore_mem>>, %arg10: memref<!tpu.dma_semaphore, #tpu.memory_space<semaphore_mem>>, %arg11: memref<!tpu.dma_semaphore, #tpu.memory_space<semaphore_mem>>) attributes {dimension_semantics = [#tpu.dimension_semantics<core_parallel>, #tpu.dimension_semantics<subcore_parallel>], iteration_bounds = array<i64: 2, 16>, scalar_prefetch = 0 : i64, scratch_operands = 7 : i64, tpu.core_type = #tpu.core_type<sc_vector_subcore>, window_params = [{transform_indices = #map}, {transform_indices = #map}, {transform_indices = #map}]} {
    %mul3A = arith.constant 2 : i32
    %mul3A_0 = arith.muli %arg1, %mul3A : i32
    %add3A = arith.addi %mul3A_0, %arg0 : i32
    %mul3A_1 = arith.constant 2048 : i32
    %mul3A_2 = arith.muli %add3A, %mul3A_1 : i32
    %mul3A_3 = arith.constant 16 : i32
    %mul3A_4 = arith.muli %add3A, %mul3A_3 : i32
    "tpu.region"() ({
      %run_scoped3A = tpu.sem_alloc : memref<!tpu.dma_semaphore, #tpu.memory_space<semaphore_mem>>
      %dma_start3A_34 = arith.constant 0 : i32
      %dma_start3A_35 = tpu.memref_slice %arg2[%mul3A_4, %dma_start3A_34] : memref<512x128xi32, #tpu.memory_space<hbm>> -> memref<16x128xi32, #tpu.memory_space<hbm>>
      %dma_start3A_36 = arith.constant 0 : i32
      %dma_start3A_37 = tpu.memref_slice %arg2[%mul3A_4, %dma_start3A_36] : memref<512x128xi32, #tpu.memory_space<hbm>> -> memref<16x128xi32, #tpu.memory_space<hbm>>
      tpu.enqueue_dma source(%dma_start3A_37 : memref<16x128xi32, #tpu.memory_space<hbm>>) target(%arg5 : memref<16x128xi32, #tpu.memory_space<vmem>>) target_semaphore(%run_scoped3A : memref<!tpu.dma_semaphore, #tpu.memory_space<semaphore_mem>>)
      %dma_wait3A_38 = arith.constant 0 : i32
      %dma_wait3A_39 = tpu.memref_slice %arg2[%mul3A_4, %dma_wait3A_38] : memref<512x128xi32, #tpu.memory_space<hbm>> -> memref<16x128xi32, #tpu.memory_space<hbm>>
      %dma_wait3A_40 = arith.constant 0 : i32
      %dma_wait3A_41 = tpu.memref_slice %arg2[%mul3A_4, %dma_wait3A_40] : memref<512x128xi32, #tpu.memory_space<hbm>> -> memref<16x128xi32, #tpu.memory_space<hbm>>
      tpu.wait_dma2 semaphore(%run_scoped3A : memref<!tpu.dma_semaphore, #tpu.memory_space<semaphore_mem>>) src(%dma_wait3A_41 : memref<16x128xi32, #tpu.memory_space<hbm>>) dst(%arg5 : memref<16x128xi32, #tpu.memory_space<vmem>>)
      tpu.yield
    }) : () -> ()
    %dma_start3A = arith.constant 0 : i32
    %dma_start3A_5 = arith.constant 0 : i32
    %dma_start3A_6 = tpu.memref_slice %arg5[%dma_start3A, %dma_start3A_5] : memref<16x128xi32, #tpu.memory_space<vmem>> -> memref<1x128xi32, #tpu.memory_space<vmem>>
    %dma_start3A_7 = tpu.memref_squeeze %dma_start3A_6 : memref<1x128xi32, #tpu.memory_space<vmem>> -> memref<128xi32, #tpu.memory_space<vmem>>
    %dma_start3A_8 = arith.constant 0 : i32
    %dma_start3A_9 = arith.constant 0 : i32
    %dma_start3A_10 = tpu.memref_slice %arg3[%dma_start3A_8, %dma_start3A_9] : memref<100000x128xf32, #tpu.memory_space<hbm>> -> memref<100000x128xf32, #tpu.memory_space<hbm>>
    tpu.enqueue_indirect_dma source(%dma_start3A_10 : memref<100000x128xf32, #tpu.memory_space<hbm>>) target(%arg6 : memref<128x128xf32, #tpu.memory_space<vmem>>) offsets(%dma_start3A_7 : memref<128xi32, #tpu.memory_space<vmem>>) semaphore(%arg8 : memref<!tpu.dma_semaphore, #tpu.memory_space<semaphore_mem>>)
    %dma_start3A_11 = arith.constant 1 : i32
    %dma_start3A_12 = arith.constant 0 : i32
    %dma_start3A_13 = tpu.memref_slice %arg5[%dma_start3A_11, %dma_start3A_12] : memref<16x128xi32, #tpu.memory_space<vmem>> -> memref<1x128xi32, #tpu.memory_space<vmem>>
    %dma_start3A_14 = tpu.memref_squeeze %dma_start3A_13 : memref<1x128xi32, #tpu.memory_space<vmem>> -> memref<128xi32, #tpu.memory_space<vmem>>
    %dma_start3A_15 = arith.constant 0 : i32
    %dma_start3A_16 = arith.constant 0 : i32
    %dma_start3A_17 = tpu.memref_slice %arg3[%dma_start3A_15, %dma_start3A_16] : memref<100000x128xf32, #tpu.memory_space<hbm>> -> memref<100000x128xf32, #tpu.memory_space<hbm>>
    tpu.enqueue_indirect_dma source(%dma_start3A_17 : memref<100000x128xf32, #tpu.memory_space<hbm>>) target(%arg7 : memref<128x128xf32, #tpu.memory_space<vmem>>) offsets(%dma_start3A_14 : memref<128xi32, #tpu.memory_space<vmem>>) semaphore(%arg9 : memref<!tpu.dma_semaphore, #tpu.memory_space<semaphore_mem>>)
    %scan3A = arith.constant 0 : i32
    %scan3A_18 = arith.constant 0 : i32
    %scan3A_19 = arith.constant 8 : i32
    %scan3A_20 = arith.addi %scan3A_18, %scan3A_19 : i32
    %scan3A_21 = arith.constant 1 : i32
    scf.for %scan3A_34 = %scan3A_18 to %scan3A_20 step %scan3A_21  : i32 {
      %mul3A_35 = arith.constant 2 : i32
      %mul3A_36 = arith.muli %mul3A_35, %scan3A_34 : i32
      %add3A_37 = arith.constant 0 : i32
      %add3A_38 = arith.addi %mul3A_36, %add3A_37 : i32
      %mul3A_39 = arith.constant 128 : i32
      %mul3A_40 = arith.muli %add3A_38, %mul3A_39 : i32
      %add3A_41 = arith.addi %mul3A_2, %mul3A_40 : i32
      %multiple_of3A = tpu.assume_multiple %add3A_41, 128 : i32
      %dma_wait3A_42 = arith.constant 0 : i32
      %dma_wait3A_43 = tpu.memref_slice %arg5[%add3A_38, %dma_wait3A_42] : memref<16x128xi32, #tpu.memory_space<vmem>> -> memref<1x128xi32, #tpu.memory_space<vmem>>
      %dma_wait3A_44 = tpu.memref_squeeze %dma_wait3A_43 : memref<1x128xi32, #tpu.memory_space<vmem>> -> memref<128xi32, #tpu.memory_space<vmem>>
      %dma_wait3A_45 = arith.constant 0 : i32
      %dma_wait3A_46 = arith.constant 0 : i32
      %dma_wait3A_47 = tpu.memref_slice %arg3[%dma_wait3A_45, %dma_wait3A_46] : memref<100000x128xf32, #tpu.memory_space<hbm>> -> memref<100000x128xf32, #tpu.memory_space<hbm>>
      tpu.wait_indirect_dma semaphore(%arg8 : memref<!tpu.dma_semaphore, #tpu.memory_space<semaphore_mem>>) src(%dma_wait3A_47 : memref<100000x128xf32, #tpu.memory_space<hbm>>) dst(%arg6 : memref<128x128xf32, #tpu.memory_space<vmem>>)
      %dma_start3A_48 = arith.constant 0 : i32
      %dma_start3A_49 = tpu.memref_slice %arg4[%multiple_of3A, %dma_start3A_48] : memref<65536x128xf32, #tpu.memory_space<hbm>> -> memref<128x128xf32, #tpu.memory_space<hbm>>
      %dma_start3A_50 = arith.constant 0 : i32
      %dma_start3A_51 = tpu.memref_slice %arg4[%multiple_of3A, %dma_start3A_50] : memref<65536x128xf32, #tpu.memory_space<hbm>> -> memref<128x128xf32, #tpu.memory_space<hbm>>
      tpu.enqueue_dma source(%arg6 : memref<128x128xf32, #tpu.memory_space<vmem>>) target(%dma_start3A_51 : memref<128x128xf32, #tpu.memory_space<hbm>>) target_semaphore(%arg10 : memref<!tpu.dma_semaphore, #tpu.memory_space<semaphore_mem>>)
      %add3A_52 = arith.constant 2 : i32
      %add3A_53 = arith.addi %add3A_38, %add3A_52 : i32
      %lt3A = arith.constant 16 : i32
      %lt3A_54 = arith.cmpi slt, %add3A_53, %lt3A : i32
      %convert_element_type3A = arith.extui %lt3A_54 : i1 to i32
      %cond3A = arith.constant 0 : i32
      %cond3A_55 = arith.cmpi ne, %convert_element_type3A, %cond3A : i32
      scf.if %cond3A_55 {
        %dma_wait3A_81 = arith.constant 0 : i32
        %dma_wait3A_82 = tpu.memref_slice %arg4[%multiple_of3A, %dma_wait3A_81] : memref<65536x128xf32, #tpu.memory_space<hbm>> -> memref<128x128xf32, #tpu.memory_space<hbm>>
        %dma_wait3A_83 = arith.constant 0 : i32
        %dma_wait3A_84 = tpu.memref_slice %arg4[%multiple_of3A, %dma_wait3A_83] : memref<65536x128xf32, #tpu.memory_space<hbm>> -> memref<128x128xf32, #tpu.memory_space<hbm>>
        tpu.wait_dma2 semaphore(%arg10 : memref<!tpu.dma_semaphore, #tpu.memory_space<semaphore_mem>>) src(%arg6 : memref<128x128xf32, #tpu.memory_space<vmem>>) dst(%dma_wait3A_84 : memref<128x128xf32, #tpu.memory_space<hbm>>)
        %add3A_85 = arith.constant 2 : i32
        %add3A_86 = arith.addi %add3A_38, %add3A_85 : i32
        %dma_start3A_87 = arith.constant 0 : i32
        %dma_start3A_88 = tpu.memref_slice %arg5[%add3A_86, %dma_start3A_87] : memref<16x128xi32, #tpu.memory_space<vmem>> -> memref<1x128xi32, #tpu.memory_space<vmem>>
        %dma_start3A_89 = tpu.memref_squeeze %dma_start3A_88 : memref<1x128xi32, #tpu.memory_space<vmem>> -> memref<128xi32, #tpu.memory_space<vmem>>
        %dma_start3A_90 = arith.constant 0 : i32
        %dma_start3A_91 = arith.constant 0 : i32
        %dma_start3A_92 = tpu.memref_slice %arg3[%dma_start3A_90, %dma_start3A_91] : memref<100000x128xf32, #tpu.memory_space<hbm>> -> memref<100000x128xf32, #tpu.memory_space<hbm>>
        tpu.enqueue_indirect_dma source(%dma_start3A_92 : memref<100000x128xf32, #tpu.memory_space<hbm>>) target(%arg6 : memref<128x128xf32, #tpu.memory_space<vmem>>) offsets(%dma_start3A_89 : memref<128xi32, #tpu.memory_space<vmem>>) semaphore(%arg8 : memref<!tpu.dma_semaphore, #tpu.memory_space<semaphore_mem>>)
      } else {
      }
      %mul3A_56 = arith.constant 2 : i32
      %mul3A_57 = arith.muli %mul3A_56, %scan3A_34 : i32
      %add3A_58 = arith.constant 1 : i32
      %add3A_59 = arith.addi %mul3A_57, %add3A_58 : i32
      %mul3A_60 = arith.constant 128 : i32
      %mul3A_61 = arith.muli %add3A_59, %mul3A_60 : i32
      %add3A_62 = arith.addi %mul3A_2, %mul3A_61 : i32
      %multiple_of3A_63 = tpu.assume_multiple %add3A_62, 128 : i32
      %dma_wait3A_64 = arith.constant 0 : i32
      %dma_wait3A_65 = tpu.memref_slice %arg5[%add3A_59, %dma_wait3A_64] : memref<16x128xi32, #tpu.memory_space<vmem>> -> memref<1x128xi32, #tpu.memory_space<vmem>>
      %dma_wait3A_66 = tpu.memref_squeeze %dma_wait3A_65 : memref<1x128xi32, #tpu.memory_space<vmem>> -> memref<128xi32, #tpu.memory_space<vmem>>
      %dma_wait3A_67 = arith.constant 0 : i32
      %dma_wait3A_68 = arith.constant 0 : i32
      %dma_wait3A_69 = tpu.memref_slice %arg3[%dma_wait3A_67, %dma_wait3A_68] : memref<100000x128xf32, #tpu.memory_space<hbm>> -> memref<100000x128xf32, #tpu.memory_space<hbm>>
      tpu.wait_indirect_dma semaphore(%arg9 : memref<!tpu.dma_semaphore, #tpu.memory_space<semaphore_mem>>) src(%dma_wait3A_69 : memref<100000x128xf32, #tpu.memory_space<hbm>>) dst(%arg7 : memref<128x128xf32, #tpu.memory_space<vmem>>)
      %dma_start3A_70 = arith.constant 0 : i32
      %dma_start3A_71 = tpu.memref_slice %arg4[%multiple_of3A_63, %dma_start3A_70] : memref<65536x128xf32, #tpu.memory_space<hbm>> -> memref<128x128xf32, #tpu.memory_space<hbm>>
      %dma_start3A_72 = arith.constant 0 : i32
      %dma_start3A_73 = tpu.memref_slice %arg4[%multiple_of3A_63, %dma_start3A_72] : memref<65536x128xf32, #tpu.memory_space<hbm>> -> memref<128x128xf32, #tpu.memory_space<hbm>>
      tpu.enqueue_dma source(%arg7 : memref<128x128xf32, #tpu.memory_space<vmem>>) target(%dma_start3A_73 : memref<128x128xf32, #tpu.memory_space<hbm>>) target_semaphore(%arg11 : memref<!tpu.dma_semaphore, #tpu.memory_space<semaphore_mem>>)
      %add3A_74 = arith.constant 2 : i32
      %add3A_75 = arith.addi %add3A_59, %add3A_74 : i32
      %lt3A_76 = arith.constant 16 : i32
      %lt3A_77 = arith.cmpi slt, %add3A_75, %lt3A_76 : i32
      %convert_element_type3A_78 = arith.extui %lt3A_77 : i1 to i32
      %cond3A_79 = arith.constant 0 : i32
      %cond3A_80 = arith.cmpi ne, %convert_element_type3A_78, %cond3A_79 : i32
      scf.if %cond3A_80 {
        %dma_wait3A_81 = arith.constant 0 : i32
        %dma_wait3A_82 = tpu.memref_slice %arg4[%multiple_of3A_63, %dma_wait3A_81] : memref<65536x128xf32, #tpu.memory_space<hbm>> -> memref<128x128xf32, #tpu.memory_space<hbm>>
        %dma_wait3A_83 = arith.constant 0 : i32
        %dma_wait3A_84 = tpu.memref_slice %arg4[%multiple_of3A_63, %dma_wait3A_83] : memref<65536x128xf32, #tpu.memory_space<hbm>> -> memref<128x128xf32, #tpu.memory_space<hbm>>
        tpu.wait_dma2 semaphore(%arg11 : memref<!tpu.dma_semaphore, #tpu.memory_space<semaphore_mem>>) src(%arg7 : memref<128x128xf32, #tpu.memory_space<vmem>>) dst(%dma_wait3A_84 : memref<128x128xf32, #tpu.memory_space<hbm>>)
        %add3A_85 = arith.constant 2 : i32
        %add3A_86 = arith.addi %add3A_59, %add3A_85 : i32
        %dma_start3A_87 = arith.constant 0 : i32
        %dma_start3A_88 = tpu.memref_slice %arg5[%add3A_86, %dma_start3A_87] : memref<16x128xi32, #tpu.memory_space<vmem>> -> memref<1x128xi32, #tpu.memory_space<vmem>>
        %dma_start3A_89 = tpu.memref_squeeze %dma_start3A_88 : memref<1x128xi32, #tpu.memory_space<vmem>> -> memref<128xi32, #tpu.memory_space<vmem>>
        %dma_start3A_90 = arith.constant 0 : i32
        %dma_start3A_91 = arith.constant 0 : i32
        %dma_start3A_92 = tpu.memref_slice %arg3[%dma_start3A_90, %dma_start3A_91] : memref<100000x128xf32, #tpu.memory_space<hbm>> -> memref<100000x128xf32, #tpu.memory_space<hbm>>
        tpu.enqueue_indirect_dma source(%dma_start3A_92 : memref<100000x128xf32, #tpu.memory_space<hbm>>) target(%arg7 : memref<128x128xf32, #tpu.memory_space<vmem>>) offsets(%dma_start3A_89 : memref<128xi32, #tpu.memory_space<vmem>>) semaphore(%arg9 : memref<!tpu.dma_semaphore, #tpu.memory_space<semaphore_mem>>)
      } else {
      }
    }
    %scan3A_22 = arith.constant 8 : i32
    %mul3A_23 = arith.constant 2048 : i32
    %mul3A_24 = arith.muli %add3A, %mul3A_23 : i32
    %dma_wait3A = arith.constant 0 : i32
    %dma_wait3A_25 = tpu.memref_slice %arg4[%mul3A_24, %dma_wait3A] : memref<65536x128xf32, #tpu.memory_space<hbm>> -> memref<128x128xf32, #tpu.memory_space<hbm>>
    %dma_wait3A_26 = arith.constant 0 : i32
    %dma_wait3A_27 = tpu.memref_slice %arg4[%mul3A_24, %dma_wait3A_26] : memref<65536x128xf32, #tpu.memory_space<hbm>> -> memref<128x128xf32, #tpu.memory_space<hbm>>
    tpu.wait_dma2 semaphore(%arg10 : memref<!tpu.dma_semaphore, #tpu.memory_space<semaphore_mem>>) src(%arg6 : memref<128x128xf32, #tpu.memory_space<vmem>>) dst(%dma_wait3A_27 : memref<128x128xf32, #tpu.memory_space<hbm>>)
    %mul3A_28 = arith.constant 2048 : i32
    %mul3A_29 = arith.muli %add3A, %mul3A_28 : i32
    %dma_wait3A_30 = arith.constant 0 : i32
    %dma_wait3A_31 = tpu.memref_slice %arg4[%mul3A_29, %dma_wait3A_30] : memref<65536x128xf32, #tpu.memory_space<hbm>> -> memref<128x128xf32, #tpu.memory_space<hbm>>
    %dma_wait3A_32 = arith.constant 0 : i32
    %dma_wait3A_33 = tpu.memref_slice %arg4[%mul3A_29, %dma_wait3A_32] : memref<65536x128xf32, #tpu.memory_space<hbm>> -> memref<128x128xf32, #tpu.memory_space<hbm>>
    tpu.wait_dma2 semaphore(%arg11 : memref<!tpu.dma_semaphore, #tpu.memory_space<semaphore_mem>>) src(%arg7 : memref<128x128xf32, #tpu.memory_space<vmem>>) dst(%dma_wait3A_33 : memref<128x128xf32, #tpu.memory_space<hbm>>)
    return
  }
}

#map = affine_map<(d0, d1) -> (0, 0)>
module attributes {stable_mosaic.version = 14 : i64} {
  func.func @gather_kernel(%arg0: i32, %arg1: i32, %arg2: memref<512x128xi32, #tpu.memory_space<hbm>>, %arg3: memref<100000x128xf32, #tpu.memory_space<hbm>>, %arg4: memref<65536x128xf32, #tpu.memory_space<hbm>>, %arg5: memref<16x128xi32, #tpu.memory_space<vmem>>, %arg6: memref<128x128xf32, #tpu.memory_space<vmem>>, %arg7: memref<128x128xf32, #tpu.memory_space<vmem>>, %arg8: memref<!tpu.dma_semaphore, #tpu.memory_space<semaphore_mem>>, %arg9: memref<!tpu.dma_semaphore, #tpu.memory_space<semaphore_mem>>, %arg10: memref<!tpu.dma_semaphore, #tpu.memory_space<semaphore_mem>>, %arg11: memref<!tpu.dma_semaphore, #tpu.memory_space<semaphore_mem>>) attributes {dimension_semantics = [#tpu.dimension_semantics<core_parallel>, #tpu.dimension_semantics<subcore_parallel>], iteration_bounds = array<i64: 2, 16>, scalar_prefetch = 0 : i64, scratch_operands = 7 : i64, tpu.core_type = #tpu.core_type<sc_vector_subcore>, window_params = [{transform_indices = #map}, {transform_indices = #map}, {transform_indices = #map}]} {
    %mul3A = arith.constant 2 : i32
    %mul3A_0 = arith.muli %arg1, %mul3A : i32
    %add3A = arith.addi %mul3A_0, %arg0 : i32
    %mul3A_1 = arith.constant 2048 : i32
    %mul3A_2 = arith.muli %add3A, %mul3A_1 : i32
    %mul3A_3 = arith.constant 16 : i32
    %mul3A_4 = arith.muli %add3A, %mul3A_3 : i32
    "tpu.region"() ({
      %run_scoped3A = tpu.sem_alloc : memref<!tpu.dma_semaphore, #tpu.memory_space<semaphore_mem>>
      %dma_start3A_34 = arith.constant 0 : i32
      %dma_start3A_35 = tpu.memref_slice %arg2[%mul3A_4, %dma_start3A_34] : memref<512x128xi32, #tpu.memory_space<hbm>> -> memref<16x128xi32, #tpu.memory_space<hbm>>
      %dma_start3A_36 = arith.constant 0 : i32
      %dma_start3A_37 = tpu.memref_slice %arg2[%mul3A_4, %dma_start3A_36] : memref<512x128xi32, #tpu.memory_space<hbm>> -> memref<16x128xi32, #tpu.memory_space<hbm>>
      tpu.enqueue_dma source(%dma_start3A_37 : memref<16x128xi32, #tpu.memory_space<hbm>>) target(%arg5 : memref<16x128xi32, #tpu.memory_space<vmem>>) target_semaphore(%run_scoped3A : memref<!tpu.dma_semaphore, #tpu.memory_space<semaphore_mem>>)
      %dma_wait3A_38 = arith.constant 0 : i32
      %dma_wait3A_39 = tpu.memref_slice %arg2[%mul3A_4, %dma_wait3A_38] : memref<512x128xi32, #tpu.memory_space<hbm>> -> memref<16x128xi32, #tpu.memory_space<hbm>>
      %dma_wait3A_40 = arith.constant 0 : i32
      %dma_wait3A_41 = tpu.memref_slice %arg2[%mul3A_4, %dma_wait3A_40] : memref<512x128xi32, #tpu.memory_space<hbm>> -> memref<16x128xi32, #tpu.memory_space<hbm>>
      tpu.wait_dma2 semaphore(%run_scoped3A : memref<!tpu.dma_semaphore, #tpu.memory_space<semaphore_mem>>) src(%dma_wait3A_41 : memref<16x128xi32, #tpu.memory_space<hbm>>) dst(%arg5 : memref<16x128xi32, #tpu.memory_space<vmem>>)
      tpu.yield
    }) : () -> ()
    %dma_start3A = arith.constant 0 : i32
    %dma_start3A_5 = arith.constant 0 : i32
    %dma_start3A_6 = tpu.memref_slice %arg5[%dma_start3A, %dma_start3A_5] : memref<16x128xi32, #tpu.memory_space<vmem>> -> memref<1x128xi32, #tpu.memory_space<vmem>>
    %dma_start3A_7 = tpu.memref_squeeze %dma_start3A_6 : memref<1x128xi32, #tpu.memory_space<vmem>> -> memref<128xi32, #tpu.memory_space<vmem>>
    %dma_start3A_8 = arith.constant 0 : i32
    %dma_start3A_9 = arith.constant 0 : i32
    %dma_start3A_10 = tpu.memref_slice %arg3[%dma_start3A_8, %dma_start3A_9] : memref<100000x128xf32, #tpu.memory_space<hbm>> -> memref<100000x128xf32, #tpu.memory_space<hbm>>
    tpu.enqueue_indirect_dma source(%dma_start3A_10 : memref<100000x128xf32, #tpu.memory_space<hbm>>) target(%arg6 : memref<128x128xf32, #tpu.memory_space<vmem>>) offsets(%dma_start3A_7 : memref<128xi32, #tpu.memory_space<vmem>>) semaphore(%arg8 : memref<!tpu.dma_semaphore, #tpu.memory_space<semaphore_mem>>)
    %dma_start3A_11 = arith.constant 1 : i32
    %dma_start3A_12 = arith.constant 0 : i32
    %dma_start3A_13 = tpu.memref_slice %arg5[%dma_start3A_11, %dma_start3A_12] : memref<16x128xi32, #tpu.memory_space<vmem>> -> memref<1x128xi32, #tpu.memory_space<vmem>>
    %dma_start3A_14 = tpu.memref_squeeze %dma_start3A_13 : memref<1x128xi32, #tpu.memory_space<vmem>> -> memref<128xi32, #tpu.memory_space<vmem>>
    %dma_start3A_15 = arith.constant 0 : i32
    %dma_start3A_16 = arith.constant 0 : i32
    %dma_start3A_17 = tpu.memref_slice %arg3[%dma_start3A_15, %dma_start3A_16] : memref<100000x128xf32, #tpu.memory_space<hbm>> -> memref<100000x128xf32, #tpu.memory_space<hbm>>
    tpu.enqueue_indirect_dma source(%dma_start3A_17 : memref<100000x128xf32, #tpu.memory_space<hbm>>) target(%arg7 : memref<128x128xf32, #tpu.memory_space<vmem>>) offsets(%dma_start3A_14 : memref<128xi32, #tpu.memory_space<vmem>>) semaphore(%arg9 : memref<!tpu.dma_semaphore, #tpu.memory_space<semaphore_mem>>)
    %scan3A = arith.constant 0 : i32
    %scan3A_18 = arith.constant 0 : i32
    %scan3A_19 = arith.constant 8 : i32
    %scan3A_20 = arith.addi %scan3A_18, %scan3A_19 : i32
    %scan3A_21 = arith.constant 1 : i32
    scf.for %scan3A_34 = %scan3A_18 to %scan3A_20 step %scan3A_21  : i32 {
      %mul3A_35 = arith.constant 2 : i32
      %mul3A_36 = arith.muli %mul3A_35, %scan3A_34 : i32
      %add3A_37 = arith.constant 0 : i32
      %add3A_38 = arith.addi %mul3A_36, %add3A_37 : i32
      %mul3A_39 = arith.constant 128 : i32
      %mul3A_40 = arith.muli %add3A_38, %mul3A_39 : i32
      %add3A_41 = arith.addi %mul3A_2, %mul3A_40 : i32
      %multiple_of3A = tpu.assume_multiple %add3A_41, 128 : i32
      %dma_wait3A_42 = arith.constant 0 : i32
      %dma_wait3A_43 = tpu.memref_slice %arg5[%add3A_38, %dma_wait3A_42] : memref<16x128xi32, #tpu.memory_space<vmem>> -> memref<1x128xi32, #tpu.memory_space<vmem>>
      %dma_wait3A_44 = tpu.memref_squeeze %dma_wait3A_43 : memref<1x128xi32, #tpu.memory_space<vmem>> -> memref<128xi32, #tpu.memory_space<vmem>>
      %dma_wait3A_45 = arith.constant 0 : i32
      %dma_wait3A_46 = arith.constant 0 : i32
      %dma_wait3A_47 = tpu.memref_slice %arg3[%dma_wait3A_45, %dma_wait3A_46] : memref<100000x128xf32, #tpu.memory_space<hbm>> -> memref<100000x128xf32, #tpu.memory_space<hbm>>
      tpu.wait_indirect_dma semaphore(%arg8 : memref<!tpu.dma_semaphore, #tpu.memory_space<semaphore_mem>>) src(%dma_wait3A_47 : memref<100000x128xf32, #tpu.memory_space<hbm>>) dst(%arg6 : memref<128x128xf32, #tpu.memory_space<vmem>>)
      %dma_start3A_48 = arith.constant 0 : i32
      %dma_start3A_49 = tpu.memref_slice %arg4[%multiple_of3A, %dma_start3A_48] : memref<65536x128xf32, #tpu.memory_space<hbm>> -> memref<128x128xf32, #tpu.memory_space<hbm>>
      %dma_start3A_50 = arith.constant 0 : i32
      %dma_start3A_51 = tpu.memref_slice %arg4[%multiple_of3A, %dma_start3A_50] : memref<65536x128xf32, #tpu.memory_space<hbm>> -> memref<128x128xf32, #tpu.memory_space<hbm>>
      tpu.enqueue_dma source(%arg6 : memref<128x128xf32, #tpu.memory_space<vmem>>) target(%dma_start3A_51 : memref<128x128xf32, #tpu.memory_space<hbm>>) target_semaphore(%arg10 : memref<!tpu.dma_semaphore, #tpu.memory_space<semaphore_mem>>)
      %add3A_52 = arith.constant 2 : i32
      %add3A_53 = arith.addi %add3A_38, %add3A_52 : i32
      %lt3A = arith.constant 16 : i32
      %lt3A_54 = arith.cmpi slt, %add3A_53, %lt3A : i32
      %convert_element_type3A = arith.extui %lt3A_54 : i1 to i32
      %cond3A = arith.constant 0 : i32
      %cond3A_55 = arith.cmpi ne, %convert_element_type3A, %cond3A : i32
      scf.if %cond3A_55 {
        %dma_wait3A_81 = arith.constant 0 : i32
        %dma_wait3A_82 = tpu.memref_slice %arg4[%multiple_of3A, %dma_wait3A_81] : memref<65536x128xf32, #tpu.memory_space<hbm>> -> memref<128x128xf32, #tpu.memory_space<hbm>>
        %dma_wait3A_83 = arith.constant 0 : i32
        %dma_wait3A_84 = tpu.memref_slice %arg4[%multiple_of3A, %dma_wait3A_83] : memref<65536x128xf32, #tpu.memory_space<hbm>> -> memref<128x128xf32, #tpu.memory_space<hbm>>
        tpu.wait_dma2 semaphore(%arg10 : memref<!tpu.dma_semaphore, #tpu.memory_space<semaphore_mem>>) src(%arg6 : memref<128x128xf32, #tpu.memory_space<vmem>>) dst(%dma_wait3A_84 : memref<128x128xf32, #tpu.memory_space<hbm>>)
        %add3A_85 = arith.constant 2 : i32
        %add3A_86 = arith.addi %add3A_38, %add3A_85 : i32
        %dma_start3A_87 = arith.constant 0 : i32
        %dma_start3A_88 = tpu.memref_slice %arg5[%add3A_86, %dma_start3A_87] : memref<16x128xi32, #tpu.memory_space<vmem>> -> memref<1x128xi32, #tpu.memory_space<vmem>>
        %dma_start3A_89 = tpu.memref_squeeze %dma_start3A_88 : memref<1x128xi32, #tpu.memory_space<vmem>> -> memref<128xi32, #tpu.memory_space<vmem>>
        %dma_start3A_90 = arith.constant 0 : i32
        %dma_start3A_91 = arith.constant 0 : i32
        %dma_start3A_92 = tpu.memref_slice %arg3[%dma_start3A_90, %dma_start3A_91] : memref<100000x128xf32, #tpu.memory_space<hbm>> -> memref<100000x128xf32, #tpu.memory_space<hbm>>
        tpu.enqueue_indirect_dma source(%dma_start3A_92 : memref<100000x128xf32, #tpu.memory_space<hbm>>) target(%arg6 : memref<128x128xf32, #tpu.memory_space<vmem>>) offsets(%dma_start3A_89 : memref<128xi32, #tpu.memory_space<vmem>>) semaphore(%arg8 : memref<!tpu.dma_semaphore, #tpu.memory_space<semaphore_mem>>)
      } else {
      }
      %mul3A_56 = arith.constant 2 : i32
      %mul3A_57 = arith.muli %mul3A_56, %scan3A_34 : i32
      %add3A_58 = arith.constant 1 : i32
      %add3A_59 = arith.addi %mul3A_57, %add3A_58 : i32
      %mul3A_60 = arith.constant 128 : i32
      %mul3A_61 = arith.muli %add3A_59, %mul3A_60 : i32
      %add3A_62 = arith.addi %mul3A_2, %mul3A_61 : i32
      %multiple_of3A_63 = tpu.assume_multiple %add3A_62, 128 : i32
      %dma_wait3A_64 = arith.constant 0 : i32
      %dma_wait3A_65 = tpu.memref_slice %arg5[%add3A_59, %dma_wait3A_64] : memref<16x128xi32, #tpu.memory_space<vmem>> -> memref<1x128xi32, #tpu.memory_space<vmem>>
      %dma_wait3A_66 = tpu.memref_squeeze %dma_wait3A_65 : memref<1x128xi32, #tpu.memory_space<vmem>> -> memref<128xi32, #tpu.memory_space<vmem>>
      %dma_wait3A_67 = arith.constant 0 : i32
      %dma_wait3A_68 = arith.constant 0 : i32
      %dma_wait3A_69 = tpu.memref_slice %arg3[%dma_wait3A_67, %dma_wait3A_68] : memref<100000x128xf32, #tpu.memory_space<hbm>> -> memref<100000x128xf32, #tpu.memory_space<hbm>>
      tpu.wait_indirect_dma semaphore(%arg9 : memref<!tpu.dma_semaphore, #tpu.memory_space<semaphore_mem>>) src(%dma_wait3A_69 : memref<100000x128xf32, #tpu.memory_space<hbm>>) dst(%arg7 : memref<128x128xf32, #tpu.memory_space<vmem>>)
      %dma_start3A_70 = arith.constant 0 : i32
      %dma_start3A_71 = tpu.memref_slice %arg4[%multiple_of3A_63, %dma_start3A_70] : memref<65536x128xf32, #tpu.memory_space<hbm>> -> memref<128x128xf32, #tpu.memory_space<hbm>>
      %dma_start3A_72 = arith.constant 0 : i32
      %dma_start3A_73 = tpu.memref_slice %arg4[%multiple_of3A_63, %dma_start3A_72] : memref<65536x128xf32, #tpu.memory_space<hbm>> -> memref<128x128xf32, #tpu.memory_space<hbm>>
      tpu.enqueue_dma source(%arg7 : memref<128x128xf32, #tpu.memory_space<vmem>>) target(%dma_start3A_73 : memref<128x128xf32, #tpu.memory_space<hbm>>) target_semaphore(%arg11 : memref<!tpu.dma_semaphore, #tpu.memory_space<semaphore_mem>>)
      %add3A_74 = arith.constant 2 : i32
      %add3A_75 = arith.addi %add3A_59, %add3A_74 : i32
      %lt3A_76 = arith.constant 16 : i32
      %lt3A_77 = arith.cmpi slt, %add3A_75, %lt3A_76 : i32
      %convert_element_type3A_78 = arith.extui %lt3A_77 : i1 to i32
      %cond3A_79 = arith.constant 0 : i32
      %cond3A_80 = arith.cmpi ne, %convert_element_type3A_78, %cond3A_79 : i32
      scf.if %cond3A_80 {
        %dma_wait3A_81 = arith.constant 0 : i32
        %dma_wait3A_82 = tpu.memref_slice %arg4[%multiple_of3A_63, %dma_wait3A_81] : memref<65536x128xf32, #tpu.memory_space<hbm>> -> memref<128x128xf32, #tpu.memory_space<hbm>>
        %dma_wait3A_83 = arith.constant 0 : i32
        %dma_wait3A_84 = tpu.memref_slice %arg4[%multiple_of3A_63, %dma_wait3A_83] : memref<65536x128xf32, #tpu.memory_space<hbm>> -> memref<128x128xf32, #tpu.memory_space<hbm>>
        tpu.wait_dma2 semaphore(%arg11 : memref<!tpu.dma_semaphore, #tpu.memory_space<semaphore_mem>>) src(%arg7 : memref<128x128xf32, #tpu.memory_space<vmem>>) dst(%dma_wait3A_84 : memref<128x128xf32, #tpu.memory_space<hbm>>)
        %add3A_85 = arith.constant 2 : i32
        %add3A_86 = arith.addi %add3A_59, %add3A_85 : i32
        %dma_start3A_87 = arith.constant 0 : i32
        %dma_start3A_88 = tpu.memref_slice %arg5[%add3A_86, %dma_start3A_87] : memref<16x128xi32, #tpu.memory_space<vmem>> -> memref<1x128xi32, #tpu.memory_space<vmem>>
        %dma_start3A_89 = tpu.memref_squeeze %dma_start3A_88 : memref<1x128xi32, #tpu.memory_space<vmem>> -> memref<128xi32, #tpu.memory_space<vmem>>
        %dma_start3A_90 = arith.constant 0 : i32
        %dma_start3A_91 = arith.constant 0 : i32
        %dma_start3A_92 = tpu.memref_slice %arg3[%dma_start3A_90, %dma_start3A_91] : memref<100000x128xf32, #tpu.memory_space<hbm>> -> memref<100000x128xf32, #tpu.memory_space<hbm>>
        tpu.enqueue_indirect_dma source(%dma_start3A_92 : memref<100000x128xf32, #tpu.memory_space<hbm>>) target(%arg7 : memref<128x128xf32, #tpu.memory_space<vmem>>) offsets(%dma_start3A_89 : memref<128xi32, #tpu.memory_space<vmem>>) semaphore(%arg9 : memref<!tpu.dma_semaphore, #tpu.memory_space<semaphore_mem>>)
      } else {
      }
    }
    %scan3A_22 = arith.constant 8 : i32
    %mul3A_23 = arith.constant 2048 : i32
    %mul3A_24 = arith.muli %add3A, %mul3A_23 : i32
    %dma_wait3A = arith.constant 0 : i32
    %dma_wait3A_25 = tpu.memref_slice %arg4[%mul3A_24, %dma_wait3A] : memref<65536x128xf32, #tpu.memory_space<hbm>> -> memref<128x128xf32, #tpu.memory_space<hbm>>
    %dma_wait3A_26 = arith.constant 0 : i32
    %dma_wait3A_27 = tpu.memref_slice %arg4[%mul3A_24, %dma_wait3A_26] : memref<65536x128xf32, #tpu.memory_space<hbm>> -> memref<128x128xf32, #tpu.memory_space<hbm>>
    tpu.wait_dma2 semaphore(%arg10 : memref<!tpu.dma_semaphore, #tpu.memory_space<semaphore_mem>>) src(%arg6 : memref<128x128xf32, #tpu.memory_space<vmem>>) dst(%dma_wait3A_27 : memref<128x128xf32, #tpu.memory_space<hbm>>)
    %mul3A_28 = arith.constant 2048 : i32
    %mul3A_29 = arith.muli %add3A, %mul3A_28 : i32
    %dma_wait3A_30 = arith.constant 0 : i32
    %dma_wait3A_31 = tpu.memref_slice %arg4[%mul3A_29, %dma_wait3A_30] : memref<65536x128xf32, #tpu.memory_space<hbm>> -> memref<128x128xf32, #tpu.memory_space<hbm>>
    %dma_wait3A_32 = arith.constant 0 : i32
    %dma_wait3A_33 = tpu.memref_slice %arg4[%mul3A_29, %dma_wait3A_32] : memref<65536x128xf32, #tpu.memory_space<hbm>> -> memref<128x128xf32, #tpu.memory_space<hbm>>
    tpu.wait_dma2 semaphore(%arg11 : memref<!tpu.dma_semaphore, #tpu.memory_space<semaphore_mem>>) src(%arg7 : memref<128x128xf32, #tpu.memory_space<vmem>>) dst(%dma_wait3A_33 : memref<128x128xf32, #tpu.memory_space<hbm>>)
    return
  }
}

#map = affine_map<(d0, d1) -> (0, 0)>
module attributes {stable_mosaic.version = 14 : i64} {
  func.func @gather_kernel(%arg0: i32, %arg1: i32, %arg2: memref<512x128xi32, #tpu.memory_space<hbm>>, %arg3: memref<512x128xi32, #tpu.memory_space<hbm>>, %arg4: memref<32x32xi32, #tpu.memory_space<hbm>>, %arg5: memref<100000x128xf32, #tpu.memory_space<hbm>>, %arg6: memref<65536x128xf32, #tpu.memory_space<hbm>>, %arg7: memref<65536x128xf32, #tpu.memory_space<hbm>>, %arg8: memref<1024x128xf32, #tpu.memory_space<hbm>>, %arg9: memref<16x128xi32, #tpu.memory_space<vmem>>, %arg10: memref<128x128xf32, #tpu.memory_space<vmem>>, %arg11: memref<128x128xf32, #tpu.memory_space<vmem>>, %arg12: memref<32xi32, #tpu.memory_space<vmem>>, %arg13: memref<32x128xf32, #tpu.memory_space<vmem>>, %arg14: memref<!tpu.dma_semaphore, #tpu.memory_space<semaphore_mem>>, %arg15: memref<!tpu.dma_semaphore, #tpu.memory_space<semaphore_mem>>, %arg16: memref<!tpu.dma_semaphore, #tpu.memory_space<semaphore_mem>>, %arg17: memref<!tpu.dma_semaphore, #tpu.memory_space<semaphore_mem>>) attributes {dimension_semantics = [#tpu.dimension_semantics<core_parallel>, #tpu.dimension_semantics<subcore_parallel>], iteration_bounds = array<i64: 2, 16>, scalar_prefetch = 0 : i64, scratch_operands = 9 : i64, tpu.core_type = #tpu.core_type<sc_vector_subcore>, window_params = [{transform_indices = #map}, {transform_indices = #map}, {transform_indices = #map}, {transform_indices = #map}, {transform_indices = #map}, {transform_indices = #map}, {transform_indices = #map}]} {
    %mul3A = arith.constant 2 : i32
    %mul3A_0 = arith.muli %arg1, %mul3A : i32
    %add3A = arith.addi %mul3A_0, %arg0 : i32
    %mul3A_1 = arith.constant 2048 : i32
    %mul3A_2 = arith.muli %add3A, %mul3A_1 : i32
    %mul3A_3 = arith.constant 16 : i32
    %mul3A_4 = arith.muli %add3A, %mul3A_3 : i32
    "tpu.region"() ({
      %run_scoped3A = tpu.sem_alloc : memref<!tpu.dma_semaphore, #tpu.memory_space<semaphore_mem>>
      %dma_start3A_78 = arith.constant 0 : i32
      %dma_start3A_79 = tpu.memref_slice %arg2[%mul3A_4, %dma_start3A_78] : memref<512x128xi32, #tpu.memory_space<hbm>> -> memref<16x128xi32, #tpu.memory_space<hbm>>
      %dma_start3A_80 = arith.constant 0 : i32
      %dma_start3A_81 = tpu.memref_slice %arg2[%mul3A_4, %dma_start3A_80] : memref<512x128xi32, #tpu.memory_space<hbm>> -> memref<16x128xi32, #tpu.memory_space<hbm>>
      tpu.enqueue_dma source(%dma_start3A_81 : memref<16x128xi32, #tpu.memory_space<hbm>>) target(%arg9 : memref<16x128xi32, #tpu.memory_space<vmem>>) target_semaphore(%run_scoped3A : memref<!tpu.dma_semaphore, #tpu.memory_space<semaphore_mem>>)
      %dma_wait3A_82 = arith.constant 0 : i32
      %dma_wait3A_83 = tpu.memref_slice %arg2[%mul3A_4, %dma_wait3A_82] : memref<512x128xi32, #tpu.memory_space<hbm>> -> memref<16x128xi32, #tpu.memory_space<hbm>>
      %dma_wait3A_84 = arith.constant 0 : i32
      %dma_wait3A_85 = tpu.memref_slice %arg2[%mul3A_4, %dma_wait3A_84] : memref<512x128xi32, #tpu.memory_space<hbm>> -> memref<16x128xi32, #tpu.memory_space<hbm>>
      tpu.wait_dma2 semaphore(%run_scoped3A : memref<!tpu.dma_semaphore, #tpu.memory_space<semaphore_mem>>) src(%dma_wait3A_85 : memref<16x128xi32, #tpu.memory_space<hbm>>) dst(%arg9 : memref<16x128xi32, #tpu.memory_space<vmem>>)
      tpu.yield
    }) : () -> ()
    %dma_start3A = arith.constant 0 : i32
    %dma_start3A_5 = arith.constant 0 : i32
    %dma_start3A_6 = tpu.memref_slice %arg9[%dma_start3A, %dma_start3A_5] : memref<16x128xi32, #tpu.memory_space<vmem>> -> memref<1x128xi32, #tpu.memory_space<vmem>>
    %dma_start3A_7 = tpu.memref_squeeze %dma_start3A_6 : memref<1x128xi32, #tpu.memory_space<vmem>> -> memref<128xi32, #tpu.memory_space<vmem>>
    %dma_start3A_8 = arith.constant 0 : i32
    %dma_start3A_9 = arith.constant 0 : i32
    %dma_start3A_10 = tpu.memref_slice %arg5[%dma_start3A_8, %dma_start3A_9] : memref<100000x128xf32, #tpu.memory_space<hbm>> -> memref<100000x128xf32, #tpu.memory_space<hbm>>
    tpu.enqueue_indirect_dma source(%dma_start3A_10 : memref<100000x128xf32, #tpu.memory_space<hbm>>) target(%arg10 : memref<128x128xf32, #tpu.memory_space<vmem>>) offsets(%dma_start3A_7 : memref<128xi32, #tpu.memory_space<vmem>>) semaphore(%arg14 : memref<!tpu.dma_semaphore, #tpu.memory_space<semaphore_mem>>)
    %dma_start3A_11 = arith.constant 1 : i32
    %dma_start3A_12 = arith.constant 0 : i32
    %dma_start3A_13 = tpu.memref_slice %arg9[%dma_start3A_11, %dma_start3A_12] : memref<16x128xi32, #tpu.memory_space<vmem>> -> memref<1x128xi32, #tpu.memory_space<vmem>>
    %dma_start3A_14 = tpu.memref_squeeze %dma_start3A_13 : memref<1x128xi32, #tpu.memory_space<vmem>> -> memref<128xi32, #tpu.memory_space<vmem>>
    %dma_start3A_15 = arith.constant 0 : i32
    %dma_start3A_16 = arith.constant 0 : i32
    %dma_start3A_17 = tpu.memref_slice %arg5[%dma_start3A_15, %dma_start3A_16] : memref<100000x128xf32, #tpu.memory_space<hbm>> -> memref<100000x128xf32, #tpu.memory_space<hbm>>
    tpu.enqueue_indirect_dma source(%dma_start3A_17 : memref<100000x128xf32, #tpu.memory_space<hbm>>) target(%arg11 : memref<128x128xf32, #tpu.memory_space<vmem>>) offsets(%dma_start3A_14 : memref<128xi32, #tpu.memory_space<vmem>>) semaphore(%arg15 : memref<!tpu.dma_semaphore, #tpu.memory_space<semaphore_mem>>)
    %scan3A = arith.constant 0 : i32
    %scan3A_18 = arith.constant 0 : i32
    %scan3A_19 = arith.constant 8 : i32
    %scan3A_20 = arith.addi %scan3A_18, %scan3A_19 : i32
    %scan3A_21 = arith.constant 1 : i32
    scf.for %scan3A_78 = %scan3A_18 to %scan3A_20 step %scan3A_21  : i32 {
      %mul3A_79 = arith.constant 2 : i32
      %mul3A_80 = arith.muli %mul3A_79, %scan3A_78 : i32
      %add3A_81 = arith.constant 0 : i32
      %add3A_82 = arith.addi %mul3A_80, %add3A_81 : i32
      %mul3A_83 = arith.constant 128 : i32
      %mul3A_84 = arith.muli %add3A_82, %mul3A_83 : i32
      %add3A_85 = arith.addi %mul3A_2, %mul3A_84 : i32
      %multiple_of3A_86 = tpu.assume_multiple %add3A_85, 128 : i32
      %dma_wait3A_87 = arith.constant 0 : i32
      %dma_wait3A_88 = tpu.memref_slice %arg9[%add3A_82, %dma_wait3A_87] : memref<16x128xi32, #tpu.memory_space<vmem>> -> memref<1x128xi32, #tpu.memory_space<vmem>>
      %dma_wait3A_89 = tpu.memref_squeeze %dma_wait3A_88 : memref<1x128xi32, #tpu.memory_space<vmem>> -> memref<128xi32, #tpu.memory_space<vmem>>
      %dma_wait3A_90 = arith.constant 0 : i32
      %dma_wait3A_91 = arith.constant 0 : i32
      %dma_wait3A_92 = tpu.memref_slice %arg5[%dma_wait3A_90, %dma_wait3A_91] : memref<100000x128xf32, #tpu.memory_space<hbm>> -> memref<100000x128xf32, #tpu.memory_space<hbm>>
      tpu.wait_indirect_dma semaphore(%arg14 : memref<!tpu.dma_semaphore, #tpu.memory_space<semaphore_mem>>) src(%dma_wait3A_92 : memref<100000x128xf32, #tpu.memory_space<hbm>>) dst(%arg10 : memref<128x128xf32, #tpu.memory_space<vmem>>)
      %dma_start3A_93 = arith.constant 0 : i32
      %dma_start3A_94 = tpu.memref_slice %arg6[%multiple_of3A_86, %dma_start3A_93] : memref<65536x128xf32, #tpu.memory_space<hbm>> -> memref<128x128xf32, #tpu.memory_space<hbm>>
      %dma_start3A_95 = arith.constant 0 : i32
      %dma_start3A_96 = tpu.memref_slice %arg6[%multiple_of3A_86, %dma_start3A_95] : memref<65536x128xf32, #tpu.memory_space<hbm>> -> memref<128x128xf32, #tpu.memory_space<hbm>>
      tpu.enqueue_dma source(%arg10 : memref<128x128xf32, #tpu.memory_space<vmem>>) target(%dma_start3A_96 : memref<128x128xf32, #tpu.memory_space<hbm>>) target_semaphore(%arg16 : memref<!tpu.dma_semaphore, #tpu.memory_space<semaphore_mem>>)
      %add3A_97 = arith.constant 2 : i32
      %add3A_98 = arith.addi %add3A_82, %add3A_97 : i32
      %lt3A = arith.constant 16 : i32
      %lt3A_99 = arith.cmpi slt, %add3A_98, %lt3A : i32
      %convert_element_type3A = arith.extui %lt3A_99 : i1 to i32
      %cond3A = arith.constant 0 : i32
      %cond3A_100 = arith.cmpi ne, %convert_element_type3A, %cond3A : i32
      scf.if %cond3A_100 {
        %dma_wait3A_126 = arith.constant 0 : i32
        %dma_wait3A_127 = tpu.memref_slice %arg6[%multiple_of3A_86, %dma_wait3A_126] : memref<65536x128xf32, #tpu.memory_space<hbm>> -> memref<128x128xf32, #tpu.memory_space<hbm>>
        %dma_wait3A_128 = arith.constant 0 : i32
        %dma_wait3A_129 = tpu.memref_slice %arg6[%multiple_of3A_86, %dma_wait3A_128] : memref<65536x128xf32, #tpu.memory_space<hbm>> -> memref<128x128xf32, #tpu.memory_space<hbm>>
        tpu.wait_dma2 semaphore(%arg16 : memref<!tpu.dma_semaphore, #tpu.memory_space<semaphore_mem>>) src(%arg10 : memref<128x128xf32, #tpu.memory_space<vmem>>) dst(%dma_wait3A_129 : memref<128x128xf32, #tpu.memory_space<hbm>>)
        %add3A_130 = arith.constant 2 : i32
        %add3A_131 = arith.addi %add3A_82, %add3A_130 : i32
        %dma_start3A_132 = arith.constant 0 : i32
        %dma_start3A_133 = tpu.memref_slice %arg9[%add3A_131, %dma_start3A_132] : memref<16x128xi32, #tpu.memory_space<vmem>> -> memref<1x128xi32, #tpu.memory_space<vmem>>
        %dma_start3A_134 = tpu.memref_squeeze %dma_start3A_133 : memref<1x128xi32, #tpu.memory_space<vmem>> -> memref<128xi32, #tpu.memory_space<vmem>>
        %dma_start3A_135 = arith.constant 0 : i32
        %dma_start3A_136 = arith.constant 0 : i32
        %dma_start3A_137 = tpu.memref_slice %arg5[%dma_start3A_135, %dma_start3A_136] : memref<100000x128xf32, #tpu.memory_space<hbm>> -> memref<100000x128xf32, #tpu.memory_space<hbm>>
        tpu.enqueue_indirect_dma source(%dma_start3A_137 : memref<100000x128xf32, #tpu.memory_space<hbm>>) target(%arg10 : memref<128x128xf32, #tpu.memory_space<vmem>>) offsets(%dma_start3A_134 : memref<128xi32, #tpu.memory_space<vmem>>) semaphore(%arg14 : memref<!tpu.dma_semaphore, #tpu.memory_space<semaphore_mem>>)
      } else {
      }
      %mul3A_101 = arith.constant 2 : i32
      %mul3A_102 = arith.muli %mul3A_101, %scan3A_78 : i32
      %add3A_103 = arith.constant 1 : i32
      %add3A_104 = arith.addi %mul3A_102, %add3A_103 : i32
      %mul3A_105 = arith.constant 128 : i32
      %mul3A_106 = arith.muli %add3A_104, %mul3A_105 : i32
      %add3A_107 = arith.addi %mul3A_2, %mul3A_106 : i32
      %multiple_of3A_108 = tpu.assume_multiple %add3A_107, 128 : i32
      %dma_wait3A_109 = arith.constant 0 : i32
      %dma_wait3A_110 = tpu.memref_slice %arg9[%add3A_104, %dma_wait3A_109] : memref<16x128xi32, #tpu.memory_space<vmem>> -> memref<1x128xi32, #tpu.memory_space<vmem>>
      %dma_wait3A_111 = tpu.memref_squeeze %dma_wait3A_110 : memref<1x128xi32, #tpu.memory_space<vmem>> -> memref<128xi32, #tpu.memory_space<vmem>>
      %dma_wait3A_112 = arith.constant 0 : i32
      %dma_wait3A_113 = arith.constant 0 : i32
      %dma_wait3A_114 = tpu.memref_slice %arg5[%dma_wait3A_112, %dma_wait3A_113] : memref<100000x128xf32, #tpu.memory_space<hbm>> -> memref<100000x128xf32, #tpu.memory_space<hbm>>
      tpu.wait_indirect_dma semaphore(%arg15 : memref<!tpu.dma_semaphore, #tpu.memory_space<semaphore_mem>>) src(%dma_wait3A_114 : memref<100000x128xf32, #tpu.memory_space<hbm>>) dst(%arg11 : memref<128x128xf32, #tpu.memory_space<vmem>>)
      %dma_start3A_115 = arith.constant 0 : i32
      %dma_start3A_116 = tpu.memref_slice %arg6[%multiple_of3A_108, %dma_start3A_115] : memref<65536x128xf32, #tpu.memory_space<hbm>> -> memref<128x128xf32, #tpu.memory_space<hbm>>
      %dma_start3A_117 = arith.constant 0 : i32
      %dma_start3A_118 = tpu.memref_slice %arg6[%multiple_of3A_108, %dma_start3A_117] : memref<65536x128xf32, #tpu.memory_space<hbm>> -> memref<128x128xf32, #tpu.memory_space<hbm>>
      tpu.enqueue_dma source(%arg11 : memref<128x128xf32, #tpu.memory_space<vmem>>) target(%dma_start3A_118 : memref<128x128xf32, #tpu.memory_space<hbm>>) target_semaphore(%arg17 : memref<!tpu.dma_semaphore, #tpu.memory_space<semaphore_mem>>)
      %add3A_119 = arith.constant 2 : i32
      %add3A_120 = arith.addi %add3A_104, %add3A_119 : i32
      %lt3A_121 = arith.constant 16 : i32
      %lt3A_122 = arith.cmpi slt, %add3A_120, %lt3A_121 : i32
      %convert_element_type3A_123 = arith.extui %lt3A_122 : i1 to i32
      %cond3A_124 = arith.constant 0 : i32
      %cond3A_125 = arith.cmpi ne, %convert_element_type3A_123, %cond3A_124 : i32
      scf.if %cond3A_125 {
        %dma_wait3A_126 = arith.constant 0 : i32
        %dma_wait3A_127 = tpu.memref_slice %arg6[%multiple_of3A_108, %dma_wait3A_126] : memref<65536x128xf32, #tpu.memory_space<hbm>> -> memref<128x128xf32, #tpu.memory_space<hbm>>
        %dma_wait3A_128 = arith.constant 0 : i32
        %dma_wait3A_129 = tpu.memref_slice %arg6[%multiple_of3A_108, %dma_wait3A_128] : memref<65536x128xf32, #tpu.memory_space<hbm>> -> memref<128x128xf32, #tpu.memory_space<hbm>>
        tpu.wait_dma2 semaphore(%arg17 : memref<!tpu.dma_semaphore, #tpu.memory_space<semaphore_mem>>) src(%arg11 : memref<128x128xf32, #tpu.memory_space<vmem>>) dst(%dma_wait3A_129 : memref<128x128xf32, #tpu.memory_space<hbm>>)
        %add3A_130 = arith.constant 2 : i32
        %add3A_131 = arith.addi %add3A_104, %add3A_130 : i32
        %dma_start3A_132 = arith.constant 0 : i32
        %dma_start3A_133 = tpu.memref_slice %arg9[%add3A_131, %dma_start3A_132] : memref<16x128xi32, #tpu.memory_space<vmem>> -> memref<1x128xi32, #tpu.memory_space<vmem>>
        %dma_start3A_134 = tpu.memref_squeeze %dma_start3A_133 : memref<1x128xi32, #tpu.memory_space<vmem>> -> memref<128xi32, #tpu.memory_space<vmem>>
        %dma_start3A_135 = arith.constant 0 : i32
        %dma_start3A_136 = arith.constant 0 : i32
        %dma_start3A_137 = tpu.memref_slice %arg5[%dma_start3A_135, %dma_start3A_136] : memref<100000x128xf32, #tpu.memory_space<hbm>> -> memref<100000x128xf32, #tpu.memory_space<hbm>>
        tpu.enqueue_indirect_dma source(%dma_start3A_137 : memref<100000x128xf32, #tpu.memory_space<hbm>>) target(%arg11 : memref<128x128xf32, #tpu.memory_space<vmem>>) offsets(%dma_start3A_134 : memref<128xi32, #tpu.memory_space<vmem>>) semaphore(%arg15 : memref<!tpu.dma_semaphore, #tpu.memory_space<semaphore_mem>>)
      } else {
      }
    }
    %scan3A_22 = arith.constant 8 : i32
    %mul3A_23 = arith.constant 2048 : i32
    %mul3A_24 = arith.muli %add3A, %mul3A_23 : i32
    %dma_wait3A = arith.constant 0 : i32
    %dma_wait3A_25 = tpu.memref_slice %arg6[%mul3A_24, %dma_wait3A] : memref<65536x128xf32, #tpu.memory_space<hbm>> -> memref<128x128xf32, #tpu.memory_space<hbm>>
    %dma_wait3A_26 = arith.constant 0 : i32
    %dma_wait3A_27 = tpu.memref_slice %arg6[%mul3A_24, %dma_wait3A_26] : memref<65536x128xf32, #tpu.memory_space<hbm>> -> memref<128x128xf32, #tpu.memory_space<hbm>>
    tpu.wait_dma2 semaphore(%arg16 : memref<!tpu.dma_semaphore, #tpu.memory_space<semaphore_mem>>) src(%arg10 : memref<128x128xf32, #tpu.memory_space<vmem>>) dst(%dma_wait3A_27 : memref<128x128xf32, #tpu.memory_space<hbm>>)
    %mul3A_28 = arith.constant 2048 : i32
    %mul3A_29 = arith.muli %add3A, %mul3A_28 : i32
    %dma_wait3A_30 = arith.constant 0 : i32
    %dma_wait3A_31 = tpu.memref_slice %arg6[%mul3A_29, %dma_wait3A_30] : memref<65536x128xf32, #tpu.memory_space<hbm>> -> memref<128x128xf32, #tpu.memory_space<hbm>>
    %dma_wait3A_32 = arith.constant 0 : i32
    %dma_wait3A_33 = tpu.memref_slice %arg6[%mul3A_29, %dma_wait3A_32] : memref<65536x128xf32, #tpu.memory_space<hbm>> -> memref<128x128xf32, #tpu.memory_space<hbm>>
    tpu.wait_dma2 semaphore(%arg17 : memref<!tpu.dma_semaphore, #tpu.memory_space<semaphore_mem>>) src(%arg11 : memref<128x128xf32, #tpu.memory_space<vmem>>) dst(%dma_wait3A_33 : memref<128x128xf32, #tpu.memory_space<hbm>>)
    %mul3A_34 = arith.constant 2048 : i32
    %mul3A_35 = arith.muli %add3A, %mul3A_34 : i32
    %mul3A_36 = arith.constant 16 : i32
    %mul3A_37 = arith.muli %add3A, %mul3A_36 : i32
    "tpu.region"() ({
      %run_scoped3A = tpu.sem_alloc : memref<!tpu.dma_semaphore, #tpu.memory_space<semaphore_mem>>
      %dma_start3A_78 = arith.constant 0 : i32
      %dma_start3A_79 = tpu.memref_slice %arg3[%mul3A_37, %dma_start3A_78] : memref<512x128xi32, #tpu.memory_space<hbm>> -> memref<16x128xi32, #tpu.memory_space<hbm>>
      %dma_start3A_80 = arith.constant 0 : i32
      %dma_start3A_81 = tpu.memref_slice %arg3[%mul3A_37, %dma_start3A_80] : memref<512x128xi32, #tpu.memory_space<hbm>> -> memref<16x128xi32, #tpu.memory_space<hbm>>
      tpu.enqueue_dma source(%dma_start3A_81 : memref<16x128xi32, #tpu.memory_space<hbm>>) target(%arg9 : memref<16x128xi32, #tpu.memory_space<vmem>>) target_semaphore(%run_scoped3A : memref<!tpu.dma_semaphore, #tpu.memory_space<semaphore_mem>>)
      %dma_wait3A_82 = arith.constant 0 : i32
      %dma_wait3A_83 = tpu.memref_slice %arg3[%mul3A_37, %dma_wait3A_82] : memref<512x128xi32, #tpu.memory_space<hbm>> -> memref<16x128xi32, #tpu.memory_space<hbm>>
      %dma_wait3A_84 = arith.constant 0 : i32
      %dma_wait3A_85 = tpu.memref_slice %arg3[%mul3A_37, %dma_wait3A_84] : memref<512x128xi32, #tpu.memory_space<hbm>> -> memref<16x128xi32, #tpu.memory_space<hbm>>
      tpu.wait_dma2 semaphore(%run_scoped3A : memref<!tpu.dma_semaphore, #tpu.memory_space<semaphore_mem>>) src(%dma_wait3A_85 : memref<16x128xi32, #tpu.memory_space<hbm>>) dst(%arg9 : memref<16x128xi32, #tpu.memory_space<vmem>>)
      tpu.yield
    }) : () -> ()
    %dma_start3A_38 = arith.constant 0 : i32
    %dma_start3A_39 = arith.constant 0 : i32
    %dma_start3A_40 = tpu.memref_slice %arg9[%dma_start3A_38, %dma_start3A_39] : memref<16x128xi32, #tpu.memory_space<vmem>> -> memref<1x128xi32, #tpu.memory_space<vmem>>
    %dma_start3A_41 = tpu.memref_squeeze %dma_start3A_40 : memref<1x128xi32, #tpu.memory_space<vmem>> -> memref<128xi32, #tpu.memory_space<vmem>>
    %dma_start3A_42 = arith.constant 0 : i32
    %dma_start3A_43 = arith.constant 0 : i32
    %dma_start3A_44 = tpu.memref_slice %arg5[%dma_start3A_42, %dma_start3A_43] : memref<100000x128xf32, #tpu.memory_space<hbm>> -> memref<100000x128xf32, #tpu.memory_space<hbm>>
    tpu.enqueue_indirect_dma source(%dma_start3A_44 : memref<100000x128xf32, #tpu.memory_space<hbm>>) target(%arg10 : memref<128x128xf32, #tpu.memory_space<vmem>>) offsets(%dma_start3A_41 : memref<128xi32, #tpu.memory_space<vmem>>) semaphore(%arg14 : memref<!tpu.dma_semaphore, #tpu.memory_space<semaphore_mem>>)
    %dma_start3A_45 = arith.constant 1 : i32
    %dma_start3A_46 = arith.constant 0 : i32
    %dma_start3A_47 = tpu.memref_slice %arg9[%dma_start3A_45, %dma_start3A_46] : memref<16x128xi32, #tpu.memory_space<vmem>> -> memref<1x128xi32, #tpu.memory_space<vmem>>
    %dma_start3A_48 = tpu.memref_squeeze %dma_start3A_47 : memref<1x128xi32, #tpu.memory_space<vmem>> -> memref<128xi32, #tpu.memory_space<vmem>>
    %dma_start3A_49 = arith.constant 0 : i32
    %dma_start3A_50 = arith.constant 0 : i32
    %dma_start3A_51 = tpu.memref_slice %arg5[%dma_start3A_49, %dma_start3A_50] : memref<100000x128xf32, #tpu.memory_space<hbm>> -> memref<100000x128xf32, #tpu.memory_space<hbm>>
    tpu.enqueue_indirect_dma source(%dma_start3A_51 : memref<100000x128xf32, #tpu.memory_space<hbm>>) target(%arg11 : memref<128x128xf32, #tpu.memory_space<vmem>>) offsets(%dma_start3A_48 : memref<128xi32, #tpu.memory_space<vmem>>) semaphore(%arg15 : memref<!tpu.dma_semaphore, #tpu.memory_space<semaphore_mem>>)
    %scan3A_52 = arith.constant 0 : i32
    %scan3A_53 = arith.constant 0 : i32
    %scan3A_54 = arith.constant 8 : i32
    %scan3A_55 = arith.addi %scan3A_53, %scan3A_54 : i32
    %scan3A_56 = arith.constant 1 : i32
    scf.for %scan3A_78 = %scan3A_53 to %scan3A_55 step %scan3A_56  : i32 {
      %mul3A_79 = arith.constant 2 : i32
      %mul3A_80 = arith.muli %mul3A_79, %scan3A_78 : i32
      %add3A_81 = arith.constant 0 : i32
      %add3A_82 = arith.addi %mul3A_80, %add3A_81 : i32
      %mul3A_83 = arith.constant 128 : i32
      %mul3A_84 = arith.muli %add3A_82, %mul3A_83 : i32
      %add3A_85 = arith.addi %mul3A_35, %mul3A_84 : i32
      %multiple_of3A_86 = tpu.assume_multiple %add3A_85, 128 : i32
      %dma_wait3A_87 = arith.constant 0 : i32
      %dma_wait3A_88 = tpu.memref_slice %arg9[%add3A_82, %dma_wait3A_87] : memref<16x128xi32, #tpu.memory_space<vmem>> -> memref<1x128xi32, #tpu.memory_space<vmem>>
      %dma_wait3A_89 = tpu.memref_squeeze %dma_wait3A_88 : memref<1x128xi32, #tpu.memory_space<vmem>> -> memref<128xi32, #tpu.memory_space<vmem>>
      %dma_wait3A_90 = arith.constant 0 : i32
      %dma_wait3A_91 = arith.constant 0 : i32
      %dma_wait3A_92 = tpu.memref_slice %arg5[%dma_wait3A_90, %dma_wait3A_91] : memref<100000x128xf32, #tpu.memory_space<hbm>> -> memref<100000x128xf32, #tpu.memory_space<hbm>>
      tpu.wait_indirect_dma semaphore(%arg14 : memref<!tpu.dma_semaphore, #tpu.memory_space<semaphore_mem>>) src(%dma_wait3A_92 : memref<100000x128xf32, #tpu.memory_space<hbm>>) dst(%arg10 : memref<128x128xf32, #tpu.memory_space<vmem>>)
      %dma_start3A_93 = arith.constant 0 : i32
      %dma_start3A_94 = tpu.memref_slice %arg7[%multiple_of3A_86, %dma_start3A_93] : memref<65536x128xf32, #tpu.memory_space<hbm>> -> memref<128x128xf32, #tpu.memory_space<hbm>>
      %dma_start3A_95 = arith.constant 0 : i32
      %dma_start3A_96 = tpu.memref_slice %arg7[%multiple_of3A_86, %dma_start3A_95] : memref<65536x128xf32, #tpu.memory_space<hbm>> -> memref<128x128xf32, #tpu.memory_space<hbm>>
      tpu.enqueue_dma source(%arg10 : memref<128x128xf32, #tpu.memory_space<vmem>>) target(%dma_start3A_96 : memref<128x128xf32, #tpu.memory_space<hbm>>) target_semaphore(%arg16 : memref<!tpu.dma_semaphore, #tpu.memory_space<semaphore_mem>>)
      %add3A_97 = arith.constant 2 : i32
      %add3A_98 = arith.addi %add3A_82, %add3A_97 : i32
      %lt3A = arith.constant 16 : i32
      %lt3A_99 = arith.cmpi slt, %add3A_98, %lt3A : i32
      %convert_element_type3A = arith.extui %lt3A_99 : i1 to i32
      %cond3A = arith.constant 0 : i32
      %cond3A_100 = arith.cmpi ne, %convert_element_type3A, %cond3A : i32
      scf.if %cond3A_100 {
        %dma_wait3A_126 = arith.constant 0 : i32
        %dma_wait3A_127 = tpu.memref_slice %arg7[%multiple_of3A_86, %dma_wait3A_126] : memref<65536x128xf32, #tpu.memory_space<hbm>> -> memref<128x128xf32, #tpu.memory_space<hbm>>
        %dma_wait3A_128 = arith.constant 0 : i32
        %dma_wait3A_129 = tpu.memref_slice %arg7[%multiple_of3A_86, %dma_wait3A_128] : memref<65536x128xf32, #tpu.memory_space<hbm>> -> memref<128x128xf32, #tpu.memory_space<hbm>>
        tpu.wait_dma2 semaphore(%arg16 : memref<!tpu.dma_semaphore, #tpu.memory_space<semaphore_mem>>) src(%arg10 : memref<128x128xf32, #tpu.memory_space<vmem>>) dst(%dma_wait3A_129 : memref<128x128xf32, #tpu.memory_space<hbm>>)
        %add3A_130 = arith.constant 2 : i32
        %add3A_131 = arith.addi %add3A_82, %add3A_130 : i32
        %dma_start3A_132 = arith.constant 0 : i32
        %dma_start3A_133 = tpu.memref_slice %arg9[%add3A_131, %dma_start3A_132] : memref<16x128xi32, #tpu.memory_space<vmem>> -> memref<1x128xi32, #tpu.memory_space<vmem>>
        %dma_start3A_134 = tpu.memref_squeeze %dma_start3A_133 : memref<1x128xi32, #tpu.memory_space<vmem>> -> memref<128xi32, #tpu.memory_space<vmem>>
        %dma_start3A_135 = arith.constant 0 : i32
        %dma_start3A_136 = arith.constant 0 : i32
        %dma_start3A_137 = tpu.memref_slice %arg5[%dma_start3A_135, %dma_start3A_136] : memref<100000x128xf32, #tpu.memory_space<hbm>> -> memref<100000x128xf32, #tpu.memory_space<hbm>>
        tpu.enqueue_indirect_dma source(%dma_start3A_137 : memref<100000x128xf32, #tpu.memory_space<hbm>>) target(%arg10 : memref<128x128xf32, #tpu.memory_space<vmem>>) offsets(%dma_start3A_134 : memref<128xi32, #tpu.memory_space<vmem>>) semaphore(%arg14 : memref<!tpu.dma_semaphore, #tpu.memory_space<semaphore_mem>>)
      } else {
      }
      %mul3A_101 = arith.constant 2 : i32
      %mul3A_102 = arith.muli %mul3A_101, %scan3A_78 : i32
      %add3A_103 = arith.constant 1 : i32
      %add3A_104 = arith.addi %mul3A_102, %add3A_103 : i32
      %mul3A_105 = arith.constant 128 : i32
      %mul3A_106 = arith.muli %add3A_104, %mul3A_105 : i32
      %add3A_107 = arith.addi %mul3A_35, %mul3A_106 : i32
      %multiple_of3A_108 = tpu.assume_multiple %add3A_107, 128 : i32
      %dma_wait3A_109 = arith.constant 0 : i32
      %dma_wait3A_110 = tpu.memref_slice %arg9[%add3A_104, %dma_wait3A_109] : memref<16x128xi32, #tpu.memory_space<vmem>> -> memref<1x128xi32, #tpu.memory_space<vmem>>
      %dma_wait3A_111 = tpu.memref_squeeze %dma_wait3A_110 : memref<1x128xi32, #tpu.memory_space<vmem>> -> memref<128xi32, #tpu.memory_space<vmem>>
      %dma_wait3A_112 = arith.constant 0 : i32
      %dma_wait3A_113 = arith.constant 0 : i32
      %dma_wait3A_114 = tpu.memref_slice %arg5[%dma_wait3A_112, %dma_wait3A_113] : memref<100000x128xf32, #tpu.memory_space<hbm>> -> memref<100000x128xf32, #tpu.memory_space<hbm>>
      tpu.wait_indirect_dma semaphore(%arg15 : memref<!tpu.dma_semaphore, #tpu.memory_space<semaphore_mem>>) src(%dma_wait3A_114 : memref<100000x128xf32, #tpu.memory_space<hbm>>) dst(%arg11 : memref<128x128xf32, #tpu.memory_space<vmem>>)
      %dma_start3A_115 = arith.constant 0 : i32
      %dma_start3A_116 = tpu.memref_slice %arg7[%multiple_of3A_108, %dma_start3A_115] : memref<65536x128xf32, #tpu.memory_space<hbm>> -> memref<128x128xf32, #tpu.memory_space<hbm>>
      %dma_start3A_117 = arith.constant 0 : i32
      %dma_start3A_118 = tpu.memref_slice %arg7[%multiple_of3A_108, %dma_start3A_117] : memref<65536x128xf32, #tpu.memory_space<hbm>> -> memref<128x128xf32, #tpu.memory_space<hbm>>
      tpu.enqueue_dma source(%arg11 : memref<128x128xf32, #tpu.memory_space<vmem>>) target(%dma_start3A_118 : memref<128x128xf32, #tpu.memory_space<hbm>>) target_semaphore(%arg17 : memref<!tpu.dma_semaphore, #tpu.memory_space<semaphore_mem>>)
      %add3A_119 = arith.constant 2 : i32
      %add3A_120 = arith.addi %add3A_104, %add3A_119 : i32
      %lt3A_121 = arith.constant 16 : i32
      %lt3A_122 = arith.cmpi slt, %add3A_120, %lt3A_121 : i32
      %convert_element_type3A_123 = arith.extui %lt3A_122 : i1 to i32
      %cond3A_124 = arith.constant 0 : i32
      %cond3A_125 = arith.cmpi ne, %convert_element_type3A_123, %cond3A_124 : i32
      scf.if %cond3A_125 {
        %dma_wait3A_126 = arith.constant 0 : i32
        %dma_wait3A_127 = tpu.memref_slice %arg7[%multiple_of3A_108, %dma_wait3A_126] : memref<65536x128xf32, #tpu.memory_space<hbm>> -> memref<128x128xf32, #tpu.memory_space<hbm>>
        %dma_wait3A_128 = arith.constant 0 : i32
        %dma_wait3A_129 = tpu.memref_slice %arg7[%multiple_of3A_108, %dma_wait3A_128] : memref<65536x128xf32, #tpu.memory_space<hbm>> -> memref<128x128xf32, #tpu.memory_space<hbm>>
        tpu.wait_dma2 semaphore(%arg17 : memref<!tpu.dma_semaphore, #tpu.memory_space<semaphore_mem>>) src(%arg11 : memref<128x128xf32, #tpu.memory_space<vmem>>) dst(%dma_wait3A_129 : memref<128x128xf32, #tpu.memory_space<hbm>>)
        %add3A_130 = arith.constant 2 : i32
        %add3A_131 = arith.addi %add3A_104, %add3A_130 : i32
        %dma_start3A_132 = arith.constant 0 : i32
        %dma_start3A_133 = tpu.memref_slice %arg9[%add3A_131, %dma_start3A_132] : memref<16x128xi32, #tpu.memory_space<vmem>> -> memref<1x128xi32, #tpu.memory_space<vmem>>
        %dma_start3A_134 = tpu.memref_squeeze %dma_start3A_133 : memref<1x128xi32, #tpu.memory_space<vmem>> -> memref<128xi32, #tpu.memory_space<vmem>>
        %dma_start3A_135 = arith.constant 0 : i32
        %dma_start3A_136 = arith.constant 0 : i32
        %dma_start3A_137 = tpu.memref_slice %arg5[%dma_start3A_135, %dma_start3A_136] : memref<100000x128xf32, #tpu.memory_space<hbm>> -> memref<100000x128xf32, #tpu.memory_space<hbm>>
        tpu.enqueue_indirect_dma source(%dma_start3A_137 : memref<100000x128xf32, #tpu.memory_space<hbm>>) target(%arg11 : memref<128x128xf32, #tpu.memory_space<vmem>>) offsets(%dma_start3A_134 : memref<128xi32, #tpu.memory_space<vmem>>) semaphore(%arg15 : memref<!tpu.dma_semaphore, #tpu.memory_space<semaphore_mem>>)
      } else {
      }
    }
    %scan3A_57 = arith.constant 8 : i32
    %mul3A_58 = arith.constant 2048 : i32
    %mul3A_59 = arith.muli %add3A, %mul3A_58 : i32
    %dma_wait3A_60 = arith.constant 0 : i32
    %dma_wait3A_61 = tpu.memref_slice %arg7[%mul3A_59, %dma_wait3A_60] : memref<65536x128xf32, #tpu.memory_space<hbm>> -> memref<128x128xf32, #tpu.memory_space<hbm>>
    %dma_wait3A_62 = arith.constant 0 : i32
    %dma_wait3A_63 = tpu.memref_slice %arg7[%mul3A_59, %dma_wait3A_62] : memref<65536x128xf32, #tpu.memory_space<hbm>> -> memref<128x128xf32, #tpu.memory_space<hbm>>
    tpu.wait_dma2 semaphore(%arg16 : memref<!tpu.dma_semaphore, #tpu.memory_space<semaphore_mem>>) src(%arg10 : memref<128x128xf32, #tpu.memory_space<vmem>>) dst(%dma_wait3A_63 : memref<128x128xf32, #tpu.memory_space<hbm>>)
    %mul3A_64 = arith.constant 2048 : i32
    %mul3A_65 = arith.muli %add3A, %mul3A_64 : i32
    %dma_wait3A_66 = arith.constant 0 : i32
    %dma_wait3A_67 = tpu.memref_slice %arg7[%mul3A_65, %dma_wait3A_66] : memref<65536x128xf32, #tpu.memory_space<hbm>> -> memref<128x128xf32, #tpu.memory_space<hbm>>
    %dma_wait3A_68 = arith.constant 0 : i32
    %dma_wait3A_69 = tpu.memref_slice %arg7[%mul3A_65, %dma_wait3A_68] : memref<65536x128xf32, #tpu.memory_space<hbm>> -> memref<128x128xf32, #tpu.memory_space<hbm>>
    tpu.wait_dma2 semaphore(%arg17 : memref<!tpu.dma_semaphore, #tpu.memory_space<semaphore_mem>>) src(%arg11 : memref<128x128xf32, #tpu.memory_space<vmem>>) dst(%dma_wait3A_69 : memref<128x128xf32, #tpu.memory_space<hbm>>)
    %mul3A_70 = arith.constant 32 : i32
    %mul3A_71 = arith.muli %add3A, %mul3A_70 : i32
    %multiple_of3A = tpu.assume_multiple %mul3A_71, 8 : i32
    "tpu.region"() ({
      %run_scoped3A = tpu.sem_alloc : memref<!tpu.dma_semaphore, #tpu.memory_space<semaphore_mem>>
      %dma_start3A_78 = arith.constant 0 : i32
      %dma_start3A_79 = tpu.memref_slice %arg4[%add3A, %dma_start3A_78] : memref<32x32xi32, #tpu.memory_space<hbm>> -> memref<1x32xi32, #tpu.memory_space<hbm>>
      %dma_start3A_80 = tpu.memref_squeeze %dma_start3A_79 : memref<1x32xi32, #tpu.memory_space<hbm>> -> memref<32xi32, #tpu.memory_space<hbm>>
      %dma_start3A_81 = arith.constant 0 : i32
      %dma_start3A_82 = tpu.memref_slice %arg4[%add3A, %dma_start3A_81] : memref<32x32xi32, #tpu.memory_space<hbm>> -> memref<1x32xi32, #tpu.memory_space<hbm>>
      %dma_start3A_83 = tpu.memref_squeeze %dma_start3A_82 : memref<1x32xi32, #tpu.memory_space<hbm>> -> memref<32xi32, #tpu.memory_space<hbm>>
      tpu.enqueue_dma source(%dma_start3A_83 : memref<32xi32, #tpu.memory_space<hbm>>) target(%arg12 : memref<32xi32, #tpu.memory_space<vmem>>) target_semaphore(%run_scoped3A : memref<!tpu.dma_semaphore, #tpu.memory_space<semaphore_mem>>)
      %dma_wait3A_84 = arith.constant 0 : i32
      %dma_wait3A_85 = tpu.memref_slice %arg4[%add3A, %dma_wait3A_84] : memref<32x32xi32, #tpu.memory_space<hbm>> -> memref<1x32xi32, #tpu.memory_space<hbm>>
      %dma_wait3A_86 = tpu.memref_squeeze %dma_wait3A_85 : memref<1x32xi32, #tpu.memory_space<hbm>> -> memref<32xi32, #tpu.memory_space<hbm>>
      %dma_wait3A_87 = arith.constant 0 : i32
      %dma_wait3A_88 = tpu.memref_slice %arg4[%add3A, %dma_wait3A_87] : memref<32x32xi32, #tpu.memory_space<hbm>> -> memref<1x32xi32, #tpu.memory_space<hbm>>
      %dma_wait3A_89 = tpu.memref_squeeze %dma_wait3A_88 : memref<1x32xi32, #tpu.memory_space<hbm>> -> memref<32xi32, #tpu.memory_space<hbm>>
      tpu.wait_dma2 semaphore(%run_scoped3A : memref<!tpu.dma_semaphore, #tpu.memory_space<semaphore_mem>>) src(%dma_wait3A_89 : memref<32xi32, #tpu.memory_space<hbm>>) dst(%arg12 : memref<32xi32, #tpu.memory_space<vmem>>)
      tpu.yield
    }) : () -> ()
    %dma_start3A_72 = arith.constant 0 : i32
    %dma_start3A_73 = arith.constant 0 : i32
    %dma_start3A_74 = tpu.memref_slice %arg5[%dma_start3A_72, %dma_start3A_73] : memref<100000x128xf32, #tpu.memory_space<hbm>> -> memref<100000x128xf32, #tpu.memory_space<hbm>>
    tpu.enqueue_indirect_dma source(%dma_start3A_74 : memref<100000x128xf32, #tpu.memory_space<hbm>>) target(%arg13 : memref<32x128xf32, #tpu.memory_space<vmem>>) offsets(%arg12 : memref<32xi32, #tpu.memory_space<vmem>>) semaphore(%arg14 : memref<!tpu.dma_semaphore, #tpu.memory_space<semaphore_mem>>)
    %dma_wait3A_75 = arith.constant 0 : i32
    %dma_wait3A_76 = arith.constant 0 : i32
    %dma_wait3A_77 = tpu.memref_slice %arg5[%dma_wait3A_75, %dma_wait3A_76] : memref<100000x128xf32, #tpu.memory_space<hbm>> -> memref<100000x128xf32, #tpu.memory_space<hbm>>
    tpu.wait_indirect_dma semaphore(%arg14 : memref<!tpu.dma_semaphore, #tpu.memory_space<semaphore_mem>>) src(%dma_wait3A_77 : memref<100000x128xf32, #tpu.memory_space<hbm>>) dst(%arg13 : memref<32x128xf32, #tpu.memory_space<vmem>>)
    "tpu.region"() ({
      %run_scoped3A = tpu.sem_alloc : memref<!tpu.dma_semaphore, #tpu.memory_space<semaphore_mem>>
      %dma_start3A_78 = arith.constant 0 : i32
      %dma_start3A_79 = tpu.memref_slice %arg8[%multiple_of3A, %dma_start3A_78] : memref<1024x128xf32, #tpu.memory_space<hbm>> -> memref<32x128xf32, #tpu.memory_space<hbm>>
      %dma_start3A_80 = arith.constant 0 : i32
      %dma_start3A_81 = tpu.memref_slice %arg8[%multiple_of3A, %dma_start3A_80] : memref<1024x128xf32, #tpu.memory_space<hbm>> -> memref<32x128xf32, #tpu.memory_space<hbm>>
      tpu.enqueue_dma source(%arg13 : memref<32x128xf32, #tpu.memory_space<vmem>>) target(%dma_start3A_81 : memref<32x128xf32, #tpu.memory_space<hbm>>) target_semaphore(%run_scoped3A : memref<!tpu.dma_semaphore, #tpu.memory_space<semaphore_mem>>)
      %dma_wait3A_82 = arith.constant 0 : i32
      %dma_wait3A_83 = tpu.memref_slice %arg8[%multiple_of3A, %dma_wait3A_82] : memref<1024x128xf32, #tpu.memory_space<hbm>> -> memref<32x128xf32, #tpu.memory_space<hbm>>
      %dma_wait3A_84 = arith.constant 0 : i32
      %dma_wait3A_85 = tpu.memref_slice %arg8[%multiple_of3A, %dma_wait3A_84] : memref<1024x128xf32, #tpu.memory_space<hbm>> -> memref<32x128xf32, #tpu.memory_space<hbm>>
      tpu.wait_dma2 semaphore(%run_scoped3A : memref<!tpu.dma_semaphore, #tpu.memory_space<semaphore_mem>>) src(%arg13 : memref<32x128xf32, #tpu.memory_space<vmem>>) dst(%dma_wait3A_85 : memref<32x128xf32, #tpu.memory_space<hbm>>)
      tpu.yield
    }) : () -> ()
    return
  }
}

module attributes {stable_mosaic.version = 14 : i64} {
  func.func @body(%arg0: i32, %arg1: i32, %arg2: memref<8192x128xf32, #tpu.memory_space<vmem>>, %arg3: memref<8192x128xf32, #tpu.memory_space<vmem>>, %arg4: memref<8192x128xf32, #tpu.memory_space<vmem>>, %arg5: memref<1024x128xf32, #tpu.memory_space<vmem>>, %arg6: memref<128x128xf32, #tpu.memory_space<vmem>>, %arg7: memref<128x128xf32, #tpu.memory_space<vmem>>, %arg8: memref<1x128xf32, #tpu.memory_space<vmem>>, %arg9: memref<1x128xf32, #tpu.memory_space<vmem>>, %arg10: memref<128x128xf32, #tpu.memory_space<vmem>>, %arg11: memref<128x128xf32, #tpu.memory_space<vmem>>, %arg12: memref<1024x128xf32, #tpu.memory_space<vmem>>, %arg13: memref<1024x128xf32, #tpu.memory_space<vmem>>, %arg14: memref<1024x128xf32, #tpu.memory_space<vmem>>) attributes {dimension_semantics = [#tpu.dimension_semantics<arbitrary>, #tpu.dimension_semantics<arbitrary>], iteration_bounds = array<i64: 2, 4>, scalar_prefetch = 0 : i64, scratch_operands = 1 : i64, tpu.core_type = #tpu.core_type<tc>, window_params = [{transform_indices = @transform_0, window_bounds = array<i64: 8192, 128>}, {transform_indices = @transform_1, window_bounds = array<i64: 8192, 128>}, {transform_indices = @transform_2, window_bounds = array<i64: 8192, 128>}, {pipeline_mode = #tpu.pipeline_mode<synchronous>, transform_indices = @transform_3, window_bounds = array<i64: 1024, 128>}, {pipeline_mode = #tpu.pipeline_mode<synchronous>, transform_indices = @transform_4, window_bounds = array<i64: 128, 128>}, {pipeline_mode = #tpu.pipeline_mode<synchronous>, transform_indices = @transform_5, window_bounds = array<i64: 128, 128>}, {pipeline_mode = #tpu.pipeline_mode<synchronous>, transform_indices = @transform_6, window_bounds = array<i64: 1, 128>}, {pipeline_mode = #tpu.pipeline_mode<synchronous>, transform_indices = @transform_7, window_bounds = array<i64: 1, 128>}, {pipeline_mode = #tpu.pipeline_mode<synchronous>, transform_indices = @transform_8, window_bounds = array<i64: 128, 128>}, {pipeline_mode = #tpu.pipeline_mode<synchronous>, transform_indices = @transform_9, window_bounds = array<i64: 128, 128>}, {pipeline_mode = #tpu.pipeline_mode<synchronous>, transform_indices = @transform_10, window_bounds = array<i64: 1024, 128>}, {pipeline_mode = #tpu.pipeline_mode<synchronous>, transform_indices = @transform_11, window_bounds = array<i64: 1024, 128>}]} {
    %mul3A = arith.constant 4 : i32
    %mul3A_0 = arith.muli %arg0, %mul3A : i32
    %add3A = arith.addi %mul3A_0, %arg1 : i32
    %eq3A = arith.constant 0 : i32
    %eq3A_1 = arith.cmpi eq, %add3A, %eq3A : i32
    %convert_element_type3A = arith.extui %eq3A_1 : i1 to i32
    %cond3A = arith.constant 0 : i32
    %cond3A_2 = arith.cmpi ne, %convert_element_type3A, %cond3A : i32
    scf.if %cond3A_2 {
      %get3A_60 = arith.constant 0 : index
      %get3A_61 = arith.constant 0 : index
      %get3A_62 = vector.load %arg5[%get3A_60, %get3A_61] : memref<1024x128xf32, #tpu.memory_space<vmem>>, vector<1024x128xf32>
      %swap3A_63 = arith.constant 0 : index
      %swap3A_64 = arith.constant 0 : index
      %swap3A_65 = vector.load %arg14[%swap3A_63, %swap3A_64] : memref<1024x128xf32, #tpu.memory_space<vmem>>, vector<1024x128xf32>
      tpu.vector_store %arg14[%swap3A_63, %swap3A_64], %get3A_62 {strides = array<i32>} : memref<1024x128xf32, #tpu.memory_space<vmem>>, vector<1024x128xf32>,
    } else {
    }
    %get3A = arith.constant 0 : index
    %get3A_3 = arith.constant 0 : index
    %get3A_4 = vector.load %arg2[%get3A, %get3A_3] : memref<8192x128xf32, #tpu.memory_space<vmem>>, vector<8192x128xf32>
    %get3A_5 = arith.constant 0 : index
    %get3A_6 = arith.constant 0 : index
    %get3A_7 = vector.load %arg6[%get3A_5, %get3A_6] : memref<128x128xf32, #tpu.memory_space<vmem>>, vector<128x128xf32>
    %dot_general3A = arith.constant dense<0.000000e+00> : vector<8192x128xf32>
    %dot_general3A_8 = tpu.matmul %get3A_4, %get3A_7, %dot_general3A {dimension_numbers = #tpu.dot_dimension_numbers<[1], [0], [0], [1], [0, 0, 1, 1], [], []>, transpose_lhs_hint = false} : vector<8192x128xf32>, vector<128x128xf32>, vector<8192x128xf32> -> vector<8192x128xf32>
    %get3A_9 = arith.constant 0 : index
    %get3A_10 = arith.constant 0 : index
    %get3A_11 = vector.load %arg3[%get3A_9, %get3A_10] : memref<8192x128xf32, #tpu.memory_space<vmem>>, vector<8192x128xf32>
    %get3A_12 = arith.constant 0 : index
    %get3A_13 = arith.constant 0 : index
    %get3A_14 = vector.load %arg7[%get3A_12, %get3A_13] : memref<128x128xf32, #tpu.memory_space<vmem>>, vector<128x128xf32>
    %dot_general3A_15 = arith.constant dense<0.000000e+00> : vector<8192x128xf32>
    %dot_general3A_16 = tpu.matmul %get3A_11, %get3A_14, %dot_general3A_15 {dimension_numbers = #tpu.dot_dimension_numbers<[1], [0], [0], [1], [0, 0, 1, 1], [], []>, transpose_lhs_hint = false} : vector<8192x128xf32>, vector<128x128xf32>, vector<8192x128xf32> -> vector<8192x128xf32>
    %add3A_17 = arith.addf %dot_general3A_8, %dot_general3A_16 : vector<8192x128xf32>
    %get3A_18 = arith.constant 0 : index
    %get3A_19 = arith.constant 0 : index
    %get3A_20 = vector.load %arg8[%get3A_18, %get3A_19] : memref<1x128xf32, #tpu.memory_space<vmem>>, vector<1x128xf32>
    %add3A_21 = vector.broadcast %get3A_20 : vector<1x128xf32> to vector<8192x128xf32>
    %add3A_22 = arith.addf %add3A_17, %add3A_21 : vector<8192x128xf32>
    %max3A = arith.constant 0.000000e+00 : f32
    %max3A_23 = vector.broadcast %max3A : f32 to vector<8192x128xf32>
    %max3A_24 = arith.maximumf %add3A_22, %max3A_23 : vector<8192x128xf32>
    %get3A_25 = arith.constant 0 : index
    %get3A_26 = arith.constant 0 : index
    %get3A_27 = vector.load %arg9[%get3A_25, %get3A_26] : memref<1x128xf32, #tpu.memory_space<vmem>>, vector<1x128xf32>
    %mul3A_28 = vector.broadcast %get3A_27 : vector<1x128xf32> to vector<8192x128xf32>
    %mul3A_29 = arith.mulf %max3A_24, %mul3A_28 : vector<8192x128xf32>
    %get3A_30 = arith.constant 0 : index
    %get3A_31 = arith.constant 0 : index
    %get3A_32 = vector.load %arg10[%get3A_30, %get3A_31] : memref<128x128xf32, #tpu.memory_space<vmem>>, vector<128x128xf32>
    %dot_general3A_33 = arith.constant dense<0.000000e+00> : vector<8192x128xf32>
    %dot_general3A_34 = tpu.matmul %mul3A_29, %get3A_32, %dot_general3A_33 {dimension_numbers = #tpu.dot_dimension_numbers<[1], [0], [0], [1], [0, 0, 1, 1], [], []>, transpose_lhs_hint = false} : vector<8192x128xf32>, vector<128x128xf32>, vector<8192x128xf32> -> vector<8192x128xf32>
    %reshape3A = vector.shape_cast %dot_general3A_34 : vector<8192x128xf32> to vector<256x32x128xf32>
    %reduce_max3A = arith.constant dense<0xFF800000> : vector<256x128xf32>
    %reduce_max3A_35 = vector.multi_reduction <maximumf>, %reshape3A, %reduce_max3A [1] : vector<256x32x128xf32> to vector<256x128xf32>
    %broadcast_in_dim3A = vector.shape_cast %reduce_max3A_35 : vector<256x128xf32> to vector<256x1x128xf32>
    %sub3A = vector.broadcast %broadcast_in_dim3A : vector<256x1x128xf32> to vector<256x32x128xf32>
    %sub3A_36 = arith.subf %reshape3A, %sub3A : vector<256x32x128xf32>
    %exp3A = math.exp %sub3A_36 : vector<256x32x128xf32>
    %reshape3A_37 = vector.shape_cast %exp3A : vector<256x32x128xf32> to vector<8192x128xf32>
    %get3A_38 = arith.constant 0 : index
    %get3A_39 = arith.constant 0 : index
    %get3A_40 = vector.load %arg4[%get3A_38, %get3A_39] : memref<8192x128xf32, #tpu.memory_space<vmem>>, vector<8192x128xf32>
    %mul3A_41 = arith.mulf %reshape3A_37, %get3A_40 : vector<8192x128xf32>
    %reshape3A_42 = vector.shape_cast %mul3A_41 : vector<8192x128xf32> to vector<256x32x128xf32>
    %reduce_sum3A = arith.constant dense<0.000000e+00> : vector<256x128xf32>
    %reduce_sum3A_43 = vector.multi_reduction <add>, %reshape3A_42, %reduce_sum3A [1] : vector<256x32x128xf32> to vector<256x128xf32>
    %reshape3A_44 = vector.shape_cast %reshape3A_37 : vector<8192x128xf32> to vector<256x32x128xf32>
    %reduce_sum3A_45 = arith.constant dense<0.000000e+00> : vector<256x128xf32>
    %reduce_sum3A_46 = vector.multi_reduction <add>, %reshape3A_44, %reduce_sum3A_45 [1] : vector<256x32x128xf32> to vector<256x128xf32>
    %div3A = arith.divf %reduce_sum3A_43, %reduce_sum3A_46 : vector<256x128xf32>
    %mul3A_47 = arith.constant 256 : i32
    %mul3A_48 = arith.muli %arg1, %mul3A_47 : i32
    %get3A_49 = arith.index_cast %mul3A_48 : i32 to index
    %get3A_50 = arith.constant 0 : index
    %get3A_51 = vector.load %arg14[%get3A_49, %get3A_50] : memref<1024x128xf32, #tpu.memory_space<vmem>>, vector<256x128xf32>
    %add3A_52 = arith.addf %get3A_51, %div3A : vector<256x128xf32>
    %swap3A = arith.index_cast %mul3A_48 : i32 to index
    %swap3A_53 = arith.constant 0 : index
    %swap3A_54 = vector.load %arg14[%swap3A, %swap3A_53] : memref<1024x128xf32, #tpu.memory_space<vmem>>, vector<256x128xf32>
    tpu.vector_store %arg14[%swap3A, %swap3A_53], %add3A_52 {strides = array<i32>} : memref<1024x128xf32, #tpu.memory_space<vmem>>, vector<256x128xf32>,
    %eq3A_55 = arith.constant 7 : i32
    %eq3A_56 = arith.cmpi eq, %add3A, %eq3A_55 : i32
    %convert_element_type3A_57 = arith.extui %eq3A_56 : i1 to i32
    %cond3A_58 = arith.constant 0 : i32
    %cond3A_59 = arith.cmpi ne, %convert_element_type3A_57, %cond3A_58 : i32
    scf.if %cond3A_59 {
      %get3A_60 = arith.constant 0 : index
      %get3A_61 = arith.constant 0 : index
      %get3A_62 = vector.load %arg14[%get3A_60, %get3A_61] : memref<1024x128xf32, #tpu.memory_space<vmem>>, vector<1024x128xf32>
      %get3A_63 = arith.constant 0 : index
      %get3A_64 = arith.constant 0 : index
      %get3A_65 = vector.load %arg11[%get3A_63, %get3A_64] : memref<128x128xf32, #tpu.memory_space<vmem>>, vector<128x128xf32>
      %dot_general3A_66 = arith.constant dense<0.000000e+00> : vector<1024x128xf32>
      %dot_general3A_67 = tpu.matmul %get3A_62, %get3A_65, %dot_general3A_66 {dimension_numbers = #tpu.dot_dimension_numbers<[1], [0], [0], [1], [0, 0, 1, 1], [], []>, precision = #tpu.contract_precision<fp32>, transpose_lhs_hint = false} : vector<1024x128xf32>, vector<128x128xf32>, vector<1024x128xf32> -> vector<1024x128xf32>
      %get3A_68 = arith.constant 0 : index
      %get3A_69 = arith.constant 0 : index
      %get3A_70 = vector.load %arg12[%get3A_68, %get3A_69] : memref<1024x128xf32, #tpu.memory_space<vmem>>, vector<1024x128xf32>
      %get3A_71 = arith.constant 0 : index
      %get3A_72 = arith.constant 0 : index
      %get3A_73 = vector.load %arg11[%get3A_71, %get3A_72] : memref<128x128xf32, #tpu.memory_space<vmem>>, vector<128x128xf32>
      %dot_general3A_74 = arith.constant dense<0.000000e+00> : vector<1024x128xf32>
      %dot_general3A_75 = tpu.matmul %get3A_70, %get3A_73, %dot_general3A_74 {dimension_numbers = #tpu.dot_dimension_numbers<[1], [0], [0], [1], [0, 0, 1, 1], [], []>, precision = #tpu.contract_precision<fp32>, transpose_lhs_hint = false} : vector<1024x128xf32>, vector<128x128xf32>, vector<1024x128xf32> -> vector<1024x128xf32>
      %mul3A_76 = arith.mulf %dot_general3A_75, %dot_general3A_67 : vector<1024x128xf32>
      %reduce_sum3A_77 = arith.constant dense<0.000000e+00> : vector<1024xf32>
      %reduce_sum3A_78 = vector.multi_reduction <add>, %mul3A_76, %reduce_sum3A_77 [1] : vector<1024x128xf32> to vector<1024xf32>
      %broadcast_in_dim3A_79 = vector.shape_cast %reduce_sum3A_78 : vector<1024xf32> to vector<1024x1xf32>
      %logistic3A = arith.negf %broadcast_in_dim3A_79 : vector<1024x1xf32>
      %logistic3A_80 = math.exp %logistic3A : vector<1024x1xf32>
      %logistic3A_81 = arith.constant 1.000000e+00 : f32
      %logistic3A_82 = vector.broadcast %logistic3A_81 : f32 to vector<1024x1xf32>
      %logistic3A_83 = arith.addf %logistic3A_82, %logistic3A_80 : vector<1024x1xf32>
      %logistic3A_84 = arith.divf %logistic3A_82, %logistic3A_83 : vector<1024x1xf32>
      %broadcast_in_dim3A_85 = vector.shape_cast %logistic3A_84 : vector<1024x1xf32> to vector<1024x1xf32>
      %broadcast_in_dim3A_86 = vector.broadcast %broadcast_in_dim3A_85 : vector<1024x1xf32> to vector<1024x128xf32>
      %swap3A_87 = arith.constant 0 : index
      %swap3A_88 = arith.constant 0 : index
      %swap3A_89 = vector.load %arg13[%swap3A_87, %swap3A_88] : memref<1024x128xf32, #tpu.memory_space<vmem>>, vector<1024x128xf32>
      tpu.vector_store %arg13[%swap3A_87, %swap3A_88], %broadcast_in_dim3A_86 {strides = array<i32>} : memref<1024x128xf32, #tpu.memory_space<vmem>>, vector<1024x128xf32>,
    } else {
    }
    return
  }
  func.func @transform_0(%arg0: i32, %arg1: i32) -> (i32, i32) {
    %mul3A = arith.constant 4 : i32
    %mul3A_0 = arith.muli %arg0, %mul3A : i32
    %add3A = arith.addi %mul3A_0, %arg1 : i32
    %c0_i32 = arith.constant 0 : i32
    %c0_i32_1 = arith.constant 0 : i32
    return %add3A, %c0_i32 : i32, i32
  }
  func.func @transform_1(%arg0: i32, %arg1: i32) -> (i32, i32) {
    %mul3A = arith.constant 4 : i32
    %mul3A_0 = arith.muli %arg0, %mul3A : i32
    %add3A = arith.addi %mul3A_0, %arg1 : i32
    %c0_i32 = arith.constant 0 : i32
    %c0_i32_1 = arith.constant 0 : i32
    return %add3A, %c0_i32 : i32, i32
  }
  func.func @transform_2(%arg0: i32, %arg1: i32) -> (i32, i32) {
    %mul3A = arith.constant 4 : i32
    %mul3A_0 = arith.muli %arg0, %mul3A : i32
    %add3A = arith.addi %mul3A_0, %arg1 : i32
    %c0_i32 = arith.constant 0 : i32
    %c0_i32_1 = arith.constant 0 : i32
    return %add3A, %c0_i32 : i32, i32
  }
  func.func @transform_3(%arg0: i32, %arg1: i32) -> (i32, i32) {
    %c0_i32 = arith.constant 0 : i32
    %c0_i32_0 = arith.constant 0 : i32
    %c0_i32_1 = arith.constant 0 : i32
    return %c0_i32, %c0_i32_0 : i32, i32
  }
  func.func @transform_4(%arg0: i32, %arg1: i32) -> (i32, i32) {
    %c0_i32 = arith.constant 0 : i32
    %c0_i32_0 = arith.constant 0 : i32
    %c0_i32_1 = arith.constant 0 : i32
    return %c0_i32, %c0_i32_0 : i32, i32
  }
  func.func @transform_5(%arg0: i32, %arg1: i32) -> (i32, i32) {
    %c0_i32 = arith.constant 0 : i32
    %c0_i32_0 = arith.constant 0 : i32
    %c0_i32_1 = arith.constant 0 : i32
    return %c0_i32, %c0_i32_0 : i32, i32
  }
  func.func @transform_6(%arg0: i32, %arg1: i32) -> (i32, i32) {
    %c0_i32 = arith.constant 0 : i32
    %c0_i32_0 = arith.constant 0 : i32
    %c0_i32_1 = arith.constant 0 : i32
    return %c0_i32, %c0_i32_0 : i32, i32
  }
  func.func @transform_7(%arg0: i32, %arg1: i32) -> (i32, i32) {
    %c0_i32 = arith.constant 0 : i32
    %c0_i32_0 = arith.constant 0 : i32
    %c0_i32_1 = arith.constant 0 : i32
    return %c0_i32, %c0_i32_0 : i32, i32
  }
  func.func @transform_8(%arg0: i32, %arg1: i32) -> (i32, i32) {
    %c0_i32 = arith.constant 0 : i32
    %c0_i32_0 = arith.constant 0 : i32
    %c0_i32_1 = arith.constant 0 : i32
    return %c0_i32, %c0_i32_0 : i32, i32
  }
  func.func @transform_9(%arg0: i32, %arg1: i32) -> (i32, i32) {
    %c0_i32 = arith.constant 0 : i32
    %c0_i32_0 = arith.constant 0 : i32
    %c0_i32_1 = arith.constant 0 : i32
    return %c0_i32, %c0_i32_0 : i32, i32
  }
  func.func @transform_10(%arg0: i32, %arg1: i32) -> (i32, i32) {
    %c0_i32 = arith.constant 0 : i32
    %c0_i32_0 = arith.constant 0 : i32
    %c0_i32_1 = arith.constant 0 : i32
    return %c0_i32, %c0_i32_0 : i32, i32
  }
  func.func @transform_11(%arg0: i32, %arg1: i32) -> (i32, i32) {
    %c0_i32 = arith.constant 0 : i32
    %c0_i32_0 = arith.constant 0 : i32
    %c0_i32_1 = arith.constant 0 : i32
    return %c0_i32, %c0_i32_0 : i32, i32
  }
}

module attributes {stable_mosaic.version = 14 : i64} {
  func.func @body(%arg0: i32, %arg1: i32, %arg2: memref<8192x128xf32, #tpu.memory_space<vmem>>, %arg3: memref<8192x128xf32, #tpu.memory_space<vmem>>, %arg4: memref<8192x128xf32, #tpu.memory_space<vmem>>, %arg5: memref<1024x128xf32, #tpu.memory_space<vmem>>, %arg6: memref<128x128xf32, #tpu.memory_space<vmem>>, %arg7: memref<128x128xf32, #tpu.memory_space<vmem>>, %arg8: memref<1x128xf32, #tpu.memory_space<vmem>>, %arg9: memref<1x128xf32, #tpu.memory_space<vmem>>, %arg10: memref<128x128xf32, #tpu.memory_space<vmem>>, %arg11: memref<128x128xf32, #tpu.memory_space<vmem>>, %arg12: memref<1024x128xf32, #tpu.memory_space<vmem>>, %arg13: memref<1024x128xf32, #tpu.memory_space<vmem>>) attributes {dimension_semantics = [#tpu.dimension_semantics<arbitrary>, #tpu.dimension_semantics<arbitrary>], iteration_bounds = array<i64: 2, 4>, scalar_prefetch = 0 : i64, scratch_operands = 1 : i64, tpu.core_type = #tpu.core_type<tc>, window_params = [{transform_indices = @transform_0, window_bounds = array<i64: 8192, 128>}, {transform_indices = @transform_1, window_bounds = array<i64: 8192, 128>}, {transform_indices = @transform_2, window_bounds = array<i64: 8192, 128>}, {pipeline_mode = #tpu.pipeline_mode<synchronous>, transform_indices = @transform_3, window_bounds = array<i64: 1024, 128>}, {pipeline_mode = #tpu.pipeline_mode<synchronous>, transform_indices = @transform_4, window_bounds = array<i64: 128, 128>}, {pipeline_mode = #tpu.pipeline_mode<synchronous>, transform_indices = @transform_5, window_bounds = array<i64: 128, 128>}, {pipeline_mode = #tpu.pipeline_mode<synchronous>, transform_indices = @transform_6, window_bounds = array<i64: 1, 128>}, {pipeline_mode = #tpu.pipeline_mode<synchronous>, transform_indices = @transform_7, window_bounds = array<i64: 1, 128>}, {pipeline_mode = #tpu.pipeline_mode<synchronous>, transform_indices = @transform_8, window_bounds = array<i64: 128, 128>}, {pipeline_mode = #tpu.pipeline_mode<synchronous>, transform_indices = @transform_9, window_bounds = array<i64: 128, 128>}, {pipeline_mode = #tpu.pipeline_mode<synchronous>, transform_indices = @transform_10, window_bounds = array<i64: 1024, 128>}]} {
    %mul3A = arith.constant 4 : i32
    %mul3A_0 = arith.muli %arg0, %mul3A : i32
    %add3A = arith.addi %mul3A_0, %arg1 : i32
    %eq3A = arith.constant 0 : i32
    %eq3A_1 = arith.cmpi eq, %add3A, %eq3A : i32
    %convert_element_type3A = arith.extui %eq3A_1 : i1 to i32
    %cond3A = arith.constant 0 : i32
    %cond3A_2 = arith.cmpi ne, %convert_element_type3A, %cond3A : i32
    scf.if %cond3A_2 {
      %get3A_60 = arith.constant 0 : index
      %get3A_61 = arith.constant 0 : index
      %get3A_62 = vector.load %arg5[%get3A_60, %get3A_61] : memref<1024x128xf32, #tpu.memory_space<vmem>>, vector<1024x128xf32>
      %swap3A_63 = arith.constant 0 : index
      %swap3A_64 = arith.constant 0 : index
      %swap3A_65 = vector.load %arg13[%swap3A_63, %swap3A_64] : memref<1024x128xf32, #tpu.memory_space<vmem>>, vector<1024x128xf32>
      tpu.vector_store %arg13[%swap3A_63, %swap3A_64], %get3A_62 {strides = array<i32>} : memref<1024x128xf32, #tpu.memory_space<vmem>>, vector<1024x128xf32>,
    } else {
    }
    %get3A = arith.constant 0 : index
    %get3A_3 = arith.constant 0 : index
    %get3A_4 = vector.load %arg2[%get3A, %get3A_3] : memref<8192x128xf32, #tpu.memory_space<vmem>>, vector<8192x128xf32>
    %get3A_5 = arith.constant 0 : index
    %get3A_6 = arith.constant 0 : index
    %get3A_7 = vector.load %arg6[%get3A_5, %get3A_6] : memref<128x128xf32, #tpu.memory_space<vmem>>, vector<128x128xf32>
    %dot_general3A = arith.constant dense<0.000000e+00> : vector<8192x128xf32>
    %dot_general3A_8 = tpu.matmul %get3A_4, %get3A_7, %dot_general3A {dimension_numbers = #tpu.dot_dimension_numbers<[1], [0], [0], [1], [0, 0, 1, 1], [], []>, transpose_lhs_hint = false} : vector<8192x128xf32>, vector<128x128xf32>, vector<8192x128xf32> -> vector<8192x128xf32>
    %get3A_9 = arith.constant 0 : index
    %get3A_10 = arith.constant 0 : index
    %get3A_11 = vector.load %arg3[%get3A_9, %get3A_10] : memref<8192x128xf32, #tpu.memory_space<vmem>>, vector<8192x128xf32>
    %get3A_12 = arith.constant 0 : index
    %get3A_13 = arith.constant 0 : index
    %get3A_14 = vector.load %arg7[%get3A_12, %get3A_13] : memref<128x128xf32, #tpu.memory_space<vmem>>, vector<128x128xf32>
    %dot_general3A_15 = arith.constant dense<0.000000e+00> : vector<8192x128xf32>
    %dot_general3A_16 = tpu.matmul %get3A_11, %get3A_14, %dot_general3A_15 {dimension_numbers = #tpu.dot_dimension_numbers<[1], [0], [0], [1], [0, 0, 1, 1], [], []>, transpose_lhs_hint = false} : vector<8192x128xf32>, vector<128x128xf32>, vector<8192x128xf32> -> vector<8192x128xf32>
    %add3A_17 = arith.addf %dot_general3A_8, %dot_general3A_16 : vector<8192x128xf32>
    %get3A_18 = arith.constant 0 : index
    %get3A_19 = arith.constant 0 : index
    %get3A_20 = vector.load %arg8[%get3A_18, %get3A_19] : memref<1x128xf32, #tpu.memory_space<vmem>>, vector<1x128xf32>
    %add3A_21 = vector.broadcast %get3A_20 : vector<1x128xf32> to vector<8192x128xf32>
    %add3A_22 = arith.addf %add3A_17, %add3A_21 : vector<8192x128xf32>
    %max3A = arith.constant 0.000000e+00 : f32
    %max3A_23 = vector.broadcast %max3A : f32 to vector<8192x128xf32>
    %max3A_24 = arith.maximumf %add3A_22, %max3A_23 : vector<8192x128xf32>
    %get3A_25 = arith.constant 0 : index
    %get3A_26 = arith.constant 0 : index
    %get3A_27 = vector.load %arg9[%get3A_25, %get3A_26] : memref<1x128xf32, #tpu.memory_space<vmem>>, vector<1x128xf32>
    %mul3A_28 = vector.broadcast %get3A_27 : vector<1x128xf32> to vector<8192x128xf32>
    %mul3A_29 = arith.mulf %max3A_24, %mul3A_28 : vector<8192x128xf32>
    %get3A_30 = arith.constant 0 : index
    %get3A_31 = arith.constant 0 : index
    %get3A_32 = vector.load %arg10[%get3A_30, %get3A_31] : memref<128x128xf32, #tpu.memory_space<vmem>>, vector<128x128xf32>
    %dot_general3A_33 = arith.constant dense<0.000000e+00> : vector<8192x128xf32>
    %dot_general3A_34 = tpu.matmul %mul3A_29, %get3A_32, %dot_general3A_33 {dimension_numbers = #tpu.dot_dimension_numbers<[1], [0], [0], [1], [0, 0, 1, 1], [], []>, transpose_lhs_hint = false} : vector<8192x128xf32>, vector<128x128xf32>, vector<8192x128xf32> -> vector<8192x128xf32>
    %reshape3A = vector.shape_cast %dot_general3A_34 : vector<8192x128xf32> to vector<256x32x128xf32>
    %reduce_max3A = arith.constant dense<0xFF800000> : vector<256x128xf32>
    %reduce_max3A_35 = vector.multi_reduction <maximumf>, %reshape3A, %reduce_max3A [1] : vector<256x32x128xf32> to vector<256x128xf32>
    %broadcast_in_dim3A = vector.shape_cast %reduce_max3A_35 : vector<256x128xf32> to vector<256x1x128xf32>
    %sub3A = vector.broadcast %broadcast_in_dim3A : vector<256x1x128xf32> to vector<256x32x128xf32>
    %sub3A_36 = arith.subf %reshape3A, %sub3A : vector<256x32x128xf32>
    %exp3A = math.exp %sub3A_36 : vector<256x32x128xf32>
    %reshape3A_37 = vector.shape_cast %exp3A : vector<256x32x128xf32> to vector<8192x128xf32>
    %get3A_38 = arith.constant 0 : index
    %get3A_39 = arith.constant 0 : index
    %get3A_40 = vector.load %arg4[%get3A_38, %get3A_39] : memref<8192x128xf32, #tpu.memory_space<vmem>>, vector<8192x128xf32>
    %mul3A_41 = arith.mulf %reshape3A_37, %get3A_40 : vector<8192x128xf32>
    %reshape3A_42 = vector.shape_cast %mul3A_41 : vector<8192x128xf32> to vector<256x32x128xf32>
    %reduce_sum3A = arith.constant dense<0.000000e+00> : vector<256x128xf32>
    %reduce_sum3A_43 = vector.multi_reduction <add>, %reshape3A_42, %reduce_sum3A [1] : vector<256x32x128xf32> to vector<256x128xf32>
    %reshape3A_44 = vector.shape_cast %reshape3A_37 : vector<8192x128xf32> to vector<256x32x128xf32>
    %reduce_sum3A_45 = arith.constant dense<0.000000e+00> : vector<256x128xf32>
    %reduce_sum3A_46 = vector.multi_reduction <add>, %reshape3A_44, %reduce_sum3A_45 [1] : vector<256x32x128xf32> to vector<256x128xf32>
    %div3A = arith.divf %reduce_sum3A_43, %reduce_sum3A_46 : vector<256x128xf32>
    %mul3A_47 = arith.constant 256 : i32
    %mul3A_48 = arith.muli %arg1, %mul3A_47 : i32
    %get3A_49 = arith.index_cast %mul3A_48 : i32 to index
    %get3A_50 = arith.constant 0 : index
    %get3A_51 = vector.load %arg13[%get3A_49, %get3A_50] : memref<1024x128xf32, #tpu.memory_space<vmem>>, vector<256x128xf32>
    %add3A_52 = arith.addf %get3A_51, %div3A : vector<256x128xf32>
    %swap3A = arith.index_cast %mul3A_48 : i32 to index
    %swap3A_53 = arith.constant 0 : index
    %swap3A_54 = vector.load %arg13[%swap3A, %swap3A_53] : memref<1024x128xf32, #tpu.memory_space<vmem>>, vector<256x128xf32>
    tpu.vector_store %arg13[%swap3A, %swap3A_53], %add3A_52 {strides = array<i32>} : memref<1024x128xf32, #tpu.memory_space<vmem>>, vector<256x128xf32>,
    %eq3A_55 = arith.constant 7 : i32
    %eq3A_56 = arith.cmpi eq, %add3A, %eq3A_55 : i32
    %convert_element_type3A_57 = arith.extui %eq3A_56 : i1 to i32
    %cond3A_58 = arith.constant 0 : i32
    %cond3A_59 = arith.cmpi ne, %convert_element_type3A_57, %cond3A_58 : i32
    scf.if %cond3A_59 {
      %get3A_60 = arith.constant 0 : index
      %get3A_61 = arith.constant 0 : index
      %get3A_62 = vector.load %arg13[%get3A_60, %get3A_61] : memref<1024x128xf32, #tpu.memory_space<vmem>>, vector<1024x128xf32>
      %swap3A_63 = arith.constant 0 : index
      %swap3A_64 = arith.constant 0 : index
      %swap3A_65 = vector.load %arg12[%swap3A_63, %swap3A_64] : memref<1024x128xf32, #tpu.memory_space<vmem>>, vector<1024x128xf32>
      tpu.vector_store %arg12[%swap3A_63, %swap3A_64], %get3A_62 {strides = array<i32>} : memref<1024x128xf32, #tpu.memory_space<vmem>>, vector<1024x128xf32>,
    } else {
    }
    return
  }
  func.func @transform_0(%arg0: i32, %arg1: i32) -> (i32, i32) {
    %mul3A = arith.constant 4 : i32
    %mul3A_0 = arith.muli %arg0, %mul3A : i32
    %add3A = arith.addi %mul3A_0, %arg1 : i32
    %c0_i32 = arith.constant 0 : i32
    %c0_i32_1 = arith.constant 0 : i32
    return %add3A, %c0_i32 : i32, i32
  }
  func.func @transform_1(%arg0: i32, %arg1: i32) -> (i32, i32) {
    %mul3A = arith.constant 4 : i32
    %mul3A_0 = arith.muli %arg0, %mul3A : i32
    %add3A = arith.addi %mul3A_0, %arg1 : i32
    %c0_i32 = arith.constant 0 : i32
    %c0_i32_1 = arith.constant 0 : i32
    return %add3A, %c0_i32 : i32, i32
  }
  func.func @transform_2(%arg0: i32, %arg1: i32) -> (i32, i32) {
    %mul3A = arith.constant 4 : i32
    %mul3A_0 = arith.muli %arg0, %mul3A : i32
    %add3A = arith.addi %mul3A_0, %arg1 : i32
    %c0_i32 = arith.constant 0 : i32
    %c0_i32_1 = arith.constant 0 : i32
    return %add3A, %c0_i32 : i32, i32
  }
  func.func @transform_3(%arg0: i32, %arg1: i32) -> (i32, i32) {
    %c0_i32 = arith.constant 0 : i32
    %c0_i32_0 = arith.constant 0 : i32
    %c0_i32_1 = arith.constant 0 : i32
    return %c0_i32, %c0_i32_0 : i32, i32
  }
  func.func @transform_4(%arg0: i32, %arg1: i32) -> (i32, i32) {
    %c0_i32 = arith.constant 0 : i32
    %c0_i32_0 = arith.constant 0 : i32
    %c0_i32_1 = arith.constant 0 : i32
    return %c0_i32, %c0_i32_0 : i32, i32
  }
  func.func @transform_5(%arg0: i32, %arg1: i32) -> (i32, i32) {
    %c0_i32 = arith.constant 0 : i32
    %c0_i32_0 = arith.constant 0 : i32
    %c0_i32_1 = arith.constant 0 : i32
    return %c0_i32, %c0_i32_0 : i32, i32
  }
  func.func @transform_6(%arg0: i32, %arg1: i32) -> (i32, i32) {
    %c0_i32 = arith.constant 0 : i32
    %c0_i32_0 = arith.constant 0 : i32
    %c0_i32_1 = arith.constant 0 : i32
    return %c0_i32, %c0_i32_0 : i32, i32
  }
  func.func @transform_7(%arg0: i32, %arg1: i32) -> (i32, i32) {
    %c0_i32 = arith.constant 0 : i32
    %c0_i32_0 = arith.constant 0 : i32
    %c0_i32_1 = arith.constant 0 : i32
    return %c0_i32, %c0_i32_0 : i32, i32
  }
  func.func @transform_8(%arg0: i32, %arg1: i32) -> (i32, i32) {
    %c0_i32 = arith.constant 0 : i32
    %c0_i32_0 = arith.constant 0 : i32
    %c0_i32_1 = arith.constant 0 : i32
    return %c0_i32, %c0_i32_0 : i32, i32
  }
  func.func @transform_9(%arg0: i32, %arg1: i32) -> (i32, i32) {
    %c0_i32 = arith.constant 0 : i32
    %c0_i32_0 = arith.constant 0 : i32
    %c0_i32_1 = arith.constant 0 : i32
    return %c0_i32, %c0_i32_0 : i32, i32
  }
  func.func @transform_10(%arg0: i32, %arg1: i32) -> (i32, i32) {
    %c0_i32 = arith.constant 0 : i32
    %c0_i32_0 = arith.constant 0 : i32
    %c0_i32_1 = arith.constant 0 : i32
    return %c0_i32, %c0_i32_0 : i32, i32
  }
}

</mosaic_0001>

<sc_bundles>
// kernel: kernel.11.cloned.1.call-start
scs
__scs_entry_jumppad:
0x0: {  	(pc) =	sbr.rel $0x88, $3  }
0x1: {  	(tag) =	ssettag $0x0;
	lr =	simm.s32 $0x1  }
0x2: {  	[smem:$0x3F98] =	sst lr;
	_ =	strace $0xD0000000  }
0x3: {  	_ = 	snop  }
0x4: {  	_ = 	snop  }
0x5: {  	_ = 	snop  }
0x6: {  	_ = 	snop  }
0x7: {  	_ = 	snop  }
__scs_overlays_trampoline_lowered:
0x8: {  	[smem:$0x3FA7] =	sst s0  }
0x9: {  	[smem:$0x3FA8] =	sst s1  }
0xa: {  	[smem:$0x3FA9] =	sst s2  }
0xb: {  	[smem:$0x3FAA] =	sst s3  }
0xc: {  	[smem:$0x3FAB] =	sst s4  }
0xd: {  	[smem:$0x3FAC] =	sst s5  }
0xe: {  	[smem:$0x3FAD] =	sst s6  }
0xf: {  	[smem:$0x3FAE] =	sst s7  }
0x10: {  	[smem:$0x3FAF] =	sst s8  }
0x11: {  	[smem:$0x3FB0] =	sst s9;
	s0 =	simm.s32 @!p0 $0x0  }
0x12: {  	s1 =	sld [smem:$0x3F96];
	s0 =	simm.s32 @p0 $0x1  }
0x13: {  	[smem:$0x3FB1] =	sst s0;
	s0 =	simm.s32 @!p1 $0x0  }
0x14: {  	s2 =	sld [smem:$0x3F95];
	s0 =	simm.s32 @p1 $0x1  }
0x15: {  	[smem:$0x3FB2] =	sst s0;
	s0 =	simm.s32 @!p2 $0x0  }
0x16: {  	s3 =	sld [smem:$0x3FDB];
	s0 =	simm.s32 @p2 $0x1  }
0x17: {  	s4 =	simm.s32 $0x1BF5;
	[smem:$0x3FB4] =	sst s0  }
0x18: {  	s0 =	sld [smem:$0x3F97];
	_ =	swait.ge [sflag:s4], $0x0  }
0x19: {  	s7 =	sld [smem:$0x3F98]  }
0x1a: {  	s8 =	sadd.s32 $0xFFFFE003, lr  }
0x1b: {  	s9 =	sadd.s32 $0xFFFFFEF7, lr;
	s5 =	simm.s32 $0xFFFFFFFF;
	p2 =	slt.u32 s8, $0xFFFFF086  }
0x1c: {  	p1 =	slt.u32 s9, $0xF7A;
	s5 =	simm.s32 @!p2 $0x0  }
0x1d: {  	s5 =	simm.s32 @p1 $0x1;
	p0 =	seq.s32 s7, s2  }
0x1e: {  	s7 =	smul.u32 @!p0 $0xF7A, s2;
	p2 =	seq.s32 @!p0 s5, $0x0  }
0x1f: {  	s9 =	smul.u32 $0xF7A, s1;
	s8 =	simm.s32 @!p0 $0x1BF5;
	p2 =	por !p2, p0  }
0x20: {  	[sflag:s8] =	ssyncset.s32 @!p0 $0xFFFFF086;
	s6 =	sadd.s32 @!p0 s3, s7;
	s7 =	simm.s32 @!p0 $0x108  }
0x21: {  	s3 =	sadd.s32 s3, s9;
	s6 =	sadd.s32 @!p0 $0x88, s6;
	s7 =	simm.s32 @p2 $0x1082  }
0x22: {  	[simem:s7], [sflag:s8] =	dma.local @!p0 [hbm:s6], $0xF7A  }
0x23: {  	s9 =	sor.u32 $0xD0000000, s2;
	s6 =	simm.s32 $0x108;
	_ =	swait.ge @!p0 [sflag:s8], $0x0  }
0x24: {  	s3 =	sadd.s32 $0x88, s3;
	s6 =	simm.s32 @!p1 $0x1082;
	[sflag:s4] =	ssyncset.s32 $0xFFFFF086  }
0x25: {  	[simem:s6], [sflag:s4] =	dma.local [hbm:s3], $0xF7A  }
0x26: {  	[smem:$0x3F98] =	sst s1;
	(tag) =	ssettag s2;
	_ =	strace s9  }
0x27: {  	s1 =	sld [smem:$0x3FA8]  }
0x28: {  	s2 =	sld [smem:$0x3FA9]  }
0x29: {  	s4 =	sld [smem:$0x3FAB]  }
0x2a: {  	p0 =	seq.s32 s5, $0x0;
	s5 =	sld [smem:$0x3FAC]  }
0x2b: {  	s6 =	sld [smem:$0x3FAD]  }
0x2c: {  	s7 =	sld [smem:$0x3FAE]  }
0x2d: {  	s3 =	simm.s32 $0x108;
	s8 =	sld [smem:$0x3FAF]  }
0x2e: {  	s3 =	simm.s32 @!p0 $0x1082;
	s9 =	sld [smem:$0x3FB0]  }
0x2f: {  	lr =	sadd.s32 s0, s3;
	s0 =	sld [smem:$0x3FA7]  }
0x30: {  	s3 =	sld [smem:$0x3FAA]  }
0x31: {  	[smem:$0x3FB3] =	sst s10  }
0x32: {  	s10 =	sld [smem:$0x3FB1];
	_ =	sdelay $0x3  }
0x33: {  	p0 =	seq.s32 s10, $0x1;
	s10 =	sld [smem:$0x3FB3];
	_ =	sdelay $0x3  }
0x34: {  	[smem:$0x3FB3] =	sst s10  }
0x35: {  	s10 =	sld [smem:$0x3FB2];
	_ =	sdelay $0x3  }
0x36: {  	p1 =	seq.s32 s10, $0x1;
	s10 =	sld [smem:$0x3FB3];
	_ =	sdelay $0x3  }
0x37: {  	[smem:$0x3FB3] =	sst s10  }
0x38: {  	s10 =	sld [smem:$0x3FB4]  }
0x39: {  	_ = 	snop;
	(pc) =	sbr.ind lr, $3  }
0x3a: {  	_ = 	snop  }
0x3b: {  	_ = 	snop  }
0x3c: {  	p2 =	seq.s32 s10, $0x1;
	s10 =	sld [smem:$0x3FB3]  }
0x3d: {  	_ =	shalt  }
0x3e: {  	_ =	shalt  }
0x3f: {  	_ =	shalt  }
0x40: {  	_ =	shalt  }
0x41: {  	_ =	shalt  }
0x42: {  	_ =	shalt  }
0x43: {  	_ =	shalt  }
0x44: {  	_ =	shalt  }
0x45: {  	_ =	shalt  }
0x46: {  	_ =	shalt  }
0x47: {  	_ =	shalt  }
0x48: {  	_ =	shalt  }
0x49: {  	_ =	shalt  }
0x4a: {  	_ =	shalt  }
0x4b: {  	_ =	shalt  }
0x4c: {  	_ =	shalt  }
0x4d: {  	_ =	shalt  }
0x4e: {  	_ =	shalt  }
0x4f: {  	_ =	shalt  }
0x50: {  	_ =	shalt  }
0x51: {  	_ =	shalt  }
0x52: {  	_ =	shalt  }
0x53: {  	_ =	shalt  }
0x54: {  	_ =	shalt  }
0x55: {  	_ =	shalt  }
0x56: {  	_ =	shalt  }
0x57: {  	_ =	shalt  }
0x58: {  	_ =	shalt  }
0x59: {  	_ =	shalt  }
0x5a: {  	_ =	shalt  }
0x5b: {  	_ =	shalt  }
0x5c: {  	_ =	shalt  }
0x5d: {  	_ =	shalt  }
0x5e: {  	_ =	shalt  }
0x5f: {  	_ =	shalt  }
0x60: {  	_ =	shalt  }
0x61: {  	_ =	shalt  }
0x62: {  	_ =	shalt  }
0x63: {  	_ =	shalt  }
0x64: {  	_ =	shalt  }
0x65: {  	_ =	shalt  }
0x66: {  	_ =	shalt  }
0x67: {  	_ =	shalt  }
0x68: {  	_ =	shalt  }
0x69: {  	_ =	shalt  }
0x6a: {  	_ =	shalt  }
0x6b: {  	_ =	shalt  }
0x6c: {  	_ =	shalt  }
0x6d: {  	_ =	shalt  }
0x6e: {  	_ =	shalt  }
0x6f: {  	_ =	shalt  }
0x70: {  	_ =	shalt  }
0x71: {  	_ =	shalt  }
0x72: {  	_ =	shalt  }
0x73: {  	_ =	shalt  }
0x74: {  	_ =	shalt  }
0x75: {  	_ =	shalt  }
0x76: {  	_ =	shalt  }
0x77: {  	_ =	shalt  }
0x78: {  	_ =	shalt  }
0x79: {  	_ =	shalt  }
0x7a: {  	_ =	shalt  }
0x7b: {  	_ =	shalt  }
0x7c: {  	_ =	shalt  }
0x7d: {  	_ =	shalt  }
0x7e: {  	_ =	shalt  }
0x7f: {  	_ =	shalt  }
0x80: {  	_ =	shalt  }
0x81: {  	_ =	shalt  }
0x82: {  	_ =	shalt  }
0x83: {  	_ =	shalt  }
0x84: {  	_ =	shalt  }
0x85: {  	_ =	shalt  }
0x86: {  	_ =	shalt  }
0x87: {  	_ =	shalt  }
.Lfunc_end0:
.L_simem_size_0:
called_computation.1_lowered:
.L_overlay_start_0:
0x88: {  	s2 =	sld [smem:$0x3FD9]  }
0x89: {  	s3 =	sld [smem:$0x3FFE];
	_ =	sdelay $0x1  }
0x8a: {  	s1 =	srdreg.scid  }
0x8b: {  	s0 =	sand.u32 $0x1, s1  }
0x8c: {  	s17 =	sshll.u32 s0, $0xA;
	s2 =	sadd.s32 s3, s2  }
0x8d: {  	s2 =	sadd.s32 s2, s17  }
0x8e: {  	[smem:$0x3FBF] =	sst s2  }
0x8f: {  	_ = 	snop  }
0x90: {  	(tm) =	ssettm $0x1  }
0x91: {  	s18 =	sld [smem:$0x3FFB];
	_ =	sdelay $0x3  }
0x92: {  	_ =	strace s18  }
0x93: {  	s2 =	sld [smem:$0x3FFC];
	_ =	sdelay $0x3  }
0x94: {  	_ =	strace s2  }
0x95: {  	s2 =	sld [smem:$0x3FFD];
	_ =	sdelay $0x3  }
0x96: {  	_ =	strace s2  }
0x97: {  	_ =	strace $0x8FFFFFFF  }
0x98: {  	s19 =	sld [smem:$0x3FDB];
	_ =	sdelay $0x1  }
0x99: {  	s20 =	simm.s32 $_scs_section_size  }
0x9a: {  	s4 =	simm.s32 $_size__tile_overlayer_lowered;
	s5 =	simm.s32 $_tile_overlayer_lowered  }
0x9b: {  	s6 =	simm.s32 $0x1BFF;
	s21 =	sshll.u32 s5, $0x1;
	s3 =	sadd.s32 s20, s19  }
0x9c: {  	s22 =	simm.s32 $0x0;
	s4 =	sshll.u32 s4, $0x1;
	s5 =	sadd.s32 s21, s3  }
0x9d: {  	[timem:s22], [sflag:s6] =	dma.local [hbm:s5], s4  }
0x9e: {  	_ =	swait.ge [sflag:s6], s4  }
0x9f: {  	s4 =	ssub.s32 $0x0, s4;
	[sflag:s6] =	ssyncset.done $0x0  }
0xa0: {  	[sflag:s6] =	ssyncadd.s32 s4;
	_ =	sdelay $0x1  }
0xa1: {  	s23 =	simm.s32 $0x1B8B  }
0xa2: {  	_ =	swait.ge [sflag:s23], $0x1  }
0xa3: {  	[sflag:s23] =	ssyncset.done $0x0  }
0xa4: {  	[sflag:s23] =	ssyncadd.s32 $0xFFFFFFFF  }
0xa5: {  	s4 =	sld [smem:$0x0]  }
0xa6: {  	s5 =	sand.u32 $0xFFFFFFFE, s1  }
0xa7: {  	p0 =	sne.s32 s1, s5  }
0xa8: {  	s5 =	sshll.u32 @p0 s5, $0xE  }
0xa9: {  	s5 =	sadd.s32 @p0 $0x11B8D, s5;
	s6 =	sshll.u32 @p0 s4, $0x11  }
0xaa: {  	s5 =	sor.u32 @p0 s6, s5  }
0xab: {  	[sflag:s5] =	ssyncadd.remote.s32 @p0 $0x1;
	_ =	sdelay $0x1  }
0xac: {  	s5 =	simm.s32 @p0 $0x1B8D  }
0xad: {  	_ =	swait.eq @p0 [sflag:s5], $0x1  }
0xae: {  	[sflag:s5] =	ssyncadd.s32 @p0 $0xFFFFFFFF  }
0xaf: {  	s6 =	sshll.u32 @!p0 s1, $0xE  }
0xb0: {  	s6 =	sor.u32 @!p0 $0x4000, s6;
	s5 =	simm.s32 @!p0 $0x1B8D  }
0xb1: {  	s4 =	sshll.u32 @!p0 s4, $0x11;
	s6 =	sadd.s32 @!p0 $0x11B8D, s6;
	_ =	swait.eq @!p0 [sflag:s5], $0x1  }
0xb2: {  	s4 =	sor.u32 @!p0 s4, s6;
	[sflag:s5] =	ssyncadd.s32 @!p0 $0xFFFFFFFF  }
0xb3: {  	s25 =	simm.s32 $0x1B8E;
	s24 =	sld [smem:$0x3FFE];
	[sflag:s4] =	ssyncadd.remote.s32 @!p0 $0x1  }
0xb4: {  	s26 =	simm.s32 $execute0_lowered;
	[smem:$0x3FD2] =	sst s25  }
0xb5: {  	s5 =	sshll.u32 s26, $0x1;
	_ =	strace $0x8000004C;
	[dreg:$0x1] =	wrdreg $0xFFFFFFFF  }
0xb6: {  	s28 =	simm.s32 $_size_execute0_lowered;
	s3 =	sadd.s32 s3, s5;
	[dreg:$0x0] =	wrdreg $0x0  }
0xb7: {  	s5 =	sshll.u32 s28, $0x1;
	[dreg:$0x2] =	wrdreg s3  }
0xb8: {  	[dreg:$0x3] =	wrdreg s5  }
0xb9: {  	[dreg:$0x4] =	wrdreg $0xC0  }
0xba: {  	_ =	task [dreg:s22], $0x5FFFF  }
0xbb: {  	[dreg:$0x1] =	wrdreg $0xFFFFFFFF  }
0xbc: {  	[dreg:$0x0] =	wrdreg $0x60  }
0xbd: {  	[dreg:$0x2] =	wrdreg s24  }
0xbe: {  	[dreg:$0x3] =	wrdreg $0xA  }
0xbf: {  	_ =	task.clear_ibuf [dreg:s22], $0x4FFFF;
	_ =	strace $0x9000004C  }
0xc0: {  	s29 =	simm.s32 $0xA;
	_ =	strace $0x8000004E  }
0xc1: {  	_ =	swait.ge [sflag:s29], $0x1  }
0xc2: {  	[sflag:s29] =	ssyncadd.s32 $0xFFFFFFFF  }
0xc3: {  	_ =	strace $0x9000004E  }
0xc4: {  	_ =	sfence  }
0xc5: {  	s30 =	sld [smem:$0x0];
	_ =	sdelay $0x2  }
0xc6: {  	s31 =	sshll.u32 s1, $0xD;
	s1 =	sshrl.u32 s1, $0x2  }
0xc7: {  	s4 =	sand.u32 $0x4000, s31;
	s1 =	sadd.s32 s1, s30  }
0xc8: {  	s0 =	sor.u32 s4, s0;
	s1 =	sshll.u32 s1, $0x11  }
0xc9: {  	s0 =	sor.u32 s1, s0  }
0xca: {  	s0 =	sadd.s32 $0x8F2B, s0  }
0xcb: {  	[sflag:s0] =	ssyncadd.remote.s32 $0x1  }
0xcc: {  	_ =	sfence.sel $0xFFFF  }
0xcd: {  	[dreg:$0x0] =	wrdreg $0xFFFFFFFF;
	(pc) =	sbr.abs _section_cstart, $3  }
0xce: {  	[dreg:$0x1] =	wrdreg $0xFFFFFFFF  }
0xcf: {  	_ =	task.clear_ibuf [dreg:s22], $0x2FFFF;
	_ =	strace $0x9FFFFFFF  }
0xd0: {  	(tm) =	ssettm $0x7FFFFFFF  }
0xd1: {  	_ =	shalt  }
tec
execute0_lowered:
.L_overlay_start_1:
0x0: {  	(tag) =	ssettag $0x1  }
0x1: {  	s1 =	srdreg.scid;
	s0 =	stileid.u32  }
0x2: {  	s1 =	sand.u32 $0x1, s1;
	s2 =	sshll.u32 s0, $0x1  }
0x3: {  	s3 =	sor.u32 s1, s2  }
0x4: {  	s4 =	rddreg [dreg:$0x0];
	s5 =	sshll.u32 s3, $0x8  }
0x5: {  	s2 =	simm.s32 $0x0;
	s3 =	sshll.u32 s3, $0xF;
	s5 =	sadd.s32 s5, s4  }
0x6: {  	[smem:$0x7FF] =	sst s2;
	s31 =	sadd.s32 s3, s4;
	s14 =	sadd.s32 $0x61A200, s5  }
0x7: {  	_ =	strace $0x8000004D;
	s15 =	sadd.s32 $0x61C200, s31;
	[dreg:$0x2] =	wrdreg s14  }
0x8: {  	s16 =	sadd.s32 $0x623A00, s31;
	[dreg:$0x3] =	wrdreg s15  }
0x9: {  	s17 =	sadd.s32 $0x61CA00, s31;
	[dreg:$0x4] =	wrdreg s16  }
0xa: {  	s18 =	sadd.s32 $0x61D200, s31;
	[dreg:$0x5] =	wrdreg s17  }
0xb: {  	s19 =	sadd.s32 $0x61DA00, s31;
	[dreg:$0x6] =	wrdreg s18  }
0xc: {  	s20 =	sadd.s32 $0x61E200, s31;
	[dreg:$0x7] =	wrdreg s19  }
0xd: {  	s21 =	sadd.s32 $0x61EA00, s31;
	[dreg:$0x8] =	wrdreg s20  }
0xe: {  	s22 =	sadd.s32 $0x61F200, s31;
	[dreg:$0x9] =	wrdreg s21  }
0xf: {  	s23 =	sadd.s32 $0x61FA00, s31;
	[dreg:$0xa] =	wrdreg s22  }
0x10: {  	s24 =	sadd.s32 $0x620200, s31;
	[dreg:$0xb] =	wrdreg s23  }
0x11: {  	s26 =	sadd.s32 $0x620A00, s31;
	[dreg:$0xc] =	wrdreg s24  }
0x12: {  	[dreg:$0xd] =	wrdreg s26  }
0x13: {  	s3 =	simm.s32 $0x5;
	s25 =	rddreg [dreg:$0x2]  }
0x14: {  	[tilespmem:s2], [sflag:$0x5] =	stream.linear.gather [hbm4b:s25+s2], $0x800, $0x38;
	[tilespmem:$0x8800] =	vst v63  }
0x15: {  	_ =	swait.ge [sflag:s3], $0x800  }
0x16: {  	s6 =	simm.s32 $0x800;
	[sflag:s3] =	ssyncset.done $0x0  }
0x17: {  	s4 =	sadd.s32 $0x4C00, s4;
	s5 =	simm.s32 $0x80;
	[sflag:s3] =	ssyncadd.s32 $0xFFFFF800  }
0x18: {  	[tilespmem:s6], [sflag:$0x1] =	stream.indirect.gather [hbm4b:s4+s5], $0x80, s2, s5, $0xb8;
	[tilespmem:$0x8800] =	vst v63  }
0x19: {  	s7 =	simm.s32 $0x4800;
	s8 =	simm.s32 $0x1  }
0x1a: {  	[tilespmem:s7], [sflag:$0x2] =	stream.indirect.gather [hbm4b:s4+s5], $0x80, s5, s5, $0xb8;
	[tilespmem:$0x8800] =	vst v63  }
0x1b: {  	_ =	swait.ge [sflag:s8], $0x4000  }
0x1c: {  	[sflag:s8] =	ssyncset.done $0x0  }
0x1d: {  	s9 =	simm.s32 $0x3;
	s10 =	rddreg [dreg:$0x3];
	[sflag:s8] =	ssyncadd.s32 $0xFFFFC000  }
0x1e: {  	[hbm4b:s10+s2] =	stream.linear.scatter [tilespmem:s6], [sflag:$0x3], $0x4000, $0x38;
	[tilespmem:$0x8800] =	vst v63  }
0x1f: {  	_ =	swait.ge [sflag:s9], $0x4000  }
0x20: {  	[sflag:s9] =	ssyncset.done $0x0  }
0x21: {  	s11 =	simm.s32 $0x2;
	s10 =	simm.s32 $0x100;
	[sflag:s9] =	ssyncadd.s32 $0xFFFFC000  }
0x22: {  	[tilespmem:s6], [sflag:$0x1] =	stream.indirect.gather [hbm4b:s4+s5], $0x80, s10, s5, $0xb8;
	[tilespmem:$0x8800] =	vst v63  }
0x23: {  	_ =	swait.ge [sflag:s11], $0x4000  }
0x24: {  	[sflag:s11] =	ssyncset.done $0x0  }
0x25: {  	s12 =	simm.s32 $0x4;
	s13 =	rddreg [dreg:$0x5];
	[sflag:s11] =	ssyncadd.s32 $0xFFFFC000  }
0x26: {  	[hbm4b:s13+s2] =	stream.linear.scatter [tilespmem:s7], [sflag:$0x4], $0x4000, $0x38;
	[tilespmem:$0x8800] =	vst v63  }
0x27: {  	_ =	swait.ge [sflag:s12], $0x4000  }
0x28: {  	[sflag:s12] =	ssyncset.done $0x0  }
0x29: {  	s13 =	simm.s32 $0x180;
	[sflag:s12] =	ssyncadd.s32 $0xFFFFC000  }
0x2a: {  	[tilespmem:s7], [sflag:$0x2] =	stream.indirect.gather [hbm4b:s4+s5], $0x80, s13, s5, $0xb8;
	[tilespmem:$0x8800] =	vst v63  }
0x2b: {  	_ =	swait.ge [sflag:s8], $0x4000  }
0x2c: {  	[sflag:s8] =	ssyncset.done $0x0  }
0x2d: {  	s14 =	rddreg [dreg:$0x6];
	[sflag:s8] =	ssyncadd.s32 $0xFFFFC000  }
0x2e: {  	[hbm4b:s14+s2] =	stream.linear.scatter [tilespmem:s6], [sflag:$0x3], $0x4000, $0x38;
	[tilespmem:$0x8800] =	vst v63  }
0x2f: {  	_ =	swait.ge [sflag:s9], $0x4000  }
0x30: {  	[sflag:s9] =	ssyncset.done $0x0  }
0x31: {  	s14 =	simm.s32 $0x200;
	[sflag:s9] =	ssyncadd.s32 $0xFFFFC000  }
0x32: {  	[tilespmem:s6], [sflag:$0x1] =	stream.indirect.gather [hbm4b:s4+s5], $0x80, s14, s5, $0xb8;
	[tilespmem:$0x8800] =	vst v63  }
0x33: {  	_ =	swait.ge [sflag:s11], $0x4000  }
0x34: {  	[sflag:s11] =	ssyncset.done $0x0  }
0x35: {  	s15 =	rddreg [dreg:$0x7];
	[sflag:s11] =	ssyncadd.s32 $0xFFFFC000  }
0x36: {  	[hbm4b:s15+s2] =	stream.linear.scatter [tilespmem:s7], [sflag:$0x4], $0x4000, $0x38;
	[tilespmem:$0x8800] =	vst v63  }
0x37: {  	_ =	swait.ge [sflag:s12], $0x4000  }
0x38: {  	[sflag:s12] =	ssyncset.done $0x0  }
0x39: {  	s15 =	simm.s32 $0x280;
	[sflag:s12] =	ssyncadd.s32 $0xFFFFC000  }
0x3a: {  	[tilespmem:s7], [sflag:$0x2] =	stream.indirect.gather [hbm4b:s4+s5], $0x80, s15, s5, $0xb8;
	[tilespmem:$0x8800] =	vst v63  }
0x3b: {  	_ =	swait.ge [sflag:s8], $0x4000  }
0x3c: {  	[sflag:s8] =	ssyncset.done $0x0  }
0x3d: {  	s16 =	rddreg [dreg:$0x8];
	[sflag:s8] =	ssyncadd.s32 $0xFFFFC000  }
0x3e: {  	[hbm4b:s16+s2] =	stream.linear.scatter [tilespmem:s6], [sflag:$0x3], $0x4000, $0x38;
	[tilespmem:$0x8800] =	vst v63  }
0x3f: {  	_ =	swait.ge [sflag:s9], $0x4000  }
0x40: {  	[sflag:s9] =	ssyncset.done $0x0  }
0x41: {  	s16 =	simm.s32 $0x300;
	[sflag:s9] =	ssyncadd.s32 $0xFFFFC000  }
0x42: {  	[tilespmem:s6], [sflag:$0x1] =	stream.indirect.gather [hbm4b:s4+s5], $0x80, s16, s5, $0xb8;
	[tilespmem:$0x8800] =	vst v63  }
0x43: {  	_ =	swait.ge [sflag:s11], $0x4000  }
0x44: {  	[sflag:s11] =	ssyncset.done $0x0  }
0x45: {  	s17 =	rddreg [dreg:$0x9];
	[sflag:s11] =	ssyncadd.s32 $0xFFFFC000  }
0x46: {  	[hbm4b:s17+s2] =	stream.linear.scatter [tilespmem:s7], [sflag:$0x4], $0x4000, $0x38;
	[tilespmem:$0x8800] =	vst v63  }
0x47: {  	_ =	swait.ge [sflag:s12], $0x4000  }
0x48: {  	[sflag:s12] =	ssyncset.done $0x0  }
0x49: {  	s17 =	simm.s32 $0x380;
	[sflag:s12] =	ssyncadd.s32 $0xFFFFC000  }
0x4a: {  	[tilespmem:s7], [sflag:$0x2] =	stream.indirect.gather [hbm4b:s4+s5], $0x80, s17, s5, $0xb8;
	[tilespmem:$0x8800] =	vst v63  }
0x4b: {  	_ =	swait.ge [sflag:s8], $0x4000  }
0x4c: {  	[sflag:s8] =	ssyncset.done $0x0  }
0x4d: {  	s18 =	rddreg [dreg:$0xa];
	[sflag:s8] =	ssyncadd.s32 $0xFFFFC000  }
0x4e: {  	[hbm4b:s18+s2] =	stream.linear.scatter [tilespmem:s6], [sflag:$0x3], $0x4000, $0x38;
	[tilespmem:$0x8800] =	vst v63  }
0x4f: {  	_ =	swait.ge [sflag:s9], $0x4000  }
0x50: {  	[sflag:s9] =	ssyncset.done $0x0  }
0x51: {  	s18 =	simm.s32 $0x400;
	[sflag:s9] =	ssyncadd.s32 $0xFFFFC000  }
0x52: {  	[tilespmem:s6], [sflag:$0x1] =	stream.indirect.gather [hbm4b:s4+s5], $0x80, s18, s5, $0xb8;
	[tilespmem:$0x8800] =	vst v63  }
0x53: {  	_ =	swait.ge [sflag:s11], $0x4000  }
0x54: {  	[sflag:s11] =	ssyncset.done $0x0  }
0x55: {  	s19 =	rddreg [dreg:$0xb];
	[sflag:s11] =	ssyncadd.s32 $0xFFFFC000  }
0x56: {  	[hbm4b:s19+s2] =	stream.linear.scatter [tilespmem:s7], [sflag:$0x4], $0x4000, $0x38;
	[tilespmem:$0x8800] =	vst v63  }
0x57: {  	_ =	swait.ge [sflag:s12], $0x4000  }
0x58: {  	[sflag:s12] =	ssyncset.done $0x0  }
0x59: {  	s19 =	simm.s32 $0x480;
	[sflag:s12] =	ssyncadd.s32 $0xFFFFC000  }
0x5a: {  	[tilespmem:s7], [sflag:$0x2] =	stream.indirect.gather [hbm4b:s4+s5], $0x80, s19, s5, $0xb8;
	[tilespmem:$0x8800] =	vst v63  }
0x5b: {  	_ =	swait.ge [sflag:s8], $0x4000  }
0x5c: {  	[sflag:s8] =	ssyncset.done $0x0  }
0x5d: {  	s20 =	rddreg [dreg:$0xc];
	[sflag:s8] =	ssyncadd.s32 $0xFFFFC000  }
0x5e: {  	[hbm4b:s20+s2] =	stream.linear.scatter [tilespmem:s6], [sflag:$0x3], $0x4000, $0x38;
	[tilespmem:$0x8800] =	vst v63  }
0x5f: {  	_ =	swait.ge [sflag:s9], $0x4000  }
0x60: {  	[sflag:s9] =	ssyncset.done $0x0  }
0x61: {  	s20 =	simm.s32 $0x500;
	[sflag:s9] =	ssyncadd.s32 $0xFFFFC000  }
0x62: {  	[tilespmem:s6], [sflag:$0x1] =	stream.indirect.gather [hbm4b:s4+s5], $0x80, s20, s5, $0xb8;
	[tilespmem:$0x8800] =	vst v63  }
0x63: {  	_ =	swait.ge [sflag:s11], $0x4000  }
0x64: {  	[sflag:s11] =	ssyncset.done $0x0  }
0x65: {  	s21 =	rddreg [dreg:$0xd];
	[sflag:s11] =	ssyncadd.s32 $0xFFFFC000  }
0x66: {  	[hbm4b:s21+s2] =	stream.linear.scatter [tilespmem:s7], [sflag:$0x4], $0x4000, $0x38;
	[tilespmem:$0x8800] =	vst v63  }
0x67: {  	_ =	swait.ge [sflag:s12], $0x4000  }
0x68: {  	[sflag:s12] =	ssyncset.done $0x0  }
0x69: {  	s21 =	simm.s32 $0x580;
	[sflag:s12] =	ssyncadd.s32 $0xFFFFC000  }
0x6a: {  	[tilespmem:s7], [sflag:$0x2] =	stream.indirect.gather [hbm4b:s4+s5], $0x80, s21, s5, $0xb8;
	[tilespmem:$0x8800] =	vst v63  }
0x6b: {  	_ =	swait.ge [sflag:s8], $0x4000  }
0x6c: {  	[sflag:s8] =	ssyncset.done $0x0  }
0x6d: {  	s22 =	sadd.s32 $0x621200, s31;
	[sflag:s8] =	ssyncadd.s32 $0xFFFFC000  }
0x6e: {  	[hbm4b:s22+s2] =	stream.linear.scatter [tilespmem:s6], [sflag:$0x3], $0x4000, $0x38;
	[tilespmem:$0x8800] =	vst v63  }
0x6f: {  	_ =	swait.ge [sflag:s9], $0x4000  }
0x70: {  	[sflag:s9] =	ssyncset.done $0x0  }
0x71: {  	s23 =	simm.s32 $0x600;
	[sflag:s9] =	ssyncadd.s32 $0xFFFFC000  }
0x72: {  	[tilespmem:s6], [sflag:$0x1] =	stream.indirect.gather [hbm4b:s4+s5], $0x80, s23, s5, $0xb8;
	[tilespmem:$0x8800] =	vst v63  }
0x73: {  	_ =	swait.ge [sflag:s11], $0x4000  }
0x74: {  	[sflag:s11] =	ssyncset.done $0x0  }
0x75: {  	s24 =	sadd.s32 $0x621A00, s31;
	[sflag:s11] =	ssyncadd.s32 $0xFFFFC000  }
0x76: {  	[hbm4b:s24+s2] =	stream.linear.scatter [tilespmem:s7], [sflag:$0x4], $0x4000, $0x38;
	[tilespmem:$0x8800] =	vst v63  }
0x77: {  	_ =	swait.ge [sflag:s12], $0x4000  }
0x78: {  	[sflag:s12] =	ssyncset.done $0x0  }
0x79: {  	s25 =	simm.s32 $0x680;
	[sflag:s12] =	ssyncadd.s32 $0xFFFFC000  }
0x7a: {  	[tilespmem:s7], [sflag:$0x2] =	stream.indirect.gather [hbm4b:s4+s5], $0x80, s25, s5, $0xb8;
	[tilespmem:$0x8800] =	vst v63  }
0x7b: {  	_ =	swait.ge [sflag:s8], $0x4000  }
0x7c: {  	[sflag:s8] =	ssyncset.done $0x0  }
0x7d: {  	s26 =	sadd.s32 $0x622200, s31;
	[sflag:s8] =	ssyncadd.s32 $0xFFFFC000  }
0x7e: {  	[hbm4b:s26+s2] =	stream.linear.scatter [tilespmem:s6], [sflag:$0x3], $0x4000, $0x38;
	[tilespmem:$0x8800] =	vst v63  }
0x7f: {  	_ =	swait.ge [sflag:s9], $0x4000  }
0x80: {  	[sflag:s9] =	ssyncset.done $0x0  }
0x81: {  	s28 =	simm.s32 $0x700;
	[sflag:s9] =	ssyncadd.s32 $0xFFFFC000  }
0x82: {  	[tilespmem:s6], [sflag:$0x1] =	stream.indirect.gather [hbm4b:s4+s5], $0x80, s28, s5, $0xb8;
	[tilespmem:$0x8800] =	vst v63  }
0x83: {  	_ =	swait.ge [sflag:s11], $0x4000  }
0x84: {  	[sflag:s11] =	ssyncset.done $0x0  }
0x85: {  	s29 =	sadd.s32 $0x622A00, s31;
	[sflag:s11] =	ssyncadd.s32 $0xFFFFC000  }
0x86: {  	[hbm4b:s29+s2] =	stream.linear.scatter [tilespmem:s7], [sflag:$0x4], $0x4000, $0x38;
	[tilespmem:$0x8800] =	vst v63  }
0x87: {  	_ =	swait.ge [sflag:s12], $0x4000  }
0x88: {  	[sflag:s12] =	ssyncset.done $0x0  }
0x89: {  	s30 =	simm.s32 $0x780;
	[sflag:s12] =	ssyncadd.s32 $0xFFFFC000  }
0x8a: {  	[tilespmem:s7], [sflag:$0x2] =	stream.indirect.gather [hbm4b:s4+s5], $0x80, s30, s5, $0xb8;
	[tilespmem:$0x8800] =	vst v63  }
0x8b: {  	_ =	swait.ge [sflag:s8], $0x4000  }
0x8c: {  	[sflag:s8] =	ssyncset.done $0x0  }
0x8d: {  	s31 =	sadd.s32 $0x623200, s31;
	[sflag:s8] =	ssyncadd.s32 $0xFFFFC000  }
0x8e: {  	[hbm4b:s31+s2] =	stream.linear.scatter [tilespmem:s6], [sflag:$0x3], $0x4000, $0x38;
	[tilespmem:$0x8800] =	vst v63  }
0x8f: {  	_ =	swait.ge [sflag:s11], $0x4000  }
0x90: {  	[sflag:s11] =	ssyncset.done $0x0  }
0x91: {  	s0 =	rddreg [dreg:$0x4];
	[sflag:s11] =	ssyncadd.s32 $0xFFFFC000  }
0x92: {  	[hbm4b:s0+s2] =	stream.linear.scatter [tilespmem:s7], [sflag:$0x4], $0x4000, $0x38;
	[tilespmem:$0x8800] =	vst v63  }
0x93: {  	s0 =	ssub.s32 $0x2, s1  }
0x94: {  	s1 =	sshrl.u32 s0, $0x1  }
0x95: {  	s0 =	ssub.s32 s0, s1  }
0x96: {  	s0 =	smax.u32 s0, $0x1  }
0x97: {  	p0 =	sne.s32 s0, $0x1  }
.Ltmp0:
0x98: {  	_ =	swait.ge [sflag:s9], $0x4000;
	(pc) =	sbr.rel @!p0 .LBB2_2-.Ltmp0, $4  }
0x99: {  	[sflag:s9] =	ssyncset.done $0x0  }
0x9a: {  	[sflag:s9] =	ssyncadd.s32 $0xFFFFC000  }
0x9b: {  	_ =	swait.ge [sflag:s12], $0x4000  }
0x9c: {  	s1 =	sadd.s32 $0xFFFFFFFF, s0;
	[sflag:s12] =	ssyncset.done $0x0  }
.LBB2_1:
0x9d: {  	s0 =	rddreg [dreg:$0x2];
	[sflag:s12] =	ssyncadd.s32 $0xFFFFC000  }
0x9e: {  	[tilespmem:s2], [sflag:$0x5] =	stream.linear.gather [hbm4b:s0+s2], $0x800, $0x38;
	[tilespmem:$0x8800] =	vst v63  }
0x9f: {  	_ =	swait.ge [sflag:s3], $0x800  }
0xa0: {  	[sflag:s3] =	ssyncset.done $0x0  }
0xa1: {  	[sflag:s3] =	ssyncadd.s32 $0xFFFFF800  }
0xa2: {  	[tilespmem:s6], [sflag:$0x1] =	stream.indirect.gather [hbm4b:s4+s5], $0x80, s2, s5, $0xb8;
	[tilespmem:$0x8800] =	vst v63  }
0xa3: {  	_ = 	snop  }
0xa4: {  	[tilespmem:s7], [sflag:$0x2] =	stream.indirect.gather [hbm4b:s4+s5], $0x80, s5, s5, $0xb8;
	[tilespmem:$0x8800] =	vst v63  }
0xa5: {  	_ =	swait.ge [sflag:s8], $0x4000  }
0xa6: {  	[sflag:s8] =	ssyncset.done $0x0  }
0xa7: {  	s0 =	rddreg [dreg:$0x3];
	[sflag:s8] =	ssyncadd.s32 $0xFFFFC000  }
0xa8: {  	[hbm4b:s0+s2] =	stream.linear.scatter [tilespmem:s6], [sflag:$0x3], $0x4000, $0x38;
	[tilespmem:$0x8800] =	vst v63  }
0xa9: {  	_ =	swait.ge [sflag:s9], $0x4000  }
0xaa: {  	[sflag:s9] =	ssyncset.done $0x0  }
0xab: {  	[sflag:s9] =	ssyncadd.s32 $0xFFFFC000  }
0xac: {  	[tilespmem:s6], [sflag:$0x1] =	stream.indirect.gather [hbm4b:s4+s5], $0x80, s10, s5, $0xb8;
	[tilespmem:$0x8800] =	vst v63  }
0xad: {  	_ =	swait.ge [sflag:s11], $0x4000  }
0xae: {  	[sflag:s11] =	ssyncset.done $0x0  }
0xaf: {  	s0 =	rddreg [dreg:$0x5];
	[sflag:s11] =	ssyncadd.s32 $0xFFFFC000  }
0xb0: {  	[hbm4b:s0+s2] =	stream.linear.scatter [tilespmem:s7], [sflag:$0x4], $0x4000, $0x38;
	[tilespmem:$0x8800] =	vst v63  }
0xb1: {  	_ =	swait.ge [sflag:s12], $0x4000  }
0xb2: {  	[sflag:s12] =	ssyncset.done $0x0  }
0xb3: {  	[sflag:s12] =	ssyncadd.s32 $0xFFFFC000  }
0xb4: {  	[tilespmem:s7], [sflag:$0x2] =	stream.indirect.gather [hbm4b:s4+s5], $0x80, s13, s5, $0xb8;
	[tilespmem:$0x8800] =	vst v63  }
0xb5: {  	_ =	swait.ge [sflag:s8], $0x4000  }
0xb6: {  	[sflag:s8] =	ssyncset.done $0x0  }
0xb7: {  	s0 =	rddreg [dreg:$0x6];
	[sflag:s8] =	ssyncadd.s32 $0xFFFFC000  }
0xb8: {  	[hbm4b:s0+s2] =	stream.linear.scatter [tilespmem:s6], [sflag:$0x3], $0x4000, $0x38;
	[tilespmem:$0x8800] =	vst v63  }
0xb9: {  	_ =	swait.ge [sflag:s9], $0x4000  }
0xba: {  	[sflag:s9] =	ssyncset.done $0x0  }
0xbb: {  	[sflag:s9] =	ssyncadd.s32 $0xFFFFC000  }
0xbc: {  	[tilespmem:s6], [sflag:$0x1] =	stream.indirect.gather [hbm4b:s4+s5], $0x80, s14, s5, $0xb8;
	[tilespmem:$0x8800] =	vst v63  }
0xbd: {  	_ =	swait.ge [sflag:s11], $0x4000  }
0xbe: {  	[sflag:s11] =	ssyncset.done $0x0  }
0xbf: {  	s0 =	rddreg [dreg:$0x7];
	[sflag:s11] =	ssyncadd.s32 $0xFFFFC000  }
0xc0: {  	[hbm4b:s0+s2] =	stream.linear.scatter [tilespmem:s7], [sflag:$0x4], $0x4000, $0x38;
	[tilespmem:$0x8800] =	vst v63  }
0xc1: {  	_ =	swait.ge [sflag:s12], $0x4000  }
0xc2: {  	[sflag:s12] =	ssyncset.done $0x0  }
0xc3: {  	[sflag:s12] =	ssyncadd.s32 $0xFFFFC000  }
0xc4: {  	[tilespmem:s7], [sflag:$0x2] =	stream.indirect.gather [hbm4b:s4+s5], $0x80, s15, s5, $0xb8;
	[tilespmem:$0x8800] =	vst v63  }
0xc5: {  	_ =	swait.ge [sflag:s8], $0x4000  }
0xc6: {  	[sflag:s8] =	ssyncset.done $0x0  }
0xc7: {  	s0 =	rddreg [dreg:$0x8];
	[sflag:s8] =	ssyncadd.s32 $0xFFFFC000  }
0xc8: {  	[hbm4b:s0+s2] =	stream.linear.scatter [tilespmem:s6], [sflag:$0x3], $0x4000, $0x38;
	[tilespmem:$0x8800] =	vst v63  }
0xc9: {  	_ =	swait.ge [sflag:s9], $0x4000  }
0xca: {  	[sflag:s9] =	ssyncset.done $0x0  }
0xcb: {  	[sflag:s9] =	ssyncadd.s32 $0xFFFFC000  }
0xcc: {  	[tilespmem:s6], [sflag:$0x1] =	stream.indirect.gather [hbm4b:s4+s5], $0x80, s16, s5, $0xb8;
	[tilespmem:$0x8800] =	vst v63  }
0xcd: {  	_ =	swait.ge [sflag:s11], $0x4000  }
0xce: {  	[sflag:s11] =	ssyncset.done $0x0  }
0xcf: {  	s0 =	rddreg [dreg:$0x9];
	[sflag:s11] =	ssyncadd.s32 $0xFFFFC000  }
0xd0: {  	[hbm4b:s0+s2] =	stream.linear.scatter [tilespmem:s7], [sflag:$0x4], $0x4000, $0x38;
	[tilespmem:$0x8800] =	vst v63  }
0xd1: {  	_ =	swait.ge [sflag:s12], $0x4000  }
0xd2: {  	[sflag:s12] =	ssyncset.done $0x0  }
0xd3: {  	[sflag:s12] =	ssyncadd.s32 $0xFFFFC000  }
0xd4: {  	[tilespmem:s7], [sflag:$0x2] =	stream.indirect.gather [hbm4b:s4+s5], $0x80, s17, s5, $0xb8;
	[tilespmem:$0x8800] =	vst v63  }
0xd5: {  	_ =	swait.ge [sflag:s8], $0x4000  }
0xd6: {  	[sflag:s8] =	ssyncset.done $0x0  }
0xd7: {  	s0 =	rddreg [dreg:$0xa];
	[sflag:s8] =	ssyncadd.s32 $0xFFFFC000  }
0xd8: {  	[hbm4b:s0+s2] =	stream.linear.scatter [tilespmem:s6], [sflag:$0x3], $0x4000, $0x38;
	[tilespmem:$0x8800] =	vst v63  }
0xd9: {  	_ =	swait.ge [sflag:s9], $0x4000  }
0xda: {  	[sflag:s9] =	ssyncset.done $0x0  }
0xdb: {  	[sflag:s9] =	ssyncadd.s32 $0xFFFFC000  }
0xdc: {  	[tilespmem:s6], [sflag:$0x1] =	stream.indirect.gather [hbm4b:s4+s5], $0x80, s18, s5, $0xb8;
	[tilespmem:$0x8800] =	vst v63  }
0xdd: {  	_ =	swait.ge [sflag:s11], $0x4000  }
0xde: {  	[sflag:s11] =	ssyncset.done $0x0  }
0xdf: {  	s0 =	rddreg [dreg:$0xb];
	[sflag:s11] =	ssyncadd.s32 $0xFFFFC000  }
0xe0: {  	[hbm4b:s0+s2] =	stream.linear.scatter [tilespmem:s7], [sflag:$0x4], $0x4000, $0x38;
	[tilespmem:$0x8800] =	vst v63  }
0xe1: {  	_ =	swait.ge [sflag:s12], $0x4000  }
0xe2: {  	[sflag:s12] =	ssyncset.done $0x0  }
0xe3: {  	[sflag:s12] =	ssyncadd.s32 $0xFFFFC000  }
0xe4: {  	[tilespmem:s7], [sflag:$0x2] =	stream.indirect.gather [hbm4b:s4+s5], $0x80, s19, s5, $0xb8;
	[tilespmem:$0x8800] =	vst v63  }
0xe5: {  	_ =	swait.ge [sflag:s8], $0x4000  }
0xe6: {  	[sflag:s8] =	ssyncset.done $0x0  }
0xe7: {  	s0 =	rddreg [dreg:$0xc];
	[sflag:s8] =	ssyncadd.s32 $0xFFFFC000  }
0xe8: {  	[hbm4b:s0+s2] =	stream.linear.scatter [tilespmem:s6], [sflag:$0x3], $0x4000, $0x38;
	[tilespmem:$0x8800] =	vst v63  }
0xe9: {  	_ =	swait.ge [sflag:s9], $0x4000  }
0xea: {  	[sflag:s9] =	ssyncset.done $0x0  }
0xeb: {  	[sflag:s9] =	ssyncadd.s32 $0xFFFFC000  }
0xec: {  	[tilespmem:s6], [sflag:$0x1] =	stream.indirect.gather [hbm4b:s4+s5], $0x80, s20, s5, $0xb8;
	[tilespmem:$0x8800] =	vst v63  }
0xed: {  	_ =	swait.ge [sflag:s11], $0x4000  }
0xee: {  	[sflag:s11] =	ssyncset.done $0x0  }
0xef: {  	s0 =	rddreg [dreg:$0xd];
	[sflag:s11] =	ssyncadd.s32 $0xFFFFC000  }
0xf0: {  	[hbm4b:s0+s2] =	stream.linear.scatter [tilespmem:s7], [sflag:$0x4], $0x4000, $0x38;
	[tilespmem:$0x8800] =	vst v63  }
0xf1: {  	_ =	swait.ge [sflag:s12], $0x4000  }
0xf2: {  	[sflag:s12] =	ssyncset.done $0x0  }
0xf3: {  	[sflag:s12] =	ssyncadd.s32 $0xFFFFC000  }
0xf4: {  	[tilespmem:s7], [sflag:$0x2] =	stream.indirect.gather [hbm4b:s4+s5], $0x80, s21, s5, $0xb8;
	[tilespmem:$0x8800] =	vst v63  }
0xf5: {  	_ =	swait.ge [sflag:s8], $0x4000  }
0xf6: {  	[sflag:s8] =	ssyncset.done $0x0  }
0xf7: {  	[sflag:s8] =	ssyncadd.s32 $0xFFFFC000  }
0xf8: {  	[hbm4b:s22+s2] =	stream.linear.scatter [tilespmem:s6], [sflag:$0x3], $0x4000, $0x38;
	[tilespmem:$0x8800] =	vst v63  }
0xf9: {  	_ =	swait.ge [sflag:s9], $0x4000  }
0xfa: {  	[sflag:s9] =	ssyncset.done $0x0  }
0xfb: {  	[sflag:s9] =	ssyncadd.s32 $0xFFFFC000  }
0xfc: {  	[tilespmem:s6], [sflag:$0x1] =	stream.indirect.gather [hbm4b:s4+s5], $0x80, s23, s5, $0xb8;
	[tilespmem:$0x8800] =	vst v63  }
0xfd: {  	_ =	swait.ge [sflag:s11], $0x4000  }
0xfe: {  	[sflag:s11] =	ssyncset.done $0x0  }
0xff: {  	[sflag:s11] =	ssyncadd.s32 $0xFFFFC000  }
0x100: {  	[hbm4b:s24+s2] =	stream.linear.scatter [tilespmem:s7], [sflag:$0x4], $0x4000, $0x38;
	[tilespmem:$0x8800] =	vst v63  }
0x101: {  	_ =	swait.ge [sflag:s12], $0x4000  }
0x102: {  	[sflag:s12] =	ssyncset.done $0x0  }
0x103: {  	[sflag:s12] =	ssyncadd.s32 $0xFFFFC000  }
0x104: {  	[tilespmem:s7], [sflag:$0x2] =	stream.indirect.gather [hbm4b:s4+s5], $0x80, s25, s5, $0xb8;
	[tilespmem:$0x8800] =	vst v63  }
0x105: {  	_ =	swait.ge [sflag:s8], $0x4000  }
0x106: {  	[sflag:s8] =	ssyncset.done $0x0  }
0x107: {  	[sflag:s8] =	ssyncadd.s32 $0xFFFFC000  }
0x108: {  	[hbm4b:s26+s2] =	stream.linear.scatter [tilespmem:s6], [sflag:$0x3], $0x4000, $0x38;
	[tilespmem:$0x8800] =	vst v63  }
0x109: {  	_ =	swait.ge [sflag:s9], $0x4000  }
0x10a: {  	[sflag:s9] =	ssyncset.done $0x0  }
0x10b: {  	[sflag:s9] =	ssyncadd.s32 $0xFFFFC000  }
0x10c: {  	[tilespmem:s6], [sflag:$0x1] =	stream.indirect.gather [hbm4b:s4+s5], $0x80, s28, s5, $0xb8;
	[tilespmem:$0x8800] =	vst v63  }
0x10d: {  	_ =	swait.ge [sflag:s11], $0x4000  }
0x10e: {  	[sflag:s11] =	ssyncset.done $0x0  }
0x10f: {  	[sflag:s11] =	ssyncadd.s32 $0xFFFFC000  }
0x110: {  	[hbm4b:s29+s2] =	stream.linear.scatter [tilespmem:s7], [sflag:$0x4], $0x4000, $0x38;
	[tilespmem:$0x8800] =	vst v63  }
0x111: {  	_ =	swait.ge [sflag:s12], $0x4000  }
0x112: {  	[sflag:s12] =	ssyncset.done $0x0  }
0x113: {  	[sflag:s12] =	ssyncadd.s32 $0xFFFFC000  }
0x114: {  	[tilespmem:s7], [sflag:$0x2] =	stream.indirect.gather [hbm4b:s4+s5], $0x80, s30, s5, $0xb8;
	[tilespmem:$0x8800] =	vst v63  }
0x115: {  	_ =	swait.ge [sflag:s8], $0x4000  }
0x116: {  	[sflag:s8] =	ssyncset.done $0x0  }
0x117: {  	[sflag:s8] =	ssyncadd.s32 $0xFFFFC000  }
0x118: {  	[hbm4b:s31+s2] =	stream.linear.scatter [tilespmem:s6], [sflag:$0x3], $0x4000, $0x38;
	[tilespmem:$0x8800] =	vst v63  }
0x119: {  	_ =	swait.ge [sflag:s11], $0x4000  }
0x11a: {  	[sflag:s11] =	ssyncset.done $0x0  }
0x11b: {  	p0 =	sne.s32 s1, $0x1;
	s0 =	rddreg [dreg:$0x4];
	[sflag:s11] =	ssyncadd.s32 $0xFFFFC000  }
0x11c: {  	[hbm4b:s0+s2] =	stream.linear.scatter [tilespmem:s7], [sflag:$0x4], $0x4000, $0x38;
	[tilespmem:$0x8800] =	vst v63  }
.Ltmp1:
0x11d: {  	_ =	swait.ge [sflag:s9], $0x4000;
	(pc) =	sbr.rel @p0 .LBB2_1-.Ltmp1, $4  }
0x11e: {  	[sflag:s9] =	ssyncset.done $0x0  }
0x11f: {  	[sflag:s9] =	ssyncadd.s32 $0xFFFFC000  }
0x120: {  	_ =	swait.ge [sflag:s12], $0x4000  }
0x121: {  	s1 =	sadd.s32 $0xFFFFFFFF, s1;
	[sflag:s12] =	ssyncset.done $0x0  }
.LBB2_2:
0x122: {  	[sflag:s12] =	ssyncadd.s32 $0xFFFFC000  }
0x123: {  	_ =	sfence.sel $0x180000  }
0x124: {  	[bflag:$0x0] =	sbarrier.arrive $0xFFFF  }
0x125: {  	_ =	strace $0x9000004D  }
0x126: {  	s0 =	stileid.u32;
	[bflag:$0x2] =	sbarrier.arrive $0xFFFF  }
0x127: {  	p0 =	sne.s32 s0, $0x0;
	s0 =	rddreg [dreg:$0x1]  }
0x128: {  	s0 =	sadd.s32 @!p0 $0x100000, s0  }
0x129: {  	[sflag:s0] =	ssyncadd.tile.s32 @!p0 $0x1;
	_ =	shalt  }
.Lfunc_end2:
_tile_overlayer_lowered:
.L_overlay_start_2:
0x12a: {  	(tag) =	ssettag $0x2  }
0x12b: {  	s0 =	rddreg [dreg:$0x0];
	s2 =	stileid.u32  }
0x12c: {  	s1 =	rddreg [dreg:$0x1];
	p0 =	sne.s32 s2, $0x0  }
0x12d: {  	s3 =	rddreg [dreg:$0x2];
	[bflag:$0x3] =	sbarrier.arrive $0xFFFF;
	s2 =	simm.s32 @!p0 $0x1C05  }
0x12e: {  	[timem:s3], [sflag:s2] =	dma.local @!p0 [hbm:s0], s1  }
0x12f: {  	s0 =	simm.s32 @!p0 $0x5  }
0x130: {  	_ =	swait.ge @!p0 [sflag:s0], s1  }
0x131: {  	s1 =	ssub.s32 @!p0 $0x0, s1;
	[sflag:s0] =	ssyncset.done @!p0 $0x0  }
0x132: {  	[sflag:s0] =	ssyncadd.s32 @!p0 s1  }
0x133: {  	[bflag:$0x3] =	sbarrier.arrive $0xFFFF  }
0x134: {  	_ =	shalt  }

// kernel: kernel.14.cloned.1.call-start
scs
__scs_entry_jumppad:
0x0: {  	(pc) =	sbr.rel $0x88, $3  }
0x1: {  	(tag) =	ssettag $0x0;
	lr =	simm.s32 $0x1  }
0x2: {  	[smem:$0x3F98] =	sst lr;
	_ =	strace $0xD0000000  }
0x3: {  	_ = 	snop  }
0x4: {  	_ = 	snop  }
0x5: {  	_ = 	snop  }
0x6: {  	_ = 	snop  }
0x7: {  	_ = 	snop  }
__scs_overlays_trampoline_lowered:
0x8: {  	[smem:$0x3FA7] =	sst s0  }
0x9: {  	[smem:$0x3FA8] =	sst s1  }
0xa: {  	[smem:$0x3FA9] =	sst s2  }
0xb: {  	[smem:$0x3FAA] =	sst s3  }
0xc: {  	[smem:$0x3FAB] =	sst s4  }
0xd: {  	[smem:$0x3FAC] =	sst s5  }
0xe: {  	[smem:$0x3FAD] =	sst s6  }
0xf: {  	[smem:$0x3FAE] =	sst s7  }
0x10: {  	[smem:$0x3FAF] =	sst s8  }
0x11: {  	[smem:$0x3FB0] =	sst s9;
	s0 =	simm.s32 @!p0 $0x0  }
0x12: {  	s1 =	sld [smem:$0x3F96];
	s0 =	simm.s32 @p0 $0x1  }
0x13: {  	[smem:$0x3FB1] =	sst s0;
	s0 =	simm.s32 @!p1 $0x0  }
0x14: {  	s2 =	sld [smem:$0x3F95];
	s0 =	simm.s32 @p1 $0x1  }
0x15: {  	[smem:$0x3FB2] =	sst s0;
	s0 =	simm.s32 @!p2 $0x0  }
0x16: {  	s3 =	sld [smem:$0x3FDB];
	s0 =	simm.s32 @p2 $0x1  }
0x17: {  	s4 =	simm.s32 $0x1BF5;
	[smem:$0x3FB4] =	sst s0  }
0x18: {  	s0 =	sld [smem:$0x3F97];
	_ =	swait.ge [sflag:s4], $0x0  }
0x19: {  	s7 =	sld [smem:$0x3F98]  }
0x1a: {  	s8 =	sadd.s32 $0xFFFFE003, lr  }
0x1b: {  	s9 =	sadd.s32 $0xFFFFFEF7, lr;
	s5 =	simm.s32 $0xFFFFFFFF;
	p2 =	slt.u32 s8, $0xFFFFF086  }
0x1c: {  	p1 =	slt.u32 s9, $0xF7A;
	s5 =	simm.s32 @!p2 $0x0  }
0x1d: {  	s5 =	simm.s32 @p1 $0x1;
	p0 =	seq.s32 s7, s2  }
0x1e: {  	s7 =	smul.u32 @!p0 $0xF7A, s2;
	p2 =	seq.s32 @!p0 s5, $0x0  }
0x1f: {  	s9 =	smul.u32 $0xF7A, s1;
	s8 =	simm.s32 @!p0 $0x1BF5;
	p2 =	por !p2, p0  }
0x20: {  	[sflag:s8] =	ssyncset.s32 @!p0 $0xFFFFF086;
	s6 =	sadd.s32 @!p0 s3, s7;
	s7 =	simm.s32 @!p0 $0x108  }
0x21: {  	s3 =	sadd.s32 s3, s9;
	s6 =	sadd.s32 @!p0 $0x88, s6;
	s7 =	simm.s32 @p2 $0x1082  }
0x22: {  	[simem:s7], [sflag:s8] =	dma.local @!p0 [hbm:s6], $0xF7A  }
0x23: {  	s9 =	sor.u32 $0xD0000000, s2;
	s6 =	simm.s32 $0x108;
	_ =	swait.ge @!p0 [sflag:s8], $0x0  }
0x24: {  	s3 =	sadd.s32 $0x88, s3;
	s6 =	simm.s32 @!p1 $0x1082;
	[sflag:s4] =	ssyncset.s32 $0xFFFFF086  }
0x25: {  	[simem:s6], [sflag:s4] =	dma.local [hbm:s3], $0xF7A  }
0x26: {  	[smem:$0x3F98] =	sst s1;
	(tag) =	ssettag s2;
	_ =	strace s9  }
0x27: {  	s1 =	sld [smem:$0x3FA8]  }
0x28: {  	s2 =	sld [smem:$0x3FA9]  }
0x29: {  	s4 =	sld [smem:$0x3FAB]  }
0x2a: {  	p0 =	seq.s32 s5, $0x0;
	s5 =	sld [smem:$0x3FAC]  }
0x2b: {  	s6 =	sld [smem:$0x3FAD]  }
0x2c: {  	s7 =	sld [smem:$0x3FAE]  }
0x2d: {  	s3 =	simm.s32 $0x108;
	s8 =	sld [smem:$0x3FAF]  }
0x2e: {  	s3 =	simm.s32 @!p0 $0x1082;
	s9 =	sld [smem:$0x3FB0]  }
0x2f: {  	lr =	sadd.s32 s0, s3;
	s0 =	sld [smem:$0x3FA7]  }
0x30: {  	s3 =	sld [smem:$0x3FAA]  }
0x31: {  	[smem:$0x3FB3] =	sst s10  }
0x32: {  	s10 =	sld [smem:$0x3FB1];
	_ =	sdelay $0x3  }
0x33: {  	p0 =	seq.s32 s10, $0x1;
	s10 =	sld [smem:$0x3FB3];
	_ =	sdelay $0x3  }
0x34: {  	[smem:$0x3FB3] =	sst s10  }
0x35: {  	s10 =	sld [smem:$0x3FB2];
	_ =	sdelay $0x3  }
0x36: {  	p1 =	seq.s32 s10, $0x1;
	s10 =	sld [smem:$0x3FB3];
	_ =	sdelay $0x3  }
0x37: {  	[smem:$0x3FB3] =	sst s10  }
0x38: {  	s10 =	sld [smem:$0x3FB4]  }
0x39: {  	_ = 	snop;
	(pc) =	sbr.ind lr, $3  }
0x3a: {  	_ = 	snop  }
0x3b: {  	_ = 	snop  }
0x3c: {  	p2 =	seq.s32 s10, $0x1;
	s10 =	sld [smem:$0x3FB3]  }
0x3d: {  	_ =	shalt  }
0x3e: {  	_ =	shalt  }
0x3f: {  	_ =	shalt  }
0x40: {  	_ =	shalt  }
0x41: {  	_ =	shalt  }
0x42: {  	_ =	shalt  }
0x43: {  	_ =	shalt  }
0x44: {  	_ =	shalt  }
0x45: {  	_ =	shalt  }
0x46: {  	_ =	shalt  }
0x47: {  	_ =	shalt  }
0x48: {  	_ =	shalt  }
0x49: {  	_ =	shalt  }
0x4a: {  	_ =	shalt  }
0x4b: {  	_ =	shalt  }
0x4c: {  	_ =	shalt  }
0x4d: {  	_ =	shalt  }
0x4e: {  	_ =	shalt  }
0x4f: {  	_ =	shalt  }
0x50: {  	_ =	shalt  }
0x51: {  	_ =	shalt  }
0x52: {  	_ =	shalt  }
0x53: {  	_ =	shalt  }
0x54: {  	_ =	shalt  }
0x55: {  	_ =	shalt  }
0x56: {  	_ =	shalt  }
0x57: {  	_ =	shalt  }
0x58: {  	_ =	shalt  }
0x59: {  	_ =	shalt  }
0x5a: {  	_ =	shalt  }
0x5b: {  	_ =	shalt  }
0x5c: {  	_ =	shalt  }
0x5d: {  	_ =	shalt  }
0x5e: {  	_ =	shalt  }
0x5f: {  	_ =	shalt  }
0x60: {  	_ =	shalt  }
0x61: {  	_ =	shalt  }
0x62: {  	_ =	shalt  }
0x63: {  	_ =	shalt  }
0x64: {  	_ =	shalt  }
0x65: {  	_ =	shalt  }
0x66: {  	_ =	shalt  }
0x67: {  	_ =	shalt  }
0x68: {  	_ =	shalt  }
0x69: {  	_ =	shalt  }
0x6a: {  	_ =	shalt  }
0x6b: {  	_ =	shalt  }
0x6c: {  	_ =	shalt  }
0x6d: {  	_ =	shalt  }
0x6e: {  	_ =	shalt  }
0x6f: {  	_ =	shalt  }
0x70: {  	_ =	shalt  }
0x71: {  	_ =	shalt  }
0x72: {  	_ =	shalt  }
0x73: {  	_ =	shalt  }
0x74: {  	_ =	shalt  }
0x75: {  	_ =	shalt  }
0x76: {  	_ =	shalt  }
0x77: {  	_ =	shalt  }
0x78: {  	_ =	shalt  }
0x79: {  	_ =	shalt  }
0x7a: {  	_ =	shalt  }
0x7b: {  	_ =	shalt  }
0x7c: {  	_ =	shalt  }
0x7d: {  	_ =	shalt  }
0x7e: {  	_ =	shalt  }
0x7f: {  	_ =	shalt  }
0x80: {  	_ =	shalt  }
0x81: {  	_ =	shalt  }
0x82: {  	_ =	shalt  }
0x83: {  	_ =	shalt  }
0x84: {  	_ =	shalt  }
0x85: {  	_ =	shalt  }
0x86: {  	_ =	shalt  }
0x87: {  	_ =	shalt  }
.Lfunc_end0:
.L_simem_size_0:
called_computation.2_lowered:
.L_overlay_start_0:
0x88: {  	s2 =	sld [smem:$0x3FD9]  }
0x89: {  	s3 =	sld [smem:$0x3FFE];
	_ =	sdelay $0x1  }
0x8a: {  	s1 =	srdreg.scid  }
0x8b: {  	s0 =	sand.u32 $0x1, s1  }
0x8c: {  	s17 =	sshll.u32 s0, $0xA;
	s2 =	sadd.s32 s3, s2  }
0x8d: {  	s2 =	sadd.s32 s2, s17  }
0x8e: {  	[smem:$0x3FBF] =	sst s2  }
0x8f: {  	_ = 	snop  }
0x90: {  	(tm) =	ssettm $0x1  }
0x91: {  	s18 =	sld [smem:$0x3FFB];
	_ =	sdelay $0x3  }
0x92: {  	_ =	strace s18  }
0x93: {  	s2 =	sld [smem:$0x3FFC];
	_ =	sdelay $0x3  }
0x94: {  	_ =	strace s2  }
0x95: {  	s2 =	sld [smem:$0x3FFD];
	_ =	sdelay $0x3  }
0x96: {  	_ =	strace s2  }
0x97: {  	_ =	strace $0x8FFFFFFF  }
0x98: {  	s19 =	sld [smem:$0x3FDB];
	_ =	sdelay $0x1  }
0x99: {  	s20 =	simm.s32 $_scs_section_size  }
0x9a: {  	s4 =	simm.s32 $_size__tile_overlayer_lowered;
	s5 =	simm.s32 $_tile_overlayer_lowered  }
0x9b: {  	s6 =	simm.s32 $0x1BFF;
	s21 =	sshll.u32 s5, $0x1;
	s3 =	sadd.s32 s20, s19  }
0x9c: {  	s22 =	simm.s32 $0x0;
	s4 =	sshll.u32 s4, $0x1;
	s5 =	sadd.s32 s21, s3  }
0x9d: {  	[timem:s22], [sflag:s6] =	dma.local [hbm:s5], s4  }
0x9e: {  	_ =	swait.ge [sflag:s6], s4  }
0x9f: {  	s4 =	ssub.s32 $0x0, s4;
	[sflag:s6] =	ssyncset.done $0x0  }
0xa0: {  	[sflag:s6] =	ssyncadd.s32 s4;
	_ =	sdelay $0x1  }
0xa1: {  	s23 =	simm.s32 $0x1B8B  }
0xa2: {  	_ =	swait.ge [sflag:s23], $0x1  }
0xa3: {  	[sflag:s23] =	ssyncset.done $0x0  }
0xa4: {  	[sflag:s23] =	ssyncadd.s32 $0xFFFFFFFF  }
0xa5: {  	s4 =	sld [smem:$0x0]  }
0xa6: {  	s5 =	sand.u32 $0xFFFFFFFE, s1  }
0xa7: {  	p0 =	sne.s32 s1, s5  }
0xa8: {  	s5 =	sshll.u32 @p0 s5, $0xE  }
0xa9: {  	s5 =	sadd.s32 @p0 $0x11B8D, s5;
	s6 =	sshll.u32 @p0 s4, $0x11  }
0xaa: {  	s5 =	sor.u32 @p0 s6, s5  }
0xab: {  	[sflag:s5] =	ssyncadd.remote.s32 @p0 $0x1;
	_ =	sdelay $0x1  }
0xac: {  	s5 =	simm.s32 @p0 $0x1B8D  }
0xad: {  	_ =	swait.eq @p0 [sflag:s5], $0x1  }
0xae: {  	[sflag:s5] =	ssyncadd.s32 @p0 $0xFFFFFFFF  }
0xaf: {  	s6 =	sshll.u32 @!p0 s1, $0xE  }
0xb0: {  	s6 =	sor.u32 @!p0 $0x4000, s6;
	s5 =	simm.s32 @!p0 $0x1B8D  }
0xb1: {  	s4 =	sshll.u32 @!p0 s4, $0x11;
	s6 =	sadd.s32 @!p0 $0x11B8D, s6;
	_ =	swait.eq @!p0 [sflag:s5], $0x1  }
0xb2: {  	s4 =	sor.u32 @!p0 s4, s6;
	[sflag:s5] =	ssyncadd.s32 @!p0 $0xFFFFFFFF  }
0xb3: {  	s25 =	simm.s32 $0x1B8E;
	s24 =	sld [smem:$0x3FFE];
	[sflag:s4] =	ssyncadd.remote.s32 @!p0 $0x1  }
0xb4: {  	s26 =	simm.s32 $execute0_lowered;
	[smem:$0x3FD2] =	sst s25  }
0xb5: {  	s5 =	sshll.u32 s26, $0x1;
	_ =	strace $0x80000049;
	[dreg:$0x1] =	wrdreg $0xFFFFFFFF  }
0xb6: {  	s28 =	simm.s32 $_size_execute0_lowered;
	s3 =	sadd.s32 s3, s5;
	[dreg:$0x0] =	wrdreg $0x0  }
0xb7: {  	s5 =	sshll.u32 s28, $0x1;
	[dreg:$0x2] =	wrdreg s3  }
0xb8: {  	[dreg:$0x3] =	wrdreg s5  }
0xb9: {  	[dreg:$0x4] =	wrdreg $0xC0  }
0xba: {  	_ =	task [dreg:s22], $0x5FFFF  }
0xbb: {  	[dreg:$0x1] =	wrdreg $0xFFFFFFFF  }
0xbc: {  	[dreg:$0x0] =	wrdreg $0x60  }
0xbd: {  	[dreg:$0x2] =	wrdreg s24  }
0xbe: {  	[dreg:$0x3] =	wrdreg $0xB  }
0xbf: {  	_ =	task.clear_ibuf [dreg:s22], $0x4FFFF;
	_ =	strace $0x90000049  }
0xc0: {  	s29 =	simm.s32 $0xB;
	_ =	strace $0x8000004B  }
0xc1: {  	_ =	swait.ge [sflag:s29], $0x1  }
0xc2: {  	[sflag:s29] =	ssyncadd.s32 $0xFFFFFFFF  }
0xc3: {  	_ =	strace $0x9000004B  }
0xc4: {  	_ =	sfence  }
0xc5: {  	s30 =	sld [smem:$0x0];
	_ =	sdelay $0x2  }
0xc6: {  	s31 =	sshll.u32 s1, $0xD;
	s1 =	sshrl.u32 s1, $0x2  }
0xc7: {  	s4 =	sand.u32 $0x4000, s31;
	s1 =	sadd.s32 s1, s30  }
0xc8: {  	s0 =	sor.u32 s4, s0;
	s1 =	sshll.u32 s1, $0x11  }
0xc9: {  	s0 =	sor.u32 s1, s0  }
0xca: {  	s0 =	sadd.s32 $0x8F2B, s0  }
0xcb: {  	[sflag:s0] =	ssyncadd.remote.s32 $0x1  }
0xcc: {  	_ =	sfence.sel $0xFFFF  }
0xcd: {  	[dreg:$0x0] =	wrdreg $0xFFFFFFFF;
	(pc) =	sbr.abs _section_cstart, $3  }
0xce: {  	[dreg:$0x1] =	wrdreg $0xFFFFFFFF  }
0xcf: {  	_ =	task.clear_ibuf [dreg:s22], $0x2FFFF;
	_ =	strace $0x9FFFFFFF  }
0xd0: {  	(tm) =	ssettm $0x7FFFFFFF  }
0xd1: {  	_ =	shalt  }
tec
execute0_lowered:
.L_overlay_start_1:
0x0: {  	(tag) =	ssettag $0x1  }
0x1: {  	s1 =	srdreg.scid;
	s4 =	stileid.u32  }
0x2: {  	s3 =	sand.u32 $0x1, s1;
	s23 =	sshll.u32 s4, $0x1  }
0x3: {  	s0 =	rddreg [dreg:$0x0];
	s2 =	simm.s32 $0x0;
	s1 =	sor.u32 s3, s23  }
0x4: {  	[smem:$0x7FF] =	sst s2;
	s6 =	sadd.s32 $0x41A200, s0;
	s24 =	sshll.u32 s1, $0x8  }
0x5: {  	_ =	strace $0x8000004A;
	s5 =	sshll.u32 s1, $0x4;
	s4 =	sadd.s32 s24, s0  }
0x6: {  	s7 =	sshll.u32 s1, $0x9;
	s1 =	sshll.u32 s1, $0xF;
	s8 =	sadd.s32 $0x28D800, s4  }
0x7: {  	s5 =	sadd.s32 s5, s0;
	s4 =	sadd.s32 $0x28B800, s4;
	[dreg:$0x2] =	wrdreg s8  }
0x8: {  	s7 =	sadd.s32 s7, s0;
	s25 =	sadd.s32 $0x28B600, s5;
	[dreg:$0x3] =	wrdreg s4  }
0x9: {  	s31 =	sadd.s32 s6, s1;
	s26 =	sadd.s32 $0x416200, s7;
	[dreg:$0x4] =	wrdreg s25  }
0xa: {  	s9 =	sadd.s32 $0x1800, s31;
	[dreg:$0x5] =	wrdreg s26  }
0xb: {  	s10 =	sadd.s32 $0x2000, s31;
	[dreg:$0x8] =	wrdreg s9  }
0xc: {  	s11 =	sadd.s32 $0x2800, s31;
	[dreg:$0x9] =	wrdreg s10  }
0xd: {  	s12 =	sadd.s32 $0x3000, s31;
	[dreg:$0xa] =	wrdreg s11  }
0xe: {  	s13 =	sadd.s32 $0x3800, s31;
	[dreg:$0xb] =	wrdreg s12  }
0xf: {  	s30 =	simm.s32 $0x100;
	s14 =	sadd.s32 $0x4000, s31;
	[dreg:$0xc] =	wrdreg s13  }
0x10: {  	s29 =	simm.s32 $0x180;
	s15 =	sadd.s32 $0x4800, s31;
	[dreg:$0xd] =	wrdreg s14  }
0x11: {  	s28 =	simm.s32 $0x200;
	s16 =	sadd.s32 $0x5000, s31;
	[dreg:$0xe] =	wrdreg s15  }
0x12: {  	p0 =	por $0x0, $0x0;
	s17 =	sadd.s32 $0x5800, s31;
	[dreg:$0xf] =	wrdreg s16  }
0x13: {  	s19 =	sadd.s32 $0x51A200, s0;
	s18 =	sadd.s32 $0x6000, s31;
	[dreg:$0x10] =	wrdreg s17  }
0x14: {  	s3 =	ssub.s32 $0x2, s3;
	s20 =	sadd.s32 $0x6800, s31;
	[dreg:$0x11] =	wrdreg s18  }
0x15: {  	s22 =	sor.u32 $0x7800, s1;
	s21 =	sadd.s32 $0x7000, s31;
	[dreg:$0x12] =	wrdreg s20  }
0x16: {  	s5 =	sor.u32 $0x800, s1;
	s24 =	sadd.s32 s6, s22;
	[dreg:$0x13] =	wrdreg s21  }
0x17: {  	s23 =	sadd.s32 s19, s1;
	s7 =	sadd.s32 s6, s5;
	[dreg:$0x14] =	wrdreg s24  }
0x18: {  	s8 =	sadd.s32 $0x1000, s31;
	s25 =	sadd.s32 $0x7000, s23;
	[dreg:$0x6] =	wrdreg s7  }
0x19: {  	s26 =	sadd.s32 s19, s22;
	s22 =	sadd.s32 s19, s5;
	[dreg:$0x7] =	wrdreg s8  }
0x1a: {  	s4 =	sadd.s32 $0x1000, s23;
	s6 =	sadd.s32 $0x2000, s23;
	[dreg:$0x15] =	wrdreg s25  }
0x1b: {  	s10 =	sadd.s32 $0x4000, s23;
	s12 =	sadd.s32 $0x5000, s23;
	[dreg:$0x16] =	wrdreg s26  }
0x1c: {  	s14 =	sshrl.u32 s3, $0x1;
	s15 =	sadd.s32 $0x6000, s23;
	[dreg:$0x17] =	wrdreg s4  }
0x1d: {  	s24 =	simm.s32 $0x380;
	s21 =	simm.s32 $0x400;
	[dreg:$0x19] =	wrdreg s6  }
0x1e: {  	s20 =	simm.s32 $0x480;
	s19 =	simm.s32 $0x500;
	[dreg:$0x1d] =	wrdreg s10  }
0x1f: {  	s18 =	simm.s32 $0x20;
	s5 =	sadd.s32 $0x1000, s22;
	[dreg:$0x1f] =	wrdreg s12  }
0x20: {  	s7 =	sadd.s32 $0x2000, s22;
	s8 =	sadd.s32 $0x3000, s23;
	[smem:$0x7FB] =	sst s15  }
0x21: {  	s9 =	sadd.s32 $0x3000, s22;
	s11 =	sadd.s32 $0x4000, s22;
	[smem:$0x7FD] =	sst s18  }
0x22: {  	s13 =	sadd.s32 $0x5000, s22;
	s3 =	ssub.s32 s3, s14;
	s1 =	rddreg [dreg:$0x2]  }
0x23: {  	s16 =	sadd.s32 $0x6000, s22;
	s4 =	sadd.s32 $0x28F800, s0;
	[dreg:$0x18] =	wrdreg s5  }
0x24: {  	s12 =	simm.s32 $0x80;
	s10 =	simm.s32 $0x2;
	[dreg:$0x1a] =	wrdreg s7  }
0x25: {  	s6 =	simm.s32 $0x4;
	s26 =	simm.s32 $0x280;
	[dreg:$0x1b] =	wrdreg s8  }
0x26: {  	s25 =	simm.s32 $0x300;
	[dreg:$0x1c] =	wrdreg s9;
	s17 =	smax.u32 s3, $0x1  }
0x27: {  	s18 =	simm.s32 $0x580;
	[dreg:$0x1e] =	wrdreg s11;
	p1 =	sne.s32 s17, $0x1  }
.Ltmp0:
0x28: {  	s15 =	simm.s32 $0x700;
	[smem:$0x7FA] =	sst s13;
	(pc) =	sbr.rel @!p1 .LBB2_3-.Ltmp0, $4  }
0x29: {  	s14 =	simm.s32 $0x780;
	[smem:$0x7FC] =	sst s16;
	s3 =	simm.s32 $0x5  }
0x2a: {  	s9 =	simm.s32 $0x800;
	s8 =	simm.s32 $0x4800;
	s5 =	simm.s32 $0x1  }
0x2b: {  	s7 =	simm.s32 $0x3;
	s16 =	simm.s32 $0x680;
	s13 =	simm.s32 $0x8800  }
0x2c: {  	s11 =	simm.s32 $0x8880;
	s0 =	sadd.s32 $0xFFFFFFFF, s17;
	s17 =	simm.s32 $0x600  }
0x2d: {  	[tilespmem:s2], [sflag:$0x5] =	stream.linear.gather [hbm4b:s1+s2], $0x800, $0x38;
	[tilespmem:$0x9880] =	vst v63  }
0x2e: {  	_ =	swait.ge [sflag:s3], $0x800  }
0x2f: {  	[sflag:s3] =	ssyncset.done $0x0  }
0x30: {  	[sflag:s3] =	ssyncadd.s32 $0xFFFFF800  }
0x31: {  	[tilespmem:s9], [sflag:$0x1] =	stream.indirect.gather [hbm4b:s4+s12], $0x80, s2, s12, $0xb8;
	[tilespmem:$0x9880] =	vst v63  }
0x32: {  	_ = 	snop  }
0x33: {  	[tilespmem:s8], [sflag:$0x2] =	stream.indirect.gather [hbm4b:s4+s12], $0x80, s12, s12, $0xb8;
	[tilespmem:$0x9880] =	vst v63  }
0x34: {  	_ =	swait.ge [sflag:s5], $0x4000  }
0x35: {  	[sflag:s5] =	ssyncset.done $0x0  }
0x36: {  	[sflag:s5] =	ssyncadd.s32 $0xFFFFC000  }
0x37: {  	[hbm4b:s31+s2] =	stream.linear.scatter [tilespmem:s9], [sflag:$0x3], $0x4000, $0x38;
	[tilespmem:$0x9880] =	vst v63  }
0x38: {  	_ =	swait.ge [sflag:s7], $0x4000  }
0x39: {  	[sflag:s7] =	ssyncset.done $0x0  }
0x3a: {  	[sflag:s7] =	ssyncadd.s32 $0xFFFFC000  }
0x3b: {  	[tilespmem:s9], [sflag:$0x1] =	stream.indirect.gather [hbm4b:s4+s12], $0x80, s30, s12, $0xb8;
	[tilespmem:$0x9880] =	vst v63  }
0x3c: {  	_ =	swait.ge [sflag:s10], $0x4000  }
0x3d: {  	[sflag:s10] =	ssyncset.done $0x0  }
0x3e: {  	s1 =	rddreg [dreg:$0x6];
	[sflag:s10] =	ssyncadd.s32 $0xFFFFC000  }
0x3f: {  	[hbm4b:s1+s2] =	stream.linear.scatter [tilespmem:s8], [sflag:$0x4], $0x4000, $0x38;
	[tilespmem:$0x9880] =	vst v63  }
0x40: {  	_ =	swait.ge [sflag:s6], $0x4000  }
0x41: {  	[sflag:s6] =	ssyncset.done $0x0  }
0x42: {  	[sflag:s6] =	ssyncadd.s32 $0xFFFFC000  }
0x43: {  	[tilespmem:s8], [sflag:$0x2] =	stream.indirect.gather [hbm4b:s4+s12], $0x80, s29, s12, $0xb8;
	[tilespmem:$0x9880] =	vst v63  }
0x44: {  	_ =	swait.ge [sflag:s5], $0x4000  }
0x45: {  	[sflag:s5] =	ssyncset.done $0x0  }
0x46: {  	s1 =	rddreg [dreg:$0x7];
	[sflag:s5] =	ssyncadd.s32 $0xFFFFC000  }
0x47: {  	[hbm4b:s1+s2] =	stream.linear.scatter [tilespmem:s9], [sflag:$0x3], $0x4000, $0x38;
	[tilespmem:$0x9880] =	vst v63  }
0x48: {  	_ =	swait.ge [sflag:s7], $0x4000  }
0x49: {  	[sflag:s7] =	ssyncset.done $0x0  }
0x4a: {  	[sflag:s7] =	ssyncadd.s32 $0xFFFFC000  }
0x4b: {  	[tilespmem:s9], [sflag:$0x1] =	stream.indirect.gather [hbm4b:s4+s12], $0x80, s28, s12, $0xb8;
	[tilespmem:$0x9880] =	vst v63  }
0x4c: {  	_ =	swait.ge [sflag:s10], $0x4000  }
0x4d: {  	[sflag:s10] =	ssyncset.done $0x0  }
0x4e: {  	s1 =	rddreg [dreg:$0x8];
	[sflag:s10] =	ssyncadd.s32 $0xFFFFC000  }
0x4f: {  	[hbm4b:s1+s2] =	stream.linear.scatter [tilespmem:s8], [sflag:$0x4], $0x4000, $0x38;
	[tilespmem:$0x9880] =	vst v63  }
0x50: {  	_ =	swait.ge [sflag:s6], $0x4000  }
0x51: {  	[sflag:s6] =	ssyncset.done $0x0  }
0x52: {  	[sflag:s6] =	ssyncadd.s32 $0xFFFFC000  }
0x53: {  	[tilespmem:s8], [sflag:$0x2] =	stream.indirect.gather [hbm4b:s4+s12], $0x80, s26, s12, $0xb8;
	[tilespmem:$0x9880] =	vst v63  }
0x54: {  	_ =	swait.ge [sflag:s5], $0x4000  }
0x55: {  	[sflag:s5] =	ssyncset.done $0x0  }
0x56: {  	s1 =	rddreg [dreg:$0x9];
	[sflag:s5] =	ssyncadd.s32 $0xFFFFC000  }
0x57: {  	[hbm4b:s1+s2] =	stream.linear.scatter [tilespmem:s9], [sflag:$0x3], $0x4000, $0x38;
	[tilespmem:$0x9880] =	vst v63  }
0x58: {  	_ =	swait.ge [sflag:s7], $0x4000  }
0x59: {  	[sflag:s7] =	ssyncset.done $0x0  }
0x5a: {  	[sflag:s7] =	ssyncadd.s32 $0xFFFFC000  }
0x5b: {  	[tilespmem:s9], [sflag:$0x1] =	stream.indirect.gather [hbm4b:s4+s12], $0x80, s25, s12, $0xb8;
	[tilespmem:$0x9880] =	vst v63  }
0x5c: {  	_ =	swait.ge [sflag:s10], $0x4000  }
0x5d: {  	[sflag:s10] =	ssyncset.done $0x0  }
0x5e: {  	s1 =	rddreg [dreg:$0xa];
	[sflag:s10] =	ssyncadd.s32 $0xFFFFC000  }
0x5f: {  	[hbm4b:s1+s2] =	stream.linear.scatter [tilespmem:s8], [sflag:$0x4], $0x4000, $0x38;
	[tilespmem:$0x9880] =	vst v63  }
0x60: {  	_ =	swait.ge [sflag:s6], $0x4000  }
0x61: {  	[sflag:s6] =	ssyncset.done $0x0  }
0x62: {  	[sflag:s6] =	ssyncadd.s32 $0xFFFFC000  }
0x63: {  	[tilespmem:s8], [sflag:$0x2] =	stream.indirect.gather [hbm4b:s4+s12], $0x80, s24, s12, $0xb8;
	[tilespmem:$0x9880] =	vst v63  }
0x64: {  	_ =	swait.ge [sflag:s5], $0x4000  }
0x65: {  	[sflag:s5] =	ssyncset.done $0x0  }
0x66: {  	s1 =	rddreg [dreg:$0xb];
	[sflag:s5] =	ssyncadd.s32 $0xFFFFC000  }
0x67: {  	[hbm4b:s1+s2] =	stream.linear.scatter [tilespmem:s9], [sflag:$0x3], $0x4000, $0x38;
	[tilespmem:$0x9880] =	vst v63  }
0x68: {  	_ =	swait.ge [sflag:s7], $0x4000  }
0x69: {  	[sflag:s7] =	ssyncset.done $0x0  }
0x6a: {  	[sflag:s7] =	ssyncadd.s32 $0xFFFFC000  }
0x6b: {  	[tilespmem:s9], [sflag:$0x1] =	stream.indirect.gather [hbm4b:s4+s12], $0x80, s21, s12, $0xb8;
	[tilespmem:$0x9880] =	vst v63  }
0x6c: {  	_ =	swait.ge [sflag:s10], $0x4000  }
0x6d: {  	[sflag:s10] =	ssyncset.done $0x0  }
0x6e: {  	s1 =	rddreg [dreg:$0xc];
	[sflag:s10] =	ssyncadd.s32 $0xFFFFC000  }
0x6f: {  	[hbm4b:s1+s2] =	stream.linear.scatter [tilespmem:s8], [sflag:$0x4], $0x4000, $0x38;
	[tilespmem:$0x9880] =	vst v63  }
0x70: {  	_ =	swait.ge [sflag:s6], $0x4000  }
0x71: {  	[sflag:s6] =	ssyncset.done $0x0  }
0x72: {  	[sflag:s6] =	ssyncadd.s32 $0xFFFFC000  }
0x73: {  	[tilespmem:s8], [sflag:$0x2] =	stream.indirect.gather [hbm4b:s4+s12], $0x80, s20, s12, $0xb8;
	[tilespmem:$0x9880] =	vst v63  }
0x74: {  	_ =	swait.ge [sflag:s5], $0x4000  }
0x75: {  	[sflag:s5] =	ssyncset.done $0x0  }
0x76: {  	s1 =	rddreg [dreg:$0xd];
	[sflag:s5] =	ssyncadd.s32 $0xFFFFC000  }
0x77: {  	[hbm4b:s1+s2] =	stream.linear.scatter [tilespmem:s9], [sflag:$0x3], $0x4000, $0x38;
	[tilespmem:$0x9880] =	vst v63  }
0x78: {  	_ =	swait.ge [sflag:s7], $0x4000  }
0x79: {  	[sflag:s7] =	ssyncset.done $0x0  }
0x7a: {  	[sflag:s7] =	ssyncadd.s32 $0xFFFFC000  }
0x7b: {  	[tilespmem:s9], [sflag:$0x1] =	stream.indirect.gather [hbm4b:s4+s12], $0x80, s19, s12, $0xb8;
	[tilespmem:$0x9880] =	vst v63  }
0x7c: {  	_ =	swait.ge [sflag:s10], $0x4000  }
0x7d: {  	[sflag:s10] =	ssyncset.done $0x0  }
0x7e: {  	s1 =	rddreg [dreg:$0xe];
	[sflag:s10] =	ssyncadd.s32 $0xFFFFC000  }
0x7f: {  	[hbm4b:s1+s2] =	stream.linear.scatter [tilespmem:s8], [sflag:$0x4], $0x4000, $0x38;
	[tilespmem:$0x9880] =	vst v63  }
0x80: {  	_ =	swait.ge [sflag:s6], $0x4000  }
0x81: {  	[sflag:s6] =	ssyncset.done $0x0  }
0x82: {  	[sflag:s6] =	ssyncadd.s32 $0xFFFFC000  }
0x83: {  	[tilespmem:s8], [sflag:$0x2] =	stream.indirect.gather [hbm4b:s4+s12], $0x80, s18, s12, $0xb8;
	[tilespmem:$0x9880] =	vst v63  }
0x84: {  	_ =	swait.ge [sflag:s5], $0x4000  }
0x85: {  	[sflag:s5] =	ssyncset.done $0x0  }
0x86: {  	s1 =	rddreg [dreg:$0xf];
	[sflag:s5] =	ssyncadd.s32 $0xFFFFC000  }
0x87: {  	[hbm4b:s1+s2] =	stream.linear.scatter [tilespmem:s9], [sflag:$0x3], $0x4000, $0x38;
	[tilespmem:$0x9880] =	vst v63  }
0x88: {  	_ =	swait.ge [sflag:s7], $0x4000  }
0x89: {  	[sflag:s7] =	ssyncset.done $0x0  }
0x8a: {  	[sflag:s7] =	ssyncadd.s32 $0xFFFFC000  }
0x8b: {  	[tilespmem:s9], [sflag:$0x1] =	stream.indirect.gather [hbm4b:s4+s12], $0x80, s17, s12, $0xb8;
	[tilespmem:$0x9880] =	vst v63  }
0x8c: {  	_ =	swait.ge [sflag:s10], $0x4000  }
0x8d: {  	[sflag:s10] =	ssyncset.done $0x0  }
0x8e: {  	s1 =	rddreg [dreg:$0x10];
	[sflag:s10] =	ssyncadd.s32 $0xFFFFC000  }
0x8f: {  	[hbm4b:s1+s2] =	stream.linear.scatter [tilespmem:s8], [sflag:$0x4], $0x4000, $0x38;
	[tilespmem:$0x9880] =	vst v63  }
0x90: {  	_ =	swait.ge [sflag:s6], $0x4000  }
0x91: {  	[sflag:s6] =	ssyncset.done $0x0  }
0x92: {  	[sflag:s6] =	ssyncadd.s32 $0xFFFFC000  }
0x93: {  	[tilespmem:s8], [sflag:$0x2] =	stream.indirect.gather [hbm4b:s4+s12], $0x80, s16, s12, $0xb8;
	[tilespmem:$0x9880] =	vst v63  }
0x94: {  	_ =	swait.ge [sflag:s5], $0x4000  }
0x95: {  	[sflag:s5] =	ssyncset.done $0x0  }
0x96: {  	s1 =	rddreg [dreg:$0x11];
	[sflag:s5] =	ssyncadd.s32 $0xFFFFC000  }
0x97: {  	[hbm4b:s1+s2] =	stream.linear.scatter [tilespmem:s9], [sflag:$0x3], $0x4000, $0x38;
	[tilespmem:$0x9880] =	vst v63  }
0x98: {  	_ =	swait.ge [sflag:s7], $0x4000  }
0x99: {  	[sflag:s7] =	ssyncset.done $0x0  }
0x9a: {  	[sflag:s7] =	ssyncadd.s32 $0xFFFFC000  }
0x9b: {  	[tilespmem:s9], [sflag:$0x1] =	stream.indirect.gather [hbm4b:s4+s12], $0x80, s15, s12, $0xb8;
	[tilespmem:$0x9880] =	vst v63  }
0x9c: {  	_ =	swait.ge [sflag:s10], $0x4000  }
0x9d: {  	[sflag:s10] =	ssyncset.done $0x0  }
0x9e: {  	s1 =	rddreg [dreg:$0x12];
	[sflag:s10] =	ssyncadd.s32 $0xFFFFC000  }
0x9f: {  	[hbm4b:s1+s2] =	stream.linear.scatter [tilespmem:s8], [sflag:$0x4], $0x4000, $0x38;
	[tilespmem:$0x9880] =	vst v63  }
0xa0: {  	_ =	swait.ge [sflag:s6], $0x4000  }
0xa1: {  	[sflag:s6] =	ssyncset.done $0x0  }
0xa2: {  	[sflag:s6] =	ssyncadd.s32 $0xFFFFC000  }
0xa3: {  	[tilespmem:s8], [sflag:$0x2] =	stream.indirect.gather [hbm4b:s4+s12], $0x80, s14, s12, $0xb8;
	[tilespmem:$0x9880] =	vst v63  }
0xa4: {  	_ =	swait.ge [sflag:s5], $0x4000  }
0xa5: {  	[sflag:s5] =	ssyncset.done $0x0  }
0xa6: {  	s1 =	rddreg [dreg:$0x13];
	[sflag:s5] =	ssyncadd.s32 $0xFFFFC000  }
0xa7: {  	[hbm4b:s1+s2] =	stream.linear.scatter [tilespmem:s9], [sflag:$0x3], $0x4000, $0x38;
	[tilespmem:$0x9880] =	vst v63  }
0xa8: {  	_ =	swait.ge [sflag:s10], $0x4000  }
0xa9: {  	[sflag:s10] =	ssyncset.done $0x0  }
0xaa: {  	s1 =	rddreg [dreg:$0x14];
	[sflag:s10] =	ssyncadd.s32 $0xFFFFC000  }
0xab: {  	[hbm4b:s1+s2] =	stream.linear.scatter [tilespmem:s8], [sflag:$0x4], $0x4000, $0x38;
	[tilespmem:$0x9880] =	vst v63  }
0xac: {  	_ =	swait.ge [sflag:s7], $0x4000  }
0xad: {  	[sflag:s7] =	ssyncset.done $0x0  }
0xae: {  	[sflag:s7] =	ssyncadd.s32 $0xFFFFC000  }
0xaf: {  	_ =	swait.ge [sflag:s6], $0x4000  }
0xb0: {  	[sflag:s6] =	ssyncset.done $0x0  }
0xb1: {  	s1 =	rddreg [dreg:$0x3];
	[sflag:s6] =	ssyncadd.s32 $0xFFFFC000  }
0xb2: {  	[tilespmem:s2], [sflag:$0x5] =	stream.linear.gather [hbm4b:s1+s2], $0x800, $0x38;
	[tilespmem:$0x9880] =	vst v63  }
0xb3: {  	_ =	swait.ge [sflag:s3], $0x800  }
0xb4: {  	[sflag:s3] =	ssyncset.done $0x0  }
0xb5: {  	[sflag:s3] =	ssyncadd.s32 $0xFFFFF800  }
0xb6: {  	[tilespmem:s9], [sflag:$0x1] =	stream.indirect.gather [hbm4b:s4+s12], $0x80, s2, s12, $0xb8;
	[tilespmem:$0x9880] =	vst v63  }
0xb7: {  	_ = 	snop  }
0xb8: {  	[tilespmem:s8], [sflag:$0x2] =	stream.indirect.gather [hbm4b:s4+s12], $0x80, s12, s12, $0xb8;
	[tilespmem:$0x9880] =	vst v63  }
0xb9: {  	_ =	swait.ge [sflag:s5], $0x4000  }
0xba: {  	[sflag:s5] =	ssyncset.done $0x0  }
0xbb: {  	[sflag:s5] =	ssyncadd.s32 $0xFFFFC000  }
0xbc: {  	[hbm4b:s23+s2] =	stream.linear.scatter [tilespmem:s9], [sflag:$0x3], $0x4000, $0x38;
	[tilespmem:$0x9880] =	vst v63  }
0xbd: {  	_ =	swait.ge [sflag:s7], $0x4000  }
0xbe: {  	[sflag:s7] =	ssyncset.done $0x0  }
0xbf: {  	[sflag:s7] =	ssyncadd.s32 $0xFFFFC000  }
0xc0: {  	[tilespmem:s9], [sflag:$0x1] =	stream.indirect.gather [hbm4b:s4+s12], $0x80, s30, s12, $0xb8;
	[tilespmem:$0x9880] =	vst v63  }
0xc1: {  	_ =	swait.ge [sflag:s10], $0x4000  }
0xc2: {  	[sflag:s10] =	ssyncset.done $0x0  }
0xc3: {  	[sflag:s10] =	ssyncadd.s32 $0xFFFFC000  }
0xc4: {  	[hbm4b:s22+s2] =	stream.linear.scatter [tilespmem:s8], [sflag:$0x4], $0x4000, $0x38;
	[tilespmem:$0x9880] =	vst v63  }
0xc5: {  	_ =	swait.ge [sflag:s6], $0x4000  }
0xc6: {  	[sflag:s6] =	ssyncset.done $0x0  }
0xc7: {  	[sflag:s6] =	ssyncadd.s32 $0xFFFFC000  }
0xc8: {  	[tilespmem:s8], [sflag:$0x2] =	stream.indirect.gather [hbm4b:s4+s12], $0x80, s29, s12, $0xb8;
	[tilespmem:$0x9880] =	vst v63  }
0xc9: {  	_ =	swait.ge [sflag:s5], $0x4000  }
0xca: {  	[sflag:s5] =	ssyncset.done $0x0  }
0xcb: {  	s1 =	rddreg [dreg:$0x17];
	[sflag:s5] =	ssyncadd.s32 $0xFFFFC000  }
0xcc: {  	[hbm4b:s1+s2] =	stream.linear.scatter [tilespmem:s9], [sflag:$0x3], $0x4000, $0x38;
	[tilespmem:$0x9880] =	vst v63  }
0xcd: {  	_ =	swait.ge [sflag:s7], $0x4000  }
0xce: {  	[sflag:s7] =	ssyncset.done $0x0  }
0xcf: {  	[sflag:s7] =	ssyncadd.s32 $0xFFFFC000  }
0xd0: {  	[tilespmem:s9], [sflag:$0x1] =	stream.indirect.gather [hbm4b:s4+s12], $0x80, s28, s12, $0xb8;
	[tilespmem:$0x9880] =	vst v63  }
0xd1: {  	_ =	swait.ge [sflag:s10], $0x4000  }
0xd2: {  	[sflag:s10] =	ssyncset.done $0x0  }
0xd3: {  	s1 =	rddreg [dreg:$0x18];
	[sflag:s10] =	ssyncadd.s32 $0xFFFFC000  }
0xd4: {  	[hbm4b:s1+s2] =	stream.linear.scatter [tilespmem:s8], [sflag:$0x4], $0x4000, $0x38;
	[tilespmem:$0x9880] =	vst v63  }
0xd5: {  	_ =	swait.ge [sflag:s6], $0x4000  }
0xd6: {  	[sflag:s6] =	ssyncset.done $0x0  }
0xd7: {  	[sflag:s6] =	ssyncadd.s32 $0xFFFFC000  }
0xd8: {  	[tilespmem:s8], [sflag:$0x2] =	stream.indirect.gather [hbm4b:s4+s12], $0x80, s26, s12, $0xb8;
	[tilespmem:$0x9880] =	vst v63  }
0xd9: {  	_ =	swait.ge [sflag:s5], $0x4000  }
0xda: {  	[sflag:s5] =	ssyncset.done $0x0  }
0xdb: {  	s1 =	rddreg [dreg:$0x19];
	[sflag:s5] =	ssyncadd.s32 $0xFFFFC000  }
0xdc: {  	[hbm4b:s1+s2] =	stream.linear.scatter [tilespmem:s9], [sflag:$0x3], $0x4000, $0x38;
	[tilespmem:$0x9880] =	vst v63  }
0xdd: {  	_ =	swait.ge [sflag:s7], $0x4000  }
0xde: {  	[sflag:s7] =	ssyncset.done $0x0  }
0xdf: {  	[sflag:s7] =	ssyncadd.s32 $0xFFFFC000  }
0xe0: {  	[tilespmem:s9], [sflag:$0x1] =	stream.indirect.gather [hbm4b:s4+s12], $0x80, s25, s12, $0xb8;
	[tilespmem:$0x9880] =	vst v63  }
0xe1: {  	_ =	swait.ge [sflag:s10], $0x4000  }
0xe2: {  	[sflag:s10] =	ssyncset.done $0x0  }
0xe3: {  	s1 =	rddreg [dreg:$0x1a];
	[sflag:s10] =	ssyncadd.s32 $0xFFFFC000  }
0xe4: {  	[hbm4b:s1+s2] =	stream.linear.scatter [tilespmem:s8], [sflag:$0x4], $0x4000, $0x38;
	[tilespmem:$0x9880] =	vst v63  }
0xe5: {  	_ =	swait.ge [sflag:s6], $0x4000  }
0xe6: {  	[sflag:s6] =	ssyncset.done $0x0  }
0xe7: {  	[sflag:s6] =	ssyncadd.s32 $0xFFFFC000  }
0xe8: {  	[tilespmem:s8], [sflag:$0x2] =	stream.indirect.gather [hbm4b:s4+s12], $0x80, s24, s12, $0xb8;
	[tilespmem:$0x9880] =	vst v63  }
0xe9: {  	_ =	swait.ge [sflag:s5], $0x4000  }
0xea: {  	[sflag:s5] =	ssyncset.done $0x0  }
0xeb: {  	s1 =	rddreg [dreg:$0x1b];
	[sflag:s5] =	ssyncadd.s32 $0xFFFFC000  }
0xec: {  	[hbm4b:s1+s2] =	stream.linear.scatter [tilespmem:s9], [sflag:$0x3], $0x4000, $0x38;
	[tilespmem:$0x9880] =	vst v63  }
0xed: {  	_ =	swait.ge [sflag:s7], $0x4000  }
0xee: {  	[sflag:s7] =	ssyncset.done $0x0  }
0xef: {  	[sflag:s7] =	ssyncadd.s32 $0xFFFFC000  }
0xf0: {  	[tilespmem:s9], [sflag:$0x1] =	stream.indirect.gather [hbm4b:s4+s12], $0x80, s21, s12, $0xb8;
	[tilespmem:$0x9880] =	vst v63  }
0xf1: {  	_ =	swait.ge [sflag:s10], $0x4000  }
0xf2: {  	[sflag:s10] =	ssyncset.done $0x0  }
0xf3: {  	s1 =	rddreg [dreg:$0x1c];
	[sflag:s10] =	ssyncadd.s32 $0xFFFFC000  }
0xf4: {  	[hbm4b:s1+s2] =	stream.linear.scatter [tilespmem:s8], [sflag:$0x4], $0x4000, $0x38;
	[tilespmem:$0x9880] =	vst v63  }
0xf5: {  	_ =	swait.ge [sflag:s6], $0x4000  }
0xf6: {  	[sflag:s6] =	ssyncset.done $0x0  }
0xf7: {  	[sflag:s6] =	ssyncadd.s32 $0xFFFFC000  }
0xf8: {  	[tilespmem:s8], [sflag:$0x2] =	stream.indirect.gather [hbm4b:s4+s12], $0x80, s20, s12, $0xb8;
	[tilespmem:$0x9880] =	vst v63  }
0xf9: {  	_ =	swait.ge [sflag:s5], $0x4000  }
0xfa: {  	[sflag:s5] =	ssyncset.done $0x0  }
0xfb: {  	s1 =	rddreg [dreg:$0x1d];
	[sflag:s5] =	ssyncadd.s32 $0xFFFFC000  }
0xfc: {  	[hbm4b:s1+s2] =	stream.linear.scatter [tilespmem:s9], [sflag:$0x3], $0x4000, $0x38;
	[tilespmem:$0x9880] =	vst v63  }
0xfd: {  	_ =	swait.ge [sflag:s7], $0x4000  }
0xfe: {  	[sflag:s7] =	ssyncset.done $0x0  }
0xff: {  	[sflag:s7] =	ssyncadd.s32 $0xFFFFC000  }
0x100: {  	[tilespmem:s9], [sflag:$0x1] =	stream.indirect.gather [hbm4b:s4+s12], $0x80, s19, s12, $0xb8;
	[tilespmem:$0x9880] =	vst v63  }
0x101: {  	_ =	swait.ge [sflag:s10], $0x4000  }
0x102: {  	[sflag:s10] =	ssyncset.done $0x0  }
0x103: {  	s1 =	rddreg [dreg:$0x1e];
	[sflag:s10] =	ssyncadd.s32 $0xFFFFC000  }
0x104: {  	[hbm4b:s1+s2] =	stream.linear.scatter [tilespmem:s8], [sflag:$0x4], $0x4000, $0x38;
	[tilespmem:$0x9880] =	vst v63  }
0x105: {  	_ =	swait.ge [sflag:s6], $0x4000  }
0x106: {  	[sflag:s6] =	ssyncset.done $0x0  }
0x107: {  	[sflag:s6] =	ssyncadd.s32 $0xFFFFC000  }
0x108: {  	[tilespmem:s8], [sflag:$0x2] =	stream.indirect.gather [hbm4b:s4+s12], $0x80, s18, s12, $0xb8;
	[tilespmem:$0x9880] =	vst v63  }
0x109: {  	_ =	swait.ge [sflag:s5], $0x4000  }
0x10a: {  	[sflag:s5] =	ssyncset.done $0x0  }
0x10b: {  	s1 =	rddreg [dreg:$0x1f];
	[sflag:s5] =	ssyncadd.s32 $0xFFFFC000  }
0x10c: {  	[hbm4b:s1+s2] =	stream.linear.scatter [tilespmem:s9], [sflag:$0x3], $0x4000, $0x38;
	[tilespmem:$0x9880] =	vst v63  }
0x10d: {  	_ =	swait.ge [sflag:s7], $0x4000  }
0x10e: {  	[sflag:s7] =	ssyncset.done $0x0  }
0x10f: {  	[sflag:s7] =	ssyncadd.s32 $0xFFFFC000  }
0x110: {  	[tilespmem:s9], [sflag:$0x1] =	stream.indirect.gather [hbm4b:s4+s12], $0x80, s17, s12, $0xb8;
	[tilespmem:$0x9880] =	vst v63  }
0x111: {  	_ =	swait.ge [sflag:s10], $0x4000  }
0x112: {  	s1 =	sld [smem:$0x7FA]  }
0x113: {  	[sflag:s10] =	ssyncset.done $0x0  }
0x114: {  	[sflag:s10] =	ssyncadd.s32 $0xFFFFC000  }
0x115: {  	[hbm4b:s1+s2] =	stream.linear.scatter [tilespmem:s8], [sflag:$0x4], $0x4000, $0x38;
	[tilespmem:$0x9880] =	vst v63  }
0x116: {  	_ =	swait.ge [sflag:s6], $0x4000  }
0x117: {  	[sflag:s6] =	ssyncset.done $0x0  }
0x118: {  	[sflag:s6] =	ssyncadd.s32 $0xFFFFC000  }
0x119: {  	[tilespmem:s8], [sflag:$0x2] =	stream.indirect.gather [hbm4b:s4+s12], $0x80, s16, s12, $0xb8;
	[tilespmem:$0x9880] =	vst v63  }
0x11a: {  	_ =	swait.ge [sflag:s5], $0x4000  }
0x11b: {  	s1 =	sld [smem:$0x7FB]  }
0x11c: {  	[sflag:s5] =	ssyncset.done $0x0  }
0x11d: {  	[sflag:s5] =	ssyncadd.s32 $0xFFFFC000  }
0x11e: {  	[hbm4b:s1+s2] =	stream.linear.scatter [tilespmem:s9], [sflag:$0x3], $0x4000, $0x38;
	[tilespmem:$0x9880] =	vst v63  }
0x11f: {  	_ =	swait.ge [sflag:s7], $0x4000  }
0x120: {  	[sflag:s7] =	ssyncset.done $0x0  }
0x121: {  	[sflag:s7] =	ssyncadd.s32 $0xFFFFC000  }
0x122: {  	[tilespmem:s9], [sflag:$0x1] =	stream.indirect.gather [hbm4b:s4+s12], $0x80, s15, s12, $0xb8;
	[tilespmem:$0x9880] =	vst v63  }
0x123: {  	_ =	swait.ge [sflag:s10], $0x4000  }
0x124: {  	s1 =	sld [smem:$0x7FC]  }
0x125: {  	[sflag:s10] =	ssyncset.done $0x0  }
0x126: {  	[sflag:s10] =	ssyncadd.s32 $0xFFFFC000  }
0x127: {  	[hbm4b:s1+s2] =	stream.linear.scatter [tilespmem:s8], [sflag:$0x4], $0x4000, $0x38;
	[tilespmem:$0x9880] =	vst v63  }
0x128: {  	_ =	swait.ge [sflag:s6], $0x4000  }
0x129: {  	[sflag:s6] =	ssyncset.done $0x0  }
0x12a: {  	[sflag:s6] =	ssyncadd.s32 $0xFFFFC000  }
0x12b: {  	[tilespmem:s8], [sflag:$0x2] =	stream.indirect.gather [hbm4b:s4+s12], $0x80, s14, s12, $0xb8;
	[tilespmem:$0x9880] =	vst v63  }
0x12c: {  	_ =	swait.ge [sflag:s5], $0x4000  }
0x12d: {  	[sflag:s5] =	ssyncset.done $0x0  }
0x12e: {  	s1 =	rddreg [dreg:$0x15];
	[sflag:s5] =	ssyncadd.s32 $0xFFFFC000  }
0x12f: {  	[hbm4b:s1+s2] =	stream.linear.scatter [tilespmem:s9], [sflag:$0x3], $0x4000, $0x38;
	[tilespmem:$0x9880] =	vst v63  }
0x130: {  	_ =	swait.ge [sflag:s10], $0x4000  }
0x131: {  	[sflag:s10] =	ssyncset.done $0x0  }
0x132: {  	s1 =	rddreg [dreg:$0x16];
	[sflag:s10] =	ssyncadd.s32 $0xFFFFC000  }
0x133: {  	[hbm4b:s1+s2] =	stream.linear.scatter [tilespmem:s8], [sflag:$0x4], $0x4000, $0x38;
	[tilespmem:$0x9880] =	vst v63  }
0x134: {  	_ =	swait.ge [sflag:s7], $0x4000  }
0x135: {  	[sflag:s7] =	ssyncset.done $0x0  }
0x136: {  	[sflag:s7] =	ssyncadd.s32 $0xFFFFC000  }
0x137: {  	_ =	swait.ge [sflag:s6], $0x4000  }
0x138: {  	[sflag:s6] =	ssyncset.done $0x0  }
0x139: {  	s1 =	rddreg [dreg:$0x4];
	[sflag:s6] =	ssyncadd.s32 $0xFFFFC000  }
0x13a: {  	[tilespmem:s13], [sflag:$0x5] =	stream.linear.gather [hbm4b:s1+s2], $0x80, $0x38;
	[tilespmem:$0x9880] =	vst v63  }
0x13b: {  	_ =	swait.ge [sflag:s3], $0x80  }
0x13c: {  	s1 =	sld [smem:$0x7FD]  }
0x13d: {  	[sflag:s3] =	ssyncset.done $0x0  }
0x13e: {  	[sflag:s3] =	ssyncadd.s32 $0xFFFFFF80  }
0x13f: {  	[tilespmem:s11], [sflag:$0x1] =	stream.indirect.gather [hbm4b:s4+s1], $0x80, s13, s1, $0xb8;
	[tilespmem:$0x9880] =	vst v63  }
0x140: {  	p1 =	sne.s32 s0, $0x1;
	_ =	swait.ge [sflag:s5], $0x1000  }
.Ltmp1:
0x141: {  	[sflag:s5] =	ssyncset.done $0x0;
	(pc) =	sbr.rel @!p1 .LBB2_3-.Ltmp1, $4  }
0x142: {  	s1 =	rddreg [dreg:$0x5];
	[sflag:s5] =	ssyncadd.s32 $0xFFFFF000  }
0x143: {  	[hbm4b:s1+s2] =	stream.linear.scatter [tilespmem:s11], [sflag:$0x5], $0x1000, $0x38;
	[tilespmem:$0x9880] =	vst v63  }
0x144: {  	s0 =	sadd.s32 $0xFFFFFFFF, s0;
	_ =	swait.ge [sflag:s3], $0x1000  }
0x145: {  	p0 =	por $0x1, $0x1;
	s1 =	rddreg [dreg:$0x2];
	[sflag:s3] =	ssyncset.done $0x0  }
.LBB2_2:
0x146: {  	[sflag:s3] =	ssyncadd.s32 $0xFFFFF000  }
0x147: {  	[tilespmem:s2], [sflag:$0x5] =	stream.linear.gather [hbm4b:s1+s2], $0x800, $0x38;
	[tilespmem:$0x9880] =	vst v63  }
0x148: {  	_ =	swait.ge [sflag:s3], $0x800  }
0x149: {  	[sflag:s3] =	ssyncset.done $0x0  }
0x14a: {  	[sflag:s3] =	ssyncadd.s32 $0xFFFFF800  }
0x14b: {  	[tilespmem:s9], [sflag:$0x1] =	stream.indirect.gather [hbm4b:s4+s12], $0x80, s2, s12, $0xb8;
	[tilespmem:$0x9880] =	vst v63  }
0x14c: {  	_ = 	snop  }
0x14d: {  	[tilespmem:s8], [sflag:$0x2] =	stream.indirect.gather [hbm4b:s4+s12], $0x80, s12, s12, $0xb8;
	[tilespmem:$0x9880] =	vst v63  }
0x14e: {  	_ =	swait.ge [sflag:s5], $0x4000  }
0x14f: {  	[sflag:s5] =	ssyncset.done $0x0  }
0x150: {  	[sflag:s5] =	ssyncadd.s32 $0xFFFFC000  }
0x151: {  	[hbm4b:s31+s2] =	stream.linear.scatter [tilespmem:s9], [sflag:$0x3], $0x4000, $0x38;
	[tilespmem:$0x9880] =	vst v63  }
0x152: {  	_ =	swait.ge [sflag:s7], $0x4000  }
0x153: {  	[sflag:s7] =	ssyncset.done $0x0  }
0x154: {  	[sflag:s7] =	ssyncadd.s32 $0xFFFFC000  }
0x155: {  	[tilespmem:s9], [sflag:$0x1] =	stream.indirect.gather [hbm4b:s4+s12], $0x80, s30, s12, $0xb8;
	[tilespmem:$0x9880] =	vst v63  }
0x156: {  	_ =	swait.ge [sflag:s10], $0x4000  }
0x157: {  	[sflag:s10] =	ssyncset.done $0x0  }
0x158: {  	s1 =	rddreg [dreg:$0x6];
	[sflag:s10] =	ssyncadd.s32 $0xFFFFC000  }
0x159: {  	[hbm4b:s1+s2] =	stream.linear.scatter [tilespmem:s8], [sflag:$0x4], $0x4000, $0x38;
	[tilespmem:$0x9880] =	vst v63  }
0x15a: {  	_ =	swait.ge [sflag:s6], $0x4000  }
0x15b: {  	[sflag:s6] =	ssyncset.done $0x0  }
0x15c: {  	[sflag:s6] =	ssyncadd.s32 $0xFFFFC000  }
0x15d: {  	[tilespmem:s8], [sflag:$0x2] =	stream.indirect.gather [hbm4b:s4+s12], $0x80, s29, s12, $0xb8;
	[tilespmem:$0x9880] =	vst v63  }
0x15e: {  	_ =	swait.ge [sflag:s5], $0x4000  }
0x15f: {  	[sflag:s5] =	ssyncset.done $0x0  }
0x160: {  	s1 =	rddreg [dreg:$0x7];
	[sflag:s5] =	ssyncadd.s32 $0xFFFFC000  }
0x161: {  	[hbm4b:s1+s2] =	stream.linear.scatter [tilespmem:s9], [sflag:$0x3], $0x4000, $0x38;
	[tilespmem:$0x9880] =	vst v63  }
0x162: {  	_ =	swait.ge [sflag:s7], $0x4000  }
0x163: {  	[sflag:s7] =	ssyncset.done $0x0  }
0x164: {  	[sflag:s7] =	ssyncadd.s32 $0xFFFFC000  }
0x165: {  	[tilespmem:s9], [sflag:$0x1] =	stream.indirect.gather [hbm4b:s4+s12], $0x80, s28, s12, $0xb8;
	[tilespmem:$0x9880] =	vst v63  }
0x166: {  	_ =	swait.ge [sflag:s10], $0x4000  }
0x167: {  	[sflag:s10] =	ssyncset.done $0x0  }
0x168: {  	s1 =	rddreg [dreg:$0x8];
	[sflag:s10] =	ssyncadd.s32 $0xFFFFC000  }
0x169: {  	[hbm4b:s1+s2] =	stream.linear.scatter [tilespmem:s8], [sflag:$0x4], $0x4000, $0x38;
	[tilespmem:$0x9880] =	vst v63  }
0x16a: {  	_ =	swait.ge [sflag:s6], $0x4000  }
0x16b: {  	[sflag:s6] =	ssyncset.done $0x0  }
0x16c: {  	[sflag:s6] =	ssyncadd.s32 $0xFFFFC000  }
0x16d: {  	[tilespmem:s8], [sflag:$0x2] =	stream.indirect.gather [hbm4b:s4+s12], $0x80, s26, s12, $0xb8;
	[tilespmem:$0x9880] =	vst v63  }
0x16e: {  	_ =	swait.ge [sflag:s5], $0x4000  }
0x16f: {  	[sflag:s5] =	ssyncset.done $0x0  }
0x170: {  	s1 =	rddreg [dreg:$0x9];
	[sflag:s5] =	ssyncadd.s32 $0xFFFFC000  }
0x171: {  	[hbm4b:s1+s2] =	stream.linear.scatter [tilespmem:s9], [sflag:$0x3], $0x4000, $0x38;
	[tilespmem:$0x9880] =	vst v63  }
0x172: {  	_ =	swait.ge [sflag:s7], $0x4000  }
0x173: {  	[sflag:s7] =	ssyncset.done $0x0  }
0x174: {  	[sflag:s7] =	ssyncadd.s32 $0xFFFFC000  }
0x175: {  	[tilespmem:s9], [sflag:$0x1] =	stream.indirect.gather [hbm4b:s4+s12], $0x80, s25, s12, $0xb8;
	[tilespmem:$0x9880] =	vst v63  }
0x176: {  	_ =	swait.ge [sflag:s10], $0x4000  }
0x177: {  	[sflag:s10] =	ssyncset.done $0x0  }
0x178: {  	s1 =	rddreg [dreg:$0xa];
	[sflag:s10] =	ssyncadd.s32 $0xFFFFC000  }
0x179: {  	[hbm4b:s1+s2] =	stream.linear.scatter [tilespmem:s8], [sflag:$0x4], $0x4000, $0x38;
	[tilespmem:$0x9880] =	vst v63  }
0x17a: {  	_ =	swait.ge [sflag:s6], $0x4000  }
0x17b: {  	[sflag:s6] =	ssyncset.done $0x0  }
0x17c: {  	[sflag:s6] =	ssyncadd.s32 $0xFFFFC000  }
0x17d: {  	[tilespmem:s8], [sflag:$0x2] =	stream.indirect.gather [hbm4b:s4+s12], $0x80, s24, s12, $0xb8;
	[tilespmem:$0x9880] =	vst v63  }
0x17e: {  	_ =	swait.ge [sflag:s5], $0x4000  }
0x17f: {  	[sflag:s5] =	ssyncset.done $0x0  }
0x180: {  	s1 =	rddreg [dreg:$0xb];
	[sflag:s5] =	ssyncadd.s32 $0xFFFFC000  }
0x181: {  	[hbm4b:s1+s2] =	stream.linear.scatter [tilespmem:s9], [sflag:$0x3], $0x4000, $0x38;
	[tilespmem:$0x9880] =	vst v63  }
0x182: {  	_ =	swait.ge [sflag:s7], $0x4000  }
0x183: {  	[sflag:s7] =	ssyncset.done $0x0  }
0x184: {  	[sflag:s7] =	ssyncadd.s32 $0xFFFFC000  }
0x185: {  	[tilespmem:s9], [sflag:$0x1] =	stream.indirect.gather [hbm4b:s4+s12], $0x80, s21, s12, $0xb8;
	[tilespmem:$0x9880] =	vst v63  }
0x186: {  	_ =	swait.ge [sflag:s10], $0x4000  }
0x187: {  	[sflag:s10] =	ssyncset.done $0x0  }
0x188: {  	s1 =	rddreg [dreg:$0xc];
	[sflag:s10] =	ssyncadd.s32 $0xFFFFC000  }
0x189: {  	[hbm4b:s1+s2] =	stream.linear.scatter [tilespmem:s8], [sflag:$0x4], $0x4000, $0x38;
	[tilespmem:$0x9880] =	vst v63  }
0x18a: {  	_ =	swait.ge [sflag:s6], $0x4000  }
0x18b: {  	[sflag:s6] =	ssyncset.done $0x0  }
0x18c: {  	[sflag:s6] =	ssyncadd.s32 $0xFFFFC000  }
0x18d: {  	[tilespmem:s8], [sflag:$0x2] =	stream.indirect.gather [hbm4b:s4+s12], $0x80, s20, s12, $0xb8;
	[tilespmem:$0x9880] =	vst v63  }
0x18e: {  	_ =	swait.ge [sflag:s5], $0x4000  }
0x18f: {  	[sflag:s5] =	ssyncset.done $0x0  }
0x190: {  	s1 =	rddreg [dreg:$0xd];
	[sflag:s5] =	ssyncadd.s32 $0xFFFFC000  }
0x191: {  	[hbm4b:s1+s2] =	stream.linear.scatter [tilespmem:s9], [sflag:$0x3], $0x4000, $0x38;
	[tilespmem:$0x9880] =	vst v63  }
0x192: {  	_ =	swait.ge [sflag:s7], $0x4000  }
0x193: {  	[sflag:s7] =	ssyncset.done $0x0  }
0x194: {  	[sflag:s7] =	ssyncadd.s32 $0xFFFFC000  }
0x195: {  	[tilespmem:s9], [sflag:$0x1] =	stream.indirect.gather [hbm4b:s4+s12], $0x80, s19, s12, $0xb8;
	[tilespmem:$0x9880] =	vst v63  }
0x196: {  	_ =	swait.ge [sflag:s10], $0x4000  }
0x197: {  	[sflag:s10] =	ssyncset.done $0x0  }
0x198: {  	s1 =	rddreg [dreg:$0xe];
	[sflag:s10] =	ssyncadd.s32 $0xFFFFC000  }
0x199: {  	[hbm4b:s1+s2] =	stream.linear.scatter [tilespmem:s8], [sflag:$0x4], $0x4000, $0x38;
	[tilespmem:$0x9880] =	vst v63  }
0x19a: {  	_ =	swait.ge [sflag:s6], $0x4000  }
0x19b: {  	[sflag:s6] =	ssyncset.done $0x0  }
0x19c: {  	[sflag:s6] =	ssyncadd.s32 $0xFFFFC000  }
0x19d: {  	[tilespmem:s8], [sflag:$0x2] =	stream.indirect.gather [hbm4b:s4+s12], $0x80, s18, s12, $0xb8;
	[tilespmem:$0x9880] =	vst v63  }
0x19e: {  	_ =	swait.ge [sflag:s5], $0x4000  }
0x19f: {  	[sflag:s5] =	ssyncset.done $0x0  }
0x1a0: {  	s1 =	rddreg [dreg:$0xf];
	[sflag:s5] =	ssyncadd.s32 $0xFFFFC000  }
0x1a1: {  	[hbm4b:s1+s2] =	stream.linear.scatter [tilespmem:s9], [sflag:$0x3], $0x4000, $0x38;
	[tilespmem:$0x9880] =	vst v63  }
0x1a2: {  	_ =	swait.ge [sflag:s7], $0x4000  }
0x1a3: {  	[sflag:s7] =	ssyncset.done $0x0  }
0x1a4: {  	[sflag:s7] =	ssyncadd.s32 $0xFFFFC000  }
0x1a5: {  	[tilespmem:s9], [sflag:$0x1] =	stream.indirect.gather [hbm4b:s4+s12], $0x80, s17, s12, $0xb8;
	[tilespmem:$0x9880] =	vst v63  }
0x1a6: {  	_ =	swait.ge [sflag:s10], $0x4000  }
0x1a7: {  	[sflag:s10] =	ssyncset.done $0x0  }
0x1a8: {  	s1 =	rddreg [dreg:$0x10];
	[sflag:s10] =	ssyncadd.s32 $0xFFFFC000  }
0x1a9: {  	[hbm4b:s1+s2] =	stream.linear.scatter [tilespmem:s8], [sflag:$0x4], $0x4000, $0x38;
	[tilespmem:$0x9880] =	vst v63  }
0x1aa: {  	_ =	swait.ge [sflag:s6], $0x4000  }
0x1ab: {  	[sflag:s6] =	ssyncset.done $0x0  }
0x1ac: {  	[sflag:s6] =	ssyncadd.s32 $0xFFFFC000  }
0x1ad: {  	[tilespmem:s8], [sflag:$0x2] =	stream.indirect.gather [hbm4b:s4+s12], $0x80, s16, s12, $0xb8;
	[tilespmem:$0x9880] =	vst v63  }
0x1ae: {  	_ =	swait.ge [sflag:s5], $0x4000  }
0x1af: {  	[sflag:s5] =	ssyncset.done $0x0  }
0x1b0: {  	s1 =	rddreg [dreg:$0x11];
	[sflag:s5] =	ssyncadd.s32 $0xFFFFC000  }
0x1b1: {  	[hbm4b:s1+s2] =	stream.linear.scatter [tilespmem:s9], [sflag:$0x3], $0x4000, $0x38;
	[tilespmem:$0x9880] =	vst v63  }
0x1b2: {  	_ =	swait.ge [sflag:s7], $0x4000  }
0x1b3: {  	[sflag:s7] =	ssyncset.done $0x0  }
0x1b4: {  	[sflag:s7] =	ssyncadd.s32 $0xFFFFC000  }
0x1b5: {  	[tilespmem:s9], [sflag:$0x1] =	stream.indirect.gather [hbm4b:s4+s12], $0x80, s15, s12, $0xb8;
	[tilespmem:$0x9880] =	vst v63  }
0x1b6: {  	_ =	swait.ge [sflag:s10], $0x4000  }
0x1b7: {  	[sflag:s10] =	ssyncset.done $0x0  }
0x1b8: {  	s1 =	rddreg [dreg:$0x12];
	[sflag:s10] =	ssyncadd.s32 $0xFFFFC000  }
0x1b9: {  	[hbm4b:s1+s2] =	stream.linear.scatter [tilespmem:s8], [sflag:$0x4], $0x4000, $0x38;
	[tilespmem:$0x9880] =	vst v63  }
0x1ba: {  	_ =	swait.ge [sflag:s6], $0x4000  }
0x1bb: {  	[sflag:s6] =	ssyncset.done $0x0  }
0x1bc: {  	[sflag:s6] =	ssyncadd.s32 $0xFFFFC000  }
0x1bd: {  	[tilespmem:s8], [sflag:$0x2] =	stream.indirect.gather [hbm4b:s4+s12], $0x80, s14, s12, $0xb8;
	[tilespmem:$0x9880] =	vst v63  }
0x1be: {  	_ =	swait.ge [sflag:s5], $0x4000  }
0x1bf: {  	[sflag:s5] =	ssyncset.done $0x0  }
0x1c0: {  	s1 =	rddreg [dreg:$0x13];
	[sflag:s5] =	ssyncadd.s32 $0xFFFFC000  }
0x1c1: {  	[hbm4b:s1+s2] =	stream.linear.scatter [tilespmem:s9], [sflag:$0x3], $0x4000, $0x38;
	[tilespmem:$0x9880] =	vst v63  }
0x1c2: {  	_ =	swait.ge [sflag:s10], $0x4000  }
0x1c3: {  	[sflag:s10] =	ssyncset.done $0x0  }
0x1c4: {  	s1 =	rddreg [dreg:$0x14];
	[sflag:s10] =	ssyncadd.s32 $0xFFFFC000  }
0x1c5: {  	[hbm4b:s1+s2] =	stream.linear.scatter [tilespmem:s8], [sflag:$0x4], $0x4000, $0x38;
	[tilespmem:$0x9880] =	vst v63  }
0x1c6: {  	_ =	swait.ge [sflag:s7], $0x4000  }
0x1c7: {  	[sflag:s7] =	ssyncset.done $0x0  }
0x1c8: {  	[sflag:s7] =	ssyncadd.s32 $0xFFFFC000  }
0x1c9: {  	_ =	swait.ge [sflag:s6], $0x4000  }
0x1ca: {  	[sflag:s6] =	ssyncset.done $0x0  }
0x1cb: {  	s1 =	rddreg [dreg:$0x3];
	[sflag:s6] =	ssyncadd.s32 $0xFFFFC000  }
0x1cc: {  	[tilespmem:s2], [sflag:$0x5] =	stream.linear.gather [hbm4b:s1+s2], $0x800, $0x38;
	[tilespmem:$0x9880] =	vst v63  }
0x1cd: {  	_ =	swait.ge [sflag:s3], $0x800  }
0x1ce: {  	[sflag:s3] =	ssyncset.done $0x0  }
0x1cf: {  	[sflag:s3] =	ssyncadd.s32 $0xFFFFF800  }
0x1d0: {  	[tilespmem:s9], [sflag:$0x1] =	stream.indirect.gather [hbm4b:s4+s12], $0x80, s2, s12, $0xb8;
	[tilespmem:$0x9880] =	vst v63  }
0x1d1: {  	_ = 	snop  }
0x1d2: {  	[tilespmem:s8], [sflag:$0x2] =	stream.indirect.gather [hbm4b:s4+s12], $0x80, s12, s12, $0xb8;
	[tilespmem:$0x9880] =	vst v63  }
0x1d3: {  	_ =	swait.ge [sflag:s5], $0x4000  }
0x1d4: {  	[sflag:s5] =	ssyncset.done $0x0  }
0x1d5: {  	[sflag:s5] =	ssyncadd.s32 $0xFFFFC000  }
0x1d6: {  	[hbm4b:s23+s2] =	stream.linear.scatter [tilespmem:s9], [sflag:$0x3], $0x4000, $0x38;
	[tilespmem:$0x9880] =	vst v63  }
0x1d7: {  	_ =	swait.ge [sflag:s7], $0x4000  }
0x1d8: {  	[sflag:s7] =	ssyncset.done $0x0  }
0x1d9: {  	[sflag:s7] =	ssyncadd.s32 $0xFFFFC000  }
0x1da: {  	[tilespmem:s9], [sflag:$0x1] =	stream.indirect.gather [hbm4b:s4+s12], $0x80, s30, s12, $0xb8;
	[tilespmem:$0x9880] =	vst v63  }
0x1db: {  	_ =	swait.ge [sflag:s10], $0x4000  }
0x1dc: {  	[sflag:s10] =	ssyncset.done $0x0  }
0x1dd: {  	[sflag:s10] =	ssyncadd.s32 $0xFFFFC000  }
0x1de: {  	[hbm4b:s22+s2] =	stream.linear.scatter [tilespmem:s8], [sflag:$0x4], $0x4000, $0x38;
	[tilespmem:$0x9880] =	vst v63  }
0x1df: {  	_ =	swait.ge [sflag:s6], $0x4000  }
0x1e0: {  	[sflag:s6] =	ssyncset.done $0x0  }
0x1e1: {  	[sflag:s6] =	ssyncadd.s32 $0xFFFFC000  }
0x1e2: {  	[tilespmem:s8], [sflag:$0x2] =	stream.indirect.gather [hbm4b:s4+s12], $0x80, s29, s12, $0xb8;
	[tilespmem:$0x9880] =	vst v63  }
0x1e3: {  	_ =	swait.ge [sflag:s5], $0x4000  }
0x1e4: {  	[sflag:s5] =	ssyncset.done $0x0  }
0x1e5: {  	s1 =	rddreg [dreg:$0x17];
	[sflag:s5] =	ssyncadd.s32 $0xFFFFC000  }
0x1e6: {  	[hbm4b:s1+s2] =	stream.linear.scatter [tilespmem:s9], [sflag:$0x3], $0x4000, $0x38;
	[tilespmem:$0x9880] =	vst v63  }
0x1e7: {  	_ =	swait.ge [sflag:s7], $0x4000  }
0x1e8: {  	[sflag:s7] =	ssyncset.done $0x0  }
0x1e9: {  	[sflag:s7] =	ssyncadd.s32 $0xFFFFC000  }
0x1ea: {  	[tilespmem:s9], [sflag:$0x1] =	stream.indirect.gather [hbm4b:s4+s12], $0x80, s28, s12, $0xb8;
	[tilespmem:$0x9880] =	vst v63  }
0x1eb: {  	_ =	swait.ge [sflag:s10], $0x4000  }
0x1ec: {  	[sflag:s10] =	ssyncset.done $0x0  }
0x1ed: {  	s1 =	rddreg [dreg:$0x18];
	[sflag:s10] =	ssyncadd.s32 $0xFFFFC000  }
0x1ee: {  	[hbm4b:s1+s2] =	stream.linear.scatter [tilespmem:s8], [sflag:$0x4], $0x4000, $0x38;
	[tilespmem:$0x9880] =	vst v63  }
0x1ef: {  	_ =	swait.ge [sflag:s6], $0x4000  }
0x1f0: {  	[sflag:s6] =	ssyncset.done $0x0  }
0x1f1: {  	[sflag:s6] =	ssyncadd.s32 $0xFFFFC000  }
0x1f2: {  	[tilespmem:s8], [sflag:$0x2] =	stream.indirect.gather [hbm4b:s4+s12], $0x80, s26, s12, $0xb8;
	[tilespmem:$0x9880] =	vst v63  }
0x1f3: {  	_ =	swait.ge [sflag:s5], $0x4000  }
0x1f4: {  	[sflag:s5] =	ssyncset.done $0x0  }
0x1f5: {  	s1 =	rddreg [dreg:$0x19];
	[sflag:s5] =	ssyncadd.s32 $0xFFFFC000  }
0x1f6: {  	[hbm4b:s1+s2] =	stream.linear.scatter [tilespmem:s9], [sflag:$0x3], $0x4000, $0x38;
	[tilespmem:$0x9880] =	vst v63  }
0x1f7: {  	_ =	swait.ge [sflag:s7], $0x4000  }
0x1f8: {  	[sflag:s7] =	ssyncset.done $0x0  }
0x1f9: {  	[sflag:s7] =	ssyncadd.s32 $0xFFFFC000  }
0x1fa: {  	[tilespmem:s9], [sflag:$0x1] =	stream.indirect.gather [hbm4b:s4+s12], $0x80, s25, s12, $0xb8;
	[tilespmem:$0x9880] =	vst v63  }
0x1fb: {  	_ =	swait.ge [sflag:s10], $0x4000  }
0x1fc: {  	[sflag:s10] =	ssyncset.done $0x0  }
0x1fd: {  	s1 =	rddreg [dreg:$0x1a];
	[sflag:s10] =	ssyncadd.s32 $0xFFFFC000  }
0x1fe: {  	[hbm4b:s1+s2] =	stream.linear.scatter [tilespmem:s8], [sflag:$0x4], $0x4000, $0x38;
	[tilespmem:$0x9880] =	vst v63  }
0x1ff: {  	_ =	swait.ge [sflag:s6], $0x4000  }
0x200: {  	[sflag:s6] =	ssyncset.done $0x0  }
0x201: {  	[sflag:s6] =	ssyncadd.s32 $0xFFFFC000  }
0x202: {  	[tilespmem:s8], [sflag:$0x2] =	stream.indirect.gather [hbm4b:s4+s12], $0x80, s24, s12, $0xb8;
	[tilespmem:$0x9880] =	vst v63  }
0x203: {  	_ =	swait.ge [sflag:s5], $0x4000  }
0x204: {  	[sflag:s5] =	ssyncset.done $0x0  }
0x205: {  	s1 =	rddreg [dreg:$0x1b];
	[sflag:s5] =	ssyncadd.s32 $0xFFFFC000  }
0x206: {  	[hbm4b:s1+s2] =	stream.linear.scatter [tilespmem:s9], [sflag:$0x3], $0x4000, $0x38;
	[tilespmem:$0x9880] =	vst v63  }
0x207: {  	_ =	swait.ge [sflag:s7], $0x4000  }
0x208: {  	[sflag:s7] =	ssyncset.done $0x0  }
0x209: {  	[sflag:s7] =	ssyncadd.s32 $0xFFFFC000  }
0x20a: {  	[tilespmem:s9], [sflag:$0x1] =	stream.indirect.gather [hbm4b:s4+s12], $0x80, s21, s12, $0xb8;
	[tilespmem:$0x9880] =	vst v63  }
0x20b: {  	_ =	swait.ge [sflag:s10], $0x4000  }
0x20c: {  	[sflag:s10] =	ssyncset.done $0x0  }
0x20d: {  	s1 =	rddreg [dreg:$0x1c];
	[sflag:s10] =	ssyncadd.s32 $0xFFFFC000  }
0x20e: {  	[hbm4b:s1+s2] =	stream.linear.scatter [tilespmem:s8], [sflag:$0x4], $0x4000, $0x38;
	[tilespmem:$0x9880] =	vst v63  }
0x20f: {  	_ =	swait.ge [sflag:s6], $0x4000  }
0x210: {  	[sflag:s6] =	ssyncset.done $0x0  }
0x211: {  	[sflag:s6] =	ssyncadd.s32 $0xFFFFC000  }
0x212: {  	[tilespmem:s8], [sflag:$0x2] =	stream.indirect.gather [hbm4b:s4+s12], $0x80, s20, s12, $0xb8;
	[tilespmem:$0x9880] =	vst v63  }
0x213: {  	_ =	swait.ge [sflag:s5], $0x4000  }
0x214: {  	[sflag:s5] =	ssyncset.done $0x0  }
0x215: {  	s1 =	rddreg [dreg:$0x1d];
	[sflag:s5] =	ssyncadd.s32 $0xFFFFC000  }
0x216: {  	[hbm4b:s1+s2] =	stream.linear.scatter [tilespmem:s9], [sflag:$0x3], $0x4000, $0x38;
	[tilespmem:$0x9880] =	vst v63  }
0x217: {  	_ =	swait.ge [sflag:s7], $0x4000  }
0x218: {  	[sflag:s7] =	ssyncset.done $0x0  }
0x219: {  	[sflag:s7] =	ssyncadd.s32 $0xFFFFC000  }
0x21a: {  	[tilespmem:s9], [sflag:$0x1] =	stream.indirect.gather [hbm4b:s4+s12], $0x80, s19, s12, $0xb8;
	[tilespmem:$0x9880] =	vst v63  }
0x21b: {  	_ =	swait.ge [sflag:s10], $0x4000  }
0x21c: {  	[sflag:s10] =	ssyncset.done $0x0  }
0x21d: {  	s1 =	rddreg [dreg:$0x1e];
	[sflag:s10] =	ssyncadd.s32 $0xFFFFC000  }
0x21e: {  	[hbm4b:s1+s2] =	stream.linear.scatter [tilespmem:s8], [sflag:$0x4], $0x4000, $0x38;
	[tilespmem:$0x9880] =	vst v63  }
0x21f: {  	_ =	swait.ge [sflag:s6], $0x4000  }
0x220: {  	[sflag:s6] =	ssyncset.done $0x0  }
0x221: {  	[sflag:s6] =	ssyncadd.s32 $0xFFFFC000  }
0x222: {  	[tilespmem:s8], [sflag:$0x2] =	stream.indirect.gather [hbm4b:s4+s12], $0x80, s18, s12, $0xb8;
	[tilespmem:$0x9880] =	vst v63  }
0x223: {  	_ =	swait.ge [sflag:s5], $0x4000  }
0x224: {  	[sflag:s5] =	ssyncset.done $0x0  }
0x225: {  	s1 =	rddreg [dreg:$0x1f];
	[sflag:s5] =	ssyncadd.s32 $0xFFFFC000  }
0x226: {  	[hbm4b:s1+s2] =	stream.linear.scatter [tilespmem:s9], [sflag:$0x3], $0x4000, $0x38;
	[tilespmem:$0x9880] =	vst v63  }
0x227: {  	_ =	swait.ge [sflag:s7], $0x4000  }
0x228: {  	[sflag:s7] =	ssyncset.done $0x0  }
0x229: {  	[sflag:s7] =	ssyncadd.s32 $0xFFFFC000  }
0x22a: {  	[tilespmem:s9], [sflag:$0x1] =	stream.indirect.gather [hbm4b:s4+s12], $0x80, s17, s12, $0xb8;
	[tilespmem:$0x9880] =	vst v63  }
0x22b: {  	_ =	swait.ge [sflag:s10], $0x4000  }
0x22c: {  	s1 =	sld [smem:$0x7FA]  }
0x22d: {  	[sflag:s10] =	ssyncset.done $0x0  }
0x22e: {  	[sflag:s10] =	ssyncadd.s32 $0xFFFFC000  }
0x22f: {  	[hbm4b:s1+s2] =	stream.linear.scatter [tilespmem:s8], [sflag:$0x4], $0x4000, $0x38;
	[tilespmem:$0x9880] =	vst v63  }
0x230: {  	_ =	swait.ge [sflag:s6], $0x4000  }
0x231: {  	[sflag:s6] =	ssyncset.done $0x0  }
0x232: {  	[sflag:s6] =	ssyncadd.s32 $0xFFFFC000  }
0x233: {  	[tilespmem:s8], [sflag:$0x2] =	stream.indirect.gather [hbm4b:s4+s12], $0x80, s16, s12, $0xb8;
	[tilespmem:$0x9880] =	vst v63  }
0x234: {  	_ =	swait.ge [sflag:s5], $0x4000  }
0x235: {  	s1 =	sld [smem:$0x7FB]  }
0x236: {  	[sflag:s5] =	ssyncset.done $0x0  }
0x237: {  	[sflag:s5] =	ssyncadd.s32 $0xFFFFC000  }
0x238: {  	[hbm4b:s1+s2] =	stream.linear.scatter [tilespmem:s9], [sflag:$0x3], $0x4000, $0x38;
	[tilespmem:$0x9880] =	vst v63  }
0x239: {  	_ =	swait.ge [sflag:s7], $0x4000  }
0x23a: {  	[sflag:s7] =	ssyncset.done $0x0  }
0x23b: {  	[sflag:s7] =	ssyncadd.s32 $0xFFFFC000  }
0x23c: {  	[tilespmem:s9], [sflag:$0x1] =	stream.indirect.gather [hbm4b:s4+s12], $0x80, s15, s12, $0xb8;
	[tilespmem:$0x9880] =	vst v63  }
0x23d: {  	_ =	swait.ge [sflag:s10], $0x4000  }
0x23e: {  	s1 =	sld [smem:$0x7FC]  }
0x23f: {  	[sflag:s10] =	ssyncset.done $0x0  }
0x240: {  	[sflag:s10] =	ssyncadd.s32 $0xFFFFC000  }
0x241: {  	[hbm4b:s1+s2] =	stream.linear.scatter [tilespmem:s8], [sflag:$0x4], $0x4000, $0x38;
	[tilespmem:$0x9880] =	vst v63  }
0x242: {  	_ =	swait.ge [sflag:s6], $0x4000  }
0x243: {  	[sflag:s6] =	ssyncset.done $0x0  }
0x244: {  	[sflag:s6] =	ssyncadd.s32 $0xFFFFC000  }
0x245: {  	[tilespmem:s8], [sflag:$0x2] =	stream.indirect.gather [hbm4b:s4+s12], $0x80, s14, s12, $0xb8;
	[tilespmem:$0x9880] =	vst v63  }
0x246: {  	_ =	swait.ge [sflag:s5], $0x4000  }
0x247: {  	[sflag:s5] =	ssyncset.done $0x0  }
0x248: {  	s1 =	rddreg [dreg:$0x15];
	[sflag:s5] =	ssyncadd.s32 $0xFFFFC000  }
0x249: {  	[hbm4b:s1+s2] =	stream.linear.scatter [tilespmem:s9], [sflag:$0x3], $0x4000, $0x38;
	[tilespmem:$0x9880] =	vst v63  }
0x24a: {  	_ =	swait.ge [sflag:s10], $0x4000  }
0x24b: {  	[sflag:s10] =	ssyncset.done $0x0  }
0x24c: {  	s1 =	rddreg [dreg:$0x16];
	[sflag:s10] =	ssyncadd.s32 $0xFFFFC000  }
0x24d: {  	[hbm4b:s1+s2] =	stream.linear.scatter [tilespmem:s8], [sflag:$0x4], $0x4000, $0x38;
	[tilespmem:$0x9880] =	vst v63  }
0x24e: {  	_ =	swait.ge [sflag:s7], $0x4000  }
0x24f: {  	[sflag:s7] =	ssyncset.done $0x0  }
0x250: {  	[sflag:s7] =	ssyncadd.s32 $0xFFFFC000  }
0x251: {  	_ =	swait.ge [sflag:s6], $0x4000  }
0x252: {  	[sflag:s6] =	ssyncset.done $0x0  }
0x253: {  	s1 =	rddreg [dreg:$0x4];
	[sflag:s6] =	ssyncadd.s32 $0xFFFFC000  }
0x254: {  	[tilespmem:s13], [sflag:$0x5] =	stream.linear.gather [hbm4b:s1+s2], $0x80, $0x38;
	[tilespmem:$0x9880] =	vst v63  }
0x255: {  	_ =	swait.ge [sflag:s3], $0x80  }
0x256: {  	s1 =	sld [smem:$0x7FD]  }
0x257: {  	[sflag:s3] =	ssyncset.done $0x0  }
0x258: {  	[sflag:s3] =	ssyncadd.s32 $0xFFFFFF80  }
0x259: {  	[tilespmem:s11], [sflag:$0x1] =	stream.indirect.gather [hbm4b:s4+s1], $0x80, s13, s1, $0xb8;
	[tilespmem:$0x9880] =	vst v63  }
0x25a: {  	p1 =	sne.s32 s0, $0x1;
	_ =	swait.ge [sflag:s5], $0x1000  }
.Ltmp2:
0x25b: {  	[sflag:s5] =	ssyncset.done $0x0;
	(pc) =	sbr.rel @p1 .LBB2_2-.Ltmp2, $4  }
0x25c: {  	s1 =	rddreg [dreg:$0x5];
	[sflag:s5] =	ssyncadd.s32 $0xFFFFF000  }
0x25d: {  	[hbm4b:s1+s2] =	stream.linear.scatter [tilespmem:s11], [sflag:$0x5], $0x1000, $0x38;
	[tilespmem:$0x9880] =	vst v63  }
0x25e: {  	_ =	swait.ge [sflag:s3], $0x1000  }
0x25f: {  	s0 =	sadd.s32 $0xFFFFFFFF, s0;
	s1 =	rddreg [dreg:$0x2];
	[sflag:s3] =	ssyncset.done $0x0  }
.LBB2_3:
0x260: {  	[sflag:s3] =	ssyncadd.s32 @p0 $0xFFFFF000  }
0x261: {  	[tilespmem:s2], [sflag:$0x5] =	stream.linear.gather [hbm4b:s1+s2], $0x800, $0x38;
	[tilespmem:$0x9880] =	vst v63  }
0x262: {  	_ =	swait.ge [sflag:s3], $0x800  }
0x263: {  	[sflag:s3] =	ssyncset.done $0x0  }
0x264: {  	[sflag:s3] =	ssyncadd.s32 $0xFFFFF800  }
0x265: {  	[tilespmem:s9], [sflag:$0x1] =	stream.indirect.gather [hbm4b:s4+s12], $0x80, s2, s12, $0xb8;
	[tilespmem:$0x9880] =	vst v63  }
0x266: {  	_ = 	snop  }
0x267: {  	[tilespmem:s8], [sflag:$0x2] =	stream.indirect.gather [hbm4b:s4+s12], $0x80, s12, s12, $0xb8;
	[tilespmem:$0x9880] =	vst v63  }
0x268: {  	_ =	swait.ge [sflag:s5], $0x4000  }
0x269: {  	[sflag:s5] =	ssyncset.done $0x0  }
0x26a: {  	[sflag:s5] =	ssyncadd.s32 $0xFFFFC000  }
0x26b: {  	[hbm4b:s31+s2] =	stream.linear.scatter [tilespmem:s9], [sflag:$0x3], $0x4000, $0x38;
	[tilespmem:$0x9880] =	vst v63  }
0x26c: {  	_ =	swait.ge [sflag:s7], $0x4000  }
0x26d: {  	[sflag:s7] =	ssyncset.done $0x0  }
0x26e: {  	[sflag:s7] =	ssyncadd.s32 $0xFFFFC000  }
0x26f: {  	[tilespmem:s9], [sflag:$0x1] =	stream.indirect.gather [hbm4b:s4+s12], $0x80, s30, s12, $0xb8;
	[tilespmem:$0x9880] =	vst v63  }
0x270: {  	_ =	swait.ge [sflag:s10], $0x4000  }
0x271: {  	[sflag:s10] =	ssyncset.done $0x0  }
0x272: {  	s0 =	rddreg [dreg:$0x6];
	[sflag:s10] =	ssyncadd.s32 $0xFFFFC000  }
0x273: {  	[hbm4b:s0+s2] =	stream.linear.scatter [tilespmem:s8], [sflag:$0x4], $0x4000, $0x38;
	[tilespmem:$0x9880] =	vst v63  }
0x274: {  	_ =	swait.ge [sflag:s6], $0x4000  }
0x275: {  	[sflag:s6] =	ssyncset.done $0x0  }
0x276: {  	[sflag:s6] =	ssyncadd.s32 $0xFFFFC000  }
0x277: {  	[tilespmem:s8], [sflag:$0x2] =	stream.indirect.gather [hbm4b:s4+s12], $0x80, s29, s12, $0xb8;
	[tilespmem:$0x9880] =	vst v63  }
0x278: {  	_ =	swait.ge [sflag:s5], $0x4000  }
0x279: {  	[sflag:s5] =	ssyncset.done $0x0  }
0x27a: {  	s1 =	rddreg [dreg:$0x7];
	[sflag:s5] =	ssyncadd.s32 $0xFFFFC000  }
0x27b: {  	[hbm4b:s1+s2] =	stream.linear.scatter [tilespmem:s9], [sflag:$0x3], $0x4000, $0x38;
	[tilespmem:$0x9880] =	vst v63  }
0x27c: {  	_ =	swait.ge [sflag:s7], $0x4000  }
0x27d: {  	[sflag:s7] =	ssyncset.done $0x0  }
0x27e: {  	[sflag:s7] =	ssyncadd.s32 $0xFFFFC000  }
0x27f: {  	[tilespmem:s9], [sflag:$0x1] =	stream.indirect.gather [hbm4b:s4+s12], $0x80, s28, s12, $0xb8;
	[tilespmem:$0x9880] =	vst v63  }
0x280: {  	_ =	swait.ge [sflag:s10], $0x4000  }
0x281: {  	[sflag:s10] =	ssyncset.done $0x0  }
0x282: {  	s31 =	rddreg [dreg:$0x8];
	[sflag:s10] =	ssyncadd.s32 $0xFFFFC000  }
0x283: {  	[hbm4b:s31+s2] =	stream.linear.scatter [tilespmem:s8], [sflag:$0x4], $0x4000, $0x38;
	[tilespmem:$0x9880] =	vst v63  }
0x284: {  	_ =	swait.ge [sflag:s6], $0x4000  }
0x285: {  	[sflag:s6] =	ssyncset.done $0x0  }
0x286: {  	[sflag:s6] =	ssyncadd.s32 $0xFFFFC000  }
0x287: {  	[tilespmem:s8], [sflag:$0x2] =	stream.indirect.gather [hbm4b:s4+s12], $0x80, s26, s12, $0xb8;
	[tilespmem:$0x9880] =	vst v63  }
0x288: {  	_ =	swait.ge [sflag:s5], $0x4000  }
0x289: {  	[sflag:s5] =	ssyncset.done $0x0  }
0x28a: {  	s1 =	rddreg [dreg:$0x9];
	[sflag:s5] =	ssyncadd.s32 $0xFFFFC000  }
0x28b: {  	[hbm4b:s1+s2] =	stream.linear.scatter [tilespmem:s9], [sflag:$0x3], $0x4000, $0x38;
	[tilespmem:$0x9880] =	vst v63  }
0x28c: {  	_ =	swait.ge [sflag:s7], $0x4000  }
0x28d: {  	[sflag:s7] =	ssyncset.done $0x0  }
0x28e: {  	[sflag:s7] =	ssyncadd.s32 $0xFFFFC000  }
0x28f: {  	[tilespmem:s9], [sflag:$0x1] =	stream.indirect.gather [hbm4b:s4+s12], $0x80, s25, s12, $0xb8;
	[tilespmem:$0x9880] =	vst v63  }
0x290: {  	_ =	swait.ge [sflag:s10], $0x4000  }
0x291: {  	[sflag:s10] =	ssyncset.done $0x0  }
0x292: {  	s31 =	rddreg [dreg:$0xa];
	[sflag:s10] =	ssyncadd.s32 $0xFFFFC000  }
0x293: {  	[hbm4b:s31+s2] =	stream.linear.scatter [tilespmem:s8], [sflag:$0x4], $0x4000, $0x38;
	[tilespmem:$0x9880] =	vst v63  }
0x294: {  	_ =	swait.ge [sflag:s6], $0x4000  }
0x295: {  	[sflag:s6] =	ssyncset.done $0x0  }
0x296: {  	[sflag:s6] =	ssyncadd.s32 $0xFFFFC000  }
0x297: {  	[tilespmem:s8], [sflag:$0x2] =	stream.indirect.gather [hbm4b:s4+s12], $0x80, s24, s12, $0xb8;
	[tilespmem:$0x9880] =	vst v63  }
0x298: {  	_ =	swait.ge [sflag:s5], $0x4000  }
0x299: {  	[sflag:s5] =	ssyncset.done $0x0  }
0x29a: {  	s1 =	rddreg [dreg:$0xb];
	[sflag:s5] =	ssyncadd.s32 $0xFFFFC000  }
0x29b: {  	[hbm4b:s1+s2] =	stream.linear.scatter [tilespmem:s9], [sflag:$0x3], $0x4000, $0x38;
	[tilespmem:$0x9880] =	vst v63  }
0x29c: {  	_ =	swait.ge [sflag:s7], $0x4000  }
0x29d: {  	[sflag:s7] =	ssyncset.done $0x0  }
0x29e: {  	[sflag:s7] =	ssyncadd.s32 $0xFFFFC000  }
0x29f: {  	[tilespmem:s9], [sflag:$0x1] =	stream.indirect.gather [hbm4b:s4+s12], $0x80, s21, s12, $0xb8;
	[tilespmem:$0x9880] =	vst v63  }
0x2a0: {  	_ =	swait.ge [sflag:s10], $0x4000  }
0x2a1: {  	[sflag:s10] =	ssyncset.done $0x0  }
0x2a2: {  	s31 =	rddreg [dreg:$0xc];
	[sflag:s10] =	ssyncadd.s32 $0xFFFFC000  }
0x2a3: {  	[hbm4b:s31+s2] =	stream.linear.scatter [tilespmem:s8], [sflag:$0x4], $0x4000, $0x38;
	[tilespmem:$0x9880] =	vst v63  }
0x2a4: {  	_ =	swait.ge [sflag:s6], $0x4000  }
0x2a5: {  	[sflag:s6] =	ssyncset.done $0x0  }
0x2a6: {  	[sflag:s6] =	ssyncadd.s32 $0xFFFFC000  }
0x2a7: {  	[tilespmem:s8], [sflag:$0x2] =	stream.indirect.gather [hbm4b:s4+s12], $0x80, s20, s12, $0xb8;
	[tilespmem:$0x9880] =	vst v63  }
0x2a8: {  	_ =	swait.ge [sflag:s5], $0x4000  }
0x2a9: {  	[sflag:s5] =	ssyncset.done $0x0  }
0x2aa: {  	s1 =	rddreg [dreg:$0xd];
	[sflag:s5] =	ssyncadd.s32 $0xFFFFC000  }
0x2ab: {  	[hbm4b:s1+s2] =	stream.linear.scatter [tilespmem:s9], [sflag:$0x3], $0x4000, $0x38;
	[tilespmem:$0x9880] =	vst v63  }
0x2ac: {  	_ =	swait.ge [sflag:s7], $0x4000  }
0x2ad: {  	[sflag:s7] =	ssyncset.done $0x0  }
0x2ae: {  	[sflag:s7] =	ssyncadd.s32 $0xFFFFC000  }
0x2af: {  	[tilespmem:s9], [sflag:$0x1] =	stream.indirect.gather [hbm4b:s4+s12], $0x80, s19, s12, $0xb8;
	[tilespmem:$0x9880] =	vst v63  }
0x2b0: {  	_ =	swait.ge [sflag:s10], $0x4000  }
0x2b1: {  	[sflag:s10] =	ssyncset.done $0x0  }
0x2b2: {  	s31 =	rddreg [dreg:$0xe];
	[sflag:s10] =	ssyncadd.s32 $0xFFFFC000  }
0x2b3: {  	[hbm4b:s31+s2] =	stream.linear.scatter [tilespmem:s8], [sflag:$0x4], $0x4000, $0x38;
	[tilespmem:$0x9880] =	vst v63  }
0x2b4: {  	_ =	swait.ge [sflag:s6], $0x4000  }
0x2b5: {  	[sflag:s6] =	ssyncset.done $0x0  }
0x2b6: {  	[sflag:s6] =	ssyncadd.s32 $0xFFFFC000  }
0x2b7: {  	[tilespmem:s8], [sflag:$0x2] =	stream.indirect.gather [hbm4b:s4+s12], $0x80, s18, s12, $0xb8;
	[tilespmem:$0x9880] =	vst v63  }
0x2b8: {  	_ =	swait.ge [sflag:s5], $0x4000  }
0x2b9: {  	[sflag:s5] =	ssyncset.done $0x0  }
0x2ba: {  	s1 =	rddreg [dreg:$0xf];
	[sflag:s5] =	ssyncadd.s32 $0xFFFFC000  }
0x2bb: {  	[hbm4b:s1+s2] =	stream.linear.scatter [tilespmem:s9], [sflag:$0x3], $0x4000, $0x38;
	[tilespmem:$0x9880] =	vst v63  }
0x2bc: {  	_ =	swait.ge [sflag:s7], $0x4000  }
0x2bd: {  	[sflag:s7] =	ssyncset.done $0x0  }
0x2be: {  	[sflag:s7] =	ssyncadd.s32 $0xFFFFC000  }
0x2bf: {  	[tilespmem:s9], [sflag:$0x1] =	stream.indirect.gather [hbm4b:s4+s12], $0x80, s17, s12, $0xb8;
	[tilespmem:$0x9880] =	vst v63  }
0x2c0: {  	_ =	swait.ge [sflag:s10], $0x4000  }
0x2c1: {  	[sflag:s10] =	ssyncset.done $0x0  }
0x2c2: {  	s31 =	rddreg [dreg:$0x10];
	[sflag:s10] =	ssyncadd.s32 $0xFFFFC000  }
0x2c3: {  	[hbm4b:s31+s2] =	stream.linear.scatter [tilespmem:s8], [sflag:$0x4], $0x4000, $0x38;
	[tilespmem:$0x9880] =	vst v63  }
0x2c4: {  	_ =	swait.ge [sflag:s6], $0x4000  }
0x2c5: {  	[sflag:s6] =	ssyncset.done $0x0  }
0x2c6: {  	[sflag:s6] =	ssyncadd.s32 $0xFFFFC000  }
0x2c7: {  	[tilespmem:s8], [sflag:$0x2] =	stream.indirect.gather [hbm4b:s4+s12], $0x80, s16, s12, $0xb8;
	[tilespmem:$0x9880] =	vst v63  }
0x2c8: {  	_ =	swait.ge [sflag:s5], $0x4000  }
0x2c9: {  	[sflag:s5] =	ssyncset.done $0x0  }
0x2ca: {  	s1 =	rddreg [dreg:$0x11];
	[sflag:s5] =	ssyncadd.s32 $0xFFFFC000  }
0x2cb: {  	[hbm4b:s1+s2] =	stream.linear.scatter [tilespmem:s9], [sflag:$0x3], $0x4000, $0x38;
	[tilespmem:$0x9880] =	vst v63  }
0x2cc: {  	_ =	swait.ge [sflag:s7], $0x4000  }
0x2cd: {  	[sflag:s7] =	ssyncset.done $0x0  }
0x2ce: {  	[sflag:s7] =	ssyncadd.s32 $0xFFFFC000  }
0x2cf: {  	[tilespmem:s9], [sflag:$0x1] =	stream.indirect.gather [hbm4b:s4+s12], $0x80, s15, s12, $0xb8;
	[tilespmem:$0x9880] =	vst v63  }
0x2d0: {  	_ =	swait.ge [sflag:s10], $0x4000  }
0x2d1: {  	[sflag:s10] =	ssyncset.done $0x0  }
0x2d2: {  	s31 =	rddreg [dreg:$0x12];
	[sflag:s10] =	ssyncadd.s32 $0xFFFFC000  }
0x2d3: {  	[hbm4b:s31+s2] =	stream.linear.scatter [tilespmem:s8], [sflag:$0x4], $0x4000, $0x38;
	[tilespmem:$0x9880] =	vst v63  }
0x2d4: {  	_ =	swait.ge [sflag:s6], $0x4000  }
0x2d5: {  	[sflag:s6] =	ssyncset.done $0x0  }
0x2d6: {  	[sflag:s6] =	ssyncadd.s32 $0xFFFFC000  }
0x2d7: {  	[tilespmem:s8], [sflag:$0x2] =	stream.indirect.gather [hbm4b:s4+s12], $0x80, s14, s12, $0xb8;
	[tilespmem:$0x9880] =	vst v63  }
0x2d8: {  	_ =	swait.ge [sflag:s5], $0x4000  }
0x2d9: {  	[sflag:s5] =	ssyncset.done $0x0  }
0x2da: {  	s1 =	rddreg [dreg:$0x13];
	[sflag:s5] =	ssyncadd.s32 $0xFFFFC000  }
0x2db: {  	[hbm4b:s1+s2] =	stream.linear.scatter [tilespmem:s9], [sflag:$0x3], $0x4000, $0x38;
	[tilespmem:$0x9880] =	vst v63  }
0x2dc: {  	_ =	swait.ge [sflag:s10], $0x4000  }
0x2dd: {  	[sflag:s10] =	ssyncset.done $0x0  }
0x2de: {  	s31 =	rddreg [dreg:$0x14];
	[sflag:s10] =	ssyncadd.s32 $0xFFFFC000  }
0x2df: {  	[hbm4b:s31+s2] =	stream.linear.scatter [tilespmem:s8], [sflag:$0x4], $0x4000, $0x38;
	[tilespmem:$0x9880] =	vst v63  }
0x2e0: {  	_ =	swait.ge [sflag:s7], $0x4000  }
0x2e1: {  	[sflag:s7] =	ssyncset.done $0x0  }
0x2e2: {  	[sflag:s7] =	ssyncadd.s32 $0xFFFFC000  }
0x2e3: {  	_ =	swait.ge [sflag:s6], $0x4000  }
0x2e4: {  	[sflag:s6] =	ssyncset.done $0x0  }
0x2e5: {  	s1 =	rddreg [dreg:$0x3];
	[sflag:s6] =	ssyncadd.s32 $0xFFFFC000  }
0x2e6: {  	[tilespmem:s2], [sflag:$0x5] =	stream.linear.gather [hbm4b:s1+s2], $0x800, $0x38;
	[tilespmem:$0x9880] =	vst v63  }
0x2e7: {  	_ =	swait.ge [sflag:s3], $0x800  }
0x2e8: {  	[sflag:s3] =	ssyncset.done $0x0  }
0x2e9: {  	[sflag:s3] =	ssyncadd.s32 $0xFFFFF800  }
0x2ea: {  	[tilespmem:s9], [sflag:$0x1] =	stream.indirect.gather [hbm4b:s4+s12], $0x80, s2, s12, $0xb8;
	[tilespmem:$0x9880] =	vst v63  }
0x2eb: {  	_ = 	snop  }
0x2ec: {  	[tilespmem:s8], [sflag:$0x2] =	stream.indirect.gather [hbm4b:s4+s12], $0x80, s12, s12, $0xb8;
	[tilespmem:$0x9880] =	vst v63  }
0x2ed: {  	_ =	swait.ge [sflag:s5], $0x4000  }
0x2ee: {  	[sflag:s5] =	ssyncset.done $0x0  }
0x2ef: {  	[sflag:s5] =	ssyncadd.s32 $0xFFFFC000  }
0x2f0: {  	[hbm4b:s23+s2] =	stream.linear.scatter [tilespmem:s9], [sflag:$0x3], $0x4000, $0x38;
	[tilespmem:$0x9880] =	vst v63  }
0x2f1: {  	_ =	swait.ge [sflag:s7], $0x4000  }
0x2f2: {  	[sflag:s7] =	ssyncset.done $0x0  }
0x2f3: {  	[sflag:s7] =	ssyncadd.s32 $0xFFFFC000  }
0x2f4: {  	[tilespmem:s9], [sflag:$0x1] =	stream.indirect.gather [hbm4b:s4+s12], $0x80, s30, s12, $0xb8;
	[tilespmem:$0x9880] =	vst v63  }
0x2f5: {  	_ =	swait.ge [sflag:s10], $0x4000  }
0x2f6: {  	[sflag:s10] =	ssyncset.done $0x0  }
0x2f7: {  	[sflag:s10] =	ssyncadd.s32 $0xFFFFC000  }
0x2f8: {  	[hbm4b:s22+s2] =	stream.linear.scatter [tilespmem:s8], [sflag:$0x4], $0x4000, $0x38;
	[tilespmem:$0x9880] =	vst v63  }
0x2f9: {  	_ =	swait.ge [sflag:s6], $0x4000  }
0x2fa: {  	[sflag:s6] =	ssyncset.done $0x0  }
0x2fb: {  	[sflag:s6] =	ssyncadd.s32 $0xFFFFC000  }
0x2fc: {  	[tilespmem:s8], [sflag:$0x2] =	stream.indirect.gather [hbm4b:s4+s12], $0x80, s29, s12, $0xb8;
	[tilespmem:$0x9880] =	vst v63  }
0x2fd: {  	_ =	swait.ge [sflag:s5], $0x4000  }
0x2fe: {  	[sflag:s5] =	ssyncset.done $0x0  }
0x2ff: {  	s22 =	rddreg [dreg:$0x17];
	[sflag:s5] =	ssyncadd.s32 $0xFFFFC000  }
0x300: {  	[hbm4b:s22+s2] =	stream.linear.scatter [tilespmem:s9], [sflag:$0x3], $0x4000, $0x38;
	[tilespmem:$0x9880] =	vst v63  }
0x301: {  	_ =	swait.ge [sflag:s7], $0x4000  }
0x302: {  	[sflag:s7] =	ssyncset.done $0x0  }
0x303: {  	[sflag:s7] =	ssyncadd.s32 $0xFFFFC000  }
0x304: {  	[tilespmem:s9], [sflag:$0x1] =	stream.indirect.gather [hbm4b:s4+s12], $0x80, s28, s12, $0xb8;
	[tilespmem:$0x9880] =	vst v63  }
0x305: {  	_ =	swait.ge [sflag:s10], $0x4000  }
0x306: {  	[sflag:s10] =	ssyncset.done $0x0  }
0x307: {  	s23 =	rddreg [dreg:$0x18];
	[sflag:s10] =	ssyncadd.s32 $0xFFFFC000  }
0x308: {  	[hbm4b:s23+s2] =	stream.linear.scatter [tilespmem:s8], [sflag:$0x4], $0x4000, $0x38;
	[tilespmem:$0x9880] =	vst v63  }
0x309: {  	_ =	swait.ge [sflag:s6], $0x4000  }
0x30a: {  	[sflag:s6] =	ssyncset.done $0x0  }
0x30b: {  	[sflag:s6] =	ssyncadd.s32 $0xFFFFC000  }
0x30c: {  	[tilespmem:s8], [sflag:$0x2] =	stream.indirect.gather [hbm4b:s4+s12], $0x80, s26, s12, $0xb8;
	[tilespmem:$0x9880] =	vst v63  }
0x30d: {  	_ =	swait.ge [sflag:s5], $0x4000  }
0x30e: {  	[sflag:s5] =	ssyncset.done $0x0  }
0x30f: {  	s28 =	rddreg [dreg:$0x19];
	[sflag:s5] =	ssyncadd.s32 $0xFFFFC000  }
0x310: {  	[hbm4b:s28+s2] =	stream.linear.scatter [tilespmem:s9], [sflag:$0x3], $0x4000, $0x38;
	[tilespmem:$0x9880] =	vst v63  }
0x311: {  	_ =	swait.ge [sflag:s7], $0x4000  }
0x312: {  	[sflag:s7] =	ssyncset.done $0x0  }
0x313: {  	[sflag:s7] =	ssyncadd.s32 $0xFFFFC000  }
0x314: {  	[tilespmem:s9], [sflag:$0x1] =	stream.indirect.gather [hbm4b:s4+s12], $0x80, s25, s12, $0xb8;
	[tilespmem:$0x9880] =	vst v63  }
0x315: {  	_ =	swait.ge [sflag:s10], $0x4000  }
0x316: {  	[sflag:s10] =	ssyncset.done $0x0  }
0x317: {  	s29 =	rddreg [dreg:$0x1a];
	[sflag:s10] =	ssyncadd.s32 $0xFFFFC000  }
0x318: {  	[hbm4b:s29+s2] =	stream.linear.scatter [tilespmem:s8], [sflag:$0x4], $0x4000, $0x38;
	[tilespmem:$0x9880] =	vst v63  }
0x319: {  	_ =	swait.ge [sflag:s6], $0x4000  }
0x31a: {  	[sflag:s6] =	ssyncset.done $0x0  }
0x31b: {  	[sflag:s6] =	ssyncadd.s32 $0xFFFFC000  }
0x31c: {  	[tilespmem:s8], [sflag:$0x2] =	stream.indirect.gather [hbm4b:s4+s12], $0x80, s24, s12, $0xb8;
	[tilespmem:$0x9880] =	vst v63  }
0x31d: {  	_ =	swait.ge [sflag:s5], $0x4000  }
0x31e: {  	[sflag:s5] =	ssyncset.done $0x0  }
0x31f: {  	s30 =	rddreg [dreg:$0x1b];
	[sflag:s5] =	ssyncadd.s32 $0xFFFFC000  }
0x320: {  	[hbm4b:s30+s2] =	stream.linear.scatter [tilespmem:s9], [sflag:$0x3], $0x4000, $0x38;
	[tilespmem:$0x9880] =	vst v63  }
0x321: {  	_ =	swait.ge [sflag:s7], $0x4000  }
0x322: {  	[sflag:s7] =	ssyncset.done $0x0  }
0x323: {  	[sflag:s7] =	ssyncadd.s32 $0xFFFFC000  }
0x324: {  	[tilespmem:s9], [sflag:$0x1] =	stream.indirect.gather [hbm4b:s4+s12], $0x80, s21, s12, $0xb8;
	[tilespmem:$0x9880] =	vst v63  }
0x325: {  	_ =	swait.ge [sflag:s10], $0x4000  }
0x326: {  	[sflag:s10] =	ssyncset.done $0x0  }
0x327: {  	s31 =	rddreg [dreg:$0x1c];
	[sflag:s10] =	ssyncadd.s32 $0xFFFFC000  }
0x328: {  	[hbm4b:s31+s2] =	stream.linear.scatter [tilespmem:s8], [sflag:$0x4], $0x4000, $0x38;
	[tilespmem:$0x9880] =	vst v63  }
0x329: {  	_ =	swait.ge [sflag:s6], $0x4000  }
0x32a: {  	[sflag:s6] =	ssyncset.done $0x0  }
0x32b: {  	[sflag:s6] =	ssyncadd.s32 $0xFFFFC000  }
0x32c: {  	[tilespmem:s8], [sflag:$0x2] =	stream.indirect.gather [hbm4b:s4+s12], $0x80, s20, s12, $0xb8;
	[tilespmem:$0x9880] =	vst v63  }
0x32d: {  	_ =	swait.ge [sflag:s5], $0x4000  }
0x32e: {  	[sflag:s5] =	ssyncset.done $0x0  }
0x32f: {  	s1 =	rddreg [dreg:$0x1d];
	[sflag:s5] =	ssyncadd.s32 $0xFFFFC000  }
0x330: {  	[hbm4b:s1+s2] =	stream.linear.scatter [tilespmem:s9], [sflag:$0x3], $0x4000, $0x38;
	[tilespmem:$0x9880] =	vst v63  }
0x331: {  	_ =	swait.ge [sflag:s7], $0x4000  }
0x332: {  	[sflag:s7] =	ssyncset.done $0x0  }
0x333: {  	[sflag:s7] =	ssyncadd.s32 $0xFFFFC000  }
0x334: {  	[tilespmem:s9], [sflag:$0x1] =	stream.indirect.gather [hbm4b:s4+s12], $0x80, s19, s12, $0xb8;
	[tilespmem:$0x9880] =	vst v63  }
0x335: {  	_ =	swait.ge [sflag:s10], $0x4000  }
0x336: {  	[sflag:s10] =	ssyncset.done $0x0  }
0x337: {  	s20 =	rddreg [dreg:$0x1e];
	[sflag:s10] =	ssyncadd.s32 $0xFFFFC000  }
0x338: {  	[hbm4b:s20+s2] =	stream.linear.scatter [tilespmem:s8], [sflag:$0x4], $0x4000, $0x38;
	[tilespmem:$0x9880] =	vst v63  }
0x339: {  	_ =	swait.ge [sflag:s6], $0x4000  }
0x33a: {  	[sflag:s6] =	ssyncset.done $0x0  }
0x33b: {  	[sflag:s6] =	ssyncadd.s32 $0xFFFFC000  }
0x33c: {  	[tilespmem:s8], [sflag:$0x2] =	stream.indirect.gather [hbm4b:s4+s12], $0x80, s18, s12, $0xb8;
	[tilespmem:$0x9880] =	vst v63  }
0x33d: {  	_ =	swait.ge [sflag:s5], $0x4000  }
0x33e: {  	[sflag:s5] =	ssyncset.done $0x0  }
0x33f: {  	s21 =	rddreg [dreg:$0x1f];
	[sflag:s5] =	ssyncadd.s32 $0xFFFFC000  }
0x340: {  	[hbm4b:s21+s2] =	stream.linear.scatter [tilespmem:s9], [sflag:$0x3], $0x4000, $0x38;
	[tilespmem:$0x9880] =	vst v63  }
0x341: {  	_ =	swait.ge [sflag:s7], $0x4000  }
0x342: {  	[sflag:s7] =	ssyncset.done $0x0  }
0x343: {  	[sflag:s7] =	ssyncadd.s32 $0xFFFFC000  }
0x344: {  	[tilespmem:s9], [sflag:$0x1] =	stream.indirect.gather [hbm4b:s4+s12], $0x80, s17, s12, $0xb8;
	[tilespmem:$0x9880] =	vst v63  }
0x345: {  	_ =	swait.ge [sflag:s10], $0x4000  }
0x346: {  	s22 =	sld [smem:$0x7FA]  }
0x347: {  	[sflag:s10] =	ssyncset.done $0x0  }
0x348: {  	[sflag:s10] =	ssyncadd.s32 $0xFFFFC000  }
0x349: {  	[hbm4b:s22+s2] =	stream.linear.scatter [tilespmem:s8], [sflag:$0x4], $0x4000, $0x38;
	[tilespmem:$0x9880] =	vst v63  }
0x34a: {  	_ =	swait.ge [sflag:s6], $0x4000  }
0x34b: {  	[sflag:s6] =	ssyncset.done $0x0  }
0x34c: {  	[sflag:s6] =	ssyncadd.s32 $0xFFFFC000  }
0x34d: {  	[tilespmem:s8], [sflag:$0x2] =	stream.indirect.gather [hbm4b:s4+s12], $0x80, s16, s12, $0xb8;
	[tilespmem:$0x9880] =	vst v63  }
0x34e: {  	_ =	swait.ge [sflag:s5], $0x4000  }
0x34f: {  	s23 =	sld [smem:$0x7FB]  }
0x350: {  	[sflag:s5] =	ssyncset.done $0x0  }
0x351: {  	[sflag:s5] =	ssyncadd.s32 $0xFFFFC000  }
0x352: {  	[hbm4b:s23+s2] =	stream.linear.scatter [tilespmem:s9], [sflag:$0x3], $0x4000, $0x38;
	[tilespmem:$0x9880] =	vst v63  }
0x353: {  	_ =	swait.ge [sflag:s7], $0x4000  }
0x354: {  	[sflag:s7] =	ssyncset.done $0x0  }
0x355: {  	[sflag:s7] =	ssyncadd.s32 $0xFFFFC000  }
0x356: {  	[tilespmem:s9], [sflag:$0x1] =	stream.indirect.gather [hbm4b:s4+s12], $0x80, s15, s12, $0xb8;
	[tilespmem:$0x9880] =	vst v63  }
0x357: {  	_ =	swait.ge [sflag:s10], $0x4000  }
0x358: {  	s24 =	sld [smem:$0x7FC]  }
0x359: {  	[sflag:s10] =	ssyncset.done $0x0  }
0x35a: {  	[sflag:s10] =	ssyncadd.s32 $0xFFFFC000  }
0x35b: {  	[hbm4b:s24+s2] =	stream.linear.scatter [tilespmem:s8], [sflag:$0x4], $0x4000, $0x38;
	[tilespmem:$0x9880] =	vst v63  }
0x35c: {  	_ =	swait.ge [sflag:s6], $0x4000  }
0x35d: {  	[sflag:s6] =	ssyncset.done $0x0  }
0x35e: {  	[sflag:s6] =	ssyncadd.s32 $0xFFFFC000  }
0x35f: {  	[tilespmem:s8], [sflag:$0x2] =	stream.indirect.gather [hbm4b:s4+s12], $0x80, s14, s12, $0xb8;
	[tilespmem:$0x9880] =	vst v63  }
0x360: {  	_ =	swait.ge [sflag:s5], $0x4000  }
0x361: {  	[sflag:s5] =	ssyncset.done $0x0  }
0x362: {  	s25 =	rddreg [dreg:$0x15];
	[sflag:s5] =	ssyncadd.s32 $0xFFFFC000  }
0x363: {  	[hbm4b:s25+s2] =	stream.linear.scatter [tilespmem:s9], [sflag:$0x3], $0x4000, $0x38;
	[tilespmem:$0x9880] =	vst v63  }
0x364: {  	_ =	swait.ge [sflag:s10], $0x4000  }
0x365: {  	[sflag:s10] =	ssyncset.done $0x0  }
0x366: {  	s26 =	rddreg [dreg:$0x16];
	[sflag:s10] =	ssyncadd.s32 $0xFFFFC000  }
0x367: {  	[hbm4b:s26+s2] =	stream.linear.scatter [tilespmem:s8], [sflag:$0x4], $0x4000, $0x38;
	[tilespmem:$0x9880] =	vst v63  }
0x368: {  	_ =	swait.ge [sflag:s7], $0x4000  }
0x369: {  	[sflag:s7] =	ssyncset.done $0x0  }
0x36a: {  	[sflag:s7] =	ssyncadd.s32 $0xFFFFC000  }
0x36b: {  	_ =	swait.ge [sflag:s6], $0x4000  }
0x36c: {  	[sflag:s6] =	ssyncset.done $0x0  }
0x36d: {  	s28 =	rddreg [dreg:$0x4];
	[sflag:s6] =	ssyncadd.s32 $0xFFFFC000  }
0x36e: {  	[tilespmem:s13], [sflag:$0x5] =	stream.linear.gather [hbm4b:s28+s2], $0x80, $0x38;
	[tilespmem:$0x9880] =	vst v63  }
0x36f: {  	_ =	swait.ge [sflag:s3], $0x80  }
0x370: {  	s29 =	sld [smem:$0x7FD]  }
0x371: {  	[sflag:s3] =	ssyncset.done $0x0  }
0x372: {  	[sflag:s3] =	ssyncadd.s32 $0xFFFFFF80  }
0x373: {  	[tilespmem:s11], [sflag:$0x1] =	stream.indirect.gather [hbm4b:s4+s29], $0x80, s13, s29, $0xb8;
	[tilespmem:$0x9880] =	vst v63  }
0x374: {  	_ =	swait.ge [sflag:s5], $0x1000  }
0x375: {  	[sflag:s5] =	ssyncset.done $0x0  }
0x376: {  	s30 =	rddreg [dreg:$0x5];
	[sflag:s5] =	ssyncadd.s32 $0xFFFFF000  }
0x377: {  	[hbm4b:s30+s2] =	stream.linear.scatter [tilespmem:s11], [sflag:$0x5], $0x1000, $0x38;
	[tilespmem:$0x9880] =	vst v63  }
0x378: {  	_ =	swait.ge [sflag:s3], $0x1000  }
0x379: {  	[sflag:s3] =	ssyncset.done $0x0  }
0x37a: {  	[sflag:s3] =	ssyncadd.s32 $0xFFFFF000  }
0x37b: {  	_ =	sfence.sel $0x180000  }
0x37c: {  	[bflag:$0x0] =	sbarrier.arrive $0xFFFF  }
0x37d: {  	_ =	strace $0x9000004A  }
0x37e: {  	s31 =	stileid.u32;
	[bflag:$0x2] =	sbarrier.arrive $0xFFFF  }
0x37f: {  	p0 =	sne.s32 s31, $0x0;
	s0 =	rddreg [dreg:$0x1]  }
0x380: {  	s0 =	sadd.s32 @!p0 $0x100000, s0  }
0x381: {  	[sflag:s0] =	ssyncadd.tile.s32 @!p0 $0x1;
	_ =	shalt  }
.Lfunc_end2:
_tile_overlayer_lowered:
.L_overlay_start_2:
0x382: {  	(tag) =	ssettag $0x2  }
0x383: {  	s0 =	rddreg [dreg:$0x0];
	s2 =	stileid.u32  }
0x384: {  	s1 =	rddreg [dreg:$0x1];
	p0 =	sne.s32 s2, $0x0  }
0x385: {  	s3 =	rddreg [dreg:$0x2];
	[bflag:$0x3] =	sbarrier.arrive $0xFFFF;
	s2 =	simm.s32 @!p0 $0x1C05  }
0x386: {  	[timem:s3], [sflag:s2] =	dma.local @!p0 [hbm:s0], s1  }
0x387: {  	s0 =	simm.s32 @!p0 $0x5  }
0x388: {  	_ =	swait.ge @!p0 [sflag:s0], s1  }
0x389: {  	s1 =	ssub.s32 @!p0 $0x0, s1;
	[sflag:s0] =	ssyncset.done @!p0 $0x0  }
0x38a: {  	[sflag:s0] =	ssyncadd.s32 @!p0 s1  }
0x38b: {  	[bflag:$0x3] =	sbarrier.arrive $0xFFFF  }
0x38c: {  	_ =	shalt  }

// kernel: kernel.17.cloned.1.call-start
scs
__scs_entry_jumppad:
0x0: {  	(pc) =	sbr.rel $0x88, $3  }
0x1: {  	(tag) =	ssettag $0x0;
	lr =	simm.s32 $0x1  }
0x2: {  	[smem:$0x3F98] =	sst lr;
	_ =	strace $0xD0000000  }
0x3: {  	_ = 	snop  }
0x4: {  	_ = 	snop  }
0x5: {  	_ = 	snop  }
0x6: {  	_ = 	snop  }
0x7: {  	_ = 	snop  }
__scs_overlays_trampoline_lowered:
0x8: {  	[smem:$0x3FA7] =	sst s0  }
0x9: {  	[smem:$0x3FA8] =	sst s1  }
0xa: {  	[smem:$0x3FA9] =	sst s2  }
0xb: {  	[smem:$0x3FAA] =	sst s3  }
0xc: {  	[smem:$0x3FAB] =	sst s4  }
0xd: {  	[smem:$0x3FAC] =	sst s5  }
0xe: {  	[smem:$0x3FAD] =	sst s6  }
0xf: {  	[smem:$0x3FAE] =	sst s7  }
0x10: {  	[smem:$0x3FAF] =	sst s8  }
0x11: {  	[smem:$0x3FB0] =	sst s9;
	s0 =	simm.s32 @!p0 $0x0  }
0x12: {  	s1 =	sld [smem:$0x3F96];
	s0 =	simm.s32 @p0 $0x1  }
0x13: {  	[smem:$0x3FB1] =	sst s0;
	s0 =	simm.s32 @!p1 $0x0  }
0x14: {  	s2 =	sld [smem:$0x3F95];
	s0 =	simm.s32 @p1 $0x1  }
0x15: {  	[smem:$0x3FB2] =	sst s0;
	s0 =	simm.s32 @!p2 $0x0  }
0x16: {  	s3 =	sld [smem:$0x3FDB];
	s0 =	simm.s32 @p2 $0x1  }
0x17: {  	s4 =	simm.s32 $0x1BF5;
	[smem:$0x3FB4] =	sst s0  }
0x18: {  	s0 =	sld [smem:$0x3F97];
	_ =	swait.ge [sflag:s4], $0x0  }
0x19: {  	s7 =	sld [smem:$0x3F98]  }
0x1a: {  	s8 =	sadd.s32 $0xFFFFE003, lr  }
0x1b: {  	s9 =	sadd.s32 $0xFFFFFEF7, lr;
	s5 =	simm.s32 $0xFFFFFFFF;
	p2 =	slt.u32 s8, $0xFFFFF086  }
0x1c: {  	p1 =	slt.u32 s9, $0xF7A;
	s5 =	simm.s32 @!p2 $0x0  }
0x1d: {  	s5 =	simm.s32 @p1 $0x1;
	p0 =	seq.s32 s7, s2  }
0x1e: {  	s7 =	smul.u32 @!p0 $0xF7A, s2;
	p2 =	seq.s32 @!p0 s5, $0x0  }
0x1f: {  	s9 =	smul.u32 $0xF7A, s1;
	s8 =	simm.s32 @!p0 $0x1BF5;
	p2 =	por !p2, p0  }
0x20: {  	[sflag:s8] =	ssyncset.s32 @!p0 $0xFFFFF086;
	s6 =	sadd.s32 @!p0 s3, s7;
	s7 =	simm.s32 @!p0 $0x108  }
0x21: {  	s3 =	sadd.s32 s3, s9;
	s6 =	sadd.s32 @!p0 $0x88, s6;
	s7 =	simm.s32 @p2 $0x1082  }
0x22: {  	[simem:s7], [sflag:s8] =	dma.local @!p0 [hbm:s6], $0xF7A  }
0x23: {  	s9 =	sor.u32 $0xD0000000, s2;
	s6 =	simm.s32 $0x108;
	_ =	swait.ge @!p0 [sflag:s8], $0x0  }
0x24: {  	s3 =	sadd.s32 $0x88, s3;
	s6 =	simm.s32 @!p1 $0x1082;
	[sflag:s4] =	ssyncset.s32 $0xFFFFF086  }
0x25: {  	[simem:s6], [sflag:s4] =	dma.local [hbm:s3], $0xF7A  }
0x26: {  	[smem:$0x3F98] =	sst s1;
	(tag) =	ssettag s2;
	_ =	strace s9  }
0x27: {  	s1 =	sld [smem:$0x3FA8]  }
0x28: {  	s2 =	sld [smem:$0x3FA9]  }
0x29: {  	s4 =	sld [smem:$0x3FAB]  }
0x2a: {  	p0 =	seq.s32 s5, $0x0;
	s5 =	sld [smem:$0x3FAC]  }
0x2b: {  	s6 =	sld [smem:$0x3FAD]  }
0x2c: {  	s7 =	sld [smem:$0x3FAE]  }
0x2d: {  	s3 =	simm.s32 $0x108;
	s8 =	sld [smem:$0x3FAF]  }
0x2e: {  	s3 =	simm.s32 @!p0 $0x1082;
	s9 =	sld [smem:$0x3FB0]  }
0x2f: {  	lr =	sadd.s32 s0, s3;
	s0 =	sld [smem:$0x3FA7]  }
0x30: {  	s3 =	sld [smem:$0x3FAA]  }
0x31: {  	[smem:$0x3FB3] =	sst s10  }
0x32: {  	s10 =	sld [smem:$0x3FB1];
	_ =	sdelay $0x3  }
0x33: {  	p0 =	seq.s32 s10, $0x1;
	s10 =	sld [smem:$0x3FB3];
	_ =	sdelay $0x3  }
0x34: {  	[smem:$0x3FB3] =	sst s10  }
0x35: {  	s10 =	sld [smem:$0x3FB2];
	_ =	sdelay $0x3  }
0x36: {  	p1 =	seq.s32 s10, $0x1;
	s10 =	sld [smem:$0x3FB3];
	_ =	sdelay $0x3  }
0x37: {  	[smem:$0x3FB3] =	sst s10  }
0x38: {  	s10 =	sld [smem:$0x3FB4]  }
0x39: {  	_ = 	snop;
	(pc) =	sbr.ind lr, $3  }
0x3a: {  	_ = 	snop  }
0x3b: {  	_ = 	snop  }
0x3c: {  	p2 =	seq.s32 s10, $0x1;
	s10 =	sld [smem:$0x3FB3]  }
0x3d: {  	_ =	shalt  }
0x3e: {  	_ =	shalt  }
0x3f: {  	_ =	shalt  }
0x40: {  	_ =	shalt  }
0x41: {  	_ =	shalt  }
0x42: {  	_ =	shalt  }
0x43: {  	_ =	shalt  }
0x44: {  	_ =	shalt  }
0x45: {  	_ =	shalt  }
0x46: {  	_ =	shalt  }
0x47: {  	_ =	shalt  }
0x48: {  	_ =	shalt  }
0x49: {  	_ =	shalt  }
0x4a: {  	_ =	shalt  }
0x4b: {  	_ =	shalt  }
0x4c: {  	_ =	shalt  }
0x4d: {  	_ =	shalt  }
0x4e: {  	_ =	shalt  }
0x4f: {  	_ =	shalt  }
0x50: {  	_ =	shalt  }
0x51: {  	_ =	shalt  }
0x52: {  	_ =	shalt  }
0x53: {  	_ =	shalt  }
0x54: {  	_ =	shalt  }
0x55: {  	_ =	shalt  }
0x56: {  	_ =	shalt  }
0x57: {  	_ =	shalt  }
0x58: {  	_ =	shalt  }
0x59: {  	_ =	shalt  }
0x5a: {  	_ =	shalt  }
0x5b: {  	_ =	shalt  }
0x5c: {  	_ =	shalt  }
0x5d: {  	_ =	shalt  }
0x5e: {  	_ =	shalt  }
0x5f: {  	_ =	shalt  }
0x60: {  	_ =	shalt  }
0x61: {  	_ =	shalt  }
0x62: {  	_ =	shalt  }
0x63: {  	_ =	shalt  }
0x64: {  	_ =	shalt  }
0x65: {  	_ =	shalt  }
0x66: {  	_ =	shalt  }
0x67: {  	_ =	shalt  }
0x68: {  	_ =	shalt  }
0x69: {  	_ =	shalt  }
0x6a: {  	_ =	shalt  }
0x6b: {  	_ =	shalt  }
0x6c: {  	_ =	shalt  }
0x6d: {  	_ =	shalt  }
0x6e: {  	_ =	shalt  }
0x6f: {  	_ =	shalt  }
0x70: {  	_ =	shalt  }
0x71: {  	_ =	shalt  }
0x72: {  	_ =	shalt  }
0x73: {  	_ =	shalt  }
0x74: {  	_ =	shalt  }
0x75: {  	_ =	shalt  }
0x76: {  	_ =	shalt  }
0x77: {  	_ =	shalt  }
0x78: {  	_ =	shalt  }
0x79: {  	_ =	shalt  }
0x7a: {  	_ =	shalt  }
0x7b: {  	_ =	shalt  }
0x7c: {  	_ =	shalt  }
0x7d: {  	_ =	shalt  }
0x7e: {  	_ =	shalt  }
0x7f: {  	_ =	shalt  }
0x80: {  	_ =	shalt  }
0x81: {  	_ =	shalt  }
0x82: {  	_ =	shalt  }
0x83: {  	_ =	shalt  }
0x84: {  	_ =	shalt  }
0x85: {  	_ =	shalt  }
0x86: {  	_ =	shalt  }
0x87: {  	_ =	shalt  }
.Lfunc_end0:
.L_simem_size_0:
called_computation.3_lowered:
.L_overlay_start_0:
0x88: {  	s2 =	sld [smem:$0x3FD9]  }
0x89: {  	s3 =	sld [smem:$0x3FFE];
	_ =	sdelay $0x1  }
0x8a: {  	s1 =	srdreg.scid  }
0x8b: {  	s0 =	sand.u32 $0x1, s1  }
0x8c: {  	s17 =	sshll.u32 s0, $0xA;
	s2 =	sadd.s32 s3, s2  }
0x8d: {  	s2 =	sadd.s32 s2, s17  }
0x8e: {  	[smem:$0x3FBF] =	sst s2  }
0x8f: {  	_ = 	snop  }
0x90: {  	(tm) =	ssettm $0x1  }
0x91: {  	s18 =	sld [smem:$0x3FFB];
	_ =	sdelay $0x3  }
0x92: {  	_ =	strace s18  }
0x93: {  	s2 =	sld [smem:$0x3FFC];
	_ =	sdelay $0x3  }
0x94: {  	_ =	strace s2  }
0x95: {  	s2 =	sld [smem:$0x3FFD];
	_ =	sdelay $0x3  }
0x96: {  	_ =	strace s2  }
0x97: {  	_ =	strace $0x8FFFFFFF  }
0x98: {  	s19 =	sld [smem:$0x3FDB];
	_ =	sdelay $0x1  }
0x99: {  	s20 =	simm.s32 $_scs_section_size  }
0x9a: {  	s4 =	simm.s32 $_size__tile_overlayer_lowered;
	s5 =	simm.s32 $_tile_overlayer_lowered  }
0x9b: {  	s6 =	simm.s32 $0x1BFF;
	s21 =	sshll.u32 s5, $0x1;
	s3 =	sadd.s32 s20, s19  }
0x9c: {  	s22 =	simm.s32 $0x0;
	s4 =	sshll.u32 s4, $0x1;
	s5 =	sadd.s32 s21, s3  }
0x9d: {  	[timem:s22], [sflag:s6] =	dma.local [hbm:s5], s4  }
0x9e: {  	_ =	swait.ge [sflag:s6], s4  }
0x9f: {  	s4 =	ssub.s32 $0x0, s4;
	[sflag:s6] =	ssyncset.done $0x0  }
0xa0: {  	[sflag:s6] =	ssyncadd.s32 s4;
	_ =	sdelay $0x1  }
0xa1: {  	s23 =	simm.s32 $0x1B8B  }
0xa2: {  	_ =	swait.ge [sflag:s23], $0x1  }
0xa3: {  	[sflag:s23] =	ssyncset.done $0x0  }
0xa4: {  	[sflag:s23] =	ssyncadd.s32 $0xFFFFFFFF  }
0xa5: {  	s4 =	sld [smem:$0x0]  }
0xa6: {  	s5 =	sand.u32 $0xFFFFFFFE, s1  }
0xa7: {  	p0 =	sne.s32 s1, s5  }
0xa8: {  	s5 =	sshll.u32 @p0 s5, $0xE  }
0xa9: {  	s5 =	sadd.s32 @p0 $0x11B8D, s5;
	s6 =	sshll.u32 @p0 s4, $0x11  }
0xaa: {  	s5 =	sor.u32 @p0 s6, s5  }
0xab: {  	[sflag:s5] =	ssyncadd.remote.s32 @p0 $0x1;
	_ =	sdelay $0x1  }
0xac: {  	s5 =	simm.s32 @p0 $0x1B8D  }
0xad: {  	_ =	swait.eq @p0 [sflag:s5], $0x1  }
0xae: {  	[sflag:s5] =	ssyncadd.s32 @p0 $0xFFFFFFFF  }
0xaf: {  	s6 =	sshll.u32 @!p0 s1, $0xE  }
0xb0: {  	s6 =	sor.u32 @!p0 $0x4000, s6;
	s5 =	simm.s32 @!p0 $0x1B8D  }
0xb1: {  	s4 =	sshll.u32 @!p0 s4, $0x11;
	s6 =	sadd.s32 @!p0 $0x11B8D, s6;
	_ =	swait.eq @!p0 [sflag:s5], $0x1  }
0xb2: {  	s4 =	sor.u32 @!p0 s4, s6;
	[sflag:s5] =	ssyncadd.s32 @!p0 $0xFFFFFFFF  }
0xb3: {  	s25 =	simm.s32 $0x1B8E;
	s24 =	sld [smem:$0x3FFE];
	[sflag:s4] =	ssyncadd.remote.s32 @!p0 $0x1  }
0xb4: {  	s26 =	simm.s32 $execute0_lowered;
	[smem:$0x3FD2] =	sst s25  }
0xb5: {  	s5 =	sshll.u32 s26, $0x1;
	_ =	strace $0x8000004F;
	[dreg:$0x1] =	wrdreg $0xFFFFFFFF  }
0xb6: {  	s28 =	simm.s32 $_size_execute0_lowered;
	s3 =	sadd.s32 s3, s5;
	[dreg:$0x0] =	wrdreg $0x0  }
0xb7: {  	s5 =	sshll.u32 s28, $0x1;
	[dreg:$0x2] =	wrdreg s3  }
0xb8: {  	[dreg:$0x3] =	wrdreg s5  }
0xb9: {  	[dreg:$0x4] =	wrdreg $0xC0  }
0xba: {  	_ =	task [dreg:s22], $0x5FFFF  }
0xbb: {  	[dreg:$0x1] =	wrdreg $0xFFFFFFFF  }
0xbc: {  	[dreg:$0x0] =	wrdreg $0x60  }
0xbd: {  	[dreg:$0x2] =	wrdreg s24  }
0xbe: {  	[dreg:$0x3] =	wrdreg $0xC  }
0xbf: {  	_ =	task.clear_ibuf [dreg:s22], $0x4FFFF;
	_ =	strace $0x9000004F  }
0xc0: {  	s29 =	simm.s32 $0xC;
	_ =	strace $0x80000051  }
0xc1: {  	_ =	swait.ge [sflag:s29], $0x1  }
0xc2: {  	[sflag:s29] =	ssyncadd.s32 $0xFFFFFFFF  }
0xc3: {  	_ =	strace $0x90000051  }
0xc4: {  	_ =	sfence  }
0xc5: {  	s30 =	sld [smem:$0x0];
	_ =	sdelay $0x2  }
0xc6: {  	s31 =	sshll.u32 s1, $0xD;
	s1 =	sshrl.u32 s1, $0x2  }
0xc7: {  	s4 =	sand.u32 $0x4000, s31;
	s1 =	sadd.s32 s1, s30  }
0xc8: {  	s0 =	sor.u32 s4, s0;
	s1 =	sshll.u32 s1, $0x11  }
0xc9: {  	s0 =	sor.u32 s1, s0  }
0xca: {  	s0 =	sadd.s32 $0x8F2B, s0  }
0xcb: {  	[sflag:s0] =	ssyncadd.remote.s32 $0x1  }
0xcc: {  	_ =	sfence.sel $0xFFFF  }
0xcd: {  	[dreg:$0x0] =	wrdreg $0xFFFFFFFF;
	(pc) =	sbr.abs _section_cstart, $3  }
0xce: {  	[dreg:$0x1] =	wrdreg $0xFFFFFFFF  }
0xcf: {  	_ =	task.clear_ibuf [dreg:s22], $0x2FFFF;
	_ =	strace $0x9FFFFFFF  }
0xd0: {  	(tm) =	ssettm $0x7FFFFFFF  }
0xd1: {  	_ =	shalt  }
tec
execute0_lowered:
.L_overlay_start_1:
0x0: {  	(tag) =	ssettag $0x1  }
0x1: {  	s1 =	srdreg.scid;
	s4 =	stileid.u32  }
0x2: {  	s3 =	sand.u32 $0x1, s1;
	s23 =	sshll.u32 s4, $0x1  }
0x3: {  	s0 =	rddreg [dreg:$0x0];
	s2 =	simm.s32 $0x0;
	s1 =	sor.u32 s3, s23  }
0x4: {  	[smem:$0x7FF] =	sst s2;
	s6 =	sadd.s32 $0x724400, s0;
	s24 =	sshll.u32 s1, $0x8  }
0x5: {  	_ =	strace $0x80000050;
	s5 =	sshll.u32 s1, $0x4;
	s4 =	sadd.s32 s24, s0  }
0x6: {  	s7 =	sshll.u32 s1, $0x9;
	s1 =	sshll.u32 s1, $0xF;
	s8 =	sadd.s32 $0x71E400, s4  }
0x7: {  	s5 =	sadd.s32 s5, s0;
	s4 =	sadd.s32 $0x71C400, s4;
	[dreg:$0x2] =	wrdreg s8  }
0x8: {  	s7 =	sadd.s32 s7, s0;
	s25 =	sadd.s32 $0x71C200, s5;
	[dreg:$0x3] =	wrdreg s4  }
0x9: {  	s31 =	sadd.s32 s6, s1;
	s26 =	sadd.s32 $0x720400, s7;
	[dreg:$0x4] =	wrdreg s25  }
0xa: {  	s9 =	sadd.s32 $0x1800, s31;
	[dreg:$0x5] =	wrdreg s26  }
0xb: {  	s10 =	sadd.s32 $0x2000, s31;
	[dreg:$0x8] =	wrdreg s9  }
0xc: {  	s11 =	sadd.s32 $0x2800, s31;
	[dreg:$0x9] =	wrdreg s10  }
0xd: {  	s12 =	sadd.s32 $0x3000, s31;
	[dreg:$0xa] =	wrdreg s11  }
0xe: {  	s13 =	sadd.s32 $0x3800, s31;
	[dreg:$0xb] =	wrdreg s12  }
0xf: {  	s30 =	simm.s32 $0x100;
	s14 =	sadd.s32 $0x4000, s31;
	[dreg:$0xc] =	wrdreg s13  }
0x10: {  	s29 =	simm.s32 $0x180;
	s15 =	sadd.s32 $0x4800, s31;
	[dreg:$0xd] =	wrdreg s14  }
0x11: {  	s28 =	simm.s32 $0x200;
	s16 =	sadd.s32 $0x5000, s31;
	[dreg:$0xe] =	wrdreg s15  }
0x12: {  	p0 =	por $0x0, $0x0;
	s17 =	sadd.s32 $0x5800, s31;
	[dreg:$0xf] =	wrdreg s16  }
0x13: {  	s19 =	sadd.s32 $0x824400, s0;
	s18 =	sadd.s32 $0x6000, s31;
	[dreg:$0x10] =	wrdreg s17  }
0x14: {  	s3 =	ssub.s32 $0x2, s3;
	s20 =	sadd.s32 $0x6800, s31;
	[dreg:$0x11] =	wrdreg s18  }
0x15: {  	s22 =	sor.u32 $0x7800, s1;
	s21 =	sadd.s32 $0x7000, s31;
	[dreg:$0x12] =	wrdreg s20  }
0x16: {  	s5 =	sor.u32 $0x800, s1;
	s24 =	sadd.s32 s6, s22;
	[dreg:$0x13] =	wrdreg s21  }
0x17: {  	s23 =	sadd.s32 s19, s1;
	s7 =	sadd.s32 s6, s5;
	[dreg:$0x14] =	wrdreg s24  }
0x18: {  	s8 =	sadd.s32 $0x1000, s31;
	s25 =	sadd.s32 $0x7000, s23;
	[dreg:$0x6] =	wrdreg s7  }
0x19: {  	s26 =	sadd.s32 s19, s22;
	s22 =	sadd.s32 s19, s5;
	[dreg:$0x7] =	wrdreg s8  }
0x1a: {  	s4 =	sadd.s32 $0x1000, s23;
	s6 =	sadd.s32 $0x2000, s23;
	[dreg:$0x15] =	wrdreg s25  }
0x1b: {  	s10 =	sadd.s32 $0x4000, s23;
	s12 =	sadd.s32 $0x5000, s23;
	[dreg:$0x16] =	wrdreg s26  }
0x1c: {  	s14 =	sshrl.u32 s3, $0x1;
	s15 =	sadd.s32 $0x6000, s23;
	[dreg:$0x17] =	wrdreg s4  }
0x1d: {  	s24 =	simm.s32 $0x380;
	s21 =	simm.s32 $0x400;
	[dreg:$0x19] =	wrdreg s6  }
0x1e: {  	s20 =	simm.s32 $0x480;
	s19 =	simm.s32 $0x500;
	[dreg:$0x1d] =	wrdreg s10  }
0x1f: {  	s18 =	simm.s32 $0x20;
	s5 =	sadd.s32 $0x1000, s22;
	[dreg:$0x1f] =	wrdreg s12  }
0x20: {  	s7 =	sadd.s32 $0x2000, s22;
	s8 =	sadd.s32 $0x3000, s23;
	[smem:$0x7FB] =	sst s15  }
0x21: {  	s9 =	sadd.s32 $0x3000, s22;
	s11 =	sadd.s32 $0x4000, s22;
	[smem:$0x7FD] =	sst s18  }
0x22: {  	s13 =	sadd.s32 $0x5000, s22;
	s3 =	ssub.s32 s3, s14;
	s1 =	rddreg [dreg:$0x2]  }
0x23: {  	s16 =	sadd.s32 $0x6000, s22;
	s4 =	sadd.s32 $0x28F800, s0;
	[dreg:$0x18] =	wrdreg s5  }
0x24: {  	s12 =	simm.s32 $0x80;
	s10 =	simm.s32 $0x2;
	[dreg:$0x1a] =	wrdreg s7  }
0x25: {  	s6 =	simm.s32 $0x4;
	s26 =	simm.s32 $0x280;
	[dreg:$0x1b] =	wrdreg s8  }
0x26: {  	s25 =	simm.s32 $0x300;
	[dreg:$0x1c] =	wrdreg s9;
	s17 =	smax.u32 s3, $0x1  }
0x27: {  	s18 =	simm.s32 $0x580;
	[dreg:$0x1e] =	wrdreg s11;
	p1 =	sne.s32 s17, $0x1  }
.Ltmp0:
0x28: {  	s15 =	simm.s32 $0x700;
	[smem:$0x7FA] =	sst s13;
	(pc) =	sbr.rel @!p1 .LBB2_3-.Ltmp0, $4  }
0x29: {  	s14 =	simm.s32 $0x780;
	[smem:$0x7FC] =	sst s16;
	s3 =	simm.s32 $0x5  }
0x2a: {  	s9 =	simm.s32 $0x800;
	s8 =	simm.s32 $0x4800;
	s5 =	simm.s32 $0x1  }
0x2b: {  	s7 =	simm.s32 $0x3;
	s16 =	simm.s32 $0x680;
	s13 =	simm.s32 $0x8800  }
0x2c: {  	s11 =	simm.s32 $0x8880;
	s0 =	sadd.s32 $0xFFFFFFFF, s17;
	s17 =	simm.s32 $0x600  }
0x2d: {  	[tilespmem:s2], [sflag:$0x5] =	stream.linear.gather [hbm4b:s1+s2], $0x800, $0x38;
	[tilespmem:$0x9880] =	vst v63  }
0x2e: {  	_ =	swait.ge [sflag:s3], $0x800  }
0x2f: {  	[sflag:s3] =	ssyncset.done $0x0  }
0x30: {  	[sflag:s3] =	ssyncadd.s32 $0xFFFFF800  }
0x31: {  	[tilespmem:s9], [sflag:$0x1] =	stream.indirect.gather [hbm4b:s4+s12], $0x80, s2, s12, $0xb8;
	[tilespmem:$0x9880] =	vst v63  }
0x32: {  	_ = 	snop  }
0x33: {  	[tilespmem:s8], [sflag:$0x2] =	stream.indirect.gather [hbm4b:s4+s12], $0x80, s12, s12, $0xb8;
	[tilespmem:$0x9880] =	vst v63  }
0x34: {  	_ =	swait.ge [sflag:s5], $0x4000  }
0x35: {  	[sflag:s5] =	ssyncset.done $0x0  }
0x36: {  	[sflag:s5] =	ssyncadd.s32 $0xFFFFC000  }
0x37: {  	[hbm4b:s31+s2] =	stream.linear.scatter [tilespmem:s9], [sflag:$0x3], $0x4000, $0x38;
	[tilespmem:$0x9880] =	vst v63  }
0x38: {  	_ =	swait.ge [sflag:s7], $0x4000  }
0x39: {  	[sflag:s7] =	ssyncset.done $0x0  }
0x3a: {  	[sflag:s7] =	ssyncadd.s32 $0xFFFFC000  }
0x3b: {  	[tilespmem:s9], [sflag:$0x1] =	stream.indirect.gather [hbm4b:s4+s12], $0x80, s30, s12, $0xb8;
	[tilespmem:$0x9880] =	vst v63  }
0x3c: {  	_ =	swait.ge [sflag:s10], $0x4000  }
0x3d: {  	[sflag:s10] =	ssyncset.done $0x0  }
0x3e: {  	s1 =	rddreg [dreg:$0x6];
	[sflag:s10] =	ssyncadd.s32 $0xFFFFC000  }
0x3f: {  	[hbm4b:s1+s2] =	stream.linear.scatter [tilespmem:s8], [sflag:$0x4], $0x4000, $0x38;
	[tilespmem:$0x9880] =	vst v63  }
0x40: {  	_ =	swait.ge [sflag:s6], $0x4000  }
0x41: {  	[sflag:s6] =	ssyncset.done $0x0  }
0x42: {  	[sflag:s6] =	ssyncadd.s32 $0xFFFFC000  }
0x43: {  	[tilespmem:s8], [sflag:$0x2] =	stream.indirect.gather [hbm4b:s4+s12], $0x80, s29, s12, $0xb8;
	[tilespmem:$0x9880] =	vst v63  }
0x44: {  	_ =	swait.ge [sflag:s5], $0x4000  }
0x45: {  	[sflag:s5] =	ssyncset.done $0x0  }
0x46: {  	s1 =	rddreg [dreg:$0x7];
	[sflag:s5] =	ssyncadd.s32 $0xFFFFC000  }
0x47: {  	[hbm4b:s1+s2] =	stream.linear.scatter [tilespmem:s9], [sflag:$0x3], $0x4000, $0x38;
	[tilespmem:$0x9880] =	vst v63  }
0x48: {  	_ =	swait.ge [sflag:s7], $0x4000  }
0x49: {  	[sflag:s7] =	ssyncset.done $0x0  }
0x4a: {  	[sflag:s7] =	ssyncadd.s32 $0xFFFFC000  }
0x4b: {  	[tilespmem:s9], [sflag:$0x1] =	stream.indirect.gather [hbm4b:s4+s12], $0x80, s28, s12, $0xb8;
	[tilespmem:$0x9880] =	vst v63  }
0x4c: {  	_ =	swait.ge [sflag:s10], $0x4000  }
0x4d: {  	[sflag:s10] =	ssyncset.done $0x0  }
0x4e: {  	s1 =	rddreg [dreg:$0x8];
	[sflag:s10] =	ssyncadd.s32 $0xFFFFC000  }
0x4f: {  	[hbm4b:s1+s2] =	stream.linear.scatter [tilespmem:s8], [sflag:$0x4], $0x4000, $0x38;
	[tilespmem:$0x9880] =	vst v63  }
0x50: {  	_ =	swait.ge [sflag:s6], $0x4000  }
0x51: {  	[sflag:s6] =	ssyncset.done $0x0  }
0x52: {  	[sflag:s6] =	ssyncadd.s32 $0xFFFFC000  }
0x53: {  	[tilespmem:s8], [sflag:$0x2] =	stream.indirect.gather [hbm4b:s4+s12], $0x80, s26, s12, $0xb8;
	[tilespmem:$0x9880] =	vst v63  }
0x54: {  	_ =	swait.ge [sflag:s5], $0x4000  }
0x55: {  	[sflag:s5] =	ssyncset.done $0x0  }
0x56: {  	s1 =	rddreg [dreg:$0x9];
	[sflag:s5] =	ssyncadd.s32 $0xFFFFC000  }
0x57: {  	[hbm4b:s1+s2] =	stream.linear.scatter [tilespmem:s9], [sflag:$0x3], $0x4000, $0x38;
	[tilespmem:$0x9880] =	vst v63  }
0x58: {  	_ =	swait.ge [sflag:s7], $0x4000  }
0x59: {  	[sflag:s7] =	ssyncset.done $0x0  }
0x5a: {  	[sflag:s7] =	ssyncadd.s32 $0xFFFFC000  }
0x5b: {  	[tilespmem:s9], [sflag:$0x1] =	stream.indirect.gather [hbm4b:s4+s12], $0x80, s25, s12, $0xb8;
	[tilespmem:$0x9880] =	vst v63  }
0x5c: {  	_ =	swait.ge [sflag:s10], $0x4000  }
0x5d: {  	[sflag:s10] =	ssyncset.done $0x0  }
0x5e: {  	s1 =	rddreg [dreg:$0xa];
	[sflag:s10] =	ssyncadd.s32 $0xFFFFC000  }
0x5f: {  	[hbm4b:s1+s2] =	stream.linear.scatter [tilespmem:s8], [sflag:$0x4], $0x4000, $0x38;
	[tilespmem:$0x9880] =	vst v63  }
0x60: {  	_ =	swait.ge [sflag:s6], $0x4000  }
0x61: {  	[sflag:s6] =	ssyncset.done $0x0  }
0x62: {  	[sflag:s6] =	ssyncadd.s32 $0xFFFFC000  }
0x63: {  	[tilespmem:s8], [sflag:$0x2] =	stream.indirect.gather [hbm4b:s4+s12], $0x80, s24, s12, $0xb8;
	[tilespmem:$0x9880] =	vst v63  }
0x64: {  	_ =	swait.ge [sflag:s5], $0x4000  }
0x65: {  	[sflag:s5] =	ssyncset.done $0x0  }
0x66: {  	s1 =	rddreg [dreg:$0xb];
	[sflag:s5] =	ssyncadd.s32 $0xFFFFC000  }
0x67: {  	[hbm4b:s1+s2] =	stream.linear.scatter [tilespmem:s9], [sflag:$0x3], $0x4000, $0x38;
	[tilespmem:$0x9880] =	vst v63  }
0x68: {  	_ =	swait.ge [sflag:s7], $0x4000  }
0x69: {  	[sflag:s7] =	ssyncset.done $0x0  }
0x6a: {  	[sflag:s7] =	ssyncadd.s32 $0xFFFFC000  }
0x6b: {  	[tilespmem:s9], [sflag:$0x1] =	stream.indirect.gather [hbm4b:s4+s12], $0x80, s21, s12, $0xb8;
	[tilespmem:$0x9880] =	vst v63  }
0x6c: {  	_ =	swait.ge [sflag:s10], $0x4000  }
0x6d: {  	[sflag:s10] =	ssyncset.done $0x0  }
0x6e: {  	s1 =	rddreg [dreg:$0xc];
	[sflag:s10] =	ssyncadd.s32 $0xFFFFC000  }
0x6f: {  	[hbm4b:s1+s2] =	stream.linear.scatter [tilespmem:s8], [sflag:$0x4], $0x4000, $0x38;
	[tilespmem:$0x9880] =	vst v63  }
0x70: {  	_ =	swait.ge [sflag:s6], $0x4000  }
0x71: {  	[sflag:s6] =	ssyncset.done $0x0  }
0x72: {  	[sflag:s6] =	ssyncadd.s32 $0xFFFFC000  }
0x73: {  	[tilespmem:s8], [sflag:$0x2] =	stream.indirect.gather [hbm4b:s4+s12], $0x80, s20, s12, $0xb8;
	[tilespmem:$0x9880] =	vst v63  }
0x74: {  	_ =	swait.ge [sflag:s5], $0x4000  }
0x75: {  	[sflag:s5] =	ssyncset.done $0x0  }
0x76: {  	s1 =	rddreg [dreg:$0xd];
	[sflag:s5] =	ssyncadd.s32 $0xFFFFC000  }
0x77: {  	[hbm4b:s1+s2] =	stream.linear.scatter [tilespmem:s9], [sflag:$0x3], $0x4000, $0x38;
	[tilespmem:$0x9880] =	vst v63  }
0x78: {  	_ =	swait.ge [sflag:s7], $0x4000  }
0x79: {  	[sflag:s7] =	ssyncset.done $0x0  }
0x7a: {  	[sflag:s7] =	ssyncadd.s32 $0xFFFFC000  }
0x7b: {  	[tilespmem:s9], [sflag:$0x1] =	stream.indirect.gather [hbm4b:s4+s12], $0x80, s19, s12, $0xb8;
	[tilespmem:$0x9880] =	vst v63  }
0x7c: {  	_ =	swait.ge [sflag:s10], $0x4000  }
0x7d: {  	[sflag:s10] =	ssyncset.done $0x0  }
0x7e: {  	s1 =	rddreg [dreg:$0xe];
	[sflag:s10] =	ssyncadd.s32 $0xFFFFC000  }
0x7f: {  	[hbm4b:s1+s2] =	stream.linear.scatter [tilespmem:s8], [sflag:$0x4], $0x4000, $0x38;
	[tilespmem:$0x9880] =	vst v63  }
0x80: {  	_ =	swait.ge [sflag:s6], $0x4000  }
0x81: {  	[sflag:s6] =	ssyncset.done $0x0  }
0x82: {  	[sflag:s6] =	ssyncadd.s32 $0xFFFFC000  }
0x83: {  	[tilespmem:s8], [sflag:$0x2] =	stream.indirect.gather [hbm4b:s4+s12], $0x80, s18, s12, $0xb8;
	[tilespmem:$0x9880] =	vst v63  }
0x84: {  	_ =	swait.ge [sflag:s5], $0x4000  }
0x85: {  	[sflag:s5] =	ssyncset.done $0x0  }
0x86: {  	s1 =	rddreg [dreg:$0xf];
	[sflag:s5] =	ssyncadd.s32 $0xFFFFC000  }
0x87: {  	[hbm4b:s1+s2] =	stream.linear.scatter [tilespmem:s9], [sflag:$0x3], $0x4000, $0x38;
	[tilespmem:$0x9880] =	vst v63  }
0x88: {  	_ =	swait.ge [sflag:s7], $0x4000  }
0x89: {  	[sflag:s7] =	ssyncset.done $0x0  }
0x8a: {  	[sflag:s7] =	ssyncadd.s32 $0xFFFFC000  }
0x8b: {  	[tilespmem:s9], [sflag:$0x1] =	stream.indirect.gather [hbm4b:s4+s12], $0x80, s17, s12, $0xb8;
	[tilespmem:$0x9880] =	vst v63  }
0x8c: {  	_ =	swait.ge [sflag:s10], $0x4000  }
0x8d: {  	[sflag:s10] =	ssyncset.done $0x0  }
0x8e: {  	s1 =	rddreg [dreg:$0x10];
	[sflag:s10] =	ssyncadd.s32 $0xFFFFC000  }
0x8f: {  	[hbm4b:s1+s2] =	stream.linear.scatter [tilespmem:s8], [sflag:$0x4], $0x4000, $0x38;
	[tilespmem:$0x9880] =	vst v63  }
0x90: {  	_ =	swait.ge [sflag:s6], $0x4000  }
0x91: {  	[sflag:s6] =	ssyncset.done $0x0  }
0x92: {  	[sflag:s6] =	ssyncadd.s32 $0xFFFFC000  }
0x93: {  	[tilespmem:s8], [sflag:$0x2] =	stream.indirect.gather [hbm4b:s4+s12], $0x80, s16, s12, $0xb8;
	[tilespmem:$0x9880] =	vst v63  }
0x94: {  	_ =	swait.ge [sflag:s5], $0x4000  }
0x95: {  	[sflag:s5] =	ssyncset.done $0x0  }
0x96: {  	s1 =	rddreg [dreg:$0x11];
	[sflag:s5] =	ssyncadd.s32 $0xFFFFC000  }
0x97: {  	[hbm4b:s1+s2] =	stream.linear.scatter [tilespmem:s9], [sflag:$0x3], $0x4000, $0x38;
	[tilespmem:$0x9880] =	vst v63  }
0x98: {  	_ =	swait.ge [sflag:s7], $0x4000  }
0x99: {  	[sflag:s7] =	ssyncset.done $0x0  }
0x9a: {  	[sflag:s7] =	ssyncadd.s32 $0xFFFFC000  }
0x9b: {  	[tilespmem:s9], [sflag:$0x1] =	stream.indirect.gather [hbm4b:s4+s12], $0x80, s15, s12, $0xb8;
	[tilespmem:$0x9880] =	vst v63  }
0x9c: {  	_ =	swait.ge [sflag:s10], $0x4000  }
0x9d: {  	[sflag:s10] =	ssyncset.done $0x0  }
0x9e: {  	s1 =	rddreg [dreg:$0x12];
	[sflag:s10] =	ssyncadd.s32 $0xFFFFC000  }
0x9f: {  	[hbm4b:s1+s2] =	stream.linear.scatter [tilespmem:s8], [sflag:$0x4], $0x4000, $0x38;
	[tilespmem:$0x9880] =	vst v63  }
0xa0: {  	_ =	swait.ge [sflag:s6], $0x4000  }
0xa1: {  	[sflag:s6] =	ssyncset.done $0x0  }
0xa2: {  	[sflag:s6] =	ssyncadd.s32 $0xFFFFC000  }
0xa3: {  	[tilespmem:s8], [sflag:$0x2] =	stream.indirect.gather [hbm4b:s4+s12], $0x80, s14, s12, $0xb8;
	[tilespmem:$0x9880] =	vst v63  }
0xa4: {  	_ =	swait.ge [sflag:s5], $0x4000  }
0xa5: {  	[sflag:s5] =	ssyncset.done $0x0  }
0xa6: {  	s1 =	rddreg [dreg:$0x13];
	[sflag:s5] =	ssyncadd.s32 $0xFFFFC000  }
0xa7: {  	[hbm4b:s1+s2] =	stream.linear.scatter [tilespmem:s9], [sflag:$0x3], $0x4000, $0x38;
	[tilespmem:$0x9880] =	vst v63  }
0xa8: {  	_ =	swait.ge [sflag:s10], $0x4000  }
0xa9: {  	[sflag:s10] =	ssyncset.done $0x0  }
0xaa: {  	s1 =	rddreg [dreg:$0x14];
	[sflag:s10] =	ssyncadd.s32 $0xFFFFC000  }
0xab: {  	[hbm4b:s1+s2] =	stream.linear.scatter [tilespmem:s8], [sflag:$0x4], $0x4000, $0x38;
	[tilespmem:$0x9880] =	vst v63  }
0xac: {  	_ =	swait.ge [sflag:s7], $0x4000  }
0xad: {  	[sflag:s7] =	ssyncset.done $0x0  }
0xae: {  	[sflag:s7] =	ssyncadd.s32 $0xFFFFC000  }
0xaf: {  	_ =	swait.ge [sflag:s6], $0x4000  }
0xb0: {  	[sflag:s6] =	ssyncset.done $0x0  }
0xb1: {  	s1 =	rddreg [dreg:$0x3];
	[sflag:s6] =	ssyncadd.s32 $0xFFFFC000  }
0xb2: {  	[tilespmem:s2], [sflag:$0x5] =	stream.linear.gather [hbm4b:s1+s2], $0x800, $0x38;
	[tilespmem:$0x9880] =	vst v63  }
0xb3: {  	_ =	swait.ge [sflag:s3], $0x800  }
0xb4: {  	[sflag:s3] =	ssyncset.done $0x0  }
0xb5: {  	[sflag:s3] =	ssyncadd.s32 $0xFFFFF800  }
0xb6: {  	[tilespmem:s9], [sflag:$0x1] =	stream.indirect.gather [hbm4b:s4+s12], $0x80, s2, s12, $0xb8;
	[tilespmem:$0x9880] =	vst v63  }
0xb7: {  	_ = 	snop  }
0xb8: {  	[tilespmem:s8], [sflag:$0x2] =	stream.indirect.gather [hbm4b:s4+s12], $0x80, s12, s12, $0xb8;
	[tilespmem:$0x9880] =	vst v63  }
0xb9: {  	_ =	swait.ge [sflag:s5], $0x4000  }
0xba: {  	[sflag:s5] =	ssyncset.done $0x0  }
0xbb: {  	[sflag:s5] =	ssyncadd.s32 $0xFFFFC000  }
0xbc: {  	[hbm4b:s23+s2] =	stream.linear.scatter [tilespmem:s9], [sflag:$0x3], $0x4000, $0x38;
	[tilespmem:$0x9880] =	vst v63  }
0xbd: {  	_ =	swait.ge [sflag:s7], $0x4000  }
0xbe: {  	[sflag:s7] =	ssyncset.done $0x0  }
0xbf: {  	[sflag:s7] =	ssyncadd.s32 $0xFFFFC000  }
0xc0: {  	[tilespmem:s9], [sflag:$0x1] =	stream.indirect.gather [hbm4b:s4+s12], $0x80, s30, s12, $0xb8;
	[tilespmem:$0x9880] =	vst v63  }
0xc1: {  	_ =	swait.ge [sflag:s10], $0x4000  }
0xc2: {  	[sflag:s10] =	ssyncset.done $0x0  }
0xc3: {  	[sflag:s10] =	ssyncadd.s32 $0xFFFFC000  }
0xc4: {  	[hbm4b:s22+s2] =	stream.linear.scatter [tilespmem:s8], [sflag:$0x4], $0x4000, $0x38;
	[tilespmem:$0x9880] =	vst v63  }
0xc5: {  	_ =	swait.ge [sflag:s6], $0x4000  }
0xc6: {  	[sflag:s6] =	ssyncset.done $0x0  }
0xc7: {  	[sflag:s6] =	ssyncadd.s32 $0xFFFFC000  }
0xc8: {  	[tilespmem:s8], [sflag:$0x2] =	stream.indirect.gather [hbm4b:s4+s12], $0x80, s29, s12, $0xb8;
	[tilespmem:$0x9880] =	vst v63  }
0xc9: {  	_ =	swait.ge [sflag:s5], $0x4000  }
0xca: {  	[sflag:s5] =	ssyncset.done $0x0  }
0xcb: {  	s1 =	rddreg [dreg:$0x17];
	[sflag:s5] =	ssyncadd.s32 $0xFFFFC000  }
0xcc: {  	[hbm4b:s1+s2] =	stream.linear.scatter [tilespmem:s9], [sflag:$0x3], $0x4000, $0x38;
	[tilespmem:$0x9880] =	vst v63  }
0xcd: {  	_ =	swait.ge [sflag:s7], $0x4000  }
0xce: {  	[sflag:s7] =	ssyncset.done $0x0  }
0xcf: {  	[sflag:s7] =	ssyncadd.s32 $0xFFFFC000  }
0xd0: {  	[tilespmem:s9], [sflag:$0x1] =	stream.indirect.gather [hbm4b:s4+s12], $0x80, s28, s12, $0xb8;
	[tilespmem:$0x9880] =	vst v63  }
0xd1: {  	_ =	swait.ge [sflag:s10], $0x4000  }
0xd2: {  	[sflag:s10] =	ssyncset.done $0x0  }
0xd3: {  	s1 =	rddreg [dreg:$0x18];
	[sflag:s10] =	ssyncadd.s32 $0xFFFFC000  }
0xd4: {  	[hbm4b:s1+s2] =	stream.linear.scatter [tilespmem:s8], [sflag:$0x4], $0x4000, $0x38;
	[tilespmem:$0x9880] =	vst v63  }
0xd5: {  	_ =	swait.ge [sflag:s6], $0x4000  }
0xd6: {  	[sflag:s6] =	ssyncset.done $0x0  }
0xd7: {  	[sflag:s6] =	ssyncadd.s32 $0xFFFFC000  }
0xd8: {  	[tilespmem:s8], [sflag:$0x2] =	stream.indirect.gather [hbm4b:s4+s12], $0x80, s26, s12, $0xb8;
	[tilespmem:$0x9880] =	vst v63  }
0xd9: {  	_ =	swait.ge [sflag:s5], $0x4000  }
0xda: {  	[sflag:s5] =	ssyncset.done $0x0  }
0xdb: {  	s1 =	rddreg [dreg:$0x19];
	[sflag:s5] =	ssyncadd.s32 $0xFFFFC000  }
0xdc: {  	[hbm4b:s1+s2] =	stream.linear.scatter [tilespmem:s9], [sflag:$0x3], $0x4000, $0x38;
	[tilespmem:$0x9880] =	vst v63  }
0xdd: {  	_ =	swait.ge [sflag:s7], $0x4000  }
0xde: {  	[sflag:s7] =	ssyncset.done $0x0  }
0xdf: {  	[sflag:s7] =	ssyncadd.s32 $0xFFFFC000  }
0xe0: {  	[tilespmem:s9], [sflag:$0x1] =	stream.indirect.gather [hbm4b:s4+s12], $0x80, s25, s12, $0xb8;
	[tilespmem:$0x9880] =	vst v63  }
0xe1: {  	_ =	swait.ge [sflag:s10], $0x4000  }
0xe2: {  	[sflag:s10] =	ssyncset.done $0x0  }
0xe3: {  	s1 =	rddreg [dreg:$0x1a];
	[sflag:s10] =	ssyncadd.s32 $0xFFFFC000  }
0xe4: {  	[hbm4b:s1+s2] =	stream.linear.scatter [tilespmem:s8], [sflag:$0x4], $0x4000, $0x38;
	[tilespmem:$0x9880] =	vst v63  }
0xe5: {  	_ =	swait.ge [sflag:s6], $0x4000  }
0xe6: {  	[sflag:s6] =	ssyncset.done $0x0  }
0xe7: {  	[sflag:s6] =	ssyncadd.s32 $0xFFFFC000  }
0xe8: {  	[tilespmem:s8], [sflag:$0x2] =	stream.indirect.gather [hbm4b:s4+s12], $0x80, s24, s12, $0xb8;
	[tilespmem:$0x9880] =	vst v63  }
0xe9: {  	_ =	swait.ge [sflag:s5], $0x4000  }
0xea: {  	[sflag:s5] =	ssyncset.done $0x0  }
0xeb: {  	s1 =	rddreg [dreg:$0x1b];
	[sflag:s5] =	ssyncadd.s32 $0xFFFFC000  }
0xec: {  	[hbm4b:s1+s2] =	stream.linear.scatter [tilespmem:s9], [sflag:$0x3], $0x4000, $0x38;
	[tilespmem:$0x9880] =	vst v63  }
0xed: {  	_ =	swait.ge [sflag:s7], $0x4000  }
0xee: {  	[sflag:s7] =	ssyncset.done $0x0  }
0xef: {  	[sflag:s7] =	ssyncadd.s32 $0xFFFFC000  }
0xf0: {  	[tilespmem:s9], [sflag:$0x1] =	stream.indirect.gather [hbm4b:s4+s12], $0x80, s21, s12, $0xb8;
	[tilespmem:$0x9880] =	vst v63  }
0xf1: {  	_ =	swait.ge [sflag:s10], $0x4000  }
0xf2: {  	[sflag:s10] =	ssyncset.done $0x0  }
0xf3: {  	s1 =	rddreg [dreg:$0x1c];
	[sflag:s10] =	ssyncadd.s32 $0xFFFFC000  }
0xf4: {  	[hbm4b:s1+s2] =	stream.linear.scatter [tilespmem:s8], [sflag:$0x4], $0x4000, $0x38;
	[tilespmem:$0x9880] =	vst v63  }
0xf5: {  	_ =	swait.ge [sflag:s6], $0x4000  }
0xf6: {  	[sflag:s6] =	ssyncset.done $0x0  }
0xf7: {  	[sflag:s6] =	ssyncadd.s32 $0xFFFFC000  }
0xf8: {  	[tilespmem:s8], [sflag:$0x2] =	stream.indirect.gather [hbm4b:s4+s12], $0x80, s20, s12, $0xb8;
	[tilespmem:$0x9880] =	vst v63  }
0xf9: {  	_ =	swait.ge [sflag:s5], $0x4000  }
0xfa: {  	[sflag:s5] =	ssyncset.done $0x0  }
0xfb: {  	s1 =	rddreg [dreg:$0x1d];
	[sflag:s5] =	ssyncadd.s32 $0xFFFFC000  }
0xfc: {  	[hbm4b:s1+s2] =	stream.linear.scatter [tilespmem:s9], [sflag:$0x3], $0x4000, $0x38;
	[tilespmem:$0x9880] =	vst v63  }
0xfd: {  	_ =	swait.ge [sflag:s7], $0x4000  }
0xfe: {  	[sflag:s7] =	ssyncset.done $0x0  }
0xff: {  	[sflag:s7] =	ssyncadd.s32 $0xFFFFC000  }
0x100: {  	[tilespmem:s9], [sflag:$0x1] =	stream.indirect.gather [hbm4b:s4+s12], $0x80, s19, s12, $0xb8;
	[tilespmem:$0x9880] =	vst v63  }
0x101: {  	_ =	swait.ge [sflag:s10], $0x4000  }
0x102: {  	[sflag:s10] =	ssyncset.done $0x0  }
0x103: {  	s1 =	rddreg [dreg:$0x1e];
	[sflag:s10] =	ssyncadd.s32 $0xFFFFC000  }
0x104: {  	[hbm4b:s1+s2] =	stream.linear.scatter [tilespmem:s8], [sflag:$0x4], $0x4000, $0x38;
	[tilespmem:$0x9880] =	vst v63  }
0x105: {  	_ =	swait.ge [sflag:s6], $0x4000  }
0x106: {  	[sflag:s6] =	ssyncset.done $0x0  }
0x107: {  	[sflag:s6] =	ssyncadd.s32 $0xFFFFC000  }
0x108: {  	[tilespmem:s8], [sflag:$0x2] =	stream.indirect.gather [hbm4b:s4+s12], $0x80, s18, s12, $0xb8;
	[tilespmem:$0x9880] =	vst v63  }
0x109: {  	_ =	swait.ge [sflag:s5], $0x4000  }
0x10a: {  	[sflag:s5] =	ssyncset.done $0x0  }
0x10b: {  	s1 =	rddreg [dreg:$0x1f];
	[sflag:s5] =	ssyncadd.s32 $0xFFFFC000  }
0x10c: {  	[hbm4b:s1+s2] =	stream.linear.scatter [tilespmem:s9], [sflag:$0x3], $0x4000, $0x38;
	[tilespmem:$0x9880] =	vst v63  }
0x10d: {  	_ =	swait.ge [sflag:s7], $0x4000  }
0x10e: {  	[sflag:s7] =	ssyncset.done $0x0  }
0x10f: {  	[sflag:s7] =	ssyncadd.s32 $0xFFFFC000  }
0x110: {  	[tilespmem:s9], [sflag:$0x1] =	stream.indirect.gather [hbm4b:s4+s12], $0x80, s17, s12, $0xb8;
	[tilespmem:$0x9880] =	vst v63  }
0x111: {  	_ =	swait.ge [sflag:s10], $0x4000  }
0x112: {  	s1 =	sld [smem:$0x7FA]  }
0x113: {  	[sflag:s10] =	ssyncset.done $0x0  }
0x114: {  	[sflag:s10] =	ssyncadd.s32 $0xFFFFC000  }
0x115: {  	[hbm4b:s1+s2] =	stream.linear.scatter [tilespmem:s8], [sflag:$0x4], $0x4000, $0x38;
	[tilespmem:$0x9880] =	vst v63  }
0x116: {  	_ =	swait.ge [sflag:s6], $0x4000  }
0x117: {  	[sflag:s6] =	ssyncset.done $0x0  }
0x118: {  	[sflag:s6] =	ssyncadd.s32 $0xFFFFC000  }
0x119: {  	[tilespmem:s8], [sflag:$0x2] =	stream.indirect.gather [hbm4b:s4+s12], $0x80, s16, s12, $0xb8;
	[tilespmem:$0x9880] =	vst v63  }
0x11a: {  	_ =	swait.ge [sflag:s5], $0x4000  }
0x11b: {  	s1 =	sld [smem:$0x7FB]  }
0x11c: {  	[sflag:s5] =	ssyncset.done $0x0  }
0x11d: {  	[sflag:s5] =	ssyncadd.s32 $0xFFFFC000  }
0x11e: {  	[hbm4b:s1+s2] =	stream.linear.scatter [tilespmem:s9], [sflag:$0x3], $0x4000, $0x38;
	[tilespmem:$0x9880] =	vst v63  }
0x11f: {  	_ =	swait.ge [sflag:s7], $0x4000  }
0x120: {  	[sflag:s7] =	ssyncset.done $0x0  }
0x121: {  	[sflag:s7] =	ssyncadd.s32 $0xFFFFC000  }
0x122: {  	[tilespmem:s9], [sflag:$0x1] =	stream.indirect.gather [hbm4b:s4+s12], $0x80, s15, s12, $0xb8;
	[tilespmem:$0x9880] =	vst v63  }
0x123: {  	_ =	swait.ge [sflag:s10], $0x4000  }
0x124: {  	s1 =	sld [smem:$0x7FC]  }
0x125: {  	[sflag:s10] =	ssyncset.done $0x0  }
0x126: {  	[sflag:s10] =	ssyncadd.s32 $0xFFFFC000  }
0x127: {  	[hbm4b:s1+s2] =	stream.linear.scatter [tilespmem:s8], [sflag:$0x4], $0x4000, $0x38;
	[tilespmem:$0x9880] =	vst v63  }
0x128: {  	_ =	swait.ge [sflag:s6], $0x4000  }
0x129: {  	[sflag:s6] =	ssyncset.done $0x0  }
0x12a: {  	[sflag:s6] =	ssyncadd.s32 $0xFFFFC000  }
0x12b: {  	[tilespmem:s8], [sflag:$0x2] =	stream.indirect.gather [hbm4b:s4+s12], $0x80, s14, s12, $0xb8;
	[tilespmem:$0x9880] =	vst v63  }
0x12c: {  	_ =	swait.ge [sflag:s5], $0x4000  }
0x12d: {  	[sflag:s5] =	ssyncset.done $0x0  }
0x12e: {  	s1 =	rddreg [dreg:$0x15];
	[sflag:s5] =	ssyncadd.s32 $0xFFFFC000  }
0x12f: {  	[hbm4b:s1+s2] =	stream.linear.scatter [tilespmem:s9], [sflag:$0x3], $0x4000, $0x38;
	[tilespmem:$0x9880] =	vst v63  }
0x130: {  	_ =	swait.ge [sflag:s10], $0x4000  }
0x131: {  	[sflag:s10] =	ssyncset.done $0x0  }
0x132: {  	s1 =	rddreg [dreg:$0x16];
	[sflag:s10] =	ssyncadd.s32 $0xFFFFC000  }
0x133: {  	[hbm4b:s1+s2] =	stream.linear.scatter [tilespmem:s8], [sflag:$0x4], $0x4000, $0x38;
	[tilespmem:$0x9880] =	vst v63  }
0x134: {  	_ =	swait.ge [sflag:s7], $0x4000  }
0x135: {  	[sflag:s7] =	ssyncset.done $0x0  }
0x136: {  	[sflag:s7] =	ssyncadd.s32 $0xFFFFC000  }
0x137: {  	_ =	swait.ge [sflag:s6], $0x4000  }
0x138: {  	[sflag:s6] =	ssyncset.done $0x0  }
0x139: {  	s1 =	rddreg [dreg:$0x4];
	[sflag:s6] =	ssyncadd.s32 $0xFFFFC000  }
0x13a: {  	[tilespmem:s13], [sflag:$0x5] =	stream.linear.gather [hbm4b:s1+s2], $0x80, $0x38;
	[tilespmem:$0x9880] =	vst v63  }
0x13b: {  	_ =	swait.ge [sflag:s3], $0x80  }
0x13c: {  	s1 =	sld [smem:$0x7FD]  }
0x13d: {  	[sflag:s3] =	ssyncset.done $0x0  }
0x13e: {  	[sflag:s3] =	ssyncadd.s32 $0xFFFFFF80  }
0x13f: {  	[tilespmem:s11], [sflag:$0x1] =	stream.indirect.gather [hbm4b:s4+s1], $0x80, s13, s1, $0xb8;
	[tilespmem:$0x9880] =	vst v63  }
0x140: {  	p1 =	sne.s32 s0, $0x1;
	_ =	swait.ge [sflag:s5], $0x1000  }
.Ltmp1:
0x141: {  	[sflag:s5] =	ssyncset.done $0x0;
	(pc) =	sbr.rel @!p1 .LBB2_3-.Ltmp1, $4  }
0x142: {  	s1 =	rddreg [dreg:$0x5];
	[sflag:s5] =	ssyncadd.s32 $0xFFFFF000  }
0x143: {  	[hbm4b:s1+s2] =	stream.linear.scatter [tilespmem:s11], [sflag:$0x5], $0x1000, $0x38;
	[tilespmem:$0x9880] =	vst v63  }
0x144: {  	s0 =	sadd.s32 $0xFFFFFFFF, s0;
	_ =	swait.ge [sflag:s3], $0x1000  }
0x145: {  	p0 =	por $0x1, $0x1;
	s1 =	rddreg [dreg:$0x2];
	[sflag:s3] =	ssyncset.done $0x0  }
.LBB2_2:
0x146: {  	[sflag:s3] =	ssyncadd.s32 $0xFFFFF000  }
0x147: {  	[tilespmem:s2], [sflag:$0x5] =	stream.linear.gather [hbm4b:s1+s2], $0x800, $0x38;
	[tilespmem:$0x9880] =	vst v63  }
0x148: {  	_ =	swait.ge [sflag:s3], $0x800  }
0x149: {  	[sflag:s3] =	ssyncset.done $0x0  }
0x14a: {  	[sflag:s3] =	ssyncadd.s32 $0xFFFFF800  }
0x14b: {  	[tilespmem:s9], [sflag:$0x1] =	stream.indirect.gather [hbm4b:s4+s12], $0x80, s2, s12, $0xb8;
	[tilespmem:$0x9880] =	vst v63  }
0x14c: {  	_ = 	snop  }
0x14d: {  	[tilespmem:s8], [sflag:$0x2] =	stream.indirect.gather [hbm4b:s4+s12], $0x80, s12, s12, $0xb8;
	[tilespmem:$0x9880] =	vst v63  }
0x14e: {  	_ =	swait.ge [sflag:s5], $0x4000  }
0x14f: {  	[sflag:s5] =	ssyncset.done $0x0  }
0x150: {  	[sflag:s5] =	ssyncadd.s32 $0xFFFFC000  }
0x151: {  	[hbm4b:s31+s2] =	stream.linear.scatter [tilespmem:s9], [sflag:$0x3], $0x4000, $0x38;
	[tilespmem:$0x9880] =	vst v63  }
0x152: {  	_ =	swait.ge [sflag:s7], $0x4000  }
0x153: {  	[sflag:s7] =	ssyncset.done $0x0  }
0x154: {  	[sflag:s7] =	ssyncadd.s32 $0xFFFFC000  }
0x155: {  	[tilespmem:s9], [sflag:$0x1] =	stream.indirect.gather [hbm4b:s4+s12], $0x80, s30, s12, $0xb8;
	[tilespmem:$0x9880] =	vst v63  }
0x156: {  	_ =	swait.ge [sflag:s10], $0x4000  }
0x157: {  	[sflag:s10] =	ssyncset.done $0x0  }
0x158: {  	s1 =	rddreg [dreg:$0x6];
	[sflag:s10] =	ssyncadd.s32 $0xFFFFC000  }
0x159: {  	[hbm4b:s1+s2] =	stream.linear.scatter [tilespmem:s8], [sflag:$0x4], $0x4000, $0x38;
	[tilespmem:$0x9880] =	vst v63  }
0x15a: {  	_ =	swait.ge [sflag:s6], $0x4000  }
0x15b: {  	[sflag:s6] =	ssyncset.done $0x0  }
0x15c: {  	[sflag:s6] =	ssyncadd.s32 $0xFFFFC000  }
0x15d: {  	[tilespmem:s8], [sflag:$0x2] =	stream.indirect.gather [hbm4b:s4+s12], $0x80, s29, s12, $0xb8;
	[tilespmem:$0x9880] =	vst v63  }
0x15e: {  	_ =	swait.ge [sflag:s5], $0x4000  }
0x15f: {  	[sflag:s5] =	ssyncset.done $0x0  }
0x160: {  	s1 =	rddreg [dreg:$0x7];
	[sflag:s5] =	ssyncadd.s32 $0xFFFFC000  }
0x161: {  	[hbm4b:s1+s2] =	stream.linear.scatter [tilespmem:s9], [sflag:$0x3], $0x4000, $0x38;
	[tilespmem:$0x9880] =	vst v63  }
0x162: {  	_ =	swait.ge [sflag:s7], $0x4000  }
0x163: {  	[sflag:s7] =	ssyncset.done $0x0  }
0x164: {  	[sflag:s7] =	ssyncadd.s32 $0xFFFFC000  }
0x165: {  	[tilespmem:s9], [sflag:$0x1] =	stream.indirect.gather [hbm4b:s4+s12], $0x80, s28, s12, $0xb8;
	[tilespmem:$0x9880] =	vst v63  }
0x166: {  	_ =	swait.ge [sflag:s10], $0x4000  }
0x167: {  	[sflag:s10] =	ssyncset.done $0x0  }
0x168: {  	s1 =	rddreg [dreg:$0x8];
	[sflag:s10] =	ssyncadd.s32 $0xFFFFC000  }
0x169: {  	[hbm4b:s1+s2] =	stream.linear.scatter [tilespmem:s8], [sflag:$0x4], $0x4000, $0x38;
	[tilespmem:$0x9880] =	vst v63  }
0x16a: {  	_ =	swait.ge [sflag:s6], $0x4000  }
0x16b: {  	[sflag:s6] =	ssyncset.done $0x0  }
0x16c: {  	[sflag:s6] =	ssyncadd.s32 $0xFFFFC000  }
0x16d: {  	[tilespmem:s8], [sflag:$0x2] =	stream.indirect.gather [hbm4b:s4+s12], $0x80, s26, s12, $0xb8;
	[tilespmem:$0x9880] =	vst v63  }
0x16e: {  	_ =	swait.ge [sflag:s5], $0x4000  }
0x16f: {  	[sflag:s5] =	ssyncset.done $0x0  }
0x170: {  	s1 =	rddreg [dreg:$0x9];
	[sflag:s5] =	ssyncadd.s32 $0xFFFFC000  }
0x171: {  	[hbm4b:s1+s2] =	stream.linear.scatter [tilespmem:s9], [sflag:$0x3], $0x4000, $0x38;
	[tilespmem:$0x9880] =	vst v63  }
0x172: {  	_ =	swait.ge [sflag:s7], $0x4000  }
0x173: {  	[sflag:s7] =	ssyncset.done $0x0  }
0x174: {  	[sflag:s7] =	ssyncadd.s32 $0xFFFFC000  }
0x175: {  	[tilespmem:s9], [sflag:$0x1] =	stream.indirect.gather [hbm4b:s4+s12], $0x80, s25, s12, $0xb8;
	[tilespmem:$0x9880] =	vst v63  }
0x176: {  	_ =	swait.ge [sflag:s10], $0x4000  }
0x177: {  	[sflag:s10] =	ssyncset.done $0x0  }
0x178: {  	s1 =	rddreg [dreg:$0xa];
	[sflag:s10] =	ssyncadd.s32 $0xFFFFC000  }
0x179: {  	[hbm4b:s1+s2] =	stream.linear.scatter [tilespmem:s8], [sflag:$0x4], $0x4000, $0x38;
	[tilespmem:$0x9880] =	vst v63  }
0x17a: {  	_ =	swait.ge [sflag:s6], $0x4000  }
0x17b: {  	[sflag:s6] =	ssyncset.done $0x0  }
0x17c: {  	[sflag:s6] =	ssyncadd.s32 $0xFFFFC000  }
0x17d: {  	[tilespmem:s8], [sflag:$0x2] =	stream.indirect.gather [hbm4b:s4+s12], $0x80, s24, s12, $0xb8;
	[tilespmem:$0x9880] =	vst v63  }
0x17e: {  	_ =	swait.ge [sflag:s5], $0x4000  }
0x17f: {  	[sflag:s5] =	ssyncset.done $0x0  }
0x180: {  	s1 =	rddreg [dreg:$0xb];
	[sflag:s5] =	ssyncadd.s32 $0xFFFFC000  }
0x181: {  	[hbm4b:s1+s2] =	stream.linear.scatter [tilespmem:s9], [sflag:$0x3], $0x4000, $0x38;
	[tilespmem:$0x9880] =	vst v63  }
0x182: {  	_ =	swait.ge [sflag:s7], $0x4000  }
0x183: {  	[sflag:s7] =	ssyncset.done $0x0  }
0x184: {  	[sflag:s7] =	ssyncadd.s32 $0xFFFFC000  }
0x185: {  	[tilespmem:s9], [sflag:$0x1] =	stream.indirect.gather [hbm4b:s4+s12], $0x80, s21, s12, $0xb8;
	[tilespmem:$0x9880] =	vst v63  }
0x186: {  	_ =	swait.ge [sflag:s10], $0x4000  }
0x187: {  	[sflag:s10] =	ssyncset.done $0x0  }
0x188: {  	s1 =	rddreg [dreg:$0xc];
	[sflag:s10] =	ssyncadd.s32 $0xFFFFC000  }
0x189: {  	[hbm4b:s1+s2] =	stream.linear.scatter [tilespmem:s8], [sflag:$0x4], $0x4000, $0x38;
	[tilespmem:$0x9880] =	vst v63  }
0x18a: {  	_ =	swait.ge [sflag:s6], $0x4000  }
0x18b: {  	[sflag:s6] =	ssyncset.done $0x0  }
0x18c: {  	[sflag:s6] =	ssyncadd.s32 $0xFFFFC000  }
0x18d: {  	[tilespmem:s8], [sflag:$0x2] =	stream.indirect.gather [hbm4b:s4+s12], $0x80, s20, s12, $0xb8;
	[tilespmem:$0x9880] =	vst v63  }
0x18e: {  	_ =	swait.ge [sflag:s5], $0x4000  }
0x18f: {  	[sflag:s5] =	ssyncset.done $0x0  }
0x190: {  	s1 =	rddreg [dreg:$0xd];
	[sflag:s5] =	ssyncadd.s32 $0xFFFFC000  }
0x191: {  	[hbm4b:s1+s2] =	stream.linear.scatter [tilespmem:s9], [sflag:$0x3], $0x4000, $0x38;
	[tilespmem:$0x9880] =	vst v63  }
0x192: {  	_ =	swait.ge [sflag:s7], $0x4000  }
0x193: {  	[sflag:s7] =	ssyncset.done $0x0  }
0x194: {  	[sflag:s7] =	ssyncadd.s32 $0xFFFFC000  }
0x195: {  	[tilespmem:s9], [sflag:$0x1] =	stream.indirect.gather [hbm4b:s4+s12], $0x80, s19, s12, $0xb8;
	[tilespmem:$0x9880] =	vst v63  }
0x196: {  	_ =	swait.ge [sflag:s10], $0x4000  }
0x197: {  	[sflag:s10] =	ssyncset.done $0x0  }
0x198: {  	s1 =	rddreg [dreg:$0xe];
	[sflag:s10] =	ssyncadd.s32 $0xFFFFC000  }
0x199: {  	[hbm4b:s1+s2] =	stream.linear.scatter [tilespmem:s8], [sflag:$0x4], $0x4000, $0x38;
	[tilespmem:$0x9880] =	vst v63  }
0x19a: {  	_ =	swait.ge [sflag:s6], $0x4000  }
0x19b: {  	[sflag:s6] =	ssyncset.done $0x0  }
0x19c: {  	[sflag:s6] =	ssyncadd.s32 $0xFFFFC000  }
0x19d: {  	[tilespmem:s8], [sflag:$0x2] =	stream.indirect.gather [hbm4b:s4+s12], $0x80, s18, s12, $0xb8;
	[tilespmem:$0x9880] =	vst v63  }
0x19e: {  	_ =	swait.ge [sflag:s5], $0x4000  }
0x19f: {  	[sflag:s5] =	ssyncset.done $0x0  }
0x1a0: {  	s1 =	rddreg [dreg:$0xf];
	[sflag:s5] =	ssyncadd.s32 $0xFFFFC000  }
0x1a1: {  	[hbm4b:s1+s2] =	stream.linear.scatter [tilespmem:s9], [sflag:$0x3], $0x4000, $0x38;
	[tilespmem:$0x9880] =	vst v63  }
0x1a2: {  	_ =	swait.ge [sflag:s7], $0x4000  }
0x1a3: {  	[sflag:s7] =	ssyncset.done $0x0  }
0x1a4: {  	[sflag:s7] =	ssyncadd.s32 $0xFFFFC000  }
0x1a5: {  	[tilespmem:s9], [sflag:$0x1] =	stream.indirect.gather [hbm4b:s4+s12], $0x80, s17, s12, $0xb8;
	[tilespmem:$0x9880] =	vst v63  }
0x1a6: {  	_ =	swait.ge [sflag:s10], $0x4000  }
0x1a7: {  	[sflag:s10] =	ssyncset.done $0x0  }
0x1a8: {  	s1 =	rddreg [dreg:$0x10];
	[sflag:s10] =	ssyncadd.s32 $0xFFFFC000  }
0x1a9: {  	[hbm4b:s1+s2] =	stream.linear.scatter [tilespmem:s8], [sflag:$0x4], $0x4000, $0x38;
	[tilespmem:$0x9880] =	vst v63  }
0x1aa: {  	_ =	swait.ge [sflag:s6], $0x4000  }
0x1ab: {  	[sflag:s6] =	ssyncset.done $0x0  }
0x1ac: {  	[sflag:s6] =	ssyncadd.s32 $0xFFFFC000  }
0x1ad: {  	[tilespmem:s8], [sflag:$0x2] =	stream.indirect.gather [hbm4b:s4+s12], $0x80, s16, s12, $0xb8;
	[tilespmem:$0x9880] =	vst v63  }
0x1ae: {  	_ =	swait.ge [sflag:s5], $0x4000  }
0x1af: {  	[sflag:s5] =	ssyncset.done $0x0  }
0x1b0: {  	s1 =	rddreg [dreg:$0x11];
	[sflag:s5] =	ssyncadd.s32 $0xFFFFC000  }
0x1b1: {  	[hbm4b:s1+s2] =	stream.linear.scatter [tilespmem:s9], [sflag:$0x3], $0x4000, $0x38;
	[tilespmem:$0x9880] =	vst v63  }
0x1b2: {  	_ =	swait.ge [sflag:s7], $0x4000  }
0x1b3: {  	[sflag:s7] =	ssyncset.done $0x0  }
0x1b4: {  	[sflag:s7] =	ssyncadd.s32 $0xFFFFC000  }
0x1b5: {  	[tilespmem:s9], [sflag:$0x1] =	stream.indirect.gather [hbm4b:s4+s12], $0x80, s15, s12, $0xb8;
	[tilespmem:$0x9880] =	vst v63  }
0x1b6: {  	_ =	swait.ge [sflag:s10], $0x4000  }
0x1b7: {  	[sflag:s10] =	ssyncset.done $0x0  }
0x1b8: {  	s1 =	rddreg [dreg:$0x12];
	[sflag:s10] =	ssyncadd.s32 $0xFFFFC000  }
0x1b9: {  	[hbm4b:s1+s2] =	stream.linear.scatter [tilespmem:s8], [sflag:$0x4], $0x4000, $0x38;
	[tilespmem:$0x9880] =	vst v63  }
0x1ba: {  	_ =	swait.ge [sflag:s6], $0x4000  }
0x1bb: {  	[sflag:s6] =	ssyncset.done $0x0  }
0x1bc: {  	[sflag:s6] =	ssyncadd.s32 $0xFFFFC000  }
0x1bd: {  	[tilespmem:s8], [sflag:$0x2] =	stream.indirect.gather [hbm4b:s4+s12], $0x80, s14, s12, $0xb8;
	[tilespmem:$0x9880] =	vst v63  }
0x1be: {  	_ =	swait.ge [sflag:s5], $0x4000  }
0x1bf: {  	[sflag:s5] =	ssyncset.done $0x0  }
0x1c0: {  	s1 =	rddreg [dreg:$0x13];
	[sflag:s5] =	ssyncadd.s32 $0xFFFFC000  }
0x1c1: {  	[hbm4b:s1+s2] =	stream.linear.scatter [tilespmem:s9], [sflag:$0x3], $0x4000, $0x38;
	[tilespmem:$0x9880] =	vst v63  }
0x1c2: {  	_ =	swait.ge [sflag:s10], $0x4000  }
0x1c3: {  	[sflag:s10] =	ssyncset.done $0x0  }
0x1c4: {  	s1 =	rddreg [dreg:$0x14];
	[sflag:s10] =	ssyncadd.s32 $0xFFFFC000  }
0x1c5: {  	[hbm4b:s1+s2] =	stream.linear.scatter [tilespmem:s8], [sflag:$0x4], $0x4000, $0x38;
	[tilespmem:$0x9880] =	vst v63  }
0x1c6: {  	_ =	swait.ge [sflag:s7], $0x4000  }
0x1c7: {  	[sflag:s7] =	ssyncset.done $0x0  }
0x1c8: {  	[sflag:s7] =	ssyncadd.s32 $0xFFFFC000  }
0x1c9: {  	_ =	swait.ge [sflag:s6], $0x4000  }
0x1ca: {  	[sflag:s6] =	ssyncset.done $0x0  }
0x1cb: {  	s1 =	rddreg [dreg:$0x3];
	[sflag:s6] =	ssyncadd.s32 $0xFFFFC000  }
0x1cc: {  	[tilespmem:s2], [sflag:$0x5] =	stream.linear.gather [hbm4b:s1+s2], $0x800, $0x38;
	[tilespmem:$0x9880] =	vst v63  }
0x1cd: {  	_ =	swait.ge [sflag:s3], $0x800  }
0x1ce: {  	[sflag:s3] =	ssyncset.done $0x0  }
0x1cf: {  	[sflag:s3] =	ssyncadd.s32 $0xFFFFF800  }
0x1d0: {  	[tilespmem:s9], [sflag:$0x1] =	stream.indirect.gather [hbm4b:s4+s12], $0x80, s2, s12, $0xb8;
	[tilespmem:$0x9880] =	vst v63  }
0x1d1: {  	_ = 	snop  }
0x1d2: {  	[tilespmem:s8], [sflag:$0x2] =	stream.indirect.gather [hbm4b:s4+s12], $0x80, s12, s12, $0xb8;
	[tilespmem:$0x9880] =	vst v63  }
0x1d3: {  	_ =	swait.ge [sflag:s5], $0x4000  }
0x1d4: {  	[sflag:s5] =	ssyncset.done $0x0  }
0x1d5: {  	[sflag:s5] =	ssyncadd.s32 $0xFFFFC000  }
0x1d6: {  	[hbm4b:s23+s2] =	stream.linear.scatter [tilespmem:s9], [sflag:$0x3], $0x4000, $0x38;
	[tilespmem:$0x9880] =	vst v63  }
0x1d7: {  	_ =	swait.ge [sflag:s7], $0x4000  }
0x1d8: {  	[sflag:s7] =	ssyncset.done $0x0  }
0x1d9: {  	[sflag:s7] =	ssyncadd.s32 $0xFFFFC000  }
0x1da: {  	[tilespmem:s9], [sflag:$0x1] =	stream.indirect.gather [hbm4b:s4+s12], $0x80, s30, s12, $0xb8;
	[tilespmem:$0x9880] =	vst v63  }
0x1db: {  	_ =	swait.ge [sflag:s10], $0x4000  }
0x1dc: {  	[sflag:s10] =	ssyncset.done $0x0  }
0x1dd: {  	[sflag:s10] =	ssyncadd.s32 $0xFFFFC000  }
0x1de: {  	[hbm4b:s22+s2] =	stream.linear.scatter [tilespmem:s8], [sflag:$0x4], $0x4000, $0x38;
	[tilespmem:$0x9880] =	vst v63  }
0x1df: {  	_ =	swait.ge [sflag:s6], $0x4000  }
0x1e0: {  	[sflag:s6] =	ssyncset.done $0x0  }
0x1e1: {  	[sflag:s6] =	ssyncadd.s32 $0xFFFFC000  }
0x1e2: {  	[tilespmem:s8], [sflag:$0x2] =	stream.indirect.gather [hbm4b:s4+s12], $0x80, s29, s12, $0xb8;
	[tilespmem:$0x9880] =	vst v63  }
0x1e3: {  	_ =	swait.ge [sflag:s5], $0x4000  }
0x1e4: {  	[sflag:s5] =	ssyncset.done $0x0  }
0x1e5: {  	s1 =	rddreg [dreg:$0x17];
	[sflag:s5] =	ssyncadd.s32 $0xFFFFC000  }
0x1e6: {  	[hbm4b:s1+s2] =	stream.linear.scatter [tilespmem:s9], [sflag:$0x3], $0x4000, $0x38;
	[tilespmem:$0x9880] =	vst v63  }
0x1e7: {  	_ =	swait.ge [sflag:s7], $0x4000  }
0x1e8: {  	[sflag:s7] =	ssyncset.done $0x0  }
0x1e9: {  	[sflag:s7] =	ssyncadd.s32 $0xFFFFC000  }
0x1ea: {  	[tilespmem:s9], [sflag:$0x1] =	stream.indirect.gather [hbm4b:s4+s12], $0x80, s28, s12, $0xb8;
	[tilespmem:$0x9880] =	vst v63  }
0x1eb: {  	_ =	swait.ge [sflag:s10], $0x4000  }
0x1ec: {  	[sflag:s10] =	ssyncset.done $0x0  }
0x1ed: {  	s1 =	rddreg [dreg:$0x18];
	[sflag:s10] =	ssyncadd.s32 $0xFFFFC000  }
0x1ee: {  	[hbm4b:s1+s2] =	stream.linear.scatter [tilespmem:s8], [sflag:$0x4], $0x4000, $0x38;
	[tilespmem:$0x9880] =	vst v63  }
0x1ef: {  	_ =	swait.ge [sflag:s6], $0x4000  }
0x1f0: {  	[sflag:s6] =	ssyncset.done $0x0  }
0x1f1: {  	[sflag:s6] =	ssyncadd.s32 $0xFFFFC000  }
0x1f2: {  	[tilespmem:s8], [sflag:$0x2] =	stream.indirect.gather [hbm4b:s4+s12], $0x80, s26, s12, $0xb8;
	[tilespmem:$0x9880] =	vst v63  }
0x1f3: {  	_ =	swait.ge [sflag:s5], $0x4000  }
0x1f4: {  	[sflag:s5] =	ssyncset.done $0x0  }
0x1f5: {  	s1 =	rddreg [dreg:$0x19];
	[sflag:s5] =	ssyncadd.s32 $0xFFFFC000  }
0x1f6: {  	[hbm4b:s1+s2] =	stream.linear.scatter [tilespmem:s9], [sflag:$0x3], $0x4000, $0x38;
	[tilespmem:$0x9880] =	vst v63  }
0x1f7: {  	_ =	swait.ge [sflag:s7], $0x4000  }
0x1f8: {  	[sflag:s7] =	ssyncset.done $0x0  }
0x1f9: {  	[sflag:s7] =	ssyncadd.s32 $0xFFFFC000  }
0x1fa: {  	[tilespmem:s9], [sflag:$0x1] =	stream.indirect.gather [hbm4b:s4+s12], $0x80, s25, s12, $0xb8;
	[tilespmem:$0x9880] =	vst v63  }
0x1fb: {  	_ =	swait.ge [sflag:s10], $0x4000  }
0x1fc: {  	[sflag:s10] =	ssyncset.done $0x0  }
0x1fd: {  	s1 =	rddreg [dreg:$0x1a];
	[sflag:s10] =	ssyncadd.s32 $0xFFFFC000  }
0x1fe: {  	[hbm4b:s1+s2] =	stream.linear.scatter [tilespmem:s8], [sflag:$0x4], $0x4000, $0x38;
	[tilespmem:$0x9880] =	vst v63  }
0x1ff: {  	_ =	swait.ge [sflag:s6], $0x4000  }
0x200: {  	[sflag:s6] =	ssyncset.done $0x0  }
0x201: {  	[sflag:s6] =	ssyncadd.s32 $0xFFFFC000  }
0x202: {  	[tilespmem:s8], [sflag:$0x2] =	stream.indirect.gather [hbm4b:s4+s12], $0x80, s24, s12, $0xb8;
	[tilespmem:$0x9880] =	vst v63  }
0x203: {  	_ =	swait.ge [sflag:s5], $0x4000  }
0x204: {  	[sflag:s5] =	ssyncset.done $0x0  }
0x205: {  	s1 =	rddreg [dreg:$0x1b];
	[sflag:s5] =	ssyncadd.s32 $0xFFFFC000  }
0x206: {  	[hbm4b:s1+s2] =	stream.linear.scatter [tilespmem:s9], [sflag:$0x3], $0x4000, $0x38;
	[tilespmem:$0x9880] =	vst v63  }
0x207: {  	_ =	swait.ge [sflag:s7], $0x4000  }
0x208: {  	[sflag:s7] =	ssyncset.done $0x0  }
0x209: {  	[sflag:s7] =	ssyncadd.s32 $0xFFFFC000  }
0x20a: {  	[tilespmem:s9], [sflag:$0x1] =	stream.indirect.gather [hbm4b:s4+s12], $0x80, s21, s12, $0xb8;
	[tilespmem:$0x9880] =	vst v63  }
0x20b: {  	_ =	swait.ge [sflag:s10], $0x4000  }
0x20c: {  	[sflag:s10] =	ssyncset.done $0x0  }
0x20d: {  	s1 =	rddreg [dreg:$0x1c];
	[sflag:s10] =	ssyncadd.s32 $0xFFFFC000  }
0x20e: {  	[hbm4b:s1+s2] =	stream.linear.scatter [tilespmem:s8], [sflag:$0x4], $0x4000, $0x38;
	[tilespmem:$0x9880] =	vst v63  }
0x20f: {  	_ =	swait.ge [sflag:s6], $0x4000  }
0x210: {  	[sflag:s6] =	ssyncset.done $0x0  }
0x211: {  	[sflag:s6] =	ssyncadd.s32 $0xFFFFC000  }
0x212: {  	[tilespmem:s8], [sflag:$0x2] =	stream.indirect.gather [hbm4b:s4+s12], $0x80, s20, s12, $0xb8;
	[tilespmem:$0x9880] =	vst v63  }
0x213: {  	_ =	swait.ge [sflag:s5], $0x4000  }
0x214: {  	[sflag:s5] =	ssyncset.done $0x0  }
0x215: {  	s1 =	rddreg [dreg:$0x1d];
	[sflag:s5] =	ssyncadd.s32 $0xFFFFC000  }
0x216: {  	[hbm4b:s1+s2] =	stream.linear.scatter [tilespmem:s9], [sflag:$0x3], $0x4000, $0x38;
	[tilespmem:$0x9880] =	vst v63  }
0x217: {  	_ =	swait.ge [sflag:s7], $0x4000  }
0x218: {  	[sflag:s7] =	ssyncset.done $0x0  }
0x219: {  	[sflag:s7] =	ssyncadd.s32 $0xFFFFC000  }
0x21a: {  	[tilespmem:s9], [sflag:$0x1] =	stream.indirect.gather [hbm4b:s4+s12], $0x80, s19, s12, $0xb8;
	[tilespmem:$0x9880] =	vst v63  }
0x21b: {  	_ =	swait.ge [sflag:s10], $0x4000  }
0x21c: {  	[sflag:s10] =	ssyncset.done $0x0  }
0x21d: {  	s1 =	rddreg [dreg:$0x1e];
	[sflag:s10] =	ssyncadd.s32 $0xFFFFC000  }
0x21e: {  	[hbm4b:s1+s2] =	stream.linear.scatter [tilespmem:s8], [sflag:$0x4], $0x4000, $0x38;
	[tilespmem:$0x9880] =	vst v63  }
0x21f: {  	_ =	swait.ge [sflag:s6], $0x4000  }
0x220: {  	[sflag:s6] =	ssyncset.done $0x0  }
0x221: {  	[sflag:s6] =	ssyncadd.s32 $0xFFFFC000  }
0x222: {  	[tilespmem:s8], [sflag:$0x2] =	stream.indirect.gather [hbm4b:s4+s12], $0x80, s18, s12, $0xb8;
	[tilespmem:$0x9880] =	vst v63  }
0x223: {  	_ =	swait.ge [sflag:s5], $0x4000  }
0x224: {  	[sflag:s5] =	ssyncset.done $0x0  }
0x225: {  	s1 =	rddreg [dreg:$0x1f];
	[sflag:s5] =	ssyncadd.s32 $0xFFFFC000  }
0x226: {  	[hbm4b:s1+s2] =	stream.linear.scatter [tilespmem:s9], [sflag:$0x3], $0x4000, $0x38;
	[tilespmem:$0x9880] =	vst v63  }
0x227: {  	_ =	swait.ge [sflag:s7], $0x4000  }
0x228: {  	[sflag:s7] =	ssyncset.done $0x0  }
0x229: {  	[sflag:s7] =	ssyncadd.s32 $0xFFFFC000  }
0x22a: {  	[tilespmem:s9], [sflag:$0x1] =	stream.indirect.gather [hbm4b:s4+s12], $0x80, s17, s12, $0xb8;
	[tilespmem:$0x9880] =	vst v63  }
0x22b: {  	_ =	swait.ge [sflag:s10], $0x4000  }
0x22c: {  	s1 =	sld [smem:$0x7FA]  }
0x22d: {  	[sflag:s10] =	ssyncset.done $0x0  }
0x22e: {  	[sflag:s10] =	ssyncadd.s32 $0xFFFFC000  }
0x22f: {  	[hbm4b:s1+s2] =	stream.linear.scatter [tilespmem:s8], [sflag:$0x4], $0x4000, $0x38;
	[tilespmem:$0x9880] =	vst v63  }
0x230: {  	_ =	swait.ge [sflag:s6], $0x4000  }
0x231: {  	[sflag:s6] =	ssyncset.done $0x0  }
0x232: {  	[sflag:s6] =	ssyncadd.s32 $0xFFFFC000  }
0x233: {  	[tilespmem:s8], [sflag:$0x2] =	stream.indirect.gather [hbm4b:s4+s12], $0x80, s16, s12, $0xb8;
	[tilespmem:$0x9880] =	vst v63  }
0x234: {  	_ =	swait.ge [sflag:s5], $0x4000  }
0x235: {  	s1 =	sld [smem:$0x7FB]  }
0x236: {  	[sflag:s5] =	ssyncset.done $0x0  }
0x237: {  	[sflag:s5] =	ssyncadd.s32 $0xFFFFC000  }
0x238: {  	[hbm4b:s1+s2] =	stream.linear.scatter [tilespmem:s9], [sflag:$0x3], $0x4000, $0x38;
	[tilespmem:$0x9880] =	vst v63  }
0x239: {  	_ =	swait.ge [sflag:s7], $0x4000  }
0x23a: {  	[sflag:s7] =	ssyncset.done $0x0  }
0x23b: {  	[sflag:s7] =	ssyncadd.s32 $0xFFFFC000  }
0x23c: {  	[tilespmem:s9], [sflag:$0x1] =	stream.indirect.gather [hbm4b:s4+s12], $0x80, s15, s12, $0xb8;
	[tilespmem:$0x9880] =	vst v63  }
0x23d: {  	_ =	swait.ge [sflag:s10], $0x4000  }
0x23e: {  	s1 =	sld [smem:$0x7FC]  }
0x23f: {  	[sflag:s10] =	ssyncset.done $0x0  }
0x240: {  	[sflag:s10] =	ssyncadd.s32 $0xFFFFC000  }
0x241: {  	[hbm4b:s1+s2] =	stream.linear.scatter [tilespmem:s8], [sflag:$0x4], $0x4000, $0x38;
	[tilespmem:$0x9880] =	vst v63  }
0x242: {  	_ =	swait.ge [sflag:s6], $0x4000  }
0x243: {  	[sflag:s6] =	ssyncset.done $0x0  }
0x244: {  	[sflag:s6] =	ssyncadd.s32 $0xFFFFC000  }
0x245: {  	[tilespmem:s8], [sflag:$0x2] =	stream.indirect.gather [hbm4b:s4+s12], $0x80, s14, s12, $0xb8;
	[tilespmem:$0x9880] =	vst v63  }
0x246: {  	_ =	swait.ge [sflag:s5], $0x4000  }
0x247: {  	[sflag:s5] =	ssyncset.done $0x0  }
0x248: {  	s1 =	rddreg [dreg:$0x15];
	[sflag:s5] =	ssyncadd.s32 $0xFFFFC000  }
0x249: {  	[hbm4b:s1+s2] =	stream.linear.scatter [tilespmem:s9], [sflag:$0x3], $0x4000, $0x38;
	[tilespmem:$0x9880] =	vst v63  }
0x24a: {  	_ =	swait.ge [sflag:s10], $0x4000  }
0x24b: {  	[sflag:s10] =	ssyncset.done $0x0  }
0x24c: {  	s1 =	rddreg [dreg:$0x16];
	[sflag:s10] =	ssyncadd.s32 $0xFFFFC000  }
0x24d: {  	[hbm4b:s1+s2] =	stream.linear.scatter [tilespmem:s8], [sflag:$0x4], $0x4000, $0x38;
	[tilespmem:$0x9880] =	vst v63  }
0x24e: {  	_ =	swait.ge [sflag:s7], $0x4000  }
0x24f: {  	[sflag:s7] =	ssyncset.done $0x0  }
0x250: {  	[sflag:s7] =	ssyncadd.s32 $0xFFFFC000  }
0x251: {  	_ =	swait.ge [sflag:s6], $0x4000  }
0x252: {  	[sflag:s6] =	ssyncset.done $0x0  }
0x253: {  	s1 =	rddreg [dreg:$0x4];
	[sflag:s6] =	ssyncadd.s32 $0xFFFFC000  }
0x254: {  	[tilespmem:s13], [sflag:$0x5] =	stream.linear.gather [hbm4b:s1+s2], $0x80, $0x38;
	[tilespmem:$0x9880] =	vst v63  }
0x255: {  	_ =	swait.ge [sflag:s3], $0x80  }
0x256: {  	s1 =	sld [smem:$0x7FD]  }
0x257: {  	[sflag:s3] =	ssyncset.done $0x0  }
0x258: {  	[sflag:s3] =	ssyncadd.s32 $0xFFFFFF80  }
0x259: {  	[tilespmem:s11], [sflag:$0x1] =	stream.indirect.gather [hbm4b:s4+s1], $0x80, s13, s1, $0xb8;
	[tilespmem:$0x9880] =	vst v63  }
0x25a: {  	p1 =	sne.s32 s0, $0x1;
	_ =	swait.ge [sflag:s5], $0x1000  }
.Ltmp2:
0x25b: {  	[sflag:s5] =	ssyncset.done $0x0;
	(pc) =	sbr.rel @p1 .LBB2_2-.Ltmp2, $4  }
0x25c: {  	s1 =	rddreg [dreg:$0x5];
	[sflag:s5] =	ssyncadd.s32 $0xFFFFF000  }
0x25d: {  	[hbm4b:s1+s2] =	stream.linear.scatter [tilespmem:s11], [sflag:$0x5], $0x1000, $0x38;
	[tilespmem:$0x9880] =	vst v63  }
0x25e: {  	_ =	swait.ge [sflag:s3], $0x1000  }
0x25f: {  	s0 =	sadd.s32 $0xFFFFFFFF, s0;
	s1 =	rddreg [dreg:$0x2];
	[sflag:s3] =	ssyncset.done $0x0  }
.LBB2_3:
0x260: {  	[sflag:s3] =	ssyncadd.s32 @p0 $0xFFFFF000  }
0x261: {  	[tilespmem:s2], [sflag:$0x5] =	stream.linear.gather [hbm4b:s1+s2], $0x800, $0x38;
	[tilespmem:$0x9880] =	vst v63  }
0x262: {  	_ =	swait.ge [sflag:s3], $0x800  }
0x263: {  	[sflag:s3] =	ssyncset.done $0x0  }
0x264: {  	[sflag:s3] =	ssyncadd.s32 $0xFFFFF800  }
0x265: {  	[tilespmem:s9], [sflag:$0x1] =	stream.indirect.gather [hbm4b:s4+s12], $0x80, s2, s12, $0xb8;
	[tilespmem:$0x9880] =	vst v63  }
0x266: {  	_ = 	snop  }
0x267: {  	[tilespmem:s8], [sflag:$0x2] =	stream.indirect.gather [hbm4b:s4+s12], $0x80, s12, s12, $0xb8;
	[tilespmem:$0x9880] =	vst v63  }
0x268: {  	_ =	swait.ge [sflag:s5], $0x4000  }
0x269: {  	[sflag:s5] =	ssyncset.done $0x0  }
0x26a: {  	[sflag:s5] =	ssyncadd.s32 $0xFFFFC000  }
0x26b: {  	[hbm4b:s31+s2] =	stream.linear.scatter [tilespmem:s9], [sflag:$0x3], $0x4000, $0x38;
	[tilespmem:$0x9880] =	vst v63  }
0x26c: {  	_ =	swait.ge [sflag:s7], $0x4000  }
0x26d: {  	[sflag:s7] =	ssyncset.done $0x0  }
0x26e: {  	[sflag:s7] =	ssyncadd.s32 $0xFFFFC000  }
0x26f: {  	[tilespmem:s9], [sflag:$0x1] =	stream.indirect.gather [hbm4b:s4+s12], $0x80, s30, s12, $0xb8;
	[tilespmem:$0x9880] =	vst v63  }
0x270: {  	_ =	swait.ge [sflag:s10], $0x4000  }
0x271: {  	[sflag:s10] =	ssyncset.done $0x0  }
0x272: {  	s0 =	rddreg [dreg:$0x6];
	[sflag:s10] =	ssyncadd.s32 $0xFFFFC000  }
0x273: {  	[hbm4b:s0+s2] =	stream.linear.scatter [tilespmem:s8], [sflag:$0x4], $0x4000, $0x38;
	[tilespmem:$0x9880] =	vst v63  }
0x274: {  	_ =	swait.ge [sflag:s6], $0x4000  }
0x275: {  	[sflag:s6] =	ssyncset.done $0x0  }
0x276: {  	[sflag:s6] =	ssyncadd.s32 $0xFFFFC000  }
0x277: {  	[tilespmem:s8], [sflag:$0x2] =	stream.indirect.gather [hbm4b:s4+s12], $0x80, s29, s12, $0xb8;
	[tilespmem:$0x9880] =	vst v63  }
0x278: {  	_ =	swait.ge [sflag:s5], $0x4000  }
0x279: {  	[sflag:s5] =	ssyncset.done $0x0  }
0x27a: {  	s1 =	rddreg [dreg:$0x7];
	[sflag:s5] =	ssyncadd.s32 $0xFFFFC000  }
0x27b: {  	[hbm4b:s1+s2] =	stream.linear.scatter [tilespmem:s9], [sflag:$0x3], $0x4000, $0x38;
	[tilespmem:$0x9880] =	vst v63  }
0x27c: {  	_ =	swait.ge [sflag:s7], $0x4000  }
0x27d: {  	[sflag:s7] =	ssyncset.done $0x0  }
0x27e: {  	[sflag:s7] =	ssyncadd.s32 $0xFFFFC000  }
0x27f: {  	[tilespmem:s9], [sflag:$0x1] =	stream.indirect.gather [hbm4b:s4+s12], $0x80, s28, s12, $0xb8;
	[tilespmem:$0x9880] =	vst v63  }
0x280: {  	_ =	swait.ge [sflag:s10], $0x4000  }
0x281: {  	[sflag:s10] =	ssyncset.done $0x0  }
0x282: {  	s31 =	rddreg [dreg:$0x8];
	[sflag:s10] =	ssyncadd.s32 $0xFFFFC000  }
0x283: {  	[hbm4b:s31+s2] =	stream.linear.scatter [tilespmem:s8], [sflag:$0x4], $0x4000, $0x38;
	[tilespmem:$0x9880] =	vst v63  }
0x284: {  	_ =	swait.ge [sflag:s6], $0x4000  }
0x285: {  	[sflag:s6] =	ssyncset.done $0x0  }
0x286: {  	[sflag:s6] =	ssyncadd.s32 $0xFFFFC000  }
0x287: {  	[tilespmem:s8], [sflag:$0x2] =	stream.indirect.gather [hbm4b:s4+s12], $0x80, s26, s12, $0xb8;
	[tilespmem:$0x9880] =	vst v63  }
0x288: {  	_ =	swait.ge [sflag:s5], $0x4000  }
0x289: {  	[sflag:s5] =	ssyncset.done $0x0  }
0x28a: {  	s1 =	rddreg [dreg:$0x9];
	[sflag:s5] =	ssyncadd.s32 $0xFFFFC000  }
0x28b: {  	[hbm4b:s1+s2] =	stream.linear.scatter [tilespmem:s9], [sflag:$0x3], $0x4000, $0x38;
	[tilespmem:$0x9880] =	vst v63  }
0x28c: {  	_ =	swait.ge [sflag:s7], $0x4000  }
0x28d: {  	[sflag:s7] =	ssyncset.done $0x0  }
0x28e: {  	[sflag:s7] =	ssyncadd.s32 $0xFFFFC000  }
0x28f: {  	[tilespmem:s9], [sflag:$0x1] =	stream.indirect.gather [hbm4b:s4+s12], $0x80, s25, s12, $0xb8;
	[tilespmem:$0x9880] =	vst v63  }
0x290: {  	_ =	swait.ge [sflag:s10], $0x4000  }
0x291: {  	[sflag:s10] =	ssyncset.done $0x0  }
0x292: {  	s31 =	rddreg [dreg:$0xa];
	[sflag:s10] =	ssyncadd.s32 $0xFFFFC000  }
0x293: {  	[hbm4b:s31+s2] =	stream.linear.scatter [tilespmem:s8], [sflag:$0x4], $0x4000, $0x38;
	[tilespmem:$0x9880] =	vst v63  }
0x294: {  	_ =	swait.ge [sflag:s6], $0x4000  }
0x295: {  	[sflag:s6] =	ssyncset.done $0x0  }
0x296: {  	[sflag:s6] =	ssyncadd.s32 $0xFFFFC000  }
0x297: {  	[tilespmem:s8], [sflag:$0x2] =	stream.indirect.gather [hbm4b:s4+s12], $0x80, s24, s12, $0xb8;
	[tilespmem:$0x9880] =	vst v63  }
0x298: {  	_ =	swait.ge [sflag:s5], $0x4000  }
0x299: {  	[sflag:s5] =	ssyncset.done $0x0  }
0x29a: {  	s1 =	rddreg [dreg:$0xb];
	[sflag:s5] =	ssyncadd.s32 $0xFFFFC000  }
0x29b: {  	[hbm4b:s1+s2] =	stream.linear.scatter [tilespmem:s9], [sflag:$0x3], $0x4000, $0x38;
	[tilespmem:$0x9880] =	vst v63  }
0x29c: {  	_ =	swait.ge [sflag:s7], $0x4000  }
0x29d: {  	[sflag:s7] =	ssyncset.done $0x0  }
0x29e: {  	[sflag:s7] =	ssyncadd.s32 $0xFFFFC000  }
0x29f: {  	[tilespmem:s9], [sflag:$0x1] =	stream.indirect.gather [hbm4b:s4+s12], $0x80, s21, s12, $0xb8;
	[tilespmem:$0x9880] =	vst v63  }
0x2a0: {  	_ =	swait.ge [sflag:s10], $0x4000  }
0x2a1: {  	[sflag:s10] =	ssyncset.done $0x0  }
0x2a2: {  	s31 =	rddreg [dreg:$0xc];
	[sflag:s10] =	ssyncadd.s32 $0xFFFFC000  }
0x2a3: {  	[hbm4b:s31+s2] =	stream.linear.scatter [tilespmem:s8], [sflag:$0x4], $0x4000, $0x38;
	[tilespmem:$0x9880] =	vst v63  }
0x2a4: {  	_ =	swait.ge [sflag:s6], $0x4000  }
0x2a5: {  	[sflag:s6] =	ssyncset.done $0x0  }
0x2a6: {  	[sflag:s6] =	ssyncadd.s32 $0xFFFFC000  }
0x2a7: {  	[tilespmem:s8], [sflag:$0x2] =	stream.indirect.gather [hbm4b:s4+s12], $0x80, s20, s12, $0xb8;
	[tilespmem:$0x9880] =	vst v63  }
0x2a8: {  	_ =	swait.ge [sflag:s5], $0x4000  }
0x2a9: {  	[sflag:s5] =	ssyncset.done $0x0  }
0x2aa: {  	s1 =	rddreg [dreg:$0xd];
	[sflag:s5] =	ssyncadd.s32 $0xFFFFC000  }
0x2ab: {  	[hbm4b:s1+s2] =	stream.linear.scatter [tilespmem:s9], [sflag:$0x3], $0x4000, $0x38;
	[tilespmem:$0x9880] =	vst v63  }
0x2ac: {  	_ =	swait.ge [sflag:s7], $0x4000  }
0x2ad: {  	[sflag:s7] =	ssyncset.done $0x0  }
0x2ae: {  	[sflag:s7] =	ssyncadd.s32 $0xFFFFC000  }
0x2af: {  	[tilespmem:s9], [sflag:$0x1] =	stream.indirect.gather [hbm4b:s4+s12], $0x80, s19, s12, $0xb8;
	[tilespmem:$0x9880] =	vst v63  }
0x2b0: {  	_ =	swait.ge [sflag:s10], $0x4000  }
0x2b1: {  	[sflag:s10] =	ssyncset.done $0x0  }
0x2b2: {  	s31 =	rddreg [dreg:$0xe];
	[sflag:s10] =	ssyncadd.s32 $0xFFFFC000  }
0x2b3: {  	[hbm4b:s31+s2] =	stream.linear.scatter [tilespmem:s8], [sflag:$0x4], $0x4000, $0x38;
	[tilespmem:$0x9880] =	vst v63  }
0x2b4: {  	_ =	swait.ge [sflag:s6], $0x4000  }
0x2b5: {  	[sflag:s6] =	ssyncset.done $0x0  }
0x2b6: {  	[sflag:s6] =	ssyncadd.s32 $0xFFFFC000  }
0x2b7: {  	[tilespmem:s8], [sflag:$0x2] =	stream.indirect.gather [hbm4b:s4+s12], $0x80, s18, s12, $0xb8;
	[tilespmem:$0x9880] =	vst v63  }
0x2b8: {  	_ =	swait.ge [sflag:s5], $0x4000  }
0x2b9: {  	[sflag:s5] =	ssyncset.done $0x0  }
0x2ba: {  	s1 =	rddreg [dreg:$0xf];
	[sflag:s5] =	ssyncadd.s32 $0xFFFFC000  }
0x2bb: {  	[hbm4b:s1+s2] =	stream.linear.scatter [tilespmem:s9], [sflag:$0x3], $0x4000, $0x38;
	[tilespmem:$0x9880] =	vst v63  }
0x2bc: {  	_ =	swait.ge [sflag:s7], $0x4000  }
0x2bd: {  	[sflag:s7] =	ssyncset.done $0x0  }
0x2be: {  	[sflag:s7] =	ssyncadd.s32 $0xFFFFC000  }
0x2bf: {  	[tilespmem:s9], [sflag:$0x1] =	stream.indirect.gather [hbm4b:s4+s12], $0x80, s17, s12, $0xb8;
	[tilespmem:$0x9880] =	vst v63  }
0x2c0: {  	_ =	swait.ge [sflag:s10], $0x4000  }
0x2c1: {  	[sflag:s10] =	ssyncset.done $0x0  }
0x2c2: {  	s31 =	rddreg [dreg:$0x10];
	[sflag:s10] =	ssyncadd.s32 $0xFFFFC000  }
0x2c3: {  	[hbm4b:s31+s2] =	stream.linear.scatter [tilespmem:s8], [sflag:$0x4], $0x4000, $0x38;
	[tilespmem:$0x9880] =	vst v63  }
0x2c4: {  	_ =	swait.ge [sflag:s6], $0x4000  }
0x2c5: {  	[sflag:s6] =	ssyncset.done $0x0  }
0x2c6: {  	[sflag:s6] =	ssyncadd.s32 $0xFFFFC000  }
0x2c7: {  	[tilespmem:s8], [sflag:$0x2] =	stream.indirect.gather [hbm4b:s4+s12], $0x80, s16, s12, $0xb8;
	[tilespmem:$0x9880] =	vst v63  }
0x2c8: {  	_ =	swait.ge [sflag:s5], $0x4000  }
0x2c9: {  	[sflag:s5] =	ssyncset.done $0x0  }
0x2ca: {  	s1 =	rddreg [dreg:$0x11];
	[sflag:s5] =	ssyncadd.s32 $0xFFFFC000  }
0x2cb: {  	[hbm4b:s1+s2] =	stream.linear.scatter [tilespmem:s9], [sflag:$0x3], $0x4000, $0x38;
	[tilespmem:$0x9880] =	vst v63  }
0x2cc: {  	_ =	swait.ge [sflag:s7], $0x4000  }
0x2cd: {  	[sflag:s7] =	ssyncset.done $0x0  }
0x2ce: {  	[sflag:s7] =	ssyncadd.s32 $0xFFFFC000  }
0x2cf: {  	[tilespmem:s9], [sflag:$0x1] =	stream.indirect.gather [hbm4b:s4+s12], $0x80, s15, s12, $0xb8;
	[tilespmem:$0x9880] =	vst v63  }
0x2d0: {  	_ =	swait.ge [sflag:s10], $0x4000  }
0x2d1: {  	[sflag:s10] =	ssyncset.done $0x0  }
0x2d2: {  	s31 =	rddreg [dreg:$0x12];
	[sflag:s10] =	ssyncadd.s32 $0xFFFFC000  }
0x2d3: {  	[hbm4b:s31+s2] =	stream.linear.scatter [tilespmem:s8], [sflag:$0x4], $0x4000, $0x38;
	[tilespmem:$0x9880] =	vst v63  }
0x2d4: {  	_ =	swait.ge [sflag:s6], $0x4000  }
0x2d5: {  	[sflag:s6] =	ssyncset.done $0x0  }
0x2d6: {  	[sflag:s6] =	ssyncadd.s32 $0xFFFFC000  }
0x2d7: {  	[tilespmem:s8], [sflag:$0x2] =	stream.indirect.gather [hbm4b:s4+s12], $0x80, s14, s12, $0xb8;
	[tilespmem:$0x9880] =	vst v63  }
0x2d8: {  	_ =	swait.ge [sflag:s5], $0x4000  }
0x2d9: {  	[sflag:s5] =	ssyncset.done $0x0  }
0x2da: {  	s1 =	rddreg [dreg:$0x13];
	[sflag:s5] =	ssyncadd.s32 $0xFFFFC000  }
0x2db: {  	[hbm4b:s1+s2] =	stream.linear.scatter [tilespmem:s9], [sflag:$0x3], $0x4000, $0x38;
	[tilespmem:$0x9880] =	vst v63  }
0x2dc: {  	_ =	swait.ge [sflag:s10], $0x4000  }
0x2dd: {  	[sflag:s10] =	ssyncset.done $0x0  }
0x2de: {  	s31 =	rddreg [dreg:$0x14];
	[sflag:s10] =	ssyncadd.s32 $0xFFFFC000  }
0x2df: {  	[hbm4b:s31+s2] =	stream.linear.scatter [tilespmem:s8], [sflag:$0x4], $0x4000, $0x38;
	[tilespmem:$0x9880] =	vst v63  }
0x2e0: {  	_ =	swait.ge [sflag:s7], $0x4000  }
0x2e1: {  	[sflag:s7] =	ssyncset.done $0x0  }
0x2e2: {  	[sflag:s7] =	ssyncadd.s32 $0xFFFFC000  }
0x2e3: {  	_ =	swait.ge [sflag:s6], $0x4000  }
0x2e4: {  	[sflag:s6] =	ssyncset.done $0x0  }
0x2e5: {  	s1 =	rddreg [dreg:$0x3];
	[sflag:s6] =	ssyncadd.s32 $0xFFFFC000  }
0x2e6: {  	[tilespmem:s2], [sflag:$0x5] =	stream.linear.gather [hbm4b:s1+s2], $0x800, $0x38;
	[tilespmem:$0x9880] =	vst v63  }
0x2e7: {  	_ =	swait.ge [sflag:s3], $0x800  }
0x2e8: {  	[sflag:s3] =	ssyncset.done $0x0  }
0x2e9: {  	[sflag:s3] =	ssyncadd.s32 $0xFFFFF800  }
0x2ea: {  	[tilespmem:s9], [sflag:$0x1] =	stream.indirect.gather [hbm4b:s4+s12], $0x80, s2, s12, $0xb8;
	[tilespmem:$0x9880] =	vst v63  }
0x2eb: {  	_ = 	snop  }
0x2ec: {  	[tilespmem:s8], [sflag:$0x2] =	stream.indirect.gather [hbm4b:s4+s12], $0x80, s12, s12, $0xb8;
	[tilespmem:$0x9880] =	vst v63  }
0x2ed: {  	_ =	swait.ge [sflag:s5], $0x4000  }
0x2ee: {  	[sflag:s5] =	ssyncset.done $0x0  }
0x2ef: {  	[sflag:s5] =	ssyncadd.s32 $0xFFFFC000  }
0x2f0: {  	[hbm4b:s23+s2] =	stream.linear.scatter [tilespmem:s9], [sflag:$0x3], $0x4000, $0x38;
	[tilespmem:$0x9880] =	vst v63  }
0x2f1: {  	_ =	swait.ge [sflag:s7], $0x4000  }
0x2f2: {  	[sflag:s7] =	ssyncset.done $0x0  }
0x2f3: {  	[sflag:s7] =	ssyncadd.s32 $0xFFFFC000  }
0x2f4: {  	[tilespmem:s9], [sflag:$0x1] =	stream.indirect.gather [hbm4b:s4+s12], $0x80, s30, s12, $0xb8;
	[tilespmem:$0x9880] =	vst v63  }
0x2f5: {  	_ =	swait.ge [sflag:s10], $0x4000  }
0x2f6: {  	[sflag:s10] =	ssyncset.done $0x0  }
0x2f7: {  	[sflag:s10] =	ssyncadd.s32 $0xFFFFC000  }
0x2f8: {  	[hbm4b:s22+s2] =	stream.linear.scatter [tilespmem:s8], [sflag:$0x4], $0x4000, $0x38;
	[tilespmem:$0x9880] =	vst v63  }
0x2f9: {  	_ =	swait.ge [sflag:s6], $0x4000  }
0x2fa: {  	[sflag:s6] =	ssyncset.done $0x0  }
0x2fb: {  	[sflag:s6] =	ssyncadd.s32 $0xFFFFC000  }
0x2fc: {  	[tilespmem:s8], [sflag:$0x2] =	stream.indirect.gather [hbm4b:s4+s12], $0x80, s29, s12, $0xb8;
	[tilespmem:$0x9880] =	vst v63  }
0x2fd: {  	_ =	swait.ge [sflag:s5], $0x4000  }
0x2fe: {  	[sflag:s5] =	ssyncset.done $0x0  }
0x2ff: {  	s22 =	rddreg [dreg:$0x17];
	[sflag:s5] =	ssyncadd.s32 $0xFFFFC000  }
0x300: {  	[hbm4b:s22+s2] =	stream.linear.scatter [tilespmem:s9], [sflag:$0x3], $0x4000, $0x38;
	[tilespmem:$0x9880] =	vst v63  }
0x301: {  	_ =	swait.ge [sflag:s7], $0x4000  }
0x302: {  	[sflag:s7] =	ssyncset.done $0x0  }
0x303: {  	[sflag:s7] =	ssyncadd.s32 $0xFFFFC000  }
0x304: {  	[tilespmem:s9], [sflag:$0x1] =	stream.indirect.gather [hbm4b:s4+s12], $0x80, s28, s12, $0xb8;
	[tilespmem:$0x9880] =	vst v63  }
0x305: {  	_ =	swait.ge [sflag:s10], $0x4000  }
0x306: {  	[sflag:s10] =	ssyncset.done $0x0  }
0x307: {  	s23 =	rddreg [dreg:$0x18];
	[sflag:s10] =	ssyncadd.s32 $0xFFFFC000  }
0x308: {  	[hbm4b:s23+s2] =	stream.linear.scatter [tilespmem:s8], [sflag:$0x4], $0x4000, $0x38;
	[tilespmem:$0x9880] =	vst v63  }
0x309: {  	_ =	swait.ge [sflag:s6], $0x4000  }
0x30a: {  	[sflag:s6] =	ssyncset.done $0x0  }
0x30b: {  	[sflag:s6] =	ssyncadd.s32 $0xFFFFC000  }
0x30c: {  	[tilespmem:s8], [sflag:$0x2] =	stream.indirect.gather [hbm4b:s4+s12], $0x80, s26, s12, $0xb8;
	[tilespmem:$0x9880] =	vst v63  }
0x30d: {  	_ =	swait.ge [sflag:s5], $0x4000  }
0x30e: {  	[sflag:s5] =	ssyncset.done $0x0  }
0x30f: {  	s28 =	rddreg [dreg:$0x19];
	[sflag:s5] =	ssyncadd.s32 $0xFFFFC000  }
0x310: {  	[hbm4b:s28+s2] =	stream.linear.scatter [tilespmem:s9], [sflag:$0x3], $0x4000, $0x38;
	[tilespmem:$0x9880] =	vst v63  }
0x311: {  	_ =	swait.ge [sflag:s7], $0x4000  }
0x312: {  	[sflag:s7] =	ssyncset.done $0x0  }
0x313: {  	[sflag:s7] =	ssyncadd.s32 $0xFFFFC000  }
0x314: {  	[tilespmem:s9], [sflag:$0x1] =	stream.indirect.gather [hbm4b:s4+s12], $0x80, s25, s12, $0xb8;
	[tilespmem:$0x9880] =	vst v63  }
0x315: {  	_ =	swait.ge [sflag:s10], $0x4000  }
0x316: {  	[sflag:s10] =	ssyncset.done $0x0  }
0x317: {  	s29 =	rddreg [dreg:$0x1a];
	[sflag:s10] =	ssyncadd.s32 $0xFFFFC000  }
0x318: {  	[hbm4b:s29+s2] =	stream.linear.scatter [tilespmem:s8], [sflag:$0x4], $0x4000, $0x38;
	[tilespmem:$0x9880] =	vst v63  }
0x319: {  	_ =	swait.ge [sflag:s6], $0x4000  }
0x31a: {  	[sflag:s6] =	ssyncset.done $0x0  }
0x31b: {  	[sflag:s6] =	ssyncadd.s32 $0xFFFFC000  }
0x31c: {  	[tilespmem:s8], [sflag:$0x2] =	stream.indirect.gather [hbm4b:s4+s12], $0x80, s24, s12, $0xb8;
	[tilespmem:$0x9880] =	vst v63  }
0x31d: {  	_ =	swait.ge [sflag:s5], $0x4000  }
0x31e: {  	[sflag:s5] =	ssyncset.done $0x0  }
0x31f: {  	s30 =	rddreg [dreg:$0x1b];
	[sflag:s5] =	ssyncadd.s32 $0xFFFFC000  }
0x320: {  	[hbm4b:s30+s2] =	stream.linear.scatter [tilespmem:s9], [sflag:$0x3], $0x4000, $0x38;
	[tilespmem:$0x9880] =	vst v63  }
0x321: {  	_ =	swait.ge [sflag:s7], $0x4000  }
0x322: {  	[sflag:s7] =	ssyncset.done $0x0  }
0x323: {  	[sflag:s7] =	ssyncadd.s32 $0xFFFFC000  }
0x324: {  	[tilespmem:s9], [sflag:$0x1] =	stream.indirect.gather [hbm4b:s4+s12], $0x80, s21, s12, $0xb8;
	[tilespmem:$0x9880] =	vst v63  }
0x325: {  	_ =	swait.ge [sflag:s10], $0x4000  }
0x326: {  	[sflag:s10] =	ssyncset.done $0x0  }
0x327: {  	s31 =	rddreg [dreg:$0x1c];
	[sflag:s10] =	ssyncadd.s32 $0xFFFFC000  }
0x328: {  	[hbm4b:s31+s2] =	stream.linear.scatter [tilespmem:s8], [sflag:$0x4], $0x4000, $0x38;
	[tilespmem:$0x9880] =	vst v63  }
0x329: {  	_ =	swait.ge [sflag:s6], $0x4000  }
0x32a: {  	[sflag:s6] =	ssyncset.done $0x0  }
0x32b: {  	[sflag:s6] =	ssyncadd.s32 $0xFFFFC000  }
0x32c: {  	[tilespmem:s8], [sflag:$0x2] =	stream.indirect.gather [hbm4b:s4+s12], $0x80, s20, s12, $0xb8;
	[tilespmem:$0x9880] =	vst v63  }
0x32d: {  	_ =	swait.ge [sflag:s5], $0x4000  }
0x32e: {  	[sflag:s5] =	ssyncset.done $0x0  }
0x32f: {  	s1 =	rddreg [dreg:$0x1d];
	[sflag:s5] =	ssyncadd.s32 $0xFFFFC000  }
0x330: {  	[hbm4b:s1+s2] =	stream.linear.scatter [tilespmem:s9], [sflag:$0x3], $0x4000, $0x38;
	[tilespmem:$0x9880] =	vst v63  }
0x331: {  	_ =	swait.ge [sflag:s7], $0x4000  }
0x332: {  	[sflag:s7] =	ssyncset.done $0x0  }
0x333: {  	[sflag:s7] =	ssyncadd.s32 $0xFFFFC000  }
0x334: {  	[tilespmem:s9], [sflag:$0x1] =	stream.indirect.gather [hbm4b:s4+s12], $0x80, s19, s12, $0xb8;
	[tilespmem:$0x9880] =	vst v63  }
0x335: {  	_ =	swait.ge [sflag:s10], $0x4000  }
0x336: {  	[sflag:s10] =	ssyncset.done $0x0  }
0x337: {  	s20 =	rddreg [dreg:$0x1e];
	[sflag:s10] =	ssyncadd.s32 $0xFFFFC000  }
0x338: {  	[hbm4b:s20+s2] =	stream.linear.scatter [tilespmem:s8], [sflag:$0x4], $0x4000, $0x38;
	[tilespmem:$0x9880] =	vst v63  }
0x339: {  	_ =	swait.ge [sflag:s6], $0x4000  }
0x33a: {  	[sflag:s6] =	ssyncset.done $0x0  }
0x33b: {  	[sflag:s6] =	ssyncadd.s32 $0xFFFFC000  }
0x33c: {  	[tilespmem:s8], [sflag:$0x2] =	stream.indirect.gather [hbm4b:s4+s12], $0x80, s18, s12, $0xb8;
	[tilespmem:$0x9880] =	vst v63  }
0x33d: {  	_ =	swait.ge [sflag:s5], $0x4000  }
0x33e: {  	[sflag:s5] =	ssyncset.done $0x0  }
0x33f: {  	s21 =	rddreg [dreg:$0x1f];
	[sflag:s5] =	ssyncadd.s32 $0xFFFFC000  }
0x340: {  	[hbm4b:s21+s2] =	stream.linear.scatter [tilespmem:s9], [sflag:$0x3], $0x4000, $0x38;
	[tilespmem:$0x9880] =	vst v63  }
0x341: {  	_ =	swait.ge [sflag:s7], $0x4000  }
0x342: {  	[sflag:s7] =	ssyncset.done $0x0  }
0x343: {  	[sflag:s7] =	ssyncadd.s32 $0xFFFFC000  }
0x344: {  	[tilespmem:s9], [sflag:$0x1] =	stream.indirect.gather [hbm4b:s4+s12], $0x80, s17, s12, $0xb8;
	[tilespmem:$0x9880] =	vst v63  }
0x345: {  	_ =	swait.ge [sflag:s10], $0x4000  }
0x346: {  	s22 =	sld [smem:$0x7FA]  }
0x347: {  	[sflag:s10] =	ssyncset.done $0x0  }
0x348: {  	[sflag:s10] =	ssyncadd.s32 $0xFFFFC000  }
0x349: {  	[hbm4b:s22+s2] =	stream.linear.scatter [tilespmem:s8], [sflag:$0x4], $0x4000, $0x38;
	[tilespmem:$0x9880] =	vst v63  }
0x34a: {  	_ =	swait.ge [sflag:s6], $0x4000  }
0x34b: {  	[sflag:s6] =	ssyncset.done $0x0  }
0x34c: {  	[sflag:s6] =	ssyncadd.s32 $0xFFFFC000  }
0x34d: {  	[tilespmem:s8], [sflag:$0x2] =	stream.indirect.gather [hbm4b:s4+s12], $0x80, s16, s12, $0xb8;
	[tilespmem:$0x9880] =	vst v63  }
0x34e: {  	_ =	swait.ge [sflag:s5], $0x4000  }
0x34f: {  	s23 =	sld [smem:$0x7FB]  }
0x350: {  	[sflag:s5] =	ssyncset.done $0x0  }
0x351: {  	[sflag:s5] =	ssyncadd.s32 $0xFFFFC000  }
0x352: {  	[hbm4b:s23+s2] =	stream.linear.scatter [tilespmem:s9], [sflag:$0x3], $0x4000, $0x38;
	[tilespmem:$0x9880] =	vst v63  }
0x353: {  	_ =	swait.ge [sflag:s7], $0x4000  }
0x354: {  	[sflag:s7] =	ssyncset.done $0x0  }
0x355: {  	[sflag:s7] =	ssyncadd.s32 $0xFFFFC000  }
0x356: {  	[tilespmem:s9], [sflag:$0x1] =	stream.indirect.gather [hbm4b:s4+s12], $0x80, s15, s12, $0xb8;
	[tilespmem:$0x9880] =	vst v63  }
0x357: {  	_ =	swait.ge [sflag:s10], $0x4000  }
0x358: {  	s24 =	sld [smem:$0x7FC]  }
0x359: {  	[sflag:s10] =	ssyncset.done $0x0  }
0x35a: {  	[sflag:s10] =	ssyncadd.s32 $0xFFFFC000  }
0x35b: {  	[hbm4b:s24+s2] =	stream.linear.scatter [tilespmem:s8], [sflag:$0x4], $0x4000, $0x38;
	[tilespmem:$0x9880] =	vst v63  }
0x35c: {  	_ =	swait.ge [sflag:s6], $0x4000  }
0x35d: {  	[sflag:s6] =	ssyncset.done $0x0  }
0x35e: {  	[sflag:s6] =	ssyncadd.s32 $0xFFFFC000  }
0x35f: {  	[tilespmem:s8], [sflag:$0x2] =	stream.indirect.gather [hbm4b:s4+s12], $0x80, s14, s12, $0xb8;
	[tilespmem:$0x9880] =	vst v63  }
0x360: {  	_ =	swait.ge [sflag:s5], $0x4000  }
0x361: {  	[sflag:s5] =	ssyncset.done $0x0  }
0x362: {  	s25 =	rddreg [dreg:$0x15];
	[sflag:s5] =	ssyncadd.s32 $0xFFFFC000  }
0x363: {  	[hbm4b:s25+s2] =	stream.linear.scatter [tilespmem:s9], [sflag:$0x3], $0x4000, $0x38;
	[tilespmem:$0x9880] =	vst v63  }
0x364: {  	_ =	swait.ge [sflag:s10], $0x4000  }
0x365: {  	[sflag:s10] =	ssyncset.done $0x0  }
0x366: {  	s26 =	rddreg [dreg:$0x16];
	[sflag:s10] =	ssyncadd.s32 $0xFFFFC000  }
0x367: {  	[hbm4b:s26+s2] =	stream.linear.scatter [tilespmem:s8], [sflag:$0x4], $0x4000, $0x38;
	[tilespmem:$0x9880] =	vst v63  }
0x368: {  	_ =	swait.ge [sflag:s7], $0x4000  }
0x369: {  	[sflag:s7] =	ssyncset.done $0x0  }
0x36a: {  	[sflag:s7] =	ssyncadd.s32 $0xFFFFC000  }
0x36b: {  	_ =	swait.ge [sflag:s6], $0x4000  }
0x36c: {  	[sflag:s6] =	ssyncset.done $0x0  }
0x36d: {  	s28 =	rddreg [dreg:$0x4];
	[sflag:s6] =	ssyncadd.s32 $0xFFFFC000  }
0x36e: {  	[tilespmem:s13], [sflag:$0x5] =	stream.linear.gather [hbm4b:s28+s2], $0x80, $0x38;
	[tilespmem:$0x9880] =	vst v63  }
0x36f: {  	_ =	swait.ge [sflag:s3], $0x80  }
0x370: {  	s29 =	sld [smem:$0x7FD]  }
0x371: {  	[sflag:s3] =	ssyncset.done $0x0  }
0x372: {  	[sflag:s3] =	ssyncadd.s32 $0xFFFFFF80  }
0x373: {  	[tilespmem:s11], [sflag:$0x1] =	stream.indirect.gather [hbm4b:s4+s29], $0x80, s13, s29, $0xb8;
	[tilespmem:$0x9880] =	vst v63  }
0x374: {  	_ =	swait.ge [sflag:s5], $0x1000  }
0x375: {  	[sflag:s5] =	ssyncset.done $0x0  }
0x376: {  	s30 =	rddreg [dreg:$0x5];
	[sflag:s5] =	ssyncadd.s32 $0xFFFFF000  }
0x377: {  	[hbm4b:s30+s2] =	stream.linear.scatter [tilespmem:s11], [sflag:$0x5], $0x1000, $0x38;
	[tilespmem:$0x9880] =	vst v63  }
0x378: {  	_ =	swait.ge [sflag:s3], $0x1000  }
0x379: {  	[sflag:s3] =	ssyncset.done $0x0  }
0x37a: {  	[sflag:s3] =	ssyncadd.s32 $0xFFFFF000  }
0x37b: {  	_ =	sfence.sel $0x180000  }
0x37c: {  	[bflag:$0x0] =	sbarrier.arrive $0xFFFF  }
0x37d: {  	_ =	strace $0x90000050  }
0x37e: {  	s31 =	stileid.u32;
	[bflag:$0x2] =	sbarrier.arrive $0xFFFF  }
0x37f: {  	p0 =	sne.s32 s31, $0x0;
	s0 =	rddreg [dreg:$0x1]  }
0x380: {  	s0 =	sadd.s32 @!p0 $0x100000, s0  }
0x381: {  	[sflag:s0] =	ssyncadd.tile.s32 @!p0 $0x1;
	_ =	shalt  }
.Lfunc_end2:
_tile_overlayer_lowered:
.L_overlay_start_2:
0x382: {  	(tag) =	ssettag $0x2  }
0x383: {  	s0 =	rddreg [dreg:$0x0];
	s2 =	stileid.u32  }
0x384: {  	s1 =	rddreg [dreg:$0x1];
	p0 =	sne.s32 s2, $0x0  }
0x385: {  	s3 =	rddreg [dreg:$0x2];
	[bflag:$0x3] =	sbarrier.arrive $0xFFFF;
	s2 =	simm.s32 @!p0 $0x1C05  }
0x386: {  	[timem:s3], [sflag:s2] =	dma.local @!p0 [hbm:s0], s1  }
0x387: {  	s0 =	simm.s32 @!p0 $0x5  }
0x388: {  	_ =	swait.ge @!p0 [sflag:s0], s1  }
0x389: {  	s1 =	ssub.s32 @!p0 $0x0, s1;
	[sflag:s0] =	ssyncset.done @!p0 $0x0  }
0x38a: {  	[sflag:s0] =	ssyncadd.s32 @!p0 s1  }
0x38b: {  	[bflag:$0x3] =	sbarrier.arrive $0xFFFF  }
0x38c: {  	_ =	shalt  }

// kernel: kernel.8.cloned.1.call-start
scs
__scs_entry_jumppad:
0x0: {  	(pc) =	sbr.rel $0x88, $3  }
0x1: {  	(tag) =	ssettag $0x0;
	lr =	simm.s32 $0x1  }
0x2: {  	[smem:$0x3F98] =	sst lr;
	_ =	strace $0xD0000000  }
0x3: {  	_ = 	snop  }
0x4: {  	_ = 	snop  }
0x5: {  	_ = 	snop  }
0x6: {  	_ = 	snop  }
0x7: {  	_ = 	snop  }
__scs_overlays_trampoline_lowered:
0x8: {  	[smem:$0x3FA7] =	sst s0  }
0x9: {  	[smem:$0x3FA8] =	sst s1  }
0xa: {  	[smem:$0x3FA9] =	sst s2  }
0xb: {  	[smem:$0x3FAA] =	sst s3  }
0xc: {  	[smem:$0x3FAB] =	sst s4  }
0xd: {  	[smem:$0x3FAC] =	sst s5  }
0xe: {  	[smem:$0x3FAD] =	sst s6  }
0xf: {  	[smem:$0x3FAE] =	sst s7  }
0x10: {  	[smem:$0x3FAF] =	sst s8  }
0x11: {  	[smem:$0x3FB0] =	sst s9;
	s0 =	simm.s32 @!p0 $0x0  }
0x12: {  	s1 =	sld [smem:$0x3F96];
	s0 =	simm.s32 @p0 $0x1  }
0x13: {  	[smem:$0x3FB1] =	sst s0;
	s0 =	simm.s32 @!p1 $0x0  }
0x14: {  	s2 =	sld [smem:$0x3F95];
	s0 =	simm.s32 @p1 $0x1  }
0x15: {  	[smem:$0x3FB2] =	sst s0;
	s0 =	simm.s32 @!p2 $0x0  }
0x16: {  	s3 =	sld [smem:$0x3FDB];
	s0 =	simm.s32 @p2 $0x1  }
0x17: {  	s4 =	simm.s32 $0x1BF5;
	[smem:$0x3FB4] =	sst s0  }
0x18: {  	s0 =	sld [smem:$0x3F97];
	_ =	swait.ge [sflag:s4], $0x0  }
0x19: {  	s7 =	sld [smem:$0x3F98]  }
0x1a: {  	s8 =	sadd.s32 $0xFFFFE003, lr  }
0x1b: {  	s9 =	sadd.s32 $0xFFFFFEF7, lr;
	s5 =	simm.s32 $0xFFFFFFFF;
	p2 =	slt.u32 s8, $0xFFFFF086  }
0x1c: {  	p1 =	slt.u32 s9, $0xF7A;
	s5 =	simm.s32 @!p2 $0x0  }
0x1d: {  	s5 =	simm.s32 @p1 $0x1;
	p0 =	seq.s32 s7, s2  }
0x1e: {  	s7 =	smul.u32 @!p0 $0xF7A, s2;
	p2 =	seq.s32 @!p0 s5, $0x0  }
0x1f: {  	s9 =	smul.u32 $0xF7A, s1;
	s8 =	simm.s32 @!p0 $0x1BF5;
	p2 =	por !p2, p0  }
0x20: {  	[sflag:s8] =	ssyncset.s32 @!p0 $0xFFFFF086;
	s6 =	sadd.s32 @!p0 s3, s7;
	s7 =	simm.s32 @!p0 $0x108  }
0x21: {  	s3 =	sadd.s32 s3, s9;
	s6 =	sadd.s32 @!p0 $0x88, s6;
	s7 =	simm.s32 @p2 $0x1082  }
0x22: {  	[simem:s7], [sflag:s8] =	dma.local @!p0 [hbm:s6], $0xF7A  }
0x23: {  	s9 =	sor.u32 $0xD0000000, s2;
	s6 =	simm.s32 $0x108;
	_ =	swait.ge @!p0 [sflag:s8], $0x0  }
0x24: {  	s3 =	sadd.s32 $0x88, s3;
	s6 =	simm.s32 @!p1 $0x1082;
	[sflag:s4] =	ssyncset.s32 $0xFFFFF086  }
0x25: {  	[simem:s6], [sflag:s4] =	dma.local [hbm:s3], $0xF7A  }
0x26: {  	[smem:$0x3F98] =	sst s1;
	(tag) =	ssettag s2;
	_ =	strace s9  }
0x27: {  	s1 =	sld [smem:$0x3FA8]  }
0x28: {  	s2 =	sld [smem:$0x3FA9]  }
0x29: {  	s4 =	sld [smem:$0x3FAB]  }
0x2a: {  	p0 =	seq.s32 s5, $0x0;
	s5 =	sld [smem:$0x3FAC]  }
0x2b: {  	s6 =	sld [smem:$0x3FAD]  }
0x2c: {  	s7 =	sld [smem:$0x3FAE]  }
0x2d: {  	s3 =	simm.s32 $0x108;
	s8 =	sld [smem:$0x3FAF]  }
0x2e: {  	s3 =	simm.s32 @!p0 $0x1082;
	s9 =	sld [smem:$0x3FB0]  }
0x2f: {  	lr =	sadd.s32 s0, s3;
	s0 =	sld [smem:$0x3FA7]  }
0x30: {  	s3 =	sld [smem:$0x3FAA]  }
0x31: {  	[smem:$0x3FB3] =	sst s10  }
0x32: {  	s10 =	sld [smem:$0x3FB1];
	_ =	sdelay $0x3  }
0x33: {  	p0 =	seq.s32 s10, $0x1;
	s10 =	sld [smem:$0x3FB3];
	_ =	sdelay $0x3  }
0x34: {  	[smem:$0x3FB3] =	sst s10  }
0x35: {  	s10 =	sld [smem:$0x3FB2];
	_ =	sdelay $0x3  }
0x36: {  	p1 =	seq.s32 s10, $0x1;
	s10 =	sld [smem:$0x3FB3];
	_ =	sdelay $0x3  }
0x37: {  	[smem:$0x3FB3] =	sst s10  }
0x38: {  	s10 =	sld [smem:$0x3FB4]  }
0x39: {  	_ = 	snop;
	(pc) =	sbr.ind lr, $3  }
0x3a: {  	_ = 	snop  }
0x3b: {  	_ = 	snop  }
0x3c: {  	p2 =	seq.s32 s10, $0x1;
	s10 =	sld [smem:$0x3FB3]  }
0x3d: {  	_ =	shalt  }
0x3e: {  	_ =	shalt  }
0x3f: {  	_ =	shalt  }
0x40: {  	_ =	shalt  }
0x41: {  	_ =	shalt  }
0x42: {  	_ =	shalt  }
0x43: {  	_ =	shalt  }
0x44: {  	_ =	shalt  }
0x45: {  	_ =	shalt  }
0x46: {  	_ =	shalt  }
0x47: {  	_ =	shalt  }
0x48: {  	_ =	shalt  }
0x49: {  	_ =	shalt  }
0x4a: {  	_ =	shalt  }
0x4b: {  	_ =	shalt  }
0x4c: {  	_ =	shalt  }
0x4d: {  	_ =	shalt  }
0x4e: {  	_ =	shalt  }
0x4f: {  	_ =	shalt  }
0x50: {  	_ =	shalt  }
0x51: {  	_ =	shalt  }
0x52: {  	_ =	shalt  }
0x53: {  	_ =	shalt  }
0x54: {  	_ =	shalt  }
0x55: {  	_ =	shalt  }
0x56: {  	_ =	shalt  }
0x57: {  	_ =	shalt  }
0x58: {  	_ =	shalt  }
0x59: {  	_ =	shalt  }
0x5a: {  	_ =	shalt  }
0x5b: {  	_ =	shalt  }
0x5c: {  	_ =	shalt  }
0x5d: {  	_ =	shalt  }
0x5e: {  	_ =	shalt  }
0x5f: {  	_ =	shalt  }
0x60: {  	_ =	shalt  }
0x61: {  	_ =	shalt  }
0x62: {  	_ =	shalt  }
0x63: {  	_ =	shalt  }
0x64: {  	_ =	shalt  }
0x65: {  	_ =	shalt  }
0x66: {  	_ =	shalt  }
0x67: {  	_ =	shalt  }
0x68: {  	_ =	shalt  }
0x69: {  	_ =	shalt  }
0x6a: {  	_ =	shalt  }
0x6b: {  	_ =	shalt  }
0x6c: {  	_ =	shalt  }
0x6d: {  	_ =	shalt  }
0x6e: {  	_ =	shalt  }
0x6f: {  	_ =	shalt  }
0x70: {  	_ =	shalt  }
0x71: {  	_ =	shalt  }
0x72: {  	_ =	shalt  }
0x73: {  	_ =	shalt  }
0x74: {  	_ =	shalt  }
0x75: {  	_ =	shalt  }
0x76: {  	_ =	shalt  }
0x77: {  	_ =	shalt  }
0x78: {  	_ =	shalt  }
0x79: {  	_ =	shalt  }
0x7a: {  	_ =	shalt  }
0x7b: {  	_ =	shalt  }
0x7c: {  	_ =	shalt  }
0x7d: {  	_ =	shalt  }
0x7e: {  	_ =	shalt  }
0x7f: {  	_ =	shalt  }
0x80: {  	_ =	shalt  }
0x81: {  	_ =	shalt  }
0x82: {  	_ =	shalt  }
0x83: {  	_ =	shalt  }
0x84: {  	_ =	shalt  }
0x85: {  	_ =	shalt  }
0x86: {  	_ =	shalt  }
0x87: {  	_ =	shalt  }
.Lfunc_end0:
.L_simem_size_0:
called_computation_lowered:
.L_overlay_start_0:
0x88: {  	s2 =	sld [smem:$0x3FD9]  }
0x89: {  	s3 =	sld [smem:$0x3FFE];
	_ =	sdelay $0x1  }
0x8a: {  	s1 =	srdreg.scid  }
0x8b: {  	s0 =	sand.u32 $0x1, s1  }
0x8c: {  	s16 =	sshll.u32 s0, $0xA;
	s2 =	sadd.s32 s3, s2  }
0x8d: {  	s2 =	sadd.s32 s2, s16  }
0x8e: {  	[smem:$0x3FBF] =	sst s2  }
0x8f: {  	_ = 	snop  }
0x90: {  	(tm) =	ssettm $0x1  }
0x91: {  	s17 =	sld [smem:$0x3FFB];
	_ =	sdelay $0x3  }
0x92: {  	_ =	strace s17  }
0x93: {  	s2 =	sld [smem:$0x3FFC];
	_ =	sdelay $0x3  }
0x94: {  	_ =	strace s2  }
0x95: {  	s2 =	sld [smem:$0x3FFD];
	_ =	sdelay $0x3  }
0x96: {  	_ =	strace s2  }
0x97: {  	_ =	strace $0x8FFFFFFF  }
0x98: {  	s18 =	sld [smem:$0x3FDB];
	_ =	sdelay $0x1  }
0x99: {  	s19 =	simm.s32 $_scs_section_size  }
0x9a: {  	s4 =	simm.s32 $_size__tile_overlayer_lowered;
	s5 =	simm.s32 $_tile_overlayer_lowered  }
0x9b: {  	s22 =	simm.s32 $0x1BFF;
	s21 =	sshll.u32 s5, $0x1;
	s2 =	sadd.s32 s19, s18  }
0x9c: {  	s6 =	simm.s32 $0x0;
	s20 =	sshll.u32 s4, $0x1;
	s4 =	sadd.s32 s21, s2  }
0x9d: {  	[timem:s6], [sflag:s22] =	dma.local [hbm:s4], s20  }
0x9e: {  	_ =	swait.ge [sflag:s22], s20  }
0x9f: {  	s3 =	ssub.s32 $0x0, s20;
	[sflag:s22] =	ssyncset.done $0x0  }
0xa0: {  	[sflag:s22] =	ssyncadd.s32 s3;
	_ =	sdelay $0x1  }
0xa1: {  	s23 =	simm.s32 $0x1B8B  }
0xa2: {  	_ =	swait.ge [sflag:s23], $0x1  }
0xa3: {  	[sflag:s23] =	ssyncset.done $0x0  }
0xa4: {  	s25 =	simm.s32 $0x1B8E;
	s24 =	sld [smem:$0x3FFE];
	[sflag:s23] =	ssyncadd.s32 $0xFFFFFFFF  }
0xa5: {  	s26 =	simm.s32 $execute0_lowered;
	[smem:$0x3FD2] =	sst s25  }
0xa6: {  	s4 =	sshll.u32 s26, $0x1;
	_ =	strace $0x80000046;
	[dreg:$0x1] =	wrdreg $0xFFFFFFFF  }
0xa7: {  	s28 =	simm.s32 $_size_execute0_lowered;
	s2 =	sadd.s32 s2, s4;
	[dreg:$0x0] =	wrdreg $0x0  }
0xa8: {  	s4 =	sshll.u32 s28, $0x1;
	[dreg:$0x2] =	wrdreg s2  }
0xa9: {  	[dreg:$0x3] =	wrdreg s4  }
0xaa: {  	[dreg:$0x4] =	wrdreg $0xC0  }
0xab: {  	_ =	task [dreg:s6], $0x5FFFF  }
0xac: {  	[dreg:$0x1] =	wrdreg $0xFFFFFFFF  }
0xad: {  	[dreg:$0x0] =	wrdreg $0x60  }
0xae: {  	[dreg:$0x2] =	wrdreg s24  }
0xaf: {  	[dreg:$0x3] =	wrdreg $0x9  }
0xb0: {  	_ =	task.clear_ibuf [dreg:s6], $0x4FFFF;
	_ =	strace $0x90000046  }
0xb1: {  	s29 =	simm.s32 $0x9;
	_ =	strace $0x80000048  }
0xb2: {  	_ =	swait.ge [sflag:s29], $0x1  }
0xb3: {  	[sflag:s29] =	ssyncadd.s32 $0xFFFFFFFF  }
0xb4: {  	_ =	strace $0x90000048  }
0xb5: {  	_ =	sfence  }
0xb6: {  	s30 =	sld [smem:$0x0];
	_ =	sdelay $0x2  }
0xb7: {  	s31 =	sshll.u32 s1, $0xD;
	s1 =	sshrl.u32 s1, $0x2  }
0xb8: {  	s3 =	sand.u32 $0x4000, s31;
	s1 =	sadd.s32 s1, s30  }
0xb9: {  	s0 =	sor.u32 s3, s0;
	s1 =	sshll.u32 s1, $0x11  }
0xba: {  	s0 =	sor.u32 s1, s0  }
0xbb: {  	s0 =	sadd.s32 $0x8F2B, s0  }
0xbc: {  	[sflag:s0] =	ssyncadd.remote.s32 $0x1  }
0xbd: {  	_ =	sfence.sel $0xFFFF  }
0xbe: {  	[dreg:$0x0] =	wrdreg $0xFFFFFFFF;
	(pc) =	sbr.abs _section_cstart, $3  }
0xbf: {  	[dreg:$0x1] =	wrdreg $0xFFFFFFFF  }
0xc0: {  	_ =	task.clear_ibuf [dreg:s6], $0x2FFFF;
	_ =	strace $0x9FFFFFFF  }
0xc1: {  	(tm) =	ssettm $0x7FFFFFFF  }
tec
execute0_lowered:
.L_overlay_start_1:
0x0: {  	(tag) =	ssettag $0x1  }
0x1: {  	s1 =	srdreg.scid;
	s0 =	stileid.u32  }
0x2: {  	s1 =	sand.u32 $0x1, s1;
	s2 =	sshll.u32 s0, $0x1  }
0x3: {  	s3 =	sor.u32 s1, s2  }
0x4: {  	s4 =	rddreg [dreg:$0x0];
	s5 =	sshll.u32 s3, $0x8  }
0x5: {  	s2 =	simm.s32 $0x0;
	s3 =	sshll.u32 s3, $0xF;
	s5 =	sadd.s32 s5, s4  }
0x6: {  	[smem:$0x7FF] =	sst s2;
	s31 =	sadd.s32 s3, s4;
	s14 =	sadd.s32 $0x2C00, s5  }
0x7: {  	_ =	strace $0x80000047;
	s15 =	sadd.s32 $0x18B600, s31;
	[dreg:$0x2] =	wrdreg s14  }
0x8: {  	s16 =	sadd.s32 $0x192E00, s31;
	[dreg:$0x3] =	wrdreg s15  }
0x9: {  	s17 =	sadd.s32 $0x18BE00, s31;
	[dreg:$0x4] =	wrdreg s16  }
0xa: {  	s18 =	sadd.s32 $0x18C600, s31;
	[dreg:$0x5] =	wrdreg s17  }
0xb: {  	s19 =	sadd.s32 $0x18CE00, s31;
	[dreg:$0x6] =	wrdreg s18  }
0xc: {  	s20 =	sadd.s32 $0x18D600, s31;
	[dreg:$0x7] =	wrdreg s19  }
0xd: {  	s21 =	sadd.s32 $0x18DE00, s31;
	[dreg:$0x8] =	wrdreg s20  }
0xe: {  	s22 =	sadd.s32 $0x18E600, s31;
	[dreg:$0x9] =	wrdreg s21  }
0xf: {  	s23 =	sadd.s32 $0x18EE00, s31;
	[dreg:$0xa] =	wrdreg s22  }
0x10: {  	s24 =	sadd.s32 $0x18F600, s31;
	[dreg:$0xb] =	wrdreg s23  }
0x11: {  	s26 =	sadd.s32 $0x18FE00, s31;
	[dreg:$0xc] =	wrdreg s24  }
0x12: {  	[dreg:$0xd] =	wrdreg s26  }
0x13: {  	s3 =	simm.s32 $0x5;
	s25 =	rddreg [dreg:$0x2]  }
0x14: {  	[tilespmem:s2], [sflag:$0x5] =	stream.linear.gather [hbm4b:s25+s2], $0x800, $0x38;
	[tilespmem:$0x8800] =	vst v63  }
0x15: {  	_ =	swait.ge [sflag:s3], $0x800  }
0x16: {  	s6 =	simm.s32 $0x800;
	[sflag:s3] =	ssyncset.done $0x0  }
0x17: {  	s4 =	sadd.s32 $0x4C00, s4;
	s5 =	simm.s32 $0x80;
	[sflag:s3] =	ssyncadd.s32 $0xFFFFF800  }
0x18: {  	[tilespmem:s6], [sflag:$0x1] =	stream.indirect.gather [hbm4b:s4+s5], $0x80, s2, s5, $0xb8;
	[tilespmem:$0x8800] =	vst v63  }
0x19: {  	s7 =	simm.s32 $0x4800;
	s8 =	simm.s32 $0x1  }
0x1a: {  	[tilespmem:s7], [sflag:$0x2] =	stream.indirect.gather [hbm4b:s4+s5], $0x80, s5, s5, $0xb8;
	[tilespmem:$0x8800] =	vst v63  }
0x1b: {  	_ =	swait.ge [sflag:s8], $0x4000  }
0x1c: {  	[sflag:s8] =	ssyncset.done $0x0  }
0x1d: {  	s9 =	simm.s32 $0x3;
	s10 =	rddreg [dreg:$0x3];
	[sflag:s8] =	ssyncadd.s32 $0xFFFFC000  }
0x1e: {  	[hbm4b:s10+s2] =	stream.linear.scatter [tilespmem:s6], [sflag:$0x3], $0x4000, $0x38;
	[tilespmem:$0x8800] =	vst v63  }
0x1f: {  	_ =	swait.ge [sflag:s9], $0x4000  }
0x20: {  	[sflag:s9] =	ssyncset.done $0x0  }
0x21: {  	s11 =	simm.s32 $0x2;
	s10 =	simm.s32 $0x100;
	[sflag:s9] =	ssyncadd.s32 $0xFFFFC000  }
0x22: {  	[tilespmem:s6], [sflag:$0x1] =	stream.indirect.gather [hbm4b:s4+s5], $0x80, s10, s5, $0xb8;
	[tilespmem:$0x8800] =	vst v63  }
0x23: {  	_ =	swait.ge [sflag:s11], $0x4000  }
0x24: {  	[sflag:s11] =	ssyncset.done $0x0  }
0x25: {  	s12 =	simm.s32 $0x4;
	s13 =	rddreg [dreg:$0x5];
	[sflag:s11] =	ssyncadd.s32 $0xFFFFC000  }
0x26: {  	[hbm4b:s13+s2] =	stream.linear.scatter [tilespmem:s7], [sflag:$0x4], $0x4000, $0x38;
	[tilespmem:$0x8800] =	vst v63  }
0x27: {  	_ =	swait.ge [sflag:s12], $0x4000  }
0x28: {  	[sflag:s12] =	ssyncset.done $0x0  }
0x29: {  	s13 =	simm.s32 $0x180;
	[sflag:s12] =	ssyncadd.s32 $0xFFFFC000  }
0x2a: {  	[tilespmem:s7], [sflag:$0x2] =	stream.indirect.gather [hbm4b:s4+s5], $0x80, s13, s5, $0xb8;
	[tilespmem:$0x8800] =	vst v63  }
0x2b: {  	_ =	swait.ge [sflag:s8], $0x4000  }
0x2c: {  	[sflag:s8] =	ssyncset.done $0x0  }
0x2d: {  	s14 =	rddreg [dreg:$0x6];
	[sflag:s8] =	ssyncadd.s32 $0xFFFFC000  }
0x2e: {  	[hbm4b:s14+s2] =	stream.linear.scatter [tilespmem:s6], [sflag:$0x3], $0x4000, $0x38;
	[tilespmem:$0x8800] =	vst v63  }
0x2f: {  	_ =	swait.ge [sflag:s9], $0x4000  }
0x30: {  	[sflag:s9] =	ssyncset.done $0x0  }
0x31: {  	s14 =	simm.s32 $0x200;
	[sflag:s9] =	ssyncadd.s32 $0xFFFFC000  }
0x32: {  	[tilespmem:s6], [sflag:$0x1] =	stream.indirect.gather [hbm4b:s4+s5], $0x80, s14, s5, $0xb8;
	[tilespmem:$0x8800] =	vst v63  }
0x33: {  	_ =	swait.ge [sflag:s11], $0x4000  }
0x34: {  	[sflag:s11] =	ssyncset.done $0x0  }
0x35: {  	s15 =	rddreg [dreg:$0x7];
	[sflag:s11] =	ssyncadd.s32 $0xFFFFC000  }
0x36: {  	[hbm4b:s15+s2] =	stream.linear.scatter [tilespmem:s7], [sflag:$0x4], $0x4000, $0x38;
	[tilespmem:$0x8800] =	vst v63  }
0x37: {  	_ =	swait.ge [sflag:s12], $0x4000  }
0x38: {  	[sflag:s12] =	ssyncset.done $0x0  }
0x39: {  	s15 =	simm.s32 $0x280;
	[sflag:s12] =	ssyncadd.s32 $0xFFFFC000  }
0x3a: {  	[tilespmem:s7], [sflag:$0x2] =	stream.indirect.gather [hbm4b:s4+s5], $0x80, s15, s5, $0xb8;
	[tilespmem:$0x8800] =	vst v63  }
0x3b: {  	_ =	swait.ge [sflag:s8], $0x4000  }
0x3c: {  	[sflag:s8] =	ssyncset.done $0x0  }
0x3d: {  	s16 =	rddreg [dreg:$0x8];
	[sflag:s8] =	ssyncadd.s32 $0xFFFFC000  }
0x3e: {  	[hbm4b:s16+s2] =	stream.linear.scatter [tilespmem:s6], [sflag:$0x3], $0x4000, $0x38;
	[tilespmem:$0x8800] =	vst v63  }
0x3f: {  	_ =	swait.ge [sflag:s9], $0x4000  }
0x40: {  	[sflag:s9] =	ssyncset.done $0x0  }
0x41: {  	s16 =	simm.s32 $0x300;
	[sflag:s9] =	ssyncadd.s32 $0xFFFFC000  }
0x42: {  	[tilespmem:s6], [sflag:$0x1] =	stream.indirect.gather [hbm4b:s4+s5], $0x80, s16, s5, $0xb8;
	[tilespmem:$0x8800] =	vst v63  }
0x43: {  	_ =	swait.ge [sflag:s11], $0x4000  }
0x44: {  	[sflag:s11] =	ssyncset.done $0x0  }
0x45: {  	s17 =	rddreg [dreg:$0x9];
	[sflag:s11] =	ssyncadd.s32 $0xFFFFC000  }
0x46: {  	[hbm4b:s17+s2] =	stream.linear.scatter [tilespmem:s7], [sflag:$0x4], $0x4000, $0x38;
	[tilespmem:$0x8800] =	vst v63  }
0x47: {  	_ =	swait.ge [sflag:s12], $0x4000  }
0x48: {  	[sflag:s12] =	ssyncset.done $0x0  }
0x49: {  	s17 =	simm.s32 $0x380;
	[sflag:s12] =	ssyncadd.s32 $0xFFFFC000  }
0x4a: {  	[tilespmem:s7], [sflag:$0x2] =	stream.indirect.gather [hbm4b:s4+s5], $0x80, s17, s5, $0xb8;
	[tilespmem:$0x8800] =	vst v63  }
0x4b: {  	_ =	swait.ge [sflag:s8], $0x4000  }
0x4c: {  	[sflag:s8] =	ssyncset.done $0x0  }
0x4d: {  	s18 =	rddreg [dreg:$0xa];
	[sflag:s8] =	ssyncadd.s32 $0xFFFFC000  }
0x4e: {  	[hbm4b:s18+s2] =	stream.linear.scatter [tilespmem:s6], [sflag:$0x3], $0x4000, $0x38;
	[tilespmem:$0x8800] =	vst v63  }
0x4f: {  	_ =	swait.ge [sflag:s9], $0x4000  }
0x50: {  	[sflag:s9] =	ssyncset.done $0x0  }
0x51: {  	s18 =	simm.s32 $0x400;
	[sflag:s9] =	ssyncadd.s32 $0xFFFFC000  }
0x52: {  	[tilespmem:s6], [sflag:$0x1] =	stream.indirect.gather [hbm4b:s4+s5], $0x80, s18, s5, $0xb8;
	[tilespmem:$0x8800] =	vst v63  }
0x53: {  	_ =	swait.ge [sflag:s11], $0x4000  }
0x54: {  	[sflag:s11] =	ssyncset.done $0x0  }
0x55: {  	s19 =	rddreg [dreg:$0xb];
	[sflag:s11] =	ssyncadd.s32 $0xFFFFC000  }
0x56: {  	[hbm4b:s19+s2] =	stream.linear.scatter [tilespmem:s7], [sflag:$0x4], $0x4000, $0x38;
	[tilespmem:$0x8800] =	vst v63  }
0x57: {  	_ =	swait.ge [sflag:s12], $0x4000  }
0x58: {  	[sflag:s12] =	ssyncset.done $0x0  }
0x59: {  	s19 =	simm.s32 $0x480;
	[sflag:s12] =	ssyncadd.s32 $0xFFFFC000  }
0x5a: {  	[tilespmem:s7], [sflag:$0x2] =	stream.indirect.gather [hbm4b:s4+s5], $0x80, s19, s5, $0xb8;
	[tilespmem:$0x8800] =	vst v63  }
0x5b: {  	_ =	swait.ge [sflag:s8], $0x4000  }
0x5c: {  	[sflag:s8] =	ssyncset.done $0x0  }
0x5d: {  	s20 =	rddreg [dreg:$0xc];
	[sflag:s8] =	ssyncadd.s32 $0xFFFFC000  }
0x5e: {  	[hbm4b:s20+s2] =	stream.linear.scatter [tilespmem:s6], [sflag:$0x3], $0x4000, $0x38;
	[tilespmem:$0x8800] =	vst v63  }
0x5f: {  	_ =	swait.ge [sflag:s9], $0x4000  }
0x60: {  	[sflag:s9] =	ssyncset.done $0x0  }
0x61: {  	s20 =	simm.s32 $0x500;
	[sflag:s9] =	ssyncadd.s32 $0xFFFFC000  }
0x62: {  	[tilespmem:s6], [sflag:$0x1] =	stream.indirect.gather [hbm4b:s4+s5], $0x80, s20, s5, $0xb8;
	[tilespmem:$0x8800] =	vst v63  }
0x63: {  	_ =	swait.ge [sflag:s11], $0x4000  }
0x64: {  	[sflag:s11] =	ssyncset.done $0x0  }
0x65: {  	s21 =	rddreg [dreg:$0xd];
	[sflag:s11] =	ssyncadd.s32 $0xFFFFC000  }
0x66: {  	[hbm4b:s21+s2] =	stream.linear.scatter [tilespmem:s7], [sflag:$0x4], $0x4000, $0x38;
	[tilespmem:$0x8800] =	vst v63  }
0x67: {  	_ =	swait.ge [sflag:s12], $0x4000  }
0x68: {  	[sflag:s12] =	ssyncset.done $0x0  }
0x69: {  	s21 =	simm.s32 $0x580;
	[sflag:s12] =	ssyncadd.s32 $0xFFFFC000  }
0x6a: {  	[tilespmem:s7], [sflag:$0x2] =	stream.indirect.gather [hbm4b:s4+s5], $0x80, s21, s5, $0xb8;
	[tilespmem:$0x8800] =	vst v63  }
0x6b: {  	_ =	swait.ge [sflag:s8], $0x4000  }
0x6c: {  	[sflag:s8] =	ssyncset.done $0x0  }
0x6d: {  	s22 =	sadd.s32 $0x190600, s31;
	[sflag:s8] =	ssyncadd.s32 $0xFFFFC000  }
0x6e: {  	[hbm4b:s22+s2] =	stream.linear.scatter [tilespmem:s6], [sflag:$0x3], $0x4000, $0x38;
	[tilespmem:$0x8800] =	vst v63  }
0x6f: {  	_ =	swait.ge [sflag:s9], $0x4000  }
0x70: {  	[sflag:s9] =	ssyncset.done $0x0  }
0x71: {  	s23 =	simm.s32 $0x600;
	[sflag:s9] =	ssyncadd.s32 $0xFFFFC000  }
0x72: {  	[tilespmem:s6], [sflag:$0x1] =	stream.indirect.gather [hbm4b:s4+s5], $0x80, s23, s5, $0xb8;
	[tilespmem:$0x8800] =	vst v63  }
0x73: {  	_ =	swait.ge [sflag:s11], $0x4000  }
0x74: {  	[sflag:s11] =	ssyncset.done $0x0  }
0x75: {  	s24 =	sadd.s32 $0x190E00, s31;
	[sflag:s11] =	ssyncadd.s32 $0xFFFFC000  }
0x76: {  	[hbm4b:s24+s2] =	stream.linear.scatter [tilespmem:s7], [sflag:$0x4], $0x4000, $0x38;
	[tilespmem:$0x8800] =	vst v63  }
0x77: {  	_ =	swait.ge [sflag:s12], $0x4000  }
0x78: {  	[sflag:s12] =	ssyncset.done $0x0  }
0x79: {  	s25 =	simm.s32 $0x680;
	[sflag:s12] =	ssyncadd.s32 $0xFFFFC000  }
0x7a: {  	[tilespmem:s7], [sflag:$0x2] =	stream.indirect.gather [hbm4b:s4+s5], $0x80, s25, s5, $0xb8;
	[tilespmem:$0x8800] =	vst v63  }
0x7b: {  	_ =	swait.ge [sflag:s8], $0x4000  }
0x7c: {  	[sflag:s8] =	ssyncset.done $0x0  }
0x7d: {  	s26 =	sadd.s32 $0x191600, s31;
	[sflag:s8] =	ssyncadd.s32 $0xFFFFC000  }
0x7e: {  	[hbm4b:s26+s2] =	stream.linear.scatter [tilespmem:s6], [sflag:$0x3], $0x4000, $0x38;
	[tilespmem:$0x8800] =	vst v63  }
0x7f: {  	_ =	swait.ge [sflag:s9], $0x4000  }
0x80: {  	[sflag:s9] =	ssyncset.done $0x0  }
0x81: {  	s28 =	simm.s32 $0x700;
	[sflag:s9] =	ssyncadd.s32 $0xFFFFC000  }
0x82: {  	[tilespmem:s6], [sflag:$0x1] =	stream.indirect.gather [hbm4b:s4+s5], $0x80, s28, s5, $0xb8;
	[tilespmem:$0x8800] =	vst v63  }
0x83: {  	_ =	swait.ge [sflag:s11], $0x4000  }
0x84: {  	[sflag:s11] =	ssyncset.done $0x0  }
0x85: {  	s29 =	sadd.s32 $0x191E00, s31;
	[sflag:s11] =	ssyncadd.s32 $0xFFFFC000  }
0x86: {  	[hbm4b:s29+s2] =	stream.linear.scatter [tilespmem:s7], [sflag:$0x4], $0x4000, $0x38;
	[tilespmem:$0x8800] =	vst v63  }
0x87: {  	_ =	swait.ge [sflag:s12], $0x4000  }
0x88: {  	[sflag:s12] =	ssyncset.done $0x0  }
0x89: {  	s30 =	simm.s32 $0x780;
	[sflag:s12] =	ssyncadd.s32 $0xFFFFC000  }
0x8a: {  	[tilespmem:s7], [sflag:$0x2] =	stream.indirect.gather [hbm4b:s4+s5], $0x80, s30, s5, $0xb8;
	[tilespmem:$0x8800] =	vst v63  }
0x8b: {  	_ =	swait.ge [sflag:s8], $0x4000  }
0x8c: {  	[sflag:s8] =	ssyncset.done $0x0  }
0x8d: {  	s31 =	sadd.s32 $0x192600, s31;
	[sflag:s8] =	ssyncadd.s32 $0xFFFFC000  }
0x8e: {  	[hbm4b:s31+s2] =	stream.linear.scatter [tilespmem:s6], [sflag:$0x3], $0x4000, $0x38;
	[tilespmem:$0x8800] =	vst v63  }
0x8f: {  	_ =	swait.ge [sflag:s11], $0x4000  }
0x90: {  	[sflag:s11] =	ssyncset.done $0x0  }
0x91: {  	s0 =	rddreg [dreg:$0x4];
	[sflag:s11] =	ssyncadd.s32 $0xFFFFC000  }
0x92: {  	[hbm4b:s0+s2] =	stream.linear.scatter [tilespmem:s7], [sflag:$0x4], $0x4000, $0x38;
	[tilespmem:$0x8800] =	vst v63  }
0x93: {  	s0 =	ssub.s32 $0x2, s1  }
0x94: {  	s1 =	sshrl.u32 s0, $0x1  }
0x95: {  	s0 =	ssub.s32 s0, s1  }
0x96: {  	s0 =	smax.u32 s0, $0x1  }
0x97: {  	p0 =	sne.s32 s0, $0x1  }
.Ltmp0:
0x98: {  	_ =	swait.ge [sflag:s9], $0x4000;
	(pc) =	sbr.rel @!p0 .LBB2_2-.Ltmp0, $4  }
0x99: {  	[sflag:s9] =	ssyncset.done $0x0  }
0x9a: {  	[sflag:s9] =	ssyncadd.s32 $0xFFFFC000  }
0x9b: {  	_ =	swait.ge [sflag:s12], $0x4000  }
0x9c: {  	s1 =	sadd.s32 $0xFFFFFFFF, s0;
	[sflag:s12] =	ssyncset.done $0x0  }
.LBB2_1:
0x9d: {  	s0 =	rddreg [dreg:$0x2];
	[sflag:s12] =	ssyncadd.s32 $0xFFFFC000  }
0x9e: {  	[tilespmem:s2], [sflag:$0x5] =	stream.linear.gather [hbm4b:s0+s2], $0x800, $0x38;
	[tilespmem:$0x8800] =	vst v63  }
0x9f: {  	_ =	swait.ge [sflag:s3], $0x800  }
0xa0: {  	[sflag:s3] =	ssyncset.done $0x0  }
0xa1: {  	[sflag:s3] =	ssyncadd.s32 $0xFFFFF800  }
0xa2: {  	[tilespmem:s6], [sflag:$0x1] =	stream.indirect.gather [hbm4b:s4+s5], $0x80, s2, s5, $0xb8;
	[tilespmem:$0x8800] =	vst v63  }
0xa3: {  	_ = 	snop  }
0xa4: {  	[tilespmem:s7], [sflag:$0x2] =	stream.indirect.gather [hbm4b:s4+s5], $0x80, s5, s5, $0xb8;
	[tilespmem:$0x8800] =	vst v63  }
0xa5: {  	_ =	swait.ge [sflag:s8], $0x4000  }
0xa6: {  	[sflag:s8] =	ssyncset.done $0x0  }
0xa7: {  	s0 =	rddreg [dreg:$0x3];
	[sflag:s8] =	ssyncadd.s32 $0xFFFFC000  }
0xa8: {  	[hbm4b:s0+s2] =	stream.linear.scatter [tilespmem:s6], [sflag:$0x3], $0x4000, $0x38;
	[tilespmem:$0x8800] =	vst v63  }
0xa9: {  	_ =	swait.ge [sflag:s9], $0x4000  }
0xaa: {  	[sflag:s9] =	ssyncset.done $0x0  }
0xab: {  	[sflag:s9] =	ssyncadd.s32 $0xFFFFC000  }
0xac: {  	[tilespmem:s6], [sflag:$0x1] =	stream.indirect.gather [hbm4b:s4+s5], $0x80, s10, s5, $0xb8;
	[tilespmem:$0x8800] =	vst v63  }
0xad: {  	_ =	swait.ge [sflag:s11], $0x4000  }
0xae: {  	[sflag:s11] =	ssyncset.done $0x0  }
0xaf: {  	s0 =	rddreg [dreg:$0x5];
	[sflag:s11] =	ssyncadd.s32 $0xFFFFC000  }
0xb0: {  	[hbm4b:s0+s2] =	stream.linear.scatter [tilespmem:s7], [sflag:$0x4], $0x4000, $0x38;
	[tilespmem:$0x8800] =	vst v63  }
0xb1: {  	_ =	swait.ge [sflag:s12], $0x4000  }
0xb2: {  	[sflag:s12] =	ssyncset.done $0x0  }
0xb3: {  	[sflag:s12] =	ssyncadd.s32 $0xFFFFC000  }
0xb4: {  	[tilespmem:s7], [sflag:$0x2] =	stream.indirect.gather [hbm4b:s4+s5], $0x80, s13, s5, $0xb8;
	[tilespmem:$0x8800] =	vst v63  }
0xb5: {  	_ =	swait.ge [sflag:s8], $0x4000  }
0xb6: {  	[sflag:s8] =	ssyncset.done $0x0  }
0xb7: {  	s0 =	rddreg [dreg:$0x6];
	[sflag:s8] =	ssyncadd.s32 $0xFFFFC000  }
0xb8: {  	[hbm4b:s0+s2] =	stream.linear.scatter [tilespmem:s6], [sflag:$0x3], $0x4000, $0x38;
	[tilespmem:$0x8800] =	vst v63  }
0xb9: {  	_ =	swait.ge [sflag:s9], $0x4000  }
0xba: {  	[sflag:s9] =	ssyncset.done $0x0  }
0xbb: {  	[sflag:s9] =	ssyncadd.s32 $0xFFFFC000  }
0xbc: {  	[tilespmem:s6], [sflag:$0x1] =	stream.indirect.gather [hbm4b:s4+s5], $0x80, s14, s5, $0xb8;
	[tilespmem:$0x8800] =	vst v63  }
0xbd: {  	_ =	swait.ge [sflag:s11], $0x4000  }
0xbe: {  	[sflag:s11] =	ssyncset.done $0x0  }
0xbf: {  	s0 =	rddreg [dreg:$0x7];
	[sflag:s11] =	ssyncadd.s32 $0xFFFFC000  }
0xc0: {  	[hbm4b:s0+s2] =	stream.linear.scatter [tilespmem:s7], [sflag:$0x4], $0x4000, $0x38;
	[tilespmem:$0x8800] =	vst v63  }
0xc1: {  	_ =	swait.ge [sflag:s12], $0x4000  }
0xc2: {  	[sflag:s12] =	ssyncset.done $0x0  }
0xc3: {  	[sflag:s12] =	ssyncadd.s32 $0xFFFFC000  }
0xc4: {  	[tilespmem:s7], [sflag:$0x2] =	stream.indirect.gather [hbm4b:s4+s5], $0x80, s15, s5, $0xb8;
	[tilespmem:$0x8800] =	vst v63  }
0xc5: {  	_ =	swait.ge [sflag:s8], $0x4000  }
0xc6: {  	[sflag:s8] =	ssyncset.done $0x0  }
0xc7: {  	s0 =	rddreg [dreg:$0x8];
	[sflag:s8] =	ssyncadd.s32 $0xFFFFC000  }
0xc8: {  	[hbm4b:s0+s2] =	stream.linear.scatter [tilespmem:s6], [sflag:$0x3], $0x4000, $0x38;
	[tilespmem:$0x8800] =	vst v63  }
0xc9: {  	_ =	swait.ge [sflag:s9], $0x4000  }
0xca: {  	[sflag:s9] =	ssyncset.done $0x0  }
0xcb: {  	[sflag:s9] =	ssyncadd.s32 $0xFFFFC000  }
0xcc: {  	[tilespmem:s6], [sflag:$0x1] =	stream.indirect.gather [hbm4b:s4+s5], $0x80, s16, s5, $0xb8;
	[tilespmem:$0x8800] =	vst v63  }
0xcd: {  	_ =	swait.ge [sflag:s11], $0x4000  }
0xce: {  	[sflag:s11] =	ssyncset.done $0x0  }
0xcf: {  	s0 =	rddreg [dreg:$0x9];
	[sflag:s11] =	ssyncadd.s32 $0xFFFFC000  }
0xd0: {  	[hbm4b:s0+s2] =	stream.linear.scatter [tilespmem:s7], [sflag:$0x4], $0x4000, $0x38;
	[tilespmem:$0x8800] =	vst v63  }
0xd1: {  	_ =	swait.ge [sflag:s12], $0x4000  }
0xd2: {  	[sflag:s12] =	ssyncset.done $0x0  }
0xd3: {  	[sflag:s12] =	ssyncadd.s32 $0xFFFFC000  }
0xd4: {  	[tilespmem:s7], [sflag:$0x2] =	stream.indirect.gather [hbm4b:s4+s5], $0x80, s17, s5, $0xb8;
	[tilespmem:$0x8800] =	vst v63  }
0xd5: {  	_ =	swait.ge [sflag:s8], $0x4000  }
0xd6: {  	[sflag:s8] =	ssyncset.done $0x0  }
0xd7: {  	s0 =	rddreg [dreg:$0xa];
	[sflag:s8] =	ssyncadd.s32 $0xFFFFC000  }
0xd8: {  	[hbm4b:s0+s2] =	stream.linear.scatter [tilespmem:s6], [sflag:$0x3], $0x4000, $0x38;
	[tilespmem:$0x8800] =	vst v63  }
0xd9: {  	_ =	swait.ge [sflag:s9], $0x4000  }
0xda: {  	[sflag:s9] =	ssyncset.done $0x0  }
0xdb: {  	[sflag:s9] =	ssyncadd.s32 $0xFFFFC000  }
0xdc: {  	[tilespmem:s6], [sflag:$0x1] =	stream.indirect.gather [hbm4b:s4+s5], $0x80, s18, s5, $0xb8;
	[tilespmem:$0x8800] =	vst v63  }
0xdd: {  	_ =	swait.ge [sflag:s11], $0x4000  }
0xde: {  	[sflag:s11] =	ssyncset.done $0x0  }
0xdf: {  	s0 =	rddreg [dreg:$0xb];
	[sflag:s11] =	ssyncadd.s32 $0xFFFFC000  }
0xe0: {  	[hbm4b:s0+s2] =	stream.linear.scatter [tilespmem:s7], [sflag:$0x4], $0x4000, $0x38;
	[tilespmem:$0x8800] =	vst v63  }
0xe1: {  	_ =	swait.ge [sflag:s12], $0x4000  }
0xe2: {  	[sflag:s12] =	ssyncset.done $0x0  }
0xe3: {  	[sflag:s12] =	ssyncadd.s32 $0xFFFFC000  }
0xe4: {  	[tilespmem:s7], [sflag:$0x2] =	stream.indirect.gather [hbm4b:s4+s5], $0x80, s19, s5, $0xb8;
	[tilespmem:$0x8800] =	vst v63  }
0xe5: {  	_ =	swait.ge [sflag:s8], $0x4000  }
0xe6: {  	[sflag:s8] =	ssyncset.done $0x0  }
0xe7: {  	s0 =	rddreg [dreg:$0xc];
	[sflag:s8] =	ssyncadd.s32 $0xFFFFC000  }
0xe8: {  	[hbm4b:s0+s2] =	stream.linear.scatter [tilespmem:s6], [sflag:$0x3], $0x4000, $0x38;
	[tilespmem:$0x8800] =	vst v63  }
0xe9: {  	_ =	swait.ge [sflag:s9], $0x4000  }
0xea: {  	[sflag:s9] =	ssyncset.done $0x0  }
0xeb: {  	[sflag:s9] =	ssyncadd.s32 $0xFFFFC000  }
0xec: {  	[tilespmem:s6], [sflag:$0x1] =	stream.indirect.gather [hbm4b:s4+s5], $0x80, s20, s5, $0xb8;
	[tilespmem:$0x8800] =	vst v63  }
0xed: {  	_ =	swait.ge [sflag:s11], $0x4000  }
0xee: {  	[sflag:s11] =	ssyncset.done $0x0  }
0xef: {  	s0 =	rddreg [dreg:$0xd];
	[sflag:s11] =	ssyncadd.s32 $0xFFFFC000  }
0xf0: {  	[hbm4b:s0+s2] =	stream.linear.scatter [tilespmem:s7], [sflag:$0x4], $0x4000, $0x38;
	[tilespmem:$0x8800] =	vst v63  }
0xf1: {  	_ =	swait.ge [sflag:s12], $0x4000  }
0xf2: {  	[sflag:s12] =	ssyncset.done $0x0  }
0xf3: {  	[sflag:s12] =	ssyncadd.s32 $0xFFFFC000  }
0xf4: {  	[tilespmem:s7], [sflag:$0x2] =	stream.indirect.gather [hbm4b:s4+s5], $0x80, s21, s5, $0xb8;
	[tilespmem:$0x8800] =	vst v63  }
0xf5: {  	_ =	swait.ge [sflag:s8], $0x4000  }
0xf6: {  	[sflag:s8] =	ssyncset.done $0x0  }
0xf7: {  	[sflag:s8] =	ssyncadd.s32 $0xFFFFC000  }
0xf8: {  	[hbm4b:s22+s2] =	stream.linear.scatter [tilespmem:s6], [sflag:$0x3], $0x4000, $0x38;
	[tilespmem:$0x8800] =	vst v63  }
0xf9: {  	_ =	swait.ge [sflag:s9], $0x4000  }
0xfa: {  	[sflag:s9] =	ssyncset.done $0x0  }
0xfb: {  	[sflag:s9] =	ssyncadd.s32 $0xFFFFC000  }
0xfc: {  	[tilespmem:s6], [sflag:$0x1] =	stream.indirect.gather [hbm4b:s4+s5], $0x80, s23, s5, $0xb8;
	[tilespmem:$0x8800] =	vst v63  }
0xfd: {  	_ =	swait.ge [sflag:s11], $0x4000  }
0xfe: {  	[sflag:s11] =	ssyncset.done $0x0  }
0xff: {  	[sflag:s11] =	ssyncadd.s32 $0xFFFFC000  }
0x100: {  	[hbm4b:s24+s2] =	stream.linear.scatter [tilespmem:s7], [sflag:$0x4], $0x4000, $0x38;
	[tilespmem:$0x8800] =	vst v63  }
0x101: {  	_ =	swait.ge [sflag:s12], $0x4000  }
0x102: {  	[sflag:s12] =	ssyncset.done $0x0  }
0x103: {  	[sflag:s12] =	ssyncadd.s32 $0xFFFFC000  }
0x104: {  	[tilespmem:s7], [sflag:$0x2] =	stream.indirect.gather [hbm4b:s4+s5], $0x80, s25, s5, $0xb8;
	[tilespmem:$0x8800] =	vst v63  }
0x105: {  	_ =	swait.ge [sflag:s8], $0x4000  }
0x106: {  	[sflag:s8] =	ssyncset.done $0x0  }
0x107: {  	[sflag:s8] =	ssyncadd.s32 $0xFFFFC000  }
0x108: {  	[hbm4b:s26+s2] =	stream.linear.scatter [tilespmem:s6], [sflag:$0x3], $0x4000, $0x38;
	[tilespmem:$0x8800] =	vst v63  }
0x109: {  	_ =	swait.ge [sflag:s9], $0x4000  }
0x10a: {  	[sflag:s9] =	ssyncset.done $0x0  }
0x10b: {  	[sflag:s9] =	ssyncadd.s32 $0xFFFFC000  }
0x10c: {  	[tilespmem:s6], [sflag:$0x1] =	stream.indirect.gather [hbm4b:s4+s5], $0x80, s28, s5, $0xb8;
	[tilespmem:$0x8800] =	vst v63  }
0x10d: {  	_ =	swait.ge [sflag:s11], $0x4000  }
0x10e: {  	[sflag:s11] =	ssyncset.done $0x0  }
0x10f: {  	[sflag:s11] =	ssyncadd.s32 $0xFFFFC000  }
0x110: {  	[hbm4b:s29+s2] =	stream.linear.scatter [tilespmem:s7], [sflag:$0x4], $0x4000, $0x38;
	[tilespmem:$0x8800] =	vst v63  }
0x111: {  	_ =	swait.ge [sflag:s12], $0x4000  }
0x112: {  	[sflag:s12] =	ssyncset.done $0x0  }
0x113: {  	[sflag:s12] =	ssyncadd.s32 $0xFFFFC000  }
0x114: {  	[tilespmem:s7], [sflag:$0x2] =	stream.indirect.gather [hbm4b:s4+s5], $0x80, s30, s5, $0xb8;
	[tilespmem:$0x8800] =	vst v63  }
0x115: {  	_ =	swait.ge [sflag:s8], $0x4000  }
0x116: {  	[sflag:s8] =	ssyncset.done $0x0  }
0x117: {  	[sflag:s8] =	ssyncadd.s32 $0xFFFFC000  }
0x118: {  	[hbm4b:s31+s2] =	stream.linear.scatter [tilespmem:s6], [sflag:$0x3], $0x4000, $0x38;
	[tilespmem:$0x8800] =	vst v63  }
0x119: {  	_ =	swait.ge [sflag:s11], $0x4000  }
0x11a: {  	[sflag:s11] =	ssyncset.done $0x0  }
0x11b: {  	p0 =	sne.s32 s1, $0x1;
	s0 =	rddreg [dreg:$0x4];
	[sflag:s11] =	ssyncadd.s32 $0xFFFFC000  }
0x11c: {  	[hbm4b:s0+s2] =	stream.linear.scatter [tilespmem:s7], [sflag:$0x4], $0x4000, $0x38;
	[tilespmem:$0x8800] =	vst v63  }
.Ltmp1:
0x11d: {  	_ =	swait.ge [sflag:s9], $0x4000;
	(pc) =	sbr.rel @p0 .LBB2_1-.Ltmp1, $4  }
0x11e: {  	[sflag:s9] =	ssyncset.done $0x0  }
0x11f: {  	[sflag:s9] =	ssyncadd.s32 $0xFFFFC000  }
0x120: {  	_ =	swait.ge [sflag:s12], $0x4000  }
0x121: {  	s1 =	sadd.s32 $0xFFFFFFFF, s1;
	[sflag:s12] =	ssyncset.done $0x0  }
.LBB2_2:
0x122: {  	[sflag:s12] =	ssyncadd.s32 $0xFFFFC000  }
0x123: {  	_ =	sfence.sel $0x180000  }
0x124: {  	[bflag:$0x0] =	sbarrier.arrive $0xFFFF  }
0x125: {  	_ =	strace $0x90000047  }
0x126: {  	s0 =	stileid.u32;
	[bflag:$0x2] =	sbarrier.arrive $0xFFFF  }
0x127: {  	p0 =	sne.s32 s0, $0x0;
	s0 =	rddreg [dreg:$0x1]  }
0x128: {  	s0 =	sadd.s32 @!p0 $0x100000, s0  }
0x129: {  	[sflag:s0] =	ssyncadd.tile.s32 @!p0 $0x1;
	_ =	shalt  }
.Lfunc_end2:
_tile_overlayer_lowered:
.L_overlay_start_2:
0x12a: {  	(tag) =	ssettag $0x2  }
0x12b: {  	s0 =	rddreg [dreg:$0x0];
	s2 =	stileid.u32  }
0x12c: {  	s1 =	rddreg [dreg:$0x1];
	p0 =	sne.s32 s2, $0x0  }
0x12d: {  	s3 =	rddreg [dreg:$0x2];
	[bflag:$0x3] =	sbarrier.arrive $0xFFFF;
	s2 =	simm.s32 @!p0 $0x1C05  }
0x12e: {  	[timem:s3], [sflag:s2] =	dma.local @!p0 [hbm:s0], s1  }
0x12f: {  	s0 =	simm.s32 @!p0 $0x5  }
0x130: {  	_ =	swait.ge @!p0 [sflag:s0], s1  }
0x131: {  	s1 =	ssub.s32 @!p0 $0x0, s1;
	[sflag:s0] =	ssyncset.done @!p0 $0x0  }
0x132: {  	[sflag:s0] =	ssyncadd.s32 @!p0 s1  }
0x133: {  	[bflag:$0x3] =	sbarrier.arrive $0xFFFF  }
0x134: {  	_ =	shalt  }

</sc_bundles>
